<compile_context>
chip_gen: v7x
topology: tpu7x:2x2x1
jax: 0.10.2.dev20260603
libtpu: 0.0.44.dev20260713+nightly
codegen_flags: <defaults>
</compile_context>

<pallas_src>
import functools

import jax
import jax.numpy as jnp
from jax import lax
from jax.experimental import pallas as pl
from jax.experimental.pallas import tpu as pltpu
from jax.experimental.pallas import tpu_sc as plsc

N_NODES = 10000
N_EDGES = 320000
D_N = 128
D_E = 16
D_CAT = 144

NC = 2
NS = 16
NW = NC * NS
ROWS_PER_TILE = N_NODES // NS

EA = 192000
EB = N_EDGES - EA
EWA = EA // NW
EWB = EB // NW

GGC = 80
NBUF = 4

GC = 100
SUPC = 20
SUP_E = SUPC * GC

BE = 6400
BN = 2000

_mesh = plsc.VectorSubcoreMesh(core_axis_name="c", subcore_axis_name="s")
_sc_params = pltpu.CompilerParams(use_tc_tiling_on_sc=False)
_sc_params_tiled = pltpu.CompilerParams(use_tc_tiling_on_sc=True)



def _make_gather(ew):
    gnch = ew // GGC
    e_tot = ew * NW

    @functools.partial(
        pl.kernel,
        out_type=(jax.ShapeDtypeStruct((e_tot, 128), jnp.float32),
                  jax.ShapeDtypeStruct((e_tot, 128), jnp.float32)),
        mesh=_mesh,
        scratch_types=[
            pltpu.VMEM((gnch, GGC), jnp.int32),
            pltpu.VMEM((gnch, GGC), jnp.int32),
            [pltpu.VMEM((GGC, 2, 128), jnp.float32)] * NBUF,
            [pltpu.SemaphoreType.DMA] * NBUF,
            [pltpu.SemaphoreType.DMA] * NBUF,
        ],
        compiler_params=_sc_params_tiled,
    )
    def gather(xw_hbm, src3_hbm, dst3_hbm, outa_hbm, outb_hbm,
               sidx, didx, bufs, semg, semw):
        c = lax.axis_index("c")
        s = lax.axis_index("s")
        wid = s * NC + c
        base = wid * ew

        pltpu.sync_copy(src3_hbm.at[wid], sidx)
        pltpu.sync_copy(dst3_hbm.at[wid], didx)

        def fire_s(k, b):
            pltpu.async_copy(xw_hbm.at[sidx.at[k]], bufs[b], semg[b])

        def fire_d(k, b):
            pltpu.async_copy(xw_hbm.at[didx.at[k]], bufs[b], semg[b],
                             add=True)

        def wait_g(b):
            pltpu.make_async_copy(xw_hbm.at[sidx.at[0]], bufs[b],
                                  semg[b]).wait()

        def fire_w(k, b):
            off = base + k * GGC
            pltpu.async_copy(bufs[b].at[:, 0], outa_hbm.at[pl.ds(off, GGC)],
                             semw[b])
            pltpu.async_copy(bufs[b].at[:, 1], outb_hbm.at[pl.ds(off, GGC)],
                             semw[b])

        def wait_w(b):
            pltpu.make_async_copy(
                bufs[b].at[:, 0], outa_hbm.at[pl.ds(base, GGC)],
                semw[b]).wait()
            pltpu.make_async_copy(
                bufs[b].at[:, 1], outb_hbm.at[pl.ds(base, GGC)],
                semw[b]).wait()

        fire_s(0, 0)

        def group(g, carry):
            for b in range(NBUF):
                k = g * NBUF + b
                bn = (b + 1) % NBUF

                @pl.when(jnp.logical_and(k >= NBUF - 1, k + 1 < gnch))
                def _():
                    wait_w(bn)

                @pl.when(k + 1 < gnch)
                def _():
                    fire_s(k + 1, bn)

                @pl.when(k < gnch)
                def _():
                    wait_g(b)
                    fire_d(k, b)
                    wait_g(b)
                    fire_w(k, b)
            return carry

        lax.fori_loop(0, (gnch + NBUF - 1) // NBUF, group, 0)
        for b in range(NBUF):
            wait_w(b)

    return gather


_gather_a = _make_gather(EWA)
_gather_b = _make_gather(EWB)



@functools.partial(
    pl.kernel,
    out_type=jax.ShapeDtypeStruct((NC, N_NODES, D_E), jnp.float32),
    mesh=_mesh,
    scratch_types=[
        pltpu.VMEM((EWA // GC, GC), jnp.int32),
        pltpu.VMEM((EWA // GC, GC), jnp.int32),
        pltpu.VMEM((EWB // GC, GC), jnp.int32),
        pltpu.VMEM((EWB // GC, GC), jnp.int32),
        [pltpu.VMEM((SUP_E, D_E), jnp.float32)] * 2,
        pltpu.VMEM((ROWS_PER_TILE, D_E), jnp.float32),
        pltpu.VMEM_SHARED((N_NODES, D_E), jnp.float32),
        [pltpu.SemaphoreType.DMA] * 2,
        pltpu.SemaphoreType.DMA,
    ],
    compiler_params=_sc_params,
)
def _scatter_kernel(eoa_hbm, eob_hbm, sa3_hbm, da3_hbm, sb3_hbm, db3_hbm,
                    out_hbm, sia, dia, sib, dib, vbufs, zbuf, aggsh,
                    semv, sems):
    c = lax.axis_index("c")
    s = lax.axis_index("s")
    wid = s * NC + c

    def zb(i, carry):
        zbuf[i, :] = jnp.zeros((D_E,), jnp.float32)
        return carry

    lax.fori_loop(0, ROWS_PER_TILE, zb, 0)
    pltpu.sync_copy(zbuf, aggsh.at[pl.ds(s * ROWS_PER_TILE, ROWS_PER_TILE)])
    plsc.subcore_barrier()

    pltpu.sync_copy(sa3_hbm.at[wid], sia)
    pltpu.sync_copy(da3_hbm.at[wid], dia)
    pltpu.sync_copy(sb3_hbm.at[wid], sib)
    pltpu.sync_copy(db3_hbm.at[wid], dib)

    def drain_scat():
        def w(j, carry):
            pltpu.make_async_copy(
                vbufs[0].at[pl.ds(0, GC)], aggsh.at[sia.at[0]], sems).wait()
            return carry
        lax.fori_loop(0, 2 * SUPC, w, 0)

    phases = [(eoa_hbm, sia, dia, wid * EWA, EWA // SUP_E),
              (eob_hbm, sib, dib, wid * EWB, EWB // SUP_E)]

    def eo_src(ph, sp):
        eo, _, _, base, _ = phases[ph]
        return eo.at[pl.ds(base + sp * SUP_E, SUP_E), pl.ds(0, D_E)]

    pltpu.async_copy(eo_src(0, 0), vbufs[0], semv[0])
    tot = sum(p[4] for p in phases)
    flat = [(ph, sp) for ph, p in enumerate(phases) for sp in range(p[4])]

    for g, (ph, sp) in enumerate(flat):
        bv = g % 2
        pltpu.make_async_copy(eo_src(ph, sp), vbufs[bv], semv[bv]).wait()
        if g >= 1:
            drain_scat()
        if g + 1 < tot:
            pltpu.async_copy(eo_src(*flat[g + 1]), vbufs[1 - bv],
                             semv[1 - bv])

        sidx = phases[ph][1]
        didx = phases[ph][2]

        def fire(j, carry, bv=bv, sp=sp, sidx=sidx, didx=didx):
            k = sp * SUPC + j
            pltpu.async_copy(vbufs[bv].at[pl.ds(j * GC, GC)],
                             aggsh.at[sidx.at[k]], sems, add=True)
            pltpu.async_copy(vbufs[bv].at[pl.ds(j * GC, GC)],
                             aggsh.at[didx.at[k]], sems, add=True)
            return carry

        lax.fori_loop(0, SUPC, fire, 0)

    drain_scat()
    plsc.subcore_barrier()
    pltpu.sync_copy(
        aggsh.at[pl.ds(s * ROWS_PER_TILE, ROWS_PER_TILE)],
        out_hbm.at[c, pl.ds(s * ROWS_PER_TILE, ROWS_PER_TILE)],
    )



def _xw_body(x_ref, w_ref, o_ref):
    d = jnp.dot(x_ref[...], w_ref[...], preferred_element_type=jnp.float32)
    o_ref[:, 0, :] = d[:, 0:128]
    o_ref[:, 1, 0:D_E] = d[:, 128:D_CAT]


def _edge_body(ga_ref, gb_ref, eat_ref, wtop_ref, be1a_ref, we1b_ref,
               be1b_ref, we2a_ref, be2a_ref, we2b_ref, be2b_ref, eps_ref,
               ot_ref, or_ref):
    ea = eat_ref[...].T
    et = jnp.dot(ea, wtop_ref[...],
                 preferred_element_type=jnp.float32) + be1a_ref[...]
    ha = jnp.maximum(ga_ref[...] + et[:, 0:128], 0.0)
    hb = jnp.maximum(gb_ref[:, 0:D_E] + et[:, 128:D_CAT], 0.0)
    eh = (jnp.dot(ha, we1b_ref[0:128, :], preferred_element_type=jnp.float32)
          + jnp.dot(hb, we1b_ref[128:D_CAT, :],
                    preferred_element_type=jnp.float32) + be1b_ref[...])
    t = (1.0 + eps_ref[0, 0]) * ea + eh
    t2 = jnp.maximum(jnp.dot(t, we2a_ref[...],
                             preferred_element_type=jnp.float32)
                     + be2a_ref[...], 0.0)
    res = jnp.dot(t2, we2b_ref[...],
                  preferred_element_type=jnp.float32) + be2b_ref[...]
    ot_ref[...] = res.T
    or_ref[:, 0:D_E] = res


def _node_body(p_ref, x_ref, deg_ref, wn2a_ref, bn2a_ref, wn2b_ref, bn2b_ref,
               wn1a_ref, bn1a_ref, wn1b_ref, bn1b_ref, eps_ref, o_ref):
    agg = p_ref[0] + p_ref[1]
    x = x_ref[...]
    nb = jnp.dot(jnp.maximum(jnp.dot(agg, wn2a_ref[...],
                                     preferred_element_type=jnp.float32)
                             + bn2a_ref[...], 0.0),
                 wn2b_ref[...], preferred_element_type=jnp.float32) + bn2b_ref[...]
    nb = nb - x * deg_ref[...]
    t = (1.0 + eps_ref[0, 0]) * x + nb
    o_ref[...] = jnp.dot(jnp.maximum(jnp.dot(t, wn1a_ref[...],
                                             preferred_element_type=jnp.float32)
                                     + bn1a_ref[...], 0.0),
                         wn1b_ref[...], preferred_element_type=jnp.float32) + bn1b_ref[...]


def _full(shape):
    return pl.BlockSpec(shape, lambda i: tuple(0 for _ in shape))


def kernel(x, edge_index, edge_attr, degree,
           W_e1a, b_e1a, W_e1b, b_e1b,
           W_e2a, b_e2a, W_e2b, b_e2b,
           W_n2a, b_n2a, W_n2b, b_n2b,
           W_n1a, b_n1a, W_n1b, b_n1b,
           eps_node, eps_edge):
    src = edge_index[0]
    dst = edge_index[1]
    ea_t = edge_attr.T

    xw = pl.pallas_call(
        _xw_body,
        grid=(N_NODES // BN,),
        in_specs=[pl.BlockSpec((BN, D_N), lambda i: (i, 0)),
                  _full((D_N, D_CAT))],
        out_specs=pl.BlockSpec((BN, 2, 128), lambda i: (i, 0, 0)),
        out_shape=jax.ShapeDtypeStruct((N_NODES, 2, 128), jnp.float32),
    )(x, W_e1a[D_E:])

    splits = [(0, EA, EWA, _gather_a), (EA, EB, EWB, _gather_b)]
    eo_ts = []
    eo_rows_list = []
    idx_list = []
    blk_off = 0
    for (e0, elen, ew, gather_k) in splits:
        sh = src[e0:e0 + elen]
        dh = dst[e0:e0 + elen]
        shg = sh.reshape(NW, ew // GGC, GGC)
        dhg = dh.reshape(NW, ew // GGC, GGC)
        idx_list.append((sh.reshape(NW, ew // GC, GC),
                         dh.reshape(NW, ew // GC, GC)))
        gath_a, gath_b = gather_k(xw, shg, dhg)
        off = blk_off
        eo_t_h, eo_rows_h = pl.pallas_call(
            _edge_body,
            grid=(elen // BE,),
            in_specs=[pl.BlockSpec((BE, 128), lambda i: (i, 0)),
                      pl.BlockSpec((BE, 128), lambda i: (i, 0)),
                      pl.BlockSpec((D_E, BE), lambda i, off=off: (0, i + off)),
                      _full((D_E, D_CAT)), _full((1, D_CAT)),
                      _full((D_CAT, D_E)), _full((1, D_E)),
                      _full((D_E, D_E)), _full((1, D_E)),
                      _full((D_E, D_E)), _full((1, D_E)),
                      _full((1, 1))],
            out_specs=[pl.BlockSpec((D_E, BE), lambda i: (0, i)),
                       pl.BlockSpec((BE, 128), lambda i: (i, 0))],
            out_shape=[jax.ShapeDtypeStruct((D_E, elen), jnp.float32),
                       jax.ShapeDtypeStruct((elen, 128), jnp.float32)],
        )(gath_a, gath_b, ea_t, W_e1a[:D_E], b_e1a.reshape(1, D_CAT),
          W_e1b, b_e1b.reshape(1, D_E),
          W_e2a, b_e2a.reshape(1, D_E),
          W_e2b, b_e2b.reshape(1, D_E), eps_edge)
        eo_ts.append(eo_t_h)
        eo_rows_list.append(eo_rows_h)
        blk_off += elen // BE

    edge_out = jnp.concatenate(eo_ts, axis=1).T

    parts = _scatter_kernel(eo_rows_list[0], eo_rows_list[1],
                            idx_list[0][0], idx_list[0][1],
                            idx_list[1][0], idx_list[1][1])

    deg_f = degree.astype(jnp.float32).reshape(N_NODES, 1)
    node_out = pl.pallas_call(
        _node_body,
        grid=(N_NODES // BN,),
        in_specs=[pl.BlockSpec((NC, BN, D_E), lambda i: (0, i, 0)),
                  pl.BlockSpec((BN, D_N), lambda i: (i, 0)),
                  pl.BlockSpec((BN, 1), lambda i: (i, 0)),
                  _full((D_E, D_N)), _full((1, D_N)),
                  _full((D_N, D_N)), _full((1, D_N)),
                  _full((D_N, D_N)), _full((1, D_N)),
                  _full((D_N, D_N)), _full((1, D_N)),
                  _full((1, 1))],
        out_specs=pl.BlockSpec((BN, D_N), lambda i: (i, 0)),
        out_shape=jax.ShapeDtypeStruct((N_NODES, D_N), jnp.float32),
    )(parts, x, deg_f,
      W_n2a, b_n2a.reshape(1, D_N), W_n2b, b_n2b.reshape(1, D_N),
      W_n1a, b_n1a.reshape(1, D_N), W_n1b, b_n1b.reshape(1, D_N),
      eps_node)

    return (node_out, edge_out)

# --- scband reference (transcript-rebuilt; emitter-appended) ---
"""Pipeline reference for scband-node-edge-50869592655500 (READ-ONLY COPY).

The authoritative reference and input builder live on the scoring server;
editing this copy changes nothing except your own understanding.
"""

import jax, jax.numpy as jnp
import numpy as np

N = 10000
E = 320000
D_N = 128
D_E = 16
D_CAT = D_E + D_N  # 144


def _mlp(h, Wa, ba, Wb, bb):
    # get_mlp_invertible(in, hidden, out, 2): Linear -> ReLU -> Linear
    return jax.nn.relu(h @ Wa + ba) @ Wb + bb


def setup_inputs(seed: int = 0) -> dict:
    key = jax.random.key(seed)
    ks = jax.random.split(key, 24)
    x = jax.random.normal(ks[0], (N, D_N), dtype=jnp.float32)
    edge_index = jax.random.randint(ks[1], (2, E), 0, N, dtype=jnp.int32)
    edge_attr = jax.random.normal(ks[2], (E, D_E), dtype=jnp.float32)
    # data.degree: number of incident edges per node (node appears as src or dst)
    degree = (jnp.bincount(edge_index[0], length=N) + jnp.bincount(edge_index[1], length=N)).astype(jnp.int32)

    def w(k, shape):
        return jax.random.normal(k, shape, dtype=jnp.float32) * 0.05

    params = {
        # edge_mlp_1: in=D_CAT, hidden=edge_dense+node_hidden=144, out=D_E
        'W_e1a': w(ks[3], (D_CAT, D_CAT)), 'b_e1a': jnp.zeros((D_CAT,), jnp.float32),
        'W_e1b': w(ks[4], (D_CAT, D_E)), 'b_e1b': jnp.zeros((D_E,), jnp.float32),
        # edge_mlp_2: in=D_E, hidden=D_E, out=D_E
        'W_e2a': w(ks[5], (D_E, D_E)), 'b_e2a': jnp.zeros((D_E,), jnp.float32),
        'W_e2b': w(ks[6], (D_E, D_E)), 'b_e2b': jnp.zeros((D_E,), jnp.float32),
        # node_mlp_2: in=D_E, hidden=D_N, out=D_N
        'W_n2a': w(ks[7], (D_E, D_N)), 'b_n2a': jnp.zeros((D_N,), jnp.float32),
        'W_n2b': w(ks[8], (D_N, D_N)), 'b_n2b': jnp.zeros((D_N,), jnp.float32),
        # node_mlp_1: in=D_N, hidden=D_N, out=D_N
        'W_n1a': w(ks[9], (D_N, D_N)), 'b_n1a': jnp.zeros((D_N,), jnp.float32),
        'W_n1b': w(ks[10], (D_N, D_N)), 'b_n1b': jnp.zeros((D_N,), jnp.float32),
        'eps_node': jnp.zeros((1, 1), jnp.float32),
        'eps_edge': jnp.zeros((1, 1), jnp.float32),
    }
    out = {'x': x, 'edge_index': edge_index, 'edge_attr': edge_attr, 'degree': degree}
    out.update(params)
    return out


def reference(x, edge_index, edge_attr, degree,
              W_e1a, b_e1a, W_e1b, b_e1b,
              W_e2a, b_e2a, W_e2b, b_e2b,
              W_n2a, b_n2a, W_n2b, b_n2b,
              W_n1a, b_n1a, W_n1b, b_n1b,
              eps_node, eps_edge):
    src = edge_index[0]
    dst = edge_index[1]
    # gather_from_ptensors(x, G, edge): node features gathered onto each edge
    node2edge = x[src] + x[dst]
    # edge update (GINE-style)
    e_in = jnp.concatenate([edge_attr, node2edge], axis=-1)
    edge_h = _mlp(e_in, W_e1a, b_e1a, W_e1b, b_e1b)
    edge_out = _mlp((1.0 + eps_edge) * edge_attr + edge_h, W_e2a, b_e2a, W_e2b, b_e2b)
    # gather_from_ptensors(edge_out, G, node): sum edge messages to incident nodes
    agg = jnp.zeros((N, D_E), dtype=x.dtype)
    agg = agg.at[src].add(edge_out)
    agg = agg.at[dst].add(edge_out)
    neighbor = _mlp(agg, W_n2a, b_n2a, W_n2b, b_n2b)
    neighbor = neighbor - x * degree.astype(jnp.float32)[:, None]
    node_out = _mlp((1.0 + eps_node) * x + neighbor, W_n1a, b_n1a, W_n1b, b_n1b)
    return (node_out, edge_out)

if __name__ == "__main__":
    import jax
    _d = setup_inputs()
    print(jax.jit(kernel)(*tuple(_d.values())))

</pallas_src>

<mosaic_0001>
#map = affine_map<(d0, d1) -> (0, 0)>
#map1 = affine_map<(d0, d1) -> (0, 0, 0)>
module attributes {stable_mosaic.version = 14 : i64} {
  func.func @_scatter_kernel(%arg0: i32, %arg1: i32, %arg2: memref<192000x128xf32, #tpu.memory_space<hbm>>, %arg3: memref<128000x128xf32, #tpu.memory_space<hbm>>, %arg4: memref<32x60x100xi32, #tpu.memory_space<hbm>>, %arg5: memref<32x60x100xi32, #tpu.memory_space<hbm>>, %arg6: memref<32x40x100xi32, #tpu.memory_space<hbm>>, %arg7: memref<32x40x100xi32, #tpu.memory_space<hbm>>, %arg8: memref<2x10000x16xf32, #tpu.memory_space<hbm>>, %arg9: memref<60x100xi32, #tpu.memory_space<vmem>>, %arg10: memref<60x100xi32, #tpu.memory_space<vmem>>, %arg11: memref<40x100xi32, #tpu.memory_space<vmem>>, %arg12: memref<40x100xi32, #tpu.memory_space<vmem>>, %arg13: memref<2000x16xf32, #tpu.memory_space<vmem>>, %arg14: memref<2000x16xf32, #tpu.memory_space<vmem>>, %arg15: memref<625x16xf32, #tpu.memory_space<vmem>>, %arg16: memref<10000x16xf32, #tpu.memory_space<vmem_shared>>, %arg17: memref<!tpu.dma_semaphore, #tpu.memory_space<semaphore_mem>>, %arg18: memref<!tpu.dma_semaphore, #tpu.memory_space<semaphore_mem>>, %arg19: memref<!tpu.dma_semaphore, #tpu.memory_space<semaphore_mem>>) attributes {dimension_semantics = [#tpu.dimension_semantics<core_parallel>, #tpu.dimension_semantics<subcore_parallel>], iteration_bounds = array<i64: 2, 16>, scalar_prefetch = 0 : i64, scratch_operands = 11 : i64, tpu.core_type = #tpu.core_type<sc_vector_subcore>, window_params = [{transform_indices = #map}, {transform_indices = #map}, {transform_indices = #map1}, {transform_indices = #map1}, {transform_indices = #map1}, {transform_indices = #map1}, {transform_indices = #map1}]} {
    %mul3A = arith.constant 2 : i32
    %mul3A_0 = arith.muli %arg1, %mul3A : i32
    %add3A = arith.addi %mul3A_0, %arg0 : i32
    %scan3A = arith.constant 0 : i32
    %scan3A_1 = arith.constant 0 : i32
    %scan3A_2 = arith.constant 625 : i32
    %scan3A_3 = arith.addi %scan3A_1, %scan3A_2 : i32
    %scan3A_4 = arith.constant 1 : i32
    scf.for %scan3A_135 = %scan3A_1 to %scan3A_3 step %scan3A_4  : i32 {
      %broadcast_in_dim3A = arith.constant 0.000000e+00 : f32
      %broadcast_in_dim3A_136 = vector.broadcast %broadcast_in_dim3A : f32 to vector<16xf32>
      %swap3A = arith.index_cast %scan3A_135 : i32 to index
      %swap3A_137 = arith.constant 0 : index
      %swap3A_138 = tpu.vector_load %arg15[%swap3A, %swap3A_137] {strides = array<i32>} : memref<625x16xf32, #tpu.memory_space<vmem>>, vector<1x16xf32>,
      %swap3A_139 = vector.shape_cast %swap3A_138 : vector<1x16xf32> to vector<16xf32>
      %swap3A_140 = vector.shape_cast %broadcast_in_dim3A_136 : vector<16xf32> to vector<1x16xf32>
      tpu.vector_store %arg15[%swap3A, %swap3A_137], %swap3A_140 {strides = array<i32>} : memref<625x16xf32, #tpu.memory_space<vmem>>, vector<1x16xf32>,
    }
    %scan3A_5 = arith.constant 625 : i32
    %mul3A_6 = arith.constant 625 : i32
    %mul3A_7 = arith.muli %arg1, %mul3A_6 : i32
    "tpu.region"() ({
      %run_scoped3A = tpu.sem_alloc : memref<!tpu.dma_semaphore, #tpu.memory_space<semaphore_mem>>
      %dma_start3A_135 = arith.constant 0 : i32
      %dma_start3A_136 = tpu.memref_slice %arg16[%mul3A_7, %dma_start3A_135] : memref<10000x16xf32, #tpu.memory_space<vmem_shared>> -> memref<625x16xf32, #tpu.memory_space<vmem_shared>>
      %dma_start3A_137 = arith.constant 0 : i32
      %dma_start3A_138 = tpu.memref_slice %arg16[%mul3A_7, %dma_start3A_137] : memref<10000x16xf32, #tpu.memory_space<vmem_shared>> -> memref<625x16xf32, #tpu.memory_space<vmem_shared>>
      tpu.enqueue_dma source(%arg15 : memref<625x16xf32, #tpu.memory_space<vmem>>) target(%dma_start3A_138 : memref<625x16xf32, #tpu.memory_space<vmem_shared>>) target_semaphore(%run_scoped3A : memref<!tpu.dma_semaphore, #tpu.memory_space<semaphore_mem>>)
      %dma_wait3A_139 = arith.constant 0 : i32
      %dma_wait3A_140 = tpu.memref_slice %arg16[%mul3A_7, %dma_wait3A_139] : memref<10000x16xf32, #tpu.memory_space<vmem_shared>> -> memref<625x16xf32, #tpu.memory_space<vmem_shared>>
      %dma_wait3A_141 = arith.constant 0 : i32
      %dma_wait3A_142 = tpu.memref_slice %arg16[%mul3A_7, %dma_wait3A_141] : memref<10000x16xf32, #tpu.memory_space<vmem_shared>> -> memref<625x16xf32, #tpu.memory_space<vmem_shared>>
      tpu.wait_dma2 semaphore(%run_scoped3A : memref<!tpu.dma_semaphore, #tpu.memory_space<semaphore_mem>>) src(%arg15 : memref<625x16xf32, #tpu.memory_space<vmem>>) dst(%dma_wait3A_142 : memref<625x16xf32, #tpu.memory_space<vmem_shared>>)
      tpu.yield
    }) : () -> ()
    %barrier3A = arith.constant 0 : index
    tpu.barrier barrier_id(%barrier3A)
    "tpu.region"() ({
      %run_scoped3A = tpu.sem_alloc : memref<!tpu.dma_semaphore, #tpu.memory_space<semaphore_mem>>
      %dma_start3A_135 = arith.constant 0 : i32
      %dma_start3A_136 = arith.constant 0 : i32
      %dma_start3A_137 = tpu.memref_slice %arg4[%add3A, %dma_start3A_135, %dma_start3A_136] : memref<32x60x100xi32, #tpu.memory_space<hbm>> -> memref<1x60x100xi32, #tpu.memory_space<hbm>>
      %dma_start3A_138 = tpu.memref_squeeze %dma_start3A_137 : memref<1x60x100xi32, #tpu.memory_space<hbm>> -> memref<60x100xi32, #tpu.memory_space<hbm>>
      %dma_start3A_139 = arith.constant 0 : i32
      %dma_start3A_140 = arith.constant 0 : i32
      %dma_start3A_141 = tpu.memref_slice %arg4[%add3A, %dma_start3A_139, %dma_start3A_140] : memref<32x60x100xi32, #tpu.memory_space<hbm>> -> memref<1x60x100xi32, #tpu.memory_space<hbm>>
      %dma_start3A_142 = tpu.memref_squeeze %dma_start3A_141 : memref<1x60x100xi32, #tpu.memory_space<hbm>> -> memref<60x100xi32, #tpu.memory_space<hbm>>
      tpu.enqueue_dma source(%dma_start3A_142 : memref<60x100xi32, #tpu.memory_space<hbm>>) target(%arg9 : memref<60x100xi32, #tpu.memory_space<vmem>>) target_semaphore(%run_scoped3A : memref<!tpu.dma_semaphore, #tpu.memory_space<semaphore_mem>>)
      %dma_wait3A_143 = arith.constant 0 : i32
      %dma_wait3A_144 = arith.constant 0 : i32
      %dma_wait3A_145 = tpu.memref_slice %arg4[%add3A, %dma_wait3A_143, %dma_wait3A_144] : memref<32x60x100xi32, #tpu.memory_space<hbm>> -> memref<1x60x100xi32, #tpu.memory_space<hbm>>
      %dma_wait3A_146 = tpu.memref_squeeze %dma_wait3A_145 : memref<1x60x100xi32, #tpu.memory_space<hbm>> -> memref<60x100xi32, #tpu.memory_space<hbm>>
      %dma_wait3A_147 = arith.constant 0 : i32
      %dma_wait3A_148 = arith.constant 0 : i32
      %dma_wait3A_149 = tpu.memref_slice %arg4[%add3A, %dma_wait3A_147, %dma_wait3A_148] : memref<32x60x100xi32, #tpu.memory_space<hbm>> -> memref<1x60x100xi32, #tpu.memory_space<hbm>>
      %dma_wait3A_150 = tpu.memref_squeeze %dma_wait3A_149 : memref<1x60x100xi32, #tpu.memory_space<hbm>> -> memref<60x100xi32, #tpu.memory_space<hbm>>
      tpu.wait_dma2 semaphore(%run_scoped3A : memref<!tpu.dma_semaphore, #tpu.memory_space<semaphore_mem>>) src(%dma_wait3A_150 : memref<60x100xi32, #tpu.memory_space<hbm>>) dst(%arg9 : memref<60x100xi32, #tpu.memory_space<vmem>>)
      tpu.yield
    }) : () -> ()
    "tpu.region"() ({
      %run_scoped3A = tpu.sem_alloc : memref<!tpu.dma_semaphore, #tpu.memory_space<semaphore_mem>>
      %dma_start3A_135 = arith.constant 0 : i32
      %dma_start3A_136 = arith.constant 0 : i32
      %dma_start3A_137 = tpu.memref_slice %arg5[%add3A, %dma_start3A_135, %dma_start3A_136] : memref<32x60x100xi32, #tpu.memory_space<hbm>> -> memref<1x60x100xi32, #tpu.memory_space<hbm>>
      %dma_start3A_138 = tpu.memref_squeeze %dma_start3A_137 : memref<1x60x100xi32, #tpu.memory_space<hbm>> -> memref<60x100xi32, #tpu.memory_space<hbm>>
      %dma_start3A_139 = arith.constant 0 : i32
      %dma_start3A_140 = arith.constant 0 : i32
      %dma_start3A_141 = tpu.memref_slice %arg5[%add3A, %dma_start3A_139, %dma_start3A_140] : memref<32x60x100xi32, #tpu.memory_space<hbm>> -> memref<1x60x100xi32, #tpu.memory_space<hbm>>
      %dma_start3A_142 = tpu.memref_squeeze %dma_start3A_141 : memref<1x60x100xi32, #tpu.memory_space<hbm>> -> memref<60x100xi32, #tpu.memory_space<hbm>>
      tpu.enqueue_dma source(%dma_start3A_142 : memref<60x100xi32, #tpu.memory_space<hbm>>) target(%arg10 : memref<60x100xi32, #tpu.memory_space<vmem>>) target_semaphore(%run_scoped3A : memref<!tpu.dma_semaphore, #tpu.memory_space<semaphore_mem>>)
      %dma_wait3A_143 = arith.constant 0 : i32
      %dma_wait3A_144 = arith.constant 0 : i32
      %dma_wait3A_145 = tpu.memref_slice %arg5[%add3A, %dma_wait3A_143, %dma_wait3A_144] : memref<32x60x100xi32, #tpu.memory_space<hbm>> -> memref<1x60x100xi32, #tpu.memory_space<hbm>>
      %dma_wait3A_146 = tpu.memref_squeeze %dma_wait3A_145 : memref<1x60x100xi32, #tpu.memory_space<hbm>> -> memref<60x100xi32, #tpu.memory_space<hbm>>
      %dma_wait3A_147 = arith.constant 0 : i32
      %dma_wait3A_148 = arith.constant 0 : i32
      %dma_wait3A_149 = tpu.memref_slice %arg5[%add3A, %dma_wait3A_147, %dma_wait3A_148] : memref<32x60x100xi32, #tpu.memory_space<hbm>> -> memref<1x60x100xi32, #tpu.memory_space<hbm>>
      %dma_wait3A_150 = tpu.memref_squeeze %dma_wait3A_149 : memref<1x60x100xi32, #tpu.memory_space<hbm>> -> memref<60x100xi32, #tpu.memory_space<hbm>>
      tpu.wait_dma2 semaphore(%run_scoped3A : memref<!tpu.dma_semaphore, #tpu.memory_space<semaphore_mem>>) src(%dma_wait3A_150 : memref<60x100xi32, #tpu.memory_space<hbm>>) dst(%arg10 : memref<60x100xi32, #tpu.memory_space<vmem>>)
      tpu.yield
    }) : () -> ()
    "tpu.region"() ({
      %run_scoped3A = tpu.sem_alloc : memref<!tpu.dma_semaphore, #tpu.memory_space<semaphore_mem>>
      %dma_start3A_135 = arith.constant 0 : i32
      %dma_start3A_136 = arith.constant 0 : i32
      %dma_start3A_137 = tpu.memref_slice %arg6[%add3A, %dma_start3A_135, %dma_start3A_136] : memref<32x40x100xi32, #tpu.memory_space<hbm>> -> memref<1x40x100xi32, #tpu.memory_space<hbm>>
      %dma_start3A_138 = tpu.memref_squeeze %dma_start3A_137 : memref<1x40x100xi32, #tpu.memory_space<hbm>> -> memref<40x100xi32, #tpu.memory_space<hbm>>
      %dma_start3A_139 = arith.constant 0 : i32
      %dma_start3A_140 = arith.constant 0 : i32
      %dma_start3A_141 = tpu.memref_slice %arg6[%add3A, %dma_start3A_139, %dma_start3A_140] : memref<32x40x100xi32, #tpu.memory_space<hbm>> -> memref<1x40x100xi32, #tpu.memory_space<hbm>>
      %dma_start3A_142 = tpu.memref_squeeze %dma_start3A_141 : memref<1x40x100xi32, #tpu.memory_space<hbm>> -> memref<40x100xi32, #tpu.memory_space<hbm>>
      tpu.enqueue_dma source(%dma_start3A_142 : memref<40x100xi32, #tpu.memory_space<hbm>>) target(%arg11 : memref<40x100xi32, #tpu.memory_space<vmem>>) target_semaphore(%run_scoped3A : memref<!tpu.dma_semaphore, #tpu.memory_space<semaphore_mem>>)
      %dma_wait3A_143 = arith.constant 0 : i32
      %dma_wait3A_144 = arith.constant 0 : i32
      %dma_wait3A_145 = tpu.memref_slice %arg6[%add3A, %dma_wait3A_143, %dma_wait3A_144] : memref<32x40x100xi32, #tpu.memory_space<hbm>> -> memref<1x40x100xi32, #tpu.memory_space<hbm>>
      %dma_wait3A_146 = tpu.memref_squeeze %dma_wait3A_145 : memref<1x40x100xi32, #tpu.memory_space<hbm>> -> memref<40x100xi32, #tpu.memory_space<hbm>>
      %dma_wait3A_147 = arith.constant 0 : i32
      %dma_wait3A_148 = arith.constant 0 : i32
      %dma_wait3A_149 = tpu.memref_slice %arg6[%add3A, %dma_wait3A_147, %dma_wait3A_148] : memref<32x40x100xi32, #tpu.memory_space<hbm>> -> memref<1x40x100xi32, #tpu.memory_space<hbm>>
      %dma_wait3A_150 = tpu.memref_squeeze %dma_wait3A_149 : memref<1x40x100xi32, #tpu.memory_space<hbm>> -> memref<40x100xi32, #tpu.memory_space<hbm>>
      tpu.wait_dma2 semaphore(%run_scoped3A : memref<!tpu.dma_semaphore, #tpu.memory_space<semaphore_mem>>) src(%dma_wait3A_150 : memref<40x100xi32, #tpu.memory_space<hbm>>) dst(%arg11 : memref<40x100xi32, #tpu.memory_space<vmem>>)
      tpu.yield
    }) : () -> ()
    "tpu.region"() ({
      %run_scoped3A = tpu.sem_alloc : memref<!tpu.dma_semaphore, #tpu.memory_space<semaphore_mem>>
      %dma_start3A_135 = arith.constant 0 : i32
      %dma_start3A_136 = arith.constant 0 : i32
      %dma_start3A_137 = tpu.memref_slice %arg7[%add3A, %dma_start3A_135, %dma_start3A_136] : memref<32x40x100xi32, #tpu.memory_space<hbm>> -> memref<1x40x100xi32, #tpu.memory_space<hbm>>
      %dma_start3A_138 = tpu.memref_squeeze %dma_start3A_137 : memref<1x40x100xi32, #tpu.memory_space<hbm>> -> memref<40x100xi32, #tpu.memory_space<hbm>>
      %dma_start3A_139 = arith.constant 0 : i32
      %dma_start3A_140 = arith.constant 0 : i32
      %dma_start3A_141 = tpu.memref_slice %arg7[%add3A, %dma_start3A_139, %dma_start3A_140] : memref<32x40x100xi32, #tpu.memory_space<hbm>> -> memref<1x40x100xi32, #tpu.memory_space<hbm>>
      %dma_start3A_142 = tpu.memref_squeeze %dma_start3A_141 : memref<1x40x100xi32, #tpu.memory_space<hbm>> -> memref<40x100xi32, #tpu.memory_space<hbm>>
      tpu.enqueue_dma source(%dma_start3A_142 : memref<40x100xi32, #tpu.memory_space<hbm>>) target(%arg12 : memref<40x100xi32, #tpu.memory_space<vmem>>) target_semaphore(%run_scoped3A : memref<!tpu.dma_semaphore, #tpu.memory_space<semaphore_mem>>)
      %dma_wait3A_143 = arith.constant 0 : i32
      %dma_wait3A_144 = arith.constant 0 : i32
      %dma_wait3A_145 = tpu.memref_slice %arg7[%add3A, %dma_wait3A_143, %dma_wait3A_144] : memref<32x40x100xi32, #tpu.memory_space<hbm>> -> memref<1x40x100xi32, #tpu.memory_space<hbm>>
      %dma_wait3A_146 = tpu.memref_squeeze %dma_wait3A_145 : memref<1x40x100xi32, #tpu.memory_space<hbm>> -> memref<40x100xi32, #tpu.memory_space<hbm>>
      %dma_wait3A_147 = arith.constant 0 : i32
      %dma_wait3A_148 = arith.constant 0 : i32
      %dma_wait3A_149 = tpu.memref_slice %arg7[%add3A, %dma_wait3A_147, %dma_wait3A_148] : memref<32x40x100xi32, #tpu.memory_space<hbm>> -> memref<1x40x100xi32, #tpu.memory_space<hbm>>
      %dma_wait3A_150 = tpu.memref_squeeze %dma_wait3A_149 : memref<1x40x100xi32, #tpu.memory_space<hbm>> -> memref<40x100xi32, #tpu.memory_space<hbm>>
      tpu.wait_dma2 semaphore(%run_scoped3A : memref<!tpu.dma_semaphore, #tpu.memory_space<semaphore_mem>>) src(%dma_wait3A_150 : memref<40x100xi32, #tpu.memory_space<hbm>>) dst(%arg12 : memref<40x100xi32, #tpu.memory_space<vmem>>)
      tpu.yield
    }) : () -> ()
    %mul3A_8 = arith.constant 6000 : i32
    %mul3A_9 = arith.muli %add3A, %mul3A_8 : i32
    %mul3A_10 = arith.constant 4000 : i32
    %mul3A_11 = arith.muli %add3A, %mul3A_10 : i32
    %add3A_12 = arith.constant 0 : i32
    %add3A_13 = arith.addi %mul3A_9, %add3A_12 : i32
    %dma_start3A = arith.constant 0 : i32
    %dma_start3A_14 = tpu.memref_slice %arg2[%add3A_13, %dma_start3A] : memref<192000x128xf32, #tpu.memory_space<hbm>> -> memref<2000x16xf32, #tpu.memory_space<hbm>>
    %dma_start3A_15 = arith.constant 0 : i32
    %dma_start3A_16 = tpu.memref_slice %arg2[%add3A_13, %dma_start3A_15] : memref<192000x128xf32, #tpu.memory_space<hbm>> -> memref<2000x16xf32, #tpu.memory_space<hbm>>
    tpu.enqueue_dma source(%dma_start3A_16 : memref<2000x16xf32, #tpu.memory_space<hbm>>) target(%arg13 : memref<2000x16xf32, #tpu.memory_space<vmem>>) target_semaphore(%arg17 : memref<!tpu.dma_semaphore, #tpu.memory_space<semaphore_mem>>)
    %add3A_17 = arith.constant 0 : i32
    %add3A_18 = arith.addi %mul3A_9, %add3A_17 : i32
    %dma_wait3A = arith.constant 0 : i32
    %dma_wait3A_19 = tpu.memref_slice %arg2[%add3A_18, %dma_wait3A] : memref<192000x128xf32, #tpu.memory_space<hbm>> -> memref<2000x16xf32, #tpu.memory_space<hbm>>
    %dma_wait3A_20 = arith.constant 0 : i32
    %dma_wait3A_21 = tpu.memref_slice %arg2[%add3A_18, %dma_wait3A_20] : memref<192000x128xf32, #tpu.memory_space<hbm>> -> memref<2000x16xf32, #tpu.memory_space<hbm>>
    tpu.wait_dma2 semaphore(%arg17 : memref<!tpu.dma_semaphore, #tpu.memory_space<semaphore_mem>>) src(%dma_wait3A_21 : memref<2000x16xf32, #tpu.memory_space<hbm>>) dst(%arg13 : memref<2000x16xf32, #tpu.memory_space<vmem>>)
    %add3A_22 = arith.constant 2000 : i32
    %add3A_23 = arith.addi %mul3A_9, %add3A_22 : i32
    %dma_start3A_24 = arith.constant 0 : i32
    %dma_start3A_25 = tpu.memref_slice %arg2[%add3A_23, %dma_start3A_24] : memref<192000x128xf32, #tpu.memory_space<hbm>> -> memref<2000x16xf32, #tpu.memory_space<hbm>>
    %dma_start3A_26 = arith.constant 0 : i32
    %dma_start3A_27 = tpu.memref_slice %arg2[%add3A_23, %dma_start3A_26] : memref<192000x128xf32, #tpu.memory_space<hbm>> -> memref<2000x16xf32, #tpu.memory_space<hbm>>
    tpu.enqueue_dma source(%dma_start3A_27 : memref<2000x16xf32, #tpu.memory_space<hbm>>) target(%arg14 : memref<2000x16xf32, #tpu.memory_space<vmem>>) target_semaphore(%arg18 : memref<!tpu.dma_semaphore, #tpu.memory_space<semaphore_mem>>)
    %scan3A_28 = arith.constant 0 : i32
    %scan3A_29 = arith.constant 0 : i32
    %scan3A_30 = arith.constant 20 : i32
    %scan3A_31 = arith.addi %scan3A_29, %scan3A_30 : i32
    %scan3A_32 = arith.constant 1 : i32
    scf.for %scan3A_135 = %scan3A_29 to %scan3A_31 step %scan3A_32  : i32 {
      %add3A_136 = arith.constant 0 : i32
      %add3A_137 = arith.addi %add3A_136, %scan3A_135 : i32
      %mul3A_138 = arith.constant 100 : i32
      %mul3A_139 = arith.muli %scan3A_135, %mul3A_138 : i32
      %dma_start3A_140 = arith.constant 0 : i32
      %dma_start3A_141 = tpu.memref_slice %arg13[%mul3A_139, %dma_start3A_140] : memref<2000x16xf32, #tpu.memory_space<vmem>> -> memref<100x16xf32, #tpu.memory_space<vmem>>
      %dma_start3A_142 = arith.constant 0 : i32
      %dma_start3A_143 = tpu.memref_slice %arg9[%add3A_137, %dma_start3A_142] : memref<60x100xi32, #tpu.memory_space<vmem>> -> memref<1x100xi32, #tpu.memory_space<vmem>>
      %dma_start3A_144 = tpu.memref_squeeze %dma_start3A_143 : memref<1x100xi32, #tpu.memory_space<vmem>> -> memref<100xi32, #tpu.memory_space<vmem>>
      %dma_start3A_145 = arith.constant 0 : i32
      %dma_start3A_146 = arith.constant 0 : i32
      %dma_start3A_147 = tpu.memref_slice %arg16[%dma_start3A_145, %dma_start3A_146] : memref<10000x16xf32, #tpu.memory_space<vmem_shared>> -> memref<10000x16xf32, #tpu.memory_space<vmem_shared>>
      tpu.enqueue_indirect_dma source(%dma_start3A_141 : memref<100x16xf32, #tpu.memory_space<vmem>>) target(%dma_start3A_147 : memref<10000x16xf32, #tpu.memory_space<vmem_shared>>) offsets(%dma_start3A_144 : memref<100xi32, #tpu.memory_space<vmem>>) semaphore(%arg19 : memref<!tpu.dma_semaphore, #tpu.memory_space<semaphore_mem>>) {add = true}
      %mul3A_148 = arith.constant 100 : i32
      %mul3A_149 = arith.muli %scan3A_135, %mul3A_148 : i32
      %dma_start3A_150 = arith.constant 0 : i32
      %dma_start3A_151 = tpu.memref_slice %arg13[%mul3A_149, %dma_start3A_150] : memref<2000x16xf32, #tpu.memory_space<vmem>> -> memref<100x16xf32, #tpu.memory_space<vmem>>
      %dma_start3A_152 = arith.constant 0 : i32
      %dma_start3A_153 = tpu.memref_slice %arg10[%add3A_137, %dma_start3A_152] : memref<60x100xi32, #tpu.memory_space<vmem>> -> memref<1x100xi32, #tpu.memory_space<vmem>>
      %dma_start3A_154 = tpu.memref_squeeze %dma_start3A_153 : memref<1x100xi32, #tpu.memory_space<vmem>> -> memref<100xi32, #tpu.memory_space<vmem>>
      %dma_start3A_155 = arith.constant 0 : i32
      %dma_start3A_156 = arith.constant 0 : i32
      %dma_start3A_157 = tpu.memref_slice %arg16[%dma_start3A_155, %dma_start3A_156] : memref<10000x16xf32, #tpu.memory_space<vmem_shared>> -> memref<10000x16xf32, #tpu.memory_space<vmem_shared>>
      tpu.enqueue_indirect_dma source(%dma_start3A_151 : memref<100x16xf32, #tpu.memory_space<vmem>>) target(%dma_start3A_157 : memref<10000x16xf32, #tpu.memory_space<vmem_shared>>) offsets(%dma_start3A_154 : memref<100xi32, #tpu.memory_space<vmem>>) semaphore(%arg19 : memref<!tpu.dma_semaphore, #tpu.memory_space<semaphore_mem>>) {add = true}
    }
    %scan3A_33 = arith.constant 20 : i32
    %add3A_34 = arith.constant 2000 : i32
    %add3A_35 = arith.addi %mul3A_9, %add3A_34 : i32
    %dma_wait3A_36 = arith.constant 0 : i32
    %dma_wait3A_37 = tpu.memref_slice %arg2[%add3A_35, %dma_wait3A_36] : memref<192000x128xf32, #tpu.memory_space<hbm>> -> memref<2000x16xf32, #tpu.memory_space<hbm>>
    %dma_wait3A_38 = arith.constant 0 : i32
    %dma_wait3A_39 = tpu.memref_slice %arg2[%add3A_35, %dma_wait3A_38] : memref<192000x128xf32, #tpu.memory_space<hbm>> -> memref<2000x16xf32, #tpu.memory_space<hbm>>
    tpu.wait_dma2 semaphore(%arg18 : memref<!tpu.dma_semaphore, #tpu.memory_space<semaphore_mem>>) src(%dma_wait3A_39 : memref<2000x16xf32, #tpu.memory_space<hbm>>) dst(%arg14 : memref<2000x16xf32, #tpu.memory_space<vmem>>)
    %scan3A_40 = arith.constant 0 : i32
    %scan3A_41 = arith.constant 0 : i32
    %scan3A_42 = arith.constant 40 : i32
    %scan3A_43 = arith.addi %scan3A_41, %scan3A_42 : i32
    %scan3A_44 = arith.constant 1 : i32
    scf.for %scan3A_135 = %scan3A_41 to %scan3A_43 step %scan3A_44  : i32 {
      %dma_wait3A_136 = arith.constant 0 : i32
      %dma_wait3A_137 = arith.constant 0 : i32
      %dma_wait3A_138 = arith.constant 0 : i32
      %dma_wait3A_139 = tpu.memref_slice %arg13[%dma_wait3A_137, %dma_wait3A_138] : memref<2000x16xf32, #tpu.memory_space<vmem>> -> memref<100x16xf32, #tpu.memory_space<vmem>>
      %dma_wait3A_140 = arith.constant 0 : i32
      %dma_wait3A_141 = tpu.memref_slice %arg9[%dma_wait3A_136, %dma_wait3A_140] : memref<60x100xi32, #tpu.memory_space<vmem>> -> memref<1x100xi32, #tpu.memory_space<vmem>>
      %dma_wait3A_142 = tpu.memref_squeeze %dma_wait3A_141 : memref<1x100xi32, #tpu.memory_space<vmem>> -> memref<100xi32, #tpu.memory_space<vmem>>
      %dma_wait3A_143 = arith.constant 0 : i32
      %dma_wait3A_144 = arith.constant 0 : i32
      %dma_wait3A_145 = tpu.memref_slice %arg16[%dma_wait3A_143, %dma_wait3A_144] : memref<10000x16xf32, #tpu.memory_space<vmem_shared>> -> memref<10000x16xf32, #tpu.memory_space<vmem_shared>>
      tpu.wait_indirect_dma semaphore(%arg19 : memref<!tpu.dma_semaphore, #tpu.memory_space<semaphore_mem>>) src(%dma_wait3A_139 : memref<100x16xf32, #tpu.memory_space<vmem>>) dst(%dma_wait3A_145 : memref<10000x16xf32, #tpu.memory_space<vmem_shared>>)
    }
    %scan3A_45 = arith.constant 40 : i32
    %add3A_46 = arith.constant 4000 : i32
    %add3A_47 = arith.addi %mul3A_9, %add3A_46 : i32
    %dma_start3A_48 = arith.constant 0 : i32
    %dma_start3A_49 = tpu.memref_slice %arg2[%add3A_47, %dma_start3A_48] : memref<192000x128xf32, #tpu.memory_space<hbm>> -> memref<2000x16xf32, #tpu.memory_space<hbm>>
    %dma_start3A_50 = arith.constant 0 : i32
    %dma_start3A_51 = tpu.memref_slice %arg2[%add3A_47, %dma_start3A_50] : memref<192000x128xf32, #tpu.memory_space<hbm>> -> memref<2000x16xf32, #tpu.memory_space<hbm>>
    tpu.enqueue_dma source(%dma_start3A_51 : memref<2000x16xf32, #tpu.memory_space<hbm>>) target(%arg13 : memref<2000x16xf32, #tpu.memory_space<vmem>>) target_semaphore(%arg17 : memref<!tpu.dma_semaphore, #tpu.memory_space<semaphore_mem>>)
    %scan3A_52 = arith.constant 0 : i32
    %scan3A_53 = arith.constant 0 : i32
    %scan3A_54 = arith.constant 20 : i32
    %scan3A_55 = arith.addi %scan3A_53, %scan3A_54 : i32
    %scan3A_56 = arith.constant 1 : i32
    scf.for %scan3A_135 = %scan3A_53 to %scan3A_55 step %scan3A_56  : i32 {
      %add3A_136 = arith.constant 20 : i32
      %add3A_137 = arith.addi %add3A_136, %scan3A_135 : i32
      %mul3A_138 = arith.constant 100 : i32
      %mul3A_139 = arith.muli %scan3A_135, %mul3A_138 : i32
      %dma_start3A_140 = arith.constant 0 : i32
      %dma_start3A_141 = tpu.memref_slice %arg14[%mul3A_139, %dma_start3A_140] : memref<2000x16xf32, #tpu.memory_space<vmem>> -> memref<100x16xf32, #tpu.memory_space<vmem>>
      %dma_start3A_142 = arith.constant 0 : i32
      %dma_start3A_143 = tpu.memref_slice %arg9[%add3A_137, %dma_start3A_142] : memref<60x100xi32, #tpu.memory_space<vmem>> -> memref<1x100xi32, #tpu.memory_space<vmem>>
      %dma_start3A_144 = tpu.memref_squeeze %dma_start3A_143 : memref<1x100xi32, #tpu.memory_space<vmem>> -> memref<100xi32, #tpu.memory_space<vmem>>
      %dma_start3A_145 = arith.constant 0 : i32
      %dma_start3A_146 = arith.constant 0 : i32
      %dma_start3A_147 = tpu.memref_slice %arg16[%dma_start3A_145, %dma_start3A_146] : memref<10000x16xf32, #tpu.memory_space<vmem_shared>> -> memref<10000x16xf32, #tpu.memory_space<vmem_shared>>
      tpu.enqueue_indirect_dma source(%dma_start3A_141 : memref<100x16xf32, #tpu.memory_space<vmem>>) target(%dma_start3A_147 : memref<10000x16xf32, #tpu.memory_space<vmem_shared>>) offsets(%dma_start3A_144 : memref<100xi32, #tpu.memory_space<vmem>>) semaphore(%arg19 : memref<!tpu.dma_semaphore, #tpu.memory_space<semaphore_mem>>) {add = true}
      %mul3A_148 = arith.constant 100 : i32
      %mul3A_149 = arith.muli %scan3A_135, %mul3A_148 : i32
      %dma_start3A_150 = arith.constant 0 : i32
      %dma_start3A_151 = tpu.memref_slice %arg14[%mul3A_149, %dma_start3A_150] : memref<2000x16xf32, #tpu.memory_space<vmem>> -> memref<100x16xf32, #tpu.memory_space<vmem>>
      %dma_start3A_152 = arith.constant 0 : i32
      %dma_start3A_153 = tpu.memref_slice %arg10[%add3A_137, %dma_start3A_152] : memref<60x100xi32, #tpu.memory_space<vmem>> -> memref<1x100xi32, #tpu.memory_space<vmem>>
      %dma_start3A_154 = tpu.memref_squeeze %dma_start3A_153 : memref<1x100xi32, #tpu.memory_space<vmem>> -> memref<100xi32, #tpu.memory_space<vmem>>
      %dma_start3A_155 = arith.constant 0 : i32
      %dma_start3A_156 = arith.constant 0 : i32
      %dma_start3A_157 = tpu.memref_slice %arg16[%dma_start3A_155, %dma_start3A_156] : memref<10000x16xf32, #tpu.memory_space<vmem_shared>> -> memref<10000x16xf32, #tpu.memory_space<vmem_shared>>
      tpu.enqueue_indirect_dma source(%dma_start3A_151 : memref<100x16xf32, #tpu.memory_space<vmem>>) target(%dma_start3A_157 : memref<10000x16xf32, #tpu.memory_space<vmem_shared>>) offsets(%dma_start3A_154 : memref<100xi32, #tpu.memory_space<vmem>>) semaphore(%arg19 : memref<!tpu.dma_semaphore, #tpu.memory_space<semaphore_mem>>) {add = true}
    }
    %scan3A_57 = arith.constant 20 : i32
    %add3A_58 = arith.constant 4000 : i32
    %add3A_59 = arith.addi %mul3A_9, %add3A_58 : i32
    %dma_wait3A_60 = arith.constant 0 : i32
    %dma_wait3A_61 = tpu.memref_slice %arg2[%add3A_59, %dma_wait3A_60] : memref<192000x128xf32, #tpu.memory_space<hbm>> -> memref<2000x16xf32, #tpu.memory_space<hbm>>
    %dma_wait3A_62 = arith.constant 0 : i32
    %dma_wait3A_63 = tpu.memref_slice %arg2[%add3A_59, %dma_wait3A_62] : memref<192000x128xf32, #tpu.memory_space<hbm>> -> memref<2000x16xf32, #tpu.memory_space<hbm>>
    tpu.wait_dma2 semaphore(%arg17 : memref<!tpu.dma_semaphore, #tpu.memory_space<semaphore_mem>>) src(%dma_wait3A_63 : memref<2000x16xf32, #tpu.memory_space<hbm>>) dst(%arg13 : memref<2000x16xf32, #tpu.memory_space<vmem>>)
    %scan3A_64 = arith.constant 0 : i32
    %scan3A_65 = arith.constant 0 : i32
    %scan3A_66 = arith.constant 40 : i32
    %scan3A_67 = arith.addi %scan3A_65, %scan3A_66 : i32
    %scan3A_68 = arith.constant 1 : i32
    scf.for %scan3A_135 = %scan3A_65 to %scan3A_67 step %scan3A_68  : i32 {
      %dma_wait3A_136 = arith.constant 0 : i32
      %dma_wait3A_137 = arith.constant 0 : i32
      %dma_wait3A_138 = arith.constant 0 : i32
      %dma_wait3A_139 = tpu.memref_slice %arg13[%dma_wait3A_137, %dma_wait3A_138] : memref<2000x16xf32, #tpu.memory_space<vmem>> -> memref<100x16xf32, #tpu.memory_space<vmem>>
      %dma_wait3A_140 = arith.constant 0 : i32
      %dma_wait3A_141 = tpu.memref_slice %arg9[%dma_wait3A_136, %dma_wait3A_140] : memref<60x100xi32, #tpu.memory_space<vmem>> -> memref<1x100xi32, #tpu.memory_space<vmem>>
      %dma_wait3A_142 = tpu.memref_squeeze %dma_wait3A_141 : memref<1x100xi32, #tpu.memory_space<vmem>> -> memref<100xi32, #tpu.memory_space<vmem>>
      %dma_wait3A_143 = arith.constant 0 : i32
      %dma_wait3A_144 = arith.constant 0 : i32
      %dma_wait3A_145 = tpu.memref_slice %arg16[%dma_wait3A_143, %dma_wait3A_144] : memref<10000x16xf32, #tpu.memory_space<vmem_shared>> -> memref<10000x16xf32, #tpu.memory_space<vmem_shared>>
      tpu.wait_indirect_dma semaphore(%arg19 : memref<!tpu.dma_semaphore, #tpu.memory_space<semaphore_mem>>) src(%dma_wait3A_139 : memref<100x16xf32, #tpu.memory_space<vmem>>) dst(%dma_wait3A_145 : memref<10000x16xf32, #tpu.memory_space<vmem_shared>>)
    }
    %scan3A_69 = arith.constant 40 : i32
    %add3A_70 = arith.constant 0 : i32
    %add3A_71 = arith.addi %mul3A_11, %add3A_70 : i32
    %dma_start3A_72 = arith.constant 0 : i32
    %dma_start3A_73 = tpu.memref_slice %arg3[%add3A_71, %dma_start3A_72] : memref<128000x128xf32, #tpu.memory_space<hbm>> -> memref<2000x16xf32, #tpu.memory_space<hbm>>
    %dma_start3A_74 = arith.constant 0 : i32
    %dma_start3A_75 = tpu.memref_slice %arg3[%add3A_71, %dma_start3A_74] : memref<128000x128xf32, #tpu.memory_space<hbm>> -> memref<2000x16xf32, #tpu.memory_space<hbm>>
    tpu.enqueue_dma source(%dma_start3A_75 : memref<2000x16xf32, #tpu.memory_space<hbm>>) target(%arg14 : memref<2000x16xf32, #tpu.memory_space<vmem>>) target_semaphore(%arg18 : memref<!tpu.dma_semaphore, #tpu.memory_space<semaphore_mem>>)
    %scan3A_76 = arith.constant 0 : i32
    %scan3A_77 = arith.constant 0 : i32
    %scan3A_78 = arith.constant 20 : i32
    %scan3A_79 = arith.addi %scan3A_77, %scan3A_78 : i32
    %scan3A_80 = arith.constant 1 : i32
    scf.for %scan3A_135 = %scan3A_77 to %scan3A_79 step %scan3A_80  : i32 {
      %add3A_136 = arith.constant 40 : i32
      %add3A_137 = arith.addi %add3A_136, %scan3A_135 : i32
      %mul3A_138 = arith.constant 100 : i32
      %mul3A_139 = arith.muli %scan3A_135, %mul3A_138 : i32
      %dma_start3A_140 = arith.constant 0 : i32
      %dma_start3A_141 = tpu.memref_slice %arg13[%mul3A_139, %dma_start3A_140] : memref<2000x16xf32, #tpu.memory_space<vmem>> -> memref<100x16xf32, #tpu.memory_space<vmem>>
      %dma_start3A_142 = arith.constant 0 : i32
      %dma_start3A_143 = tpu.memref_slice %arg9[%add3A_137, %dma_start3A_142] : memref<60x100xi32, #tpu.memory_space<vmem>> -> memref<1x100xi32, #tpu.memory_space<vmem>>
      %dma_start3A_144 = tpu.memref_squeeze %dma_start3A_143 : memref<1x100xi32, #tpu.memory_space<vmem>> -> memref<100xi32, #tpu.memory_space<vmem>>
      %dma_start3A_145 = arith.constant 0 : i32
      %dma_start3A_146 = arith.constant 0 : i32
      %dma_start3A_147 = tpu.memref_slice %arg16[%dma_start3A_145, %dma_start3A_146] : memref<10000x16xf32, #tpu.memory_space<vmem_shared>> -> memref<10000x16xf32, #tpu.memory_space<vmem_shared>>
      tpu.enqueue_indirect_dma source(%dma_start3A_141 : memref<100x16xf32, #tpu.memory_space<vmem>>) target(%dma_start3A_147 : memref<10000x16xf32, #tpu.memory_space<vmem_shared>>) offsets(%dma_start3A_144 : memref<100xi32, #tpu.memory_space<vmem>>) semaphore(%arg19 : memref<!tpu.dma_semaphore, #tpu.memory_space<semaphore_mem>>) {add = true}
      %mul3A_148 = arith.constant 100 : i32
      %mul3A_149 = arith.muli %scan3A_135, %mul3A_148 : i32
      %dma_start3A_150 = arith.constant 0 : i32
      %dma_start3A_151 = tpu.memref_slice %arg13[%mul3A_149, %dma_start3A_150] : memref<2000x16xf32, #tpu.memory_space<vmem>> -> memref<100x16xf32, #tpu.memory_space<vmem>>
      %dma_start3A_152 = arith.constant 0 : i32
      %dma_start3A_153 = tpu.memref_slice %arg10[%add3A_137, %dma_start3A_152] : memref<60x100xi32, #tpu.memory_space<vmem>> -> memref<1x100xi32, #tpu.memory_space<vmem>>
      %dma_start3A_154 = tpu.memref_squeeze %dma_start3A_153 : memref<1x100xi32, #tpu.memory_space<vmem>> -> memref<100xi32, #tpu.memory_space<vmem>>
      %dma_start3A_155 = arith.constant 0 : i32
      %dma_start3A_156 = arith.constant 0 : i32
      %dma_start3A_157 = tpu.memref_slice %arg16[%dma_start3A_155, %dma_start3A_156] : memref<10000x16xf32, #tpu.memory_space<vmem_shared>> -> memref<10000x16xf32, #tpu.memory_space<vmem_shared>>
      tpu.enqueue_indirect_dma source(%dma_start3A_151 : memref<100x16xf32, #tpu.memory_space<vmem>>) target(%dma_start3A_157 : memref<10000x16xf32, #tpu.memory_space<vmem_shared>>) offsets(%dma_start3A_154 : memref<100xi32, #tpu.memory_space<vmem>>) semaphore(%arg19 : memref<!tpu.dma_semaphore, #tpu.memory_space<semaphore_mem>>) {add = true}
    }
    %scan3A_81 = arith.constant 20 : i32
    %add3A_82 = arith.constant 0 : i32
    %add3A_83 = arith.addi %mul3A_11, %add3A_82 : i32
    %dma_wait3A_84 = arith.constant 0 : i32
    %dma_wait3A_85 = tpu.memref_slice %arg3[%add3A_83, %dma_wait3A_84] : memref<128000x128xf32, #tpu.memory_space<hbm>> -> memref<2000x16xf32, #tpu.memory_space<hbm>>
    %dma_wait3A_86 = arith.constant 0 : i32
    %dma_wait3A_87 = tpu.memref_slice %arg3[%add3A_83, %dma_wait3A_86] : memref<128000x128xf32, #tpu.memory_space<hbm>> -> memref<2000x16xf32, #tpu.memory_space<hbm>>
    tpu.wait_dma2 semaphore(%arg18 : memref<!tpu.dma_semaphore, #tpu.memory_space<semaphore_mem>>) src(%dma_wait3A_87 : memref<2000x16xf32, #tpu.memory_space<hbm>>) dst(%arg14 : memref<2000x16xf32, #tpu.memory_space<vmem>>)
    %scan3A_88 = arith.constant 0 : i32
    %scan3A_89 = arith.constant 0 : i32
    %scan3A_90 = arith.constant 40 : i32
    %scan3A_91 = arith.addi %scan3A_89, %scan3A_90 : i32
    %scan3A_92 = arith.constant 1 : i32
    scf.for %scan3A_135 = %scan3A_89 to %scan3A_91 step %scan3A_92  : i32 {
      %dma_wait3A_136 = arith.constant 0 : i32
      %dma_wait3A_137 = arith.constant 0 : i32
      %dma_wait3A_138 = arith.constant 0 : i32
      %dma_wait3A_139 = tpu.memref_slice %arg13[%dma_wait3A_137, %dma_wait3A_138] : memref<2000x16xf32, #tpu.memory_space<vmem>> -> memref<100x16xf32, #tpu.memory_space<vmem>>
      %dma_wait3A_140 = arith.constant 0 : i32
      %dma_wait3A_141 = tpu.memref_slice %arg9[%dma_wait3A_136, %dma_wait3A_140] : memref<60x100xi32, #tpu.memory_space<vmem>> -> memref<1x100xi32, #tpu.memory_space<vmem>>
      %dma_wait3A_142 = tpu.memref_squeeze %dma_wait3A_141 : memref<1x100xi32, #tpu.memory_space<vmem>> -> memref<100xi32, #tpu.memory_space<vmem>>
      %dma_wait3A_143 = arith.constant 0 : i32
      %dma_wait3A_144 = arith.constant 0 : i32
      %dma_wait3A_145 = tpu.memref_slice %arg16[%dma_wait3A_143, %dma_wait3A_144] : memref<10000x16xf32, #tpu.memory_space<vmem_shared>> -> memref<10000x16xf32, #tpu.memory_space<vmem_shared>>
      tpu.wait_indirect_dma semaphore(%arg19 : memref<!tpu.dma_semaphore, #tpu.memory_space<semaphore_mem>>) src(%dma_wait3A_139 : memref<100x16xf32, #tpu.memory_space<vmem>>) dst(%dma_wait3A_145 : memref<10000x16xf32, #tpu.memory_space<vmem_shared>>)
    }
    %scan3A_93 = arith.constant 40 : i32
    %add3A_94 = arith.constant 2000 : i32
    %add3A_95 = arith.addi %mul3A_11, %add3A_94 : i32
    %dma_start3A_96 = arith.constant 0 : i32
    %dma_start3A_97 = tpu.memref_slice %arg3[%add3A_95, %dma_start3A_96] : memref<128000x128xf32, #tpu.memory_space<hbm>> -> memref<2000x16xf32, #tpu.memory_space<hbm>>
    %dma_start3A_98 = arith.constant 0 : i32
    %dma_start3A_99 = tpu.memref_slice %arg3[%add3A_95, %dma_start3A_98] : memref<128000x128xf32, #tpu.memory_space<hbm>> -> memref<2000x16xf32, #tpu.memory_space<hbm>>
    tpu.enqueue_dma source(%dma_start3A_99 : memref<2000x16xf32, #tpu.memory_space<hbm>>) target(%arg13 : memref<2000x16xf32, #tpu.memory_space<vmem>>) target_semaphore(%arg17 : memref<!tpu.dma_semaphore, #tpu.memory_space<semaphore_mem>>)
    %scan3A_100 = arith.constant 0 : i32
    %scan3A_101 = arith.constant 0 : i32
    %scan3A_102 = arith.constant 20 : i32
    %scan3A_103 = arith.addi %scan3A_101, %scan3A_102 : i32
    %scan3A_104 = arith.constant 1 : i32
    scf.for %scan3A_135 = %scan3A_101 to %scan3A_103 step %scan3A_104  : i32 {
      %add3A_136 = arith.constant 0 : i32
      %add3A_137 = arith.addi %add3A_136, %scan3A_135 : i32
      %mul3A_138 = arith.constant 100 : i32
      %mul3A_139 = arith.muli %scan3A_135, %mul3A_138 : i32
      %dma_start3A_140 = arith.constant 0 : i32
      %dma_start3A_141 = tpu.memref_slice %arg14[%mul3A_139, %dma_start3A_140] : memref<2000x16xf32, #tpu.memory_space<vmem>> -> memref<100x16xf32, #tpu.memory_space<vmem>>
      %dma_start3A_142 = arith.constant 0 : i32
      %dma_start3A_143 = tpu.memref_slice %arg11[%add3A_137, %dma_start3A_142] : memref<40x100xi32, #tpu.memory_space<vmem>> -> memref<1x100xi32, #tpu.memory_space<vmem>>
      %dma_start3A_144 = tpu.memref_squeeze %dma_start3A_143 : memref<1x100xi32, #tpu.memory_space<vmem>> -> memref<100xi32, #tpu.memory_space<vmem>>
      %dma_start3A_145 = arith.constant 0 : i32
      %dma_start3A_146 = arith.constant 0 : i32
      %dma_start3A_147 = tpu.memref_slice %arg16[%dma_start3A_145, %dma_start3A_146] : memref<10000x16xf32, #tpu.memory_space<vmem_shared>> -> memref<10000x16xf32, #tpu.memory_space<vmem_shared>>
      tpu.enqueue_indirect_dma source(%dma_start3A_141 : memref<100x16xf32, #tpu.memory_space<vmem>>) target(%dma_start3A_147 : memref<10000x16xf32, #tpu.memory_space<vmem_shared>>) offsets(%dma_start3A_144 : memref<100xi32, #tpu.memory_space<vmem>>) semaphore(%arg19 : memref<!tpu.dma_semaphore, #tpu.memory_space<semaphore_mem>>) {add = true}
      %mul3A_148 = arith.constant 100 : i32
      %mul3A_149 = arith.muli %scan3A_135, %mul3A_148 : i32
      %dma_start3A_150 = arith.constant 0 : i32
      %dma_start3A_151 = tpu.memref_slice %arg14[%mul3A_149, %dma_start3A_150] : memref<2000x16xf32, #tpu.memory_space<vmem>> -> memref<100x16xf32, #tpu.memory_space<vmem>>
      %dma_start3A_152 = arith.constant 0 : i32
      %dma_start3A_153 = tpu.memref_slice %arg12[%add3A_137, %dma_start3A_152] : memref<40x100xi32, #tpu.memory_space<vmem>> -> memref<1x100xi32, #tpu.memory_space<vmem>>
      %dma_start3A_154 = tpu.memref_squeeze %dma_start3A_153 : memref<1x100xi32, #tpu.memory_space<vmem>> -> memref<100xi32, #tpu.memory_space<vmem>>
      %dma_start3A_155 = arith.constant 0 : i32
      %dma_start3A_156 = arith.constant 0 : i32
      %dma_start3A_157 = tpu.memref_slice %arg16[%dma_start3A_155, %dma_start3A_156] : memref<10000x16xf32, #tpu.memory_space<vmem_shared>> -> memref<10000x16xf32, #tpu.memory_space<vmem_shared>>
      tpu.enqueue_indirect_dma source(%dma_start3A_151 : memref<100x16xf32, #tpu.memory_space<vmem>>) target(%dma_start3A_157 : memref<10000x16xf32, #tpu.memory_space<vmem_shared>>) offsets(%dma_start3A_154 : memref<100xi32, #tpu.memory_space<vmem>>) semaphore(%arg19 : memref<!tpu.dma_semaphore, #tpu.memory_space<semaphore_mem>>) {add = true}
    }
    %scan3A_105 = arith.constant 20 : i32
    %add3A_106 = arith.constant 2000 : i32
    %add3A_107 = arith.addi %mul3A_11, %add3A_106 : i32
    %dma_wait3A_108 = arith.constant 0 : i32
    %dma_wait3A_109 = tpu.memref_slice %arg3[%add3A_107, %dma_wait3A_108] : memref<128000x128xf32, #tpu.memory_space<hbm>> -> memref<2000x16xf32, #tpu.memory_space<hbm>>
    %dma_wait3A_110 = arith.constant 0 : i32
    %dma_wait3A_111 = tpu.memref_slice %arg3[%add3A_107, %dma_wait3A_110] : memref<128000x128xf32, #tpu.memory_space<hbm>> -> memref<2000x16xf32, #tpu.memory_space<hbm>>
    tpu.wait_dma2 semaphore(%arg17 : memref<!tpu.dma_semaphore, #tpu.memory_space<semaphore_mem>>) src(%dma_wait3A_111 : memref<2000x16xf32, #tpu.memory_space<hbm>>) dst(%arg13 : memref<2000x16xf32, #tpu.memory_space<vmem>>)
    %scan3A_112 = arith.constant 0 : i32
    %scan3A_113 = arith.constant 0 : i32
    %scan3A_114 = arith.constant 40 : i32
    %scan3A_115 = arith.addi %scan3A_113, %scan3A_114 : i32
    %scan3A_116 = arith.constant 1 : i32
    scf.for %scan3A_135 = %scan3A_113 to %scan3A_115 step %scan3A_116  : i32 {
      %dma_wait3A_136 = arith.constant 0 : i32
      %dma_wait3A_137 = arith.constant 0 : i32
      %dma_wait3A_138 = arith.constant 0 : i32
      %dma_wait3A_139 = tpu.memref_slice %arg13[%dma_wait3A_137, %dma_wait3A_138] : memref<2000x16xf32, #tpu.memory_space<vmem>> -> memref<100x16xf32, #tpu.memory_space<vmem>>
      %dma_wait3A_140 = arith.constant 0 : i32
      %dma_wait3A_141 = tpu.memref_slice %arg9[%dma_wait3A_136, %dma_wait3A_140] : memref<60x100xi32, #tpu.memory_space<vmem>> -> memref<1x100xi32, #tpu.memory_space<vmem>>
      %dma_wait3A_142 = tpu.memref_squeeze %dma_wait3A_141 : memref<1x100xi32, #tpu.memory_space<vmem>> -> memref<100xi32, #tpu.memory_space<vmem>>
      %dma_wait3A_143 = arith.constant 0 : i32
      %dma_wait3A_144 = arith.constant 0 : i32
      %dma_wait3A_145 = tpu.memref_slice %arg16[%dma_wait3A_143, %dma_wait3A_144] : memref<10000x16xf32, #tpu.memory_space<vmem_shared>> -> memref<10000x16xf32, #tpu.memory_space<vmem_shared>>
      tpu.wait_indirect_dma semaphore(%arg19 : memref<!tpu.dma_semaphore, #tpu.memory_space<semaphore_mem>>) src(%dma_wait3A_139 : memref<100x16xf32, #tpu.memory_space<vmem>>) dst(%dma_wait3A_145 : memref<10000x16xf32, #tpu.memory_space<vmem_shared>>)
    }
    %scan3A_117 = arith.constant 40 : i32
    %scan3A_118 = arith.constant 0 : i32
    %scan3A_119 = arith.constant 0 : i32
    %scan3A_120 = arith.constant 20 : i32
    %scan3A_121 = arith.addi %scan3A_119, %scan3A_120 : i32
    %scan3A_122 = arith.constant 1 : i32
    scf.for %scan3A_135 = %scan3A_119 to %scan3A_121 step %scan3A_122  : i32 {
      %add3A_136 = arith.constant 20 : i32
      %add3A_137 = arith.addi %add3A_136, %scan3A_135 : i32
      %mul3A_138 = arith.constant 100 : i32
      %mul3A_139 = arith.muli %scan3A_135, %mul3A_138 : i32
      %dma_start3A_140 = arith.constant 0 : i32
      %dma_start3A_141 = tpu.memref_slice %arg13[%mul3A_139, %dma_start3A_140] : memref<2000x16xf32, #tpu.memory_space<vmem>> -> memref<100x16xf32, #tpu.memory_space<vmem>>
      %dma_start3A_142 = arith.constant 0 : i32
      %dma_start3A_143 = tpu.memref_slice %arg11[%add3A_137, %dma_start3A_142] : memref<40x100xi32, #tpu.memory_space<vmem>> -> memref<1x100xi32, #tpu.memory_space<vmem>>
      %dma_start3A_144 = tpu.memref_squeeze %dma_start3A_143 : memref<1x100xi32, #tpu.memory_space<vmem>> -> memref<100xi32, #tpu.memory_space<vmem>>
      %dma_start3A_145 = arith.constant 0 : i32
      %dma_start3A_146 = arith.constant 0 : i32
      %dma_start3A_147 = tpu.memref_slice %arg16[%dma_start3A_145, %dma_start3A_146] : memref<10000x16xf32, #tpu.memory_space<vmem_shared>> -> memref<10000x16xf32, #tpu.memory_space<vmem_shared>>
      tpu.enqueue_indirect_dma source(%dma_start3A_141 : memref<100x16xf32, #tpu.memory_space<vmem>>) target(%dma_start3A_147 : memref<10000x16xf32, #tpu.memory_space<vmem_shared>>) offsets(%dma_start3A_144 : memref<100xi32, #tpu.memory_space<vmem>>) semaphore(%arg19 : memref<!tpu.dma_semaphore, #tpu.memory_space<semaphore_mem>>) {add = true}
      %mul3A_148 = arith.constant 100 : i32
      %mul3A_149 = arith.muli %scan3A_135, %mul3A_148 : i32
      %dma_start3A_150 = arith.constant 0 : i32
      %dma_start3A_151 = tpu.memref_slice %arg13[%mul3A_149, %dma_start3A_150] : memref<2000x16xf32, #tpu.memory_space<vmem>> -> memref<100x16xf32, #tpu.memory_space<vmem>>
      %dma_start3A_152 = arith.constant 0 : i32
      %dma_start3A_153 = tpu.memref_slice %arg12[%add3A_137, %dma_start3A_152] : memref<40x100xi32, #tpu.memory_space<vmem>> -> memref<1x100xi32, #tpu.memory_space<vmem>>
      %dma_start3A_154 = tpu.memref_squeeze %dma_start3A_153 : memref<1x100xi32, #tpu.memory_space<vmem>> -> memref<100xi32, #tpu.memory_space<vmem>>
      %dma_start3A_155 = arith.constant 0 : i32
      %dma_start3A_156 = arith.constant 0 : i32
      %dma_start3A_157 = tpu.memref_slice %arg16[%dma_start3A_155, %dma_start3A_156] : memref<10000x16xf32, #tpu.memory_space<vmem_shared>> -> memref<10000x16xf32, #tpu.memory_space<vmem_shared>>
      tpu.enqueue_indirect_dma source(%dma_start3A_151 : memref<100x16xf32, #tpu.memory_space<vmem>>) target(%dma_start3A_157 : memref<10000x16xf32, #tpu.memory_space<vmem_shared>>) offsets(%dma_start3A_154 : memref<100xi32, #tpu.memory_space<vmem>>) semaphore(%arg19 : memref<!tpu.dma_semaphore, #tpu.memory_space<semaphore_mem>>) {add = true}
    }
    %scan3A_123 = arith.constant 20 : i32
    %scan3A_124 = arith.constant 0 : i32
    %scan3A_125 = arith.constant 0 : i32
    %scan3A_126 = arith.constant 40 : i32
    %scan3A_127 = arith.addi %scan3A_125, %scan3A_126 : i32
    %scan3A_128 = arith.constant 1 : i32
    scf.for %scan3A_135 = %scan3A_125 to %scan3A_127 step %scan3A_128  : i32 {
      %dma_wait3A_136 = arith.constant 0 : i32
      %dma_wait3A_137 = arith.constant 0 : i32
      %dma_wait3A_138 = arith.constant 0 : i32
      %dma_wait3A_139 = tpu.memref_slice %arg13[%dma_wait3A_137, %dma_wait3A_138] : memref<2000x16xf32, #tpu.memory_space<vmem>> -> memref<100x16xf32, #tpu.memory_space<vmem>>
      %dma_wait3A_140 = arith.constant 0 : i32
      %dma_wait3A_141 = tpu.memref_slice %arg9[%dma_wait3A_136, %dma_wait3A_140] : memref<60x100xi32, #tpu.memory_space<vmem>> -> memref<1x100xi32, #tpu.memory_space<vmem>>
      %dma_wait3A_142 = tpu.memref_squeeze %dma_wait3A_141 : memref<1x100xi32, #tpu.memory_space<vmem>> -> memref<100xi32, #tpu.memory_space<vmem>>
      %dma_wait3A_143 = arith.constant 0 : i32
      %dma_wait3A_144 = arith.constant 0 : i32
      %dma_wait3A_145 = tpu.memref_slice %arg16[%dma_wait3A_143, %dma_wait3A_144] : memref<10000x16xf32, #tpu.memory_space<vmem_shared>> -> memref<10000x16xf32, #tpu.memory_space<vmem_shared>>
      tpu.wait_indirect_dma semaphore(%arg19 : memref<!tpu.dma_semaphore, #tpu.memory_space<semaphore_mem>>) src(%dma_wait3A_139 : memref<100x16xf32, #tpu.memory_space<vmem>>) dst(%dma_wait3A_145 : memref<10000x16xf32, #tpu.memory_space<vmem_shared>>)
    }
    %scan3A_129 = arith.constant 40 : i32
    %barrier3A_130 = arith.constant 0 : index
    tpu.barrier barrier_id(%barrier3A_130)
    %mul3A_131 = arith.constant 625 : i32
    %mul3A_132 = arith.muli %arg1, %mul3A_131 : i32
    %mul3A_133 = arith.constant 625 : i32
    %mul3A_134 = arith.muli %arg1, %mul3A_133 : i32
    "tpu.region"() ({
      %run_scoped3A = tpu.sem_alloc : memref<!tpu.dma_semaphore, #tpu.memory_space<semaphore_mem>>
      %dma_start3A_135 = arith.constant 0 : i32
      %dma_start3A_136 = tpu.memref_slice %arg8[%arg0, %mul3A_134, %dma_start3A_135] : memref<2x10000x16xf32, #tpu.memory_space<hbm>> -> memref<1x625x16xf32, #tpu.memory_space<hbm>>
      %dma_start3A_137 = tpu.memref_squeeze %dma_start3A_136 : memref<1x625x16xf32, #tpu.memory_space<hbm>> -> memref<625x16xf32, #tpu.memory_space<hbm>>
      %dma_start3A_138 = arith.constant 0 : i32
      %dma_start3A_139 = tpu.memref_slice %arg16[%mul3A_132, %dma_start3A_138] : memref<10000x16xf32, #tpu.memory_space<vmem_shared>> -> memref<625x16xf32, #tpu.memory_space<vmem_shared>>
      tpu.enqueue_dma source(%dma_start3A_139 : memref<625x16xf32, #tpu.memory_space<vmem_shared>>) target(%dma_start3A_137 : memref<625x16xf32, #tpu.memory_space<hbm>>) target_semaphore(%run_scoped3A : memref<!tpu.dma_semaphore, #tpu.memory_space<semaphore_mem>>)
      %dma_wait3A_140 = arith.constant 0 : i32
      %dma_wait3A_141 = tpu.memref_slice %arg8[%arg0, %mul3A_134, %dma_wait3A_140] : memref<2x10000x16xf32, #tpu.memory_space<hbm>> -> memref<1x625x16xf32, #tpu.memory_space<hbm>>
      %dma_wait3A_142 = tpu.memref_squeeze %dma_wait3A_141 : memref<1x625x16xf32, #tpu.memory_space<hbm>> -> memref<625x16xf32, #tpu.memory_space<hbm>>
      %dma_wait3A_143 = arith.constant 0 : i32
      %dma_wait3A_144 = tpu.memref_slice %arg16[%mul3A_132, %dma_wait3A_143] : memref<10000x16xf32, #tpu.memory_space<vmem_shared>> -> memref<625x16xf32, #tpu.memory_space<vmem_shared>>
      tpu.wait_dma2 semaphore(%run_scoped3A : memref<!tpu.dma_semaphore, #tpu.memory_space<semaphore_mem>>) src(%dma_wait3A_144 : memref<625x16xf32, #tpu.memory_space<vmem_shared>>) dst(%dma_wait3A_142 : memref<625x16xf32, #tpu.memory_space<hbm>>)
      tpu.yield
    }) : () -> ()
    return
  }
}

#map = affine_map<(d0, d1) -> (0, 0, 0)>
#map1 = affine_map<(d0, d1) -> (0, 0)>
module attributes {stable_mosaic.version = 14 : i64} {
  func.func @gather(%arg0: i32, %arg1: i32, %arg2: memref<10000x2x128xf32, #tpu.memory_space<hbm>>, %arg3: memref<32x75x80xi32, #tpu.memory_space<hbm>>, %arg4: memref<32x75x80xi32, #tpu.memory_space<hbm>>, %arg5: memref<192000x128xf32, #tpu.memory_space<hbm>>, %arg6: memref<192000x128xf32, #tpu.memory_space<hbm>>, %arg7: memref<75x80xi32, #tpu.memory_space<vmem>>, %arg8: memref<75x80xi32, #tpu.memory_space<vmem>>, %arg9: memref<80x2x128xf32, #tpu.memory_space<vmem>>, %arg10: memref<80x2x128xf32, #tpu.memory_space<vmem>>, %arg11: memref<80x2x128xf32, #tpu.memory_space<vmem>>, %arg12: memref<80x2x128xf32, #tpu.memory_space<vmem>>, %arg13: memref<!tpu.dma_semaphore, #tpu.memory_space<semaphore_mem>>, %arg14: memref<!tpu.dma_semaphore, #tpu.memory_space<semaphore_mem>>, %arg15: memref<!tpu.dma_semaphore, #tpu.memory_space<semaphore_mem>>, %arg16: memref<!tpu.dma_semaphore, #tpu.memory_space<semaphore_mem>>, %arg17: memref<!tpu.dma_semaphore, #tpu.memory_space<semaphore_mem>>, %arg18: memref<!tpu.dma_semaphore, #tpu.memory_space<semaphore_mem>>, %arg19: memref<!tpu.dma_semaphore, #tpu.memory_space<semaphore_mem>>, %arg20: memref<!tpu.dma_semaphore, #tpu.memory_space<semaphore_mem>>) attributes {dimension_semantics = [#tpu.dimension_semantics<core_parallel>, #tpu.dimension_semantics<subcore_parallel>], iteration_bounds = array<i64: 2, 16>, scalar_prefetch = 0 : i64, scratch_operands = 14 : i64, tpu.core_type = #tpu.core_type<sc_vector_subcore>, window_params = [{transform_indices = #map}, {transform_indices = #map}, {transform_indices = #map}, {transform_indices = #map1}, {transform_indices = #map1}]} {
    %mul3A = arith.constant 2 : i32
    %mul3A_0 = arith.muli %arg1, %mul3A : i32
    %add3A = arith.addi %mul3A_0, %arg0 : i32
    %mul3A_1 = arith.constant 6000 : i32
    %mul3A_2 = arith.muli %add3A, %mul3A_1 : i32
    "tpu.region"() ({
      %run_scoped3A = tpu.sem_alloc : memref<!tpu.dma_semaphore, #tpu.memory_space<semaphore_mem>>
      %dma_start3A_118 = arith.constant 0 : i32
      %dma_start3A_119 = arith.constant 0 : i32
      %dma_start3A_120 = tpu.memref_slice %arg3[%add3A, %dma_start3A_118, %dma_start3A_119] : memref<32x75x80xi32, #tpu.memory_space<hbm>> -> memref<1x75x80xi32, #tpu.memory_space<hbm>>
      %dma_start3A_121 = tpu.memref_squeeze %dma_start3A_120 : memref<1x75x80xi32, #tpu.memory_space<hbm>> -> memref<75x80xi32, #tpu.memory_space<hbm>>
      %dma_start3A_122 = arith.constant 0 : i32
      %dma_start3A_123 = arith.constant 0 : i32
      %dma_start3A_124 = tpu.memref_slice %arg3[%add3A, %dma_start3A_122, %dma_start3A_123] : memref<32x75x80xi32, #tpu.memory_space<hbm>> -> memref<1x75x80xi32, #tpu.memory_space<hbm>>
      %dma_start3A_125 = tpu.memref_squeeze %dma_start3A_124 : memref<1x75x80xi32, #tpu.memory_space<hbm>> -> memref<75x80xi32, #tpu.memory_space<hbm>>
      tpu.enqueue_dma source(%dma_start3A_125 : memref<75x80xi32, #tpu.memory_space<hbm>>) target(%arg7 : memref<75x80xi32, #tpu.memory_space<vmem>>) target_semaphore(%run_scoped3A : memref<!tpu.dma_semaphore, #tpu.memory_space<semaphore_mem>>)
      %dma_wait3A_126 = arith.constant 0 : i32
      %dma_wait3A_127 = arith.constant 0 : i32
      %dma_wait3A_128 = tpu.memref_slice %arg3[%add3A, %dma_wait3A_126, %dma_wait3A_127] : memref<32x75x80xi32, #tpu.memory_space<hbm>> -> memref<1x75x80xi32, #tpu.memory_space<hbm>>
      %dma_wait3A_129 = tpu.memref_squeeze %dma_wait3A_128 : memref<1x75x80xi32, #tpu.memory_space<hbm>> -> memref<75x80xi32, #tpu.memory_space<hbm>>
      %dma_wait3A_130 = arith.constant 0 : i32
      %dma_wait3A_131 = arith.constant 0 : i32
      %dma_wait3A_132 = tpu.memref_slice %arg3[%add3A, %dma_wait3A_130, %dma_wait3A_131] : memref<32x75x80xi32, #tpu.memory_space<hbm>> -> memref<1x75x80xi32, #tpu.memory_space<hbm>>
      %dma_wait3A_133 = tpu.memref_squeeze %dma_wait3A_132 : memref<1x75x80xi32, #tpu.memory_space<hbm>> -> memref<75x80xi32, #tpu.memory_space<hbm>>
      tpu.wait_dma2 semaphore(%run_scoped3A : memref<!tpu.dma_semaphore, #tpu.memory_space<semaphore_mem>>) src(%dma_wait3A_133 : memref<75x80xi32, #tpu.memory_space<hbm>>) dst(%arg7 : memref<75x80xi32, #tpu.memory_space<vmem>>)
      tpu.yield
    }) : () -> ()
    "tpu.region"() ({
      %run_scoped3A = tpu.sem_alloc : memref<!tpu.dma_semaphore, #tpu.memory_space<semaphore_mem>>
      %dma_start3A_118 = arith.constant 0 : i32
      %dma_start3A_119 = arith.constant 0 : i32
      %dma_start3A_120 = tpu.memref_slice %arg4[%add3A, %dma_start3A_118, %dma_start3A_119] : memref<32x75x80xi32, #tpu.memory_space<hbm>> -> memref<1x75x80xi32, #tpu.memory_space<hbm>>
      %dma_start3A_121 = tpu.memref_squeeze %dma_start3A_120 : memref<1x75x80xi32, #tpu.memory_space<hbm>> -> memref<75x80xi32, #tpu.memory_space<hbm>>
      %dma_start3A_122 = arith.constant 0 : i32
      %dma_start3A_123 = arith.constant 0 : i32
      %dma_start3A_124 = tpu.memref_slice %arg4[%add3A, %dma_start3A_122, %dma_start3A_123] : memref<32x75x80xi32, #tpu.memory_space<hbm>> -> memref<1x75x80xi32, #tpu.memory_space<hbm>>
      %dma_start3A_125 = tpu.memref_squeeze %dma_start3A_124 : memref<1x75x80xi32, #tpu.memory_space<hbm>> -> memref<75x80xi32, #tpu.memory_space<hbm>>
      tpu.enqueue_dma source(%dma_start3A_125 : memref<75x80xi32, #tpu.memory_space<hbm>>) target(%arg8 : memref<75x80xi32, #tpu.memory_space<vmem>>) target_semaphore(%run_scoped3A : memref<!tpu.dma_semaphore, #tpu.memory_space<semaphore_mem>>)
      %dma_wait3A_126 = arith.constant 0 : i32
      %dma_wait3A_127 = arith.constant 0 : i32
      %dma_wait3A_128 = tpu.memref_slice %arg4[%add3A, %dma_wait3A_126, %dma_wait3A_127] : memref<32x75x80xi32, #tpu.memory_space<hbm>> -> memref<1x75x80xi32, #tpu.memory_space<hbm>>
      %dma_wait3A_129 = tpu.memref_squeeze %dma_wait3A_128 : memref<1x75x80xi32, #tpu.memory_space<hbm>> -> memref<75x80xi32, #tpu.memory_space<hbm>>
      %dma_wait3A_130 = arith.constant 0 : i32
      %dma_wait3A_131 = arith.constant 0 : i32
      %dma_wait3A_132 = tpu.memref_slice %arg4[%add3A, %dma_wait3A_130, %dma_wait3A_131] : memref<32x75x80xi32, #tpu.memory_space<hbm>> -> memref<1x75x80xi32, #tpu.memory_space<hbm>>
      %dma_wait3A_133 = tpu.memref_squeeze %dma_wait3A_132 : memref<1x75x80xi32, #tpu.memory_space<hbm>> -> memref<75x80xi32, #tpu.memory_space<hbm>>
      tpu.wait_dma2 semaphore(%run_scoped3A : memref<!tpu.dma_semaphore, #tpu.memory_space<semaphore_mem>>) src(%dma_wait3A_133 : memref<75x80xi32, #tpu.memory_space<hbm>>) dst(%arg8 : memref<75x80xi32, #tpu.memory_space<vmem>>)
      tpu.yield
    }) : () -> ()
    %dma_start3A = arith.constant 0 : i32
    %dma_start3A_3 = arith.constant 0 : i32
    %dma_start3A_4 = tpu.memref_slice %arg7[%dma_start3A, %dma_start3A_3] : memref<75x80xi32, #tpu.memory_space<vmem>> -> memref<1x80xi32, #tpu.memory_space<vmem>>
    %dma_start3A_5 = tpu.memref_squeeze %dma_start3A_4 : memref<1x80xi32, #tpu.memory_space<vmem>> -> memref<80xi32, #tpu.memory_space<vmem>>
    %dma_start3A_6 = arith.constant 0 : i32
    %dma_start3A_7 = arith.constant 0 : i32
    %dma_start3A_8 = arith.constant 0 : i32
    %dma_start3A_9 = tpu.memref_slice %arg2[%dma_start3A_6, %dma_start3A_7, %dma_start3A_8] : memref<10000x2x128xf32, #tpu.memory_space<hbm>> -> memref<10000x2x128xf32, #tpu.memory_space<hbm>>
    tpu.enqueue_indirect_dma source(%dma_start3A_9 : memref<10000x2x128xf32, #tpu.memory_space<hbm>>) target(%arg9 : memref<80x2x128xf32, #tpu.memory_space<vmem>>) offsets(%dma_start3A_5 : memref<80xi32, #tpu.memory_space<vmem>>) semaphore(%arg13 : memref<!tpu.dma_semaphore, #tpu.memory_space<semaphore_mem>>)
    %scan3A = arith.constant 0 : i32
    %scan3A_10 = arith.constant 0 : i32
    %scan3A_11 = arith.constant 19 : i32
    %scan3A_12 = arith.addi %scan3A_10, %scan3A_11 : i32
    %scan3A_13 = arith.constant 1 : i32
    scf.for %scan3A_118 = %scan3A_10 to %scan3A_12 step %scan3A_13  : i32 {
      %mul3A_119 = arith.constant 4 : i32
      %mul3A_120 = arith.muli %scan3A_118, %mul3A_119 : i32
      %add3A_121 = arith.constant 0 : i32
      %add3A_122 = arith.addi %mul3A_120, %add3A_121 : i32
      %ge3A = arith.constant 3 : i32
      %ge3A_123 = arith.cmpi sge, %add3A_122, %ge3A : i32
      %add3A_124 = arith.constant 1 : i32
      %add3A_125 = arith.addi %add3A_122, %add3A_124 : i32
      %lt3A = arith.constant 75 : i32
      %lt3A_126 = arith.cmpi slt, %add3A_125, %lt3A : i32
      %and3A = arith.andi %ge3A_123, %lt3A_126 : i1
      %convert_element_type3A = arith.extui %and3A : i1 to i32
      %cond3A = arith.constant 0 : i32
      %cond3A_127 = arith.cmpi ne, %convert_element_type3A, %cond3A : i32
      scf.if %cond3A_127 {
        %dma_wait3A_218 = arith.constant 0 : i32
        %dma_wait3A_219 = arith.constant 0 : i32
        %dma_wait3A_220 = arith.constant 0 : i32
        %dma_wait3A_221 = tpu.memref_slice %arg10[%dma_wait3A_219, %dma_wait3A_218, %dma_wait3A_220] : memref<80x2x128xf32, #tpu.memory_space<vmem>> -> memref<80x1x128xf32, #tpu.memory_space<vmem>>
        %dma_wait3A_222 = tpu.memref_squeeze %dma_wait3A_221 : memref<80x1x128xf32, #tpu.memory_space<vmem>> -> memref<80x128xf32, #tpu.memory_space<vmem>>
        %dma_wait3A_223 = arith.constant 0 : i32
        %dma_wait3A_224 = tpu.memref_slice %arg5[%mul3A_2, %dma_wait3A_223] : memref<192000x128xf32, #tpu.memory_space<hbm>> -> memref<80x128xf32, #tpu.memory_space<hbm>>
        %dma_wait3A_225 = arith.constant 0 : i32
        %dma_wait3A_226 = tpu.memref_slice %arg5[%mul3A_2, %dma_wait3A_225] : memref<192000x128xf32, #tpu.memory_space<hbm>> -> memref<80x128xf32, #tpu.memory_space<hbm>>
        %dma_wait3A_227 = arith.constant 0 : i32
        %dma_wait3A_228 = arith.constant 0 : i32
        %dma_wait3A_229 = tpu.memref_slice %arg10[%dma_wait3A_227, %dma_wait3A_218, %dma_wait3A_228] : memref<80x2x128xf32, #tpu.memory_space<vmem>> -> memref<80x1x128xf32, #tpu.memory_space<vmem>>
        %dma_wait3A_230 = tpu.memref_squeeze %dma_wait3A_229 : memref<80x1x128xf32, #tpu.memory_space<vmem>> -> memref<80x128xf32, #tpu.memory_space<vmem>>
        tpu.wait_dma2 semaphore(%arg18 : memref<!tpu.dma_semaphore, #tpu.memory_space<semaphore_mem>>) src(%dma_wait3A_230 : memref<80x128xf32, #tpu.memory_space<vmem>>) dst(%dma_wait3A_226 : memref<80x128xf32, #tpu.memory_space<hbm>>)
        %dma_wait3A_231 = arith.constant 1 : i32
        %dma_wait3A_232 = arith.constant 0 : i32
        %dma_wait3A_233 = arith.constant 0 : i32
        %dma_wait3A_234 = tpu.memref_slice %arg10[%dma_wait3A_232, %dma_wait3A_231, %dma_wait3A_233] : memref<80x2x128xf32, #tpu.memory_space<vmem>> -> memref<80x1x128xf32, #tpu.memory_space<vmem>>
        %dma_wait3A_235 = tpu.memref_squeeze %dma_wait3A_234 : memref<80x1x128xf32, #tpu.memory_space<vmem>> -> memref<80x128xf32, #tpu.memory_space<vmem>>
        %dma_wait3A_236 = arith.constant 0 : i32
        %dma_wait3A_237 = tpu.memref_slice %arg6[%mul3A_2, %dma_wait3A_236] : memref<192000x128xf32, #tpu.memory_space<hbm>> -> memref<80x128xf32, #tpu.memory_space<hbm>>
        %dma_wait3A_238 = arith.constant 0 : i32
        %dma_wait3A_239 = tpu.memref_slice %arg6[%mul3A_2, %dma_wait3A_238] : memref<192000x128xf32, #tpu.memory_space<hbm>> -> memref<80x128xf32, #tpu.memory_space<hbm>>
        %dma_wait3A_240 = arith.constant 0 : i32
        %dma_wait3A_241 = arith.constant 0 : i32
        %dma_wait3A_242 = tpu.memref_slice %arg10[%dma_wait3A_240, %dma_wait3A_231, %dma_wait3A_241] : memref<80x2x128xf32, #tpu.memory_space<vmem>> -> memref<80x1x128xf32, #tpu.memory_space<vmem>>
        %dma_wait3A_243 = tpu.memref_squeeze %dma_wait3A_242 : memref<80x1x128xf32, #tpu.memory_space<vmem>> -> memref<80x128xf32, #tpu.memory_space<vmem>>
        tpu.wait_dma2 semaphore(%arg18 : memref<!tpu.dma_semaphore, #tpu.memory_space<semaphore_mem>>) src(%dma_wait3A_243 : memref<80x128xf32, #tpu.memory_space<vmem>>) dst(%dma_wait3A_239 : memref<80x128xf32, #tpu.memory_space<hbm>>)
      } else {
      }
      %add3A_128 = arith.constant 1 : i32
      %add3A_129 = arith.addi %add3A_122, %add3A_128 : i32
      %lt3A_130 = arith.constant 75 : i32
      %lt3A_131 = arith.cmpi slt, %add3A_129, %lt3A_130 : i32
      %convert_element_type3A_132 = arith.extui %lt3A_131 : i1 to i32
      %cond3A_133 = arith.constant 0 : i32
      %cond3A_134 = arith.cmpi ne, %convert_element_type3A_132, %cond3A_133 : i32
      scf.if %cond3A_134 {
        %add3A_218 = arith.constant 1 : i32
        %add3A_219 = arith.addi %add3A_122, %add3A_218 : i32
        %dma_start3A_220 = arith.constant 0 : i32
        %dma_start3A_221 = tpu.memref_slice %arg7[%add3A_219, %dma_start3A_220] : memref<75x80xi32, #tpu.memory_space<vmem>> -> memref<1x80xi32, #tpu.memory_space<vmem>>
        %dma_start3A_222 = tpu.memref_squeeze %dma_start3A_221 : memref<1x80xi32, #tpu.memory_space<vmem>> -> memref<80xi32, #tpu.memory_space<vmem>>
        %dma_start3A_223 = arith.constant 0 : i32
        %dma_start3A_224 = arith.constant 0 : i32
        %dma_start3A_225 = arith.constant 0 : i32
        %dma_start3A_226 = tpu.memref_slice %arg2[%dma_start3A_223, %dma_start3A_224, %dma_start3A_225] : memref<10000x2x128xf32, #tpu.memory_space<hbm>> -> memref<10000x2x128xf32, #tpu.memory_space<hbm>>
        tpu.enqueue_indirect_dma source(%dma_start3A_226 : memref<10000x2x128xf32, #tpu.memory_space<hbm>>) target(%arg10 : memref<80x2x128xf32, #tpu.memory_space<vmem>>) offsets(%dma_start3A_222 : memref<80xi32, #tpu.memory_space<vmem>>) semaphore(%arg14 : memref<!tpu.dma_semaphore, #tpu.memory_space<semaphore_mem>>)
      } else {
      }
      %lt3A_135 = arith.constant 75 : i32
      %lt3A_136 = arith.cmpi slt, %add3A_122, %lt3A_135 : i32
      %convert_element_type3A_137 = arith.extui %lt3A_136 : i1 to i32
      %cond3A_138 = arith.constant 0 : i32
      %cond3A_139 = arith.cmpi ne, %convert_element_type3A_137, %cond3A_138 : i32
      scf.if %cond3A_139 {
        %dma_wait3A_218 = arith.constant 0 : i32
        %dma_wait3A_219 = arith.constant 0 : i32
        %dma_wait3A_220 = tpu.memref_slice %arg7[%dma_wait3A_218, %dma_wait3A_219] : memref<75x80xi32, #tpu.memory_space<vmem>> -> memref<1x80xi32, #tpu.memory_space<vmem>>
        %dma_wait3A_221 = tpu.memref_squeeze %dma_wait3A_220 : memref<1x80xi32, #tpu.memory_space<vmem>> -> memref<80xi32, #tpu.memory_space<vmem>>
        %dma_wait3A_222 = arith.constant 0 : i32
        %dma_wait3A_223 = arith.constant 0 : i32
        %dma_wait3A_224 = arith.constant 0 : i32
        %dma_wait3A_225 = tpu.memref_slice %arg2[%dma_wait3A_222, %dma_wait3A_223, %dma_wait3A_224] : memref<10000x2x128xf32, #tpu.memory_space<hbm>> -> memref<10000x2x128xf32, #tpu.memory_space<hbm>>
        tpu.wait_indirect_dma semaphore(%arg13 : memref<!tpu.dma_semaphore, #tpu.memory_space<semaphore_mem>>) src(%dma_wait3A_225 : memref<10000x2x128xf32, #tpu.memory_space<hbm>>) dst(%arg9 : memref<80x2x128xf32, #tpu.memory_space<vmem>>)
        %dma_start3A_226 = arith.constant 0 : i32
        %dma_start3A_227 = tpu.memref_slice %arg8[%add3A_122, %dma_start3A_226] : memref<75x80xi32, #tpu.memory_space<vmem>> -> memref<1x80xi32, #tpu.memory_space<vmem>>
        %dma_start3A_228 = tpu.memref_squeeze %dma_start3A_227 : memref<1x80xi32, #tpu.memory_space<vmem>> -> memref<80xi32, #tpu.memory_space<vmem>>
        %dma_start3A_229 = arith.constant 0 : i32
        %dma_start3A_230 = arith.constant 0 : i32
        %dma_start3A_231 = arith.constant 0 : i32
        %dma_start3A_232 = tpu.memref_slice %arg2[%dma_start3A_229, %dma_start3A_230, %dma_start3A_231] : memref<10000x2x128xf32, #tpu.memory_space<hbm>> -> memref<10000x2x128xf32, #tpu.memory_space<hbm>>
        tpu.enqueue_indirect_dma source(%dma_start3A_232 : memref<10000x2x128xf32, #tpu.memory_space<hbm>>) target(%arg9 : memref<80x2x128xf32, #tpu.memory_space<vmem>>) offsets(%dma_start3A_228 : memref<80xi32, #tpu.memory_space<vmem>>) semaphore(%arg13 : memref<!tpu.dma_semaphore, #tpu.memory_space<semaphore_mem>>) {add = true}
        %dma_wait3A_233 = arith.constant 0 : i32
        %dma_wait3A_234 = arith.constant 0 : i32
        %dma_wait3A_235 = tpu.memref_slice %arg7[%dma_wait3A_233, %dma_wait3A_234] : memref<75x80xi32, #tpu.memory_space<vmem>> -> memref<1x80xi32, #tpu.memory_space<vmem>>
        %dma_wait3A_236 = tpu.memref_squeeze %dma_wait3A_235 : memref<1x80xi32, #tpu.memory_space<vmem>> -> memref<80xi32, #tpu.memory_space<vmem>>
        %dma_wait3A_237 = arith.constant 0 : i32
        %dma_wait3A_238 = arith.constant 0 : i32
        %dma_wait3A_239 = arith.constant 0 : i32
        %dma_wait3A_240 = tpu.memref_slice %arg2[%dma_wait3A_237, %dma_wait3A_238, %dma_wait3A_239] : memref<10000x2x128xf32, #tpu.memory_space<hbm>> -> memref<10000x2x128xf32, #tpu.memory_space<hbm>>
        tpu.wait_indirect_dma semaphore(%arg13 : memref<!tpu.dma_semaphore, #tpu.memory_space<semaphore_mem>>) src(%dma_wait3A_240 : memref<10000x2x128xf32, #tpu.memory_space<hbm>>) dst(%arg9 : memref<80x2x128xf32, #tpu.memory_space<vmem>>)
        %mul3A_241 = arith.constant 80 : i32
        %mul3A_242 = arith.muli %add3A_122, %mul3A_241 : i32
        %add3A_243 = arith.addi %mul3A_2, %mul3A_242 : i32
        %dma_start3A_244 = arith.constant 0 : i32
        %dma_start3A_245 = arith.constant 0 : i32
        %dma_start3A_246 = arith.constant 0 : i32
        %dma_start3A_247 = tpu.memref_slice %arg9[%dma_start3A_245, %dma_start3A_244, %dma_start3A_246] : memref<80x2x128xf32, #tpu.memory_space<vmem>> -> memref<80x1x128xf32, #tpu.memory_space<vmem>>
        %dma_start3A_248 = tpu.memref_squeeze %dma_start3A_247 : memref<80x1x128xf32, #tpu.memory_space<vmem>> -> memref<80x128xf32, #tpu.memory_space<vmem>>
        %dma_start3A_249 = arith.constant 0 : i32
        %dma_start3A_250 = tpu.memref_slice %arg5[%add3A_243, %dma_start3A_249] : memref<192000x128xf32, #tpu.memory_space<hbm>> -> memref<80x128xf32, #tpu.memory_space<hbm>>
        %dma_start3A_251 = arith.constant 0 : i32
        %dma_start3A_252 = tpu.memref_slice %arg5[%add3A_243, %dma_start3A_251] : memref<192000x128xf32, #tpu.memory_space<hbm>> -> memref<80x128xf32, #tpu.memory_space<hbm>>
        %dma_start3A_253 = arith.constant 0 : i32
        %dma_start3A_254 = arith.constant 0 : i32
        %dma_start3A_255 = tpu.memref_slice %arg9[%dma_start3A_253, %dma_start3A_244, %dma_start3A_254] : memref<80x2x128xf32, #tpu.memory_space<vmem>> -> memref<80x1x128xf32, #tpu.memory_space<vmem>>
        %dma_start3A_256 = tpu.memref_squeeze %dma_start3A_255 : memref<80x1x128xf32, #tpu.memory_space<vmem>> -> memref<80x128xf32, #tpu.memory_space<vmem>>
        tpu.enqueue_dma source(%dma_start3A_256 : memref<80x128xf32, #tpu.memory_space<vmem>>) target(%dma_start3A_252 : memref<80x128xf32, #tpu.memory_space<hbm>>) target_semaphore(%arg17 : memref<!tpu.dma_semaphore, #tpu.memory_space<semaphore_mem>>)
        %dma_start3A_257 = arith.constant 1 : i32
        %dma_start3A_258 = arith.constant 0 : i32
        %dma_start3A_259 = arith.constant 0 : i32
        %dma_start3A_260 = tpu.memref_slice %arg9[%dma_start3A_258, %dma_start3A_257, %dma_start3A_259] : memref<80x2x128xf32, #tpu.memory_space<vmem>> -> memref<80x1x128xf32, #tpu.memory_space<vmem>>
        %dma_start3A_261 = tpu.memref_squeeze %dma_start3A_260 : memref<80x1x128xf32, #tpu.memory_space<vmem>> -> memref<80x128xf32, #tpu.memory_space<vmem>>
        %dma_start3A_262 = arith.constant 0 : i32
        %dma_start3A_263 = tpu.memref_slice %arg6[%add3A_243, %dma_start3A_262] : memref<192000x128xf32, #tpu.memory_space<hbm>> -> memref<80x128xf32, #tpu.memory_space<hbm>>
        %dma_start3A_264 = arith.constant 0 : i32
        %dma_start3A_265 = tpu.memref_slice %arg6[%add3A_243, %dma_start3A_264] : memref<192000x128xf32, #tpu.memory_space<hbm>> -> memref<80x128xf32, #tpu.memory_space<hbm>>
        %dma_start3A_266 = arith.constant 0 : i32
        %dma_start3A_267 = arith.constant 0 : i32
        %dma_start3A_268 = tpu.memref_slice %arg9[%dma_start3A_266, %dma_start3A_257, %dma_start3A_267] : memref<80x2x128xf32, #tpu.memory_space<vmem>> -> memref<80x1x128xf32, #tpu.memory_space<vmem>>
        %dma_start3A_269 = tpu.memref_squeeze %dma_start3A_268 : memref<80x1x128xf32, #tpu.memory_space<vmem>> -> memref<80x128xf32, #tpu.memory_space<vmem>>
        tpu.enqueue_dma source(%dma_start3A_269 : memref<80x128xf32, #tpu.memory_space<vmem>>) target(%dma_start3A_265 : memref<80x128xf32, #tpu.memory_space<hbm>>) target_semaphore(%arg17 : memref<!tpu.dma_semaphore, #tpu.memory_space<semaphore_mem>>)
      } else {
      }
      %mul3A_140 = arith.constant 4 : i32
      %mul3A_141 = arith.muli %scan3A_118, %mul3A_140 : i32
      %add3A_142 = arith.constant 1 : i32
      %add3A_143 = arith.addi %mul3A_141, %add3A_142 : i32
      %ge3A_144 = arith.constant 3 : i32
      %ge3A_145 = arith.cmpi sge, %add3A_143, %ge3A_144 : i32
      %add3A_146 = arith.constant 1 : i32
      %add3A_147 = arith.addi %add3A_143, %add3A_146 : i32
      %lt3A_148 = arith.constant 75 : i32
      %lt3A_149 = arith.cmpi slt, %add3A_147, %lt3A_148 : i32
      %and3A_150 = arith.andi %ge3A_145, %lt3A_149 : i1
      %convert_element_type3A_151 = arith.extui %and3A_150 : i1 to i32
      %cond3A_152 = arith.constant 0 : i32
      %cond3A_153 = arith.cmpi ne, %convert_element_type3A_151, %cond3A_152 : i32
      scf.if %cond3A_153 {
        %dma_wait3A_218 = arith.constant 0 : i32
        %dma_wait3A_219 = arith.constant 0 : i32
        %dma_wait3A_220 = arith.constant 0 : i32
        %dma_wait3A_221 = tpu.memref_slice %arg11[%dma_wait3A_219, %dma_wait3A_218, %dma_wait3A_220] : memref<80x2x128xf32, #tpu.memory_space<vmem>> -> memref<80x1x128xf32, #tpu.memory_space<vmem>>
        %dma_wait3A_222 = tpu.memref_squeeze %dma_wait3A_221 : memref<80x1x128xf32, #tpu.memory_space<vmem>> -> memref<80x128xf32, #tpu.memory_space<vmem>>
        %dma_wait3A_223 = arith.constant 0 : i32
        %dma_wait3A_224 = tpu.memref_slice %arg5[%mul3A_2, %dma_wait3A_223] : memref<192000x128xf32, #tpu.memory_space<hbm>> -> memref<80x128xf32, #tpu.memory_space<hbm>>
        %dma_wait3A_225 = arith.constant 0 : i32
        %dma_wait3A_226 = tpu.memref_slice %arg5[%mul3A_2, %dma_wait3A_225] : memref<192000x128xf32, #tpu.memory_space<hbm>> -> memref<80x128xf32, #tpu.memory_space<hbm>>
        %dma_wait3A_227 = arith.constant 0 : i32
        %dma_wait3A_228 = arith.constant 0 : i32
        %dma_wait3A_229 = tpu.memref_slice %arg11[%dma_wait3A_227, %dma_wait3A_218, %dma_wait3A_228] : memref<80x2x128xf32, #tpu.memory_space<vmem>> -> memref<80x1x128xf32, #tpu.memory_space<vmem>>
        %dma_wait3A_230 = tpu.memref_squeeze %dma_wait3A_229 : memref<80x1x128xf32, #tpu.memory_space<vmem>> -> memref<80x128xf32, #tpu.memory_space<vmem>>
        tpu.wait_dma2 semaphore(%arg19 : memref<!tpu.dma_semaphore, #tpu.memory_space<semaphore_mem>>) src(%dma_wait3A_230 : memref<80x128xf32, #tpu.memory_space<vmem>>) dst(%dma_wait3A_226 : memref<80x128xf32, #tpu.memory_space<hbm>>)
        %dma_wait3A_231 = arith.constant 1 : i32
        %dma_wait3A_232 = arith.constant 0 : i32
        %dma_wait3A_233 = arith.constant 0 : i32
        %dma_wait3A_234 = tpu.memref_slice %arg11[%dma_wait3A_232, %dma_wait3A_231, %dma_wait3A_233] : memref<80x2x128xf32, #tpu.memory_space<vmem>> -> memref<80x1x128xf32, #tpu.memory_space<vmem>>
        %dma_wait3A_235 = tpu.memref_squeeze %dma_wait3A_234 : memref<80x1x128xf32, #tpu.memory_space<vmem>> -> memref<80x128xf32, #tpu.memory_space<vmem>>
        %dma_wait3A_236 = arith.constant 0 : i32
        %dma_wait3A_237 = tpu.memref_slice %arg6[%mul3A_2, %dma_wait3A_236] : memref<192000x128xf32, #tpu.memory_space<hbm>> -> memref<80x128xf32, #tpu.memory_space<hbm>>
        %dma_wait3A_238 = arith.constant 0 : i32
        %dma_wait3A_239 = tpu.memref_slice %arg6[%mul3A_2, %dma_wait3A_238] : memref<192000x128xf32, #tpu.memory_space<hbm>> -> memref<80x128xf32, #tpu.memory_space<hbm>>
        %dma_wait3A_240 = arith.constant 0 : i32
        %dma_wait3A_241 = arith.constant 0 : i32
        %dma_wait3A_242 = tpu.memref_slice %arg11[%dma_wait3A_240, %dma_wait3A_231, %dma_wait3A_241] : memref<80x2x128xf32, #tpu.memory_space<vmem>> -> memref<80x1x128xf32, #tpu.memory_space<vmem>>
        %dma_wait3A_243 = tpu.memref_squeeze %dma_wait3A_242 : memref<80x1x128xf32, #tpu.memory_space<vmem>> -> memref<80x128xf32, #tpu.memory_space<vmem>>
        tpu.wait_dma2 semaphore(%arg19 : memref<!tpu.dma_semaphore, #tpu.memory_space<semaphore_mem>>) src(%dma_wait3A_243 : memref<80x128xf32, #tpu.memory_space<vmem>>) dst(%dma_wait3A_239 : memref<80x128xf32, #tpu.memory_space<hbm>>)
      } else {
      }
      %add3A_154 = arith.constant 1 : i32
      %add3A_155 = arith.addi %add3A_143, %add3A_154 : i32
      %lt3A_156 = arith.constant 75 : i32
      %lt3A_157 = arith.cmpi slt, %add3A_155, %lt3A_156 : i32
      %convert_element_type3A_158 = arith.extui %lt3A_157 : i1 to i32
      %cond3A_159 = arith.constant 0 : i32
      %cond3A_160 = arith.cmpi ne, %convert_element_type3A_158, %cond3A_159 : i32
      scf.if %cond3A_160 {
        %add3A_218 = arith.constant 1 : i32
        %add3A_219 = arith.addi %add3A_143, %add3A_218 : i32
        %dma_start3A_220 = arith.constant 0 : i32
        %dma_start3A_221 = tpu.memref_slice %arg7[%add3A_219, %dma_start3A_220] : memref<75x80xi32, #tpu.memory_space<vmem>> -> memref<1x80xi32, #tpu.memory_space<vmem>>
        %dma_start3A_222 = tpu.memref_squeeze %dma_start3A_221 : memref<1x80xi32, #tpu.memory_space<vmem>> -> memref<80xi32, #tpu.memory_space<vmem>>
        %dma_start3A_223 = arith.constant 0 : i32
        %dma_start3A_224 = arith.constant 0 : i32
        %dma_start3A_225 = arith.constant 0 : i32
        %dma_start3A_226 = tpu.memref_slice %arg2[%dma_start3A_223, %dma_start3A_224, %dma_start3A_225] : memref<10000x2x128xf32, #tpu.memory_space<hbm>> -> memref<10000x2x128xf32, #tpu.memory_space<hbm>>
        tpu.enqueue_indirect_dma source(%dma_start3A_226 : memref<10000x2x128xf32, #tpu.memory_space<hbm>>) target(%arg11 : memref<80x2x128xf32, #tpu.memory_space<vmem>>) offsets(%dma_start3A_222 : memref<80xi32, #tpu.memory_space<vmem>>) semaphore(%arg15 : memref<!tpu.dma_semaphore, #tpu.memory_space<semaphore_mem>>)
      } else {
      }
      %lt3A_161 = arith.constant 75 : i32
      %lt3A_162 = arith.cmpi slt, %add3A_143, %lt3A_161 : i32
      %convert_element_type3A_163 = arith.extui %lt3A_162 : i1 to i32
      %cond3A_164 = arith.constant 0 : i32
      %cond3A_165 = arith.cmpi ne, %convert_element_type3A_163, %cond3A_164 : i32
      scf.if %cond3A_165 {
        %dma_wait3A_218 = arith.constant 0 : i32
        %dma_wait3A_219 = arith.constant 0 : i32
        %dma_wait3A_220 = tpu.memref_slice %arg7[%dma_wait3A_218, %dma_wait3A_219] : memref<75x80xi32, #tpu.memory_space<vmem>> -> memref<1x80xi32, #tpu.memory_space<vmem>>
        %dma_wait3A_221 = tpu.memref_squeeze %dma_wait3A_220 : memref<1x80xi32, #tpu.memory_space<vmem>> -> memref<80xi32, #tpu.memory_space<vmem>>
        %dma_wait3A_222 = arith.constant 0 : i32
        %dma_wait3A_223 = arith.constant 0 : i32
        %dma_wait3A_224 = arith.constant 0 : i32
        %dma_wait3A_225 = tpu.memref_slice %arg2[%dma_wait3A_222, %dma_wait3A_223, %dma_wait3A_224] : memref<10000x2x128xf32, #tpu.memory_space<hbm>> -> memref<10000x2x128xf32, #tpu.memory_space<hbm>>
        tpu.wait_indirect_dma semaphore(%arg14 : memref<!tpu.dma_semaphore, #tpu.memory_space<semaphore_mem>>) src(%dma_wait3A_225 : memref<10000x2x128xf32, #tpu.memory_space<hbm>>) dst(%arg10 : memref<80x2x128xf32, #tpu.memory_space<vmem>>)
        %dma_start3A_226 = arith.constant 0 : i32
        %dma_start3A_227 = tpu.memref_slice %arg8[%add3A_143, %dma_start3A_226] : memref<75x80xi32, #tpu.memory_space<vmem>> -> memref<1x80xi32, #tpu.memory_space<vmem>>
        %dma_start3A_228 = tpu.memref_squeeze %dma_start3A_227 : memref<1x80xi32, #tpu.memory_space<vmem>> -> memref<80xi32, #tpu.memory_space<vmem>>
        %dma_start3A_229 = arith.constant 0 : i32
        %dma_start3A_230 = arith.constant 0 : i32
        %dma_start3A_231 = arith.constant 0 : i32
        %dma_start3A_232 = tpu.memref_slice %arg2[%dma_start3A_229, %dma_start3A_230, %dma_start3A_231] : memref<10000x2x128xf32, #tpu.memory_space<hbm>> -> memref<10000x2x128xf32, #tpu.memory_space<hbm>>
        tpu.enqueue_indirect_dma source(%dma_start3A_232 : memref<10000x2x128xf32, #tpu.memory_space<hbm>>) target(%arg10 : memref<80x2x128xf32, #tpu.memory_space<vmem>>) offsets(%dma_start3A_228 : memref<80xi32, #tpu.memory_space<vmem>>) semaphore(%arg14 : memref<!tpu.dma_semaphore, #tpu.memory_space<semaphore_mem>>) {add = true}
        %dma_wait3A_233 = arith.constant 0 : i32
        %dma_wait3A_234 = arith.constant 0 : i32
        %dma_wait3A_235 = tpu.memref_slice %arg7[%dma_wait3A_233, %dma_wait3A_234] : memref<75x80xi32, #tpu.memory_space<vmem>> -> memref<1x80xi32, #tpu.memory_space<vmem>>
        %dma_wait3A_236 = tpu.memref_squeeze %dma_wait3A_235 : memref<1x80xi32, #tpu.memory_space<vmem>> -> memref<80xi32, #tpu.memory_space<vmem>>
        %dma_wait3A_237 = arith.constant 0 : i32
        %dma_wait3A_238 = arith.constant 0 : i32
        %dma_wait3A_239 = arith.constant 0 : i32
        %dma_wait3A_240 = tpu.memref_slice %arg2[%dma_wait3A_237, %dma_wait3A_238, %dma_wait3A_239] : memref<10000x2x128xf32, #tpu.memory_space<hbm>> -> memref<10000x2x128xf32, #tpu.memory_space<hbm>>
        tpu.wait_indirect_dma semaphore(%arg14 : memref<!tpu.dma_semaphore, #tpu.memory_space<semaphore_mem>>) src(%dma_wait3A_240 : memref<10000x2x128xf32, #tpu.memory_space<hbm>>) dst(%arg10 : memref<80x2x128xf32, #tpu.memory_space<vmem>>)
        %mul3A_241 = arith.constant 80 : i32
        %mul3A_242 = arith.muli %add3A_143, %mul3A_241 : i32
        %add3A_243 = arith.addi %mul3A_2, %mul3A_242 : i32
        %dma_start3A_244 = arith.constant 0 : i32
        %dma_start3A_245 = arith.constant 0 : i32
        %dma_start3A_246 = arith.constant 0 : i32
        %dma_start3A_247 = tpu.memref_slice %arg10[%dma_start3A_245, %dma_start3A_244, %dma_start3A_246] : memref<80x2x128xf32, #tpu.memory_space<vmem>> -> memref<80x1x128xf32, #tpu.memory_space<vmem>>
        %dma_start3A_248 = tpu.memref_squeeze %dma_start3A_247 : memref<80x1x128xf32, #tpu.memory_space<vmem>> -> memref<80x128xf32, #tpu.memory_space<vmem>>
        %dma_start3A_249 = arith.constant 0 : i32
        %dma_start3A_250 = tpu.memref_slice %arg5[%add3A_243, %dma_start3A_249] : memref<192000x128xf32, #tpu.memory_space<hbm>> -> memref<80x128xf32, #tpu.memory_space<hbm>>
        %dma_start3A_251 = arith.constant 0 : i32
        %dma_start3A_252 = tpu.memref_slice %arg5[%add3A_243, %dma_start3A_251] : memref<192000x128xf32, #tpu.memory_space<hbm>> -> memref<80x128xf32, #tpu.memory_space<hbm>>
        %dma_start3A_253 = arith.constant 0 : i32
        %dma_start3A_254 = arith.constant 0 : i32
        %dma_start3A_255 = tpu.memref_slice %arg10[%dma_start3A_253, %dma_start3A_244, %dma_start3A_254] : memref<80x2x128xf32, #tpu.memory_space<vmem>> -> memref<80x1x128xf32, #tpu.memory_space<vmem>>
        %dma_start3A_256 = tpu.memref_squeeze %dma_start3A_255 : memref<80x1x128xf32, #tpu.memory_space<vmem>> -> memref<80x128xf32, #tpu.memory_space<vmem>>
        tpu.enqueue_dma source(%dma_start3A_256 : memref<80x128xf32, #tpu.memory_space<vmem>>) target(%dma_start3A_252 : memref<80x128xf32, #tpu.memory_space<hbm>>) target_semaphore(%arg18 : memref<!tpu.dma_semaphore, #tpu.memory_space<semaphore_mem>>)
        %dma_start3A_257 = arith.constant 1 : i32
        %dma_start3A_258 = arith.constant 0 : i32
        %dma_start3A_259 = arith.constant 0 : i32
        %dma_start3A_260 = tpu.memref_slice %arg10[%dma_start3A_258, %dma_start3A_257, %dma_start3A_259] : memref<80x2x128xf32, #tpu.memory_space<vmem>> -> memref<80x1x128xf32, #tpu.memory_space<vmem>>
        %dma_start3A_261 = tpu.memref_squeeze %dma_start3A_260 : memref<80x1x128xf32, #tpu.memory_space<vmem>> -> memref<80x128xf32, #tpu.memory_space<vmem>>
        %dma_start3A_262 = arith.constant 0 : i32
        %dma_start3A_263 = tpu.memref_slice %arg6[%add3A_243, %dma_start3A_262] : memref<192000x128xf32, #tpu.memory_space<hbm>> -> memref<80x128xf32, #tpu.memory_space<hbm>>
        %dma_start3A_264 = arith.constant 0 : i32
        %dma_start3A_265 = tpu.memref_slice %arg6[%add3A_243, %dma_start3A_264] : memref<192000x128xf32, #tpu.memory_space<hbm>> -> memref<80x128xf32, #tpu.memory_space<hbm>>
        %dma_start3A_266 = arith.constant 0 : i32
        %dma_start3A_267 = arith.constant 0 : i32
        %dma_start3A_268 = tpu.memref_slice %arg10[%dma_start3A_266, %dma_start3A_257, %dma_start3A_267] : memref<80x2x128xf32, #tpu.memory_space<vmem>> -> memref<80x1x128xf32, #tpu.memory_space<vmem>>
        %dma_start3A_269 = tpu.memref_squeeze %dma_start3A_268 : memref<80x1x128xf32, #tpu.memory_space<vmem>> -> memref<80x128xf32, #tpu.memory_space<vmem>>
        tpu.enqueue_dma source(%dma_start3A_269 : memref<80x128xf32, #tpu.memory_space<vmem>>) target(%dma_start3A_265 : memref<80x128xf32, #tpu.memory_space<hbm>>) target_semaphore(%arg18 : memref<!tpu.dma_semaphore, #tpu.memory_space<semaphore_mem>>)
      } else {
      }
      %mul3A_166 = arith.constant 4 : i32
      %mul3A_167 = arith.muli %scan3A_118, %mul3A_166 : i32
      %add3A_168 = arith.constant 2 : i32
      %add3A_169 = arith.addi %mul3A_167, %add3A_168 : i32
      %ge3A_170 = arith.constant 3 : i32
      %ge3A_171 = arith.cmpi sge, %add3A_169, %ge3A_170 : i32
      %add3A_172 = arith.constant 1 : i32
      %add3A_173 = arith.addi %add3A_169, %add3A_172 : i32
      %lt3A_174 = arith.constant 75 : i32
      %lt3A_175 = arith.cmpi slt, %add3A_173, %lt3A_174 : i32
      %and3A_176 = arith.andi %ge3A_171, %lt3A_175 : i1
      %convert_element_type3A_177 = arith.extui %and3A_176 : i1 to i32
      %cond3A_178 = arith.constant 0 : i32
      %cond3A_179 = arith.cmpi ne, %convert_element_type3A_177, %cond3A_178 : i32
      scf.if %cond3A_179 {
        %dma_wait3A_218 = arith.constant 0 : i32
        %dma_wait3A_219 = arith.constant 0 : i32
        %dma_wait3A_220 = arith.constant 0 : i32
        %dma_wait3A_221 = tpu.memref_slice %arg12[%dma_wait3A_219, %dma_wait3A_218, %dma_wait3A_220] : memref<80x2x128xf32, #tpu.memory_space<vmem>> -> memref<80x1x128xf32, #tpu.memory_space<vmem>>
        %dma_wait3A_222 = tpu.memref_squeeze %dma_wait3A_221 : memref<80x1x128xf32, #tpu.memory_space<vmem>> -> memref<80x128xf32, #tpu.memory_space<vmem>>
        %dma_wait3A_223 = arith.constant 0 : i32
        %dma_wait3A_224 = tpu.memref_slice %arg5[%mul3A_2, %dma_wait3A_223] : memref<192000x128xf32, #tpu.memory_space<hbm>> -> memref<80x128xf32, #tpu.memory_space<hbm>>
        %dma_wait3A_225 = arith.constant 0 : i32
        %dma_wait3A_226 = tpu.memref_slice %arg5[%mul3A_2, %dma_wait3A_225] : memref<192000x128xf32, #tpu.memory_space<hbm>> -> memref<80x128xf32, #tpu.memory_space<hbm>>
        %dma_wait3A_227 = arith.constant 0 : i32
        %dma_wait3A_228 = arith.constant 0 : i32
        %dma_wait3A_229 = tpu.memref_slice %arg12[%dma_wait3A_227, %dma_wait3A_218, %dma_wait3A_228] : memref<80x2x128xf32, #tpu.memory_space<vmem>> -> memref<80x1x128xf32, #tpu.memory_space<vmem>>
        %dma_wait3A_230 = tpu.memref_squeeze %dma_wait3A_229 : memref<80x1x128xf32, #tpu.memory_space<vmem>> -> memref<80x128xf32, #tpu.memory_space<vmem>>
        tpu.wait_dma2 semaphore(%arg20 : memref<!tpu.dma_semaphore, #tpu.memory_space<semaphore_mem>>) src(%dma_wait3A_230 : memref<80x128xf32, #tpu.memory_space<vmem>>) dst(%dma_wait3A_226 : memref<80x128xf32, #tpu.memory_space<hbm>>)
        %dma_wait3A_231 = arith.constant 1 : i32
        %dma_wait3A_232 = arith.constant 0 : i32
        %dma_wait3A_233 = arith.constant 0 : i32
        %dma_wait3A_234 = tpu.memref_slice %arg12[%dma_wait3A_232, %dma_wait3A_231, %dma_wait3A_233] : memref<80x2x128xf32, #tpu.memory_space<vmem>> -> memref<80x1x128xf32, #tpu.memory_space<vmem>>
        %dma_wait3A_235 = tpu.memref_squeeze %dma_wait3A_234 : memref<80x1x128xf32, #tpu.memory_space<vmem>> -> memref<80x128xf32, #tpu.memory_space<vmem>>
        %dma_wait3A_236 = arith.constant 0 : i32
        %dma_wait3A_237 = tpu.memref_slice %arg6[%mul3A_2, %dma_wait3A_236] : memref<192000x128xf32, #tpu.memory_space<hbm>> -> memref<80x128xf32, #tpu.memory_space<hbm>>
        %dma_wait3A_238 = arith.constant 0 : i32
        %dma_wait3A_239 = tpu.memref_slice %arg6[%mul3A_2, %dma_wait3A_238] : memref<192000x128xf32, #tpu.memory_space<hbm>> -> memref<80x128xf32, #tpu.memory_space<hbm>>
        %dma_wait3A_240 = arith.constant 0 : i32
        %dma_wait3A_241 = arith.constant 0 : i32
        %dma_wait3A_242 = tpu.memref_slice %arg12[%dma_wait3A_240, %dma_wait3A_231, %dma_wait3A_241] : memref<80x2x128xf32, #tpu.memory_space<vmem>> -> memref<80x1x128xf32, #tpu.memory_space<vmem>>
        %dma_wait3A_243 = tpu.memref_squeeze %dma_wait3A_242 : memref<80x1x128xf32, #tpu.memory_space<vmem>> -> memref<80x128xf32, #tpu.memory_space<vmem>>
        tpu.wait_dma2 semaphore(%arg20 : memref<!tpu.dma_semaphore, #tpu.memory_space<semaphore_mem>>) src(%dma_wait3A_243 : memref<80x128xf32, #tpu.memory_space<vmem>>) dst(%dma_wait3A_239 : memref<80x128xf32, #tpu.memory_space<hbm>>)
      } else {
      }
      %add3A_180 = arith.constant 1 : i32
      %add3A_181 = arith.addi %add3A_169, %add3A_180 : i32
      %lt3A_182 = arith.constant 75 : i32
      %lt3A_183 = arith.cmpi slt, %add3A_181, %lt3A_182 : i32
      %convert_element_type3A_184 = arith.extui %lt3A_183 : i1 to i32
      %cond3A_185 = arith.constant 0 : i32
      %cond3A_186 = arith.cmpi ne, %convert_element_type3A_184, %cond3A_185 : i32
      scf.if %cond3A_186 {
        %add3A_218 = arith.constant 1 : i32
        %add3A_219 = arith.addi %add3A_169, %add3A_218 : i32
        %dma_start3A_220 = arith.constant 0 : i32
        %dma_start3A_221 = tpu.memref_slice %arg7[%add3A_219, %dma_start3A_220] : memref<75x80xi32, #tpu.memory_space<vmem>> -> memref<1x80xi32, #tpu.memory_space<vmem>>
        %dma_start3A_222 = tpu.memref_squeeze %dma_start3A_221 : memref<1x80xi32, #tpu.memory_space<vmem>> -> memref<80xi32, #tpu.memory_space<vmem>>
        %dma_start3A_223 = arith.constant 0 : i32
        %dma_start3A_224 = arith.constant 0 : i32
        %dma_start3A_225 = arith.constant 0 : i32
        %dma_start3A_226 = tpu.memref_slice %arg2[%dma_start3A_223, %dma_start3A_224, %dma_start3A_225] : memref<10000x2x128xf32, #tpu.memory_space<hbm>> -> memref<10000x2x128xf32, #tpu.memory_space<hbm>>
        tpu.enqueue_indirect_dma source(%dma_start3A_226 : memref<10000x2x128xf32, #tpu.memory_space<hbm>>) target(%arg12 : memref<80x2x128xf32, #tpu.memory_space<vmem>>) offsets(%dma_start3A_222 : memref<80xi32, #tpu.memory_space<vmem>>) semaphore(%arg16 : memref<!tpu.dma_semaphore, #tpu.memory_space<semaphore_mem>>)
      } else {
      }
      %lt3A_187 = arith.constant 75 : i32
      %lt3A_188 = arith.cmpi slt, %add3A_169, %lt3A_187 : i32
      %convert_element_type3A_189 = arith.extui %lt3A_188 : i1 to i32
      %cond3A_190 = arith.constant 0 : i32
      %cond3A_191 = arith.cmpi ne, %convert_element_type3A_189, %cond3A_190 : i32
      scf.if %cond3A_191 {
        %dma_wait3A_218 = arith.constant 0 : i32
        %dma_wait3A_219 = arith.constant 0 : i32
        %dma_wait3A_220 = tpu.memref_slice %arg7[%dma_wait3A_218, %dma_wait3A_219] : memref<75x80xi32, #tpu.memory_space<vmem>> -> memref<1x80xi32, #tpu.memory_space<vmem>>
        %dma_wait3A_221 = tpu.memref_squeeze %dma_wait3A_220 : memref<1x80xi32, #tpu.memory_space<vmem>> -> memref<80xi32, #tpu.memory_space<vmem>>
        %dma_wait3A_222 = arith.constant 0 : i32
        %dma_wait3A_223 = arith.constant 0 : i32
        %dma_wait3A_224 = arith.constant 0 : i32
        %dma_wait3A_225 = tpu.memref_slice %arg2[%dma_wait3A_222, %dma_wait3A_223, %dma_wait3A_224] : memref<10000x2x128xf32, #tpu.memory_space<hbm>> -> memref<10000x2x128xf32, #tpu.memory_space<hbm>>
        tpu.wait_indirect_dma semaphore(%arg15 : memref<!tpu.dma_semaphore, #tpu.memory_space<semaphore_mem>>) src(%dma_wait3A_225 : memref<10000x2x128xf32, #tpu.memory_space<hbm>>) dst(%arg11 : memref<80x2x128xf32, #tpu.memory_space<vmem>>)
        %dma_start3A_226 = arith.constant 0 : i32
        %dma_start3A_227 = tpu.memref_slice %arg8[%add3A_169, %dma_start3A_226] : memref<75x80xi32, #tpu.memory_space<vmem>> -> memref<1x80xi32, #tpu.memory_space<vmem>>
        %dma_start3A_228 = tpu.memref_squeeze %dma_start3A_227 : memref<1x80xi32, #tpu.memory_space<vmem>> -> memref<80xi32, #tpu.memory_space<vmem>>
        %dma_start3A_229 = arith.constant 0 : i32
        %dma_start3A_230 = arith.constant 0 : i32
        %dma_start3A_231 = arith.constant 0 : i32
        %dma_start3A_232 = tpu.memref_slice %arg2[%dma_start3A_229, %dma_start3A_230, %dma_start3A_231] : memref<10000x2x128xf32, #tpu.memory_space<hbm>> -> memref<10000x2x128xf32, #tpu.memory_space<hbm>>
        tpu.enqueue_indirect_dma source(%dma_start3A_232 : memref<10000x2x128xf32, #tpu.memory_space<hbm>>) target(%arg11 : memref<80x2x128xf32, #tpu.memory_space<vmem>>) offsets(%dma_start3A_228 : memref<80xi32, #tpu.memory_space<vmem>>) semaphore(%arg15 : memref<!tpu.dma_semaphore, #tpu.memory_space<semaphore_mem>>) {add = true}
        %dma_wait3A_233 = arith.constant 0 : i32
        %dma_wait3A_234 = arith.constant 0 : i32
        %dma_wait3A_235 = tpu.memref_slice %arg7[%dma_wait3A_233, %dma_wait3A_234] : memref<75x80xi32, #tpu.memory_space<vmem>> -> memref<1x80xi32, #tpu.memory_space<vmem>>
        %dma_wait3A_236 = tpu.memref_squeeze %dma_wait3A_235 : memref<1x80xi32, #tpu.memory_space<vmem>> -> memref<80xi32, #tpu.memory_space<vmem>>
        %dma_wait3A_237 = arith.constant 0 : i32
        %dma_wait3A_238 = arith.constant 0 : i32
        %dma_wait3A_239 = arith.constant 0 : i32
        %dma_wait3A_240 = tpu.memref_slice %arg2[%dma_wait3A_237, %dma_wait3A_238, %dma_wait3A_239] : memref<10000x2x128xf32, #tpu.memory_space<hbm>> -> memref<10000x2x128xf32, #tpu.memory_space<hbm>>
        tpu.wait_indirect_dma semaphore(%arg15 : memref<!tpu.dma_semaphore, #tpu.memory_space<semaphore_mem>>) src(%dma_wait3A_240 : memref<10000x2x128xf32, #tpu.memory_space<hbm>>) dst(%arg11 : memref<80x2x128xf32, #tpu.memory_space<vmem>>)
        %mul3A_241 = arith.constant 80 : i32
        %mul3A_242 = arith.muli %add3A_169, %mul3A_241 : i32
        %add3A_243 = arith.addi %mul3A_2, %mul3A_242 : i32
        %dma_start3A_244 = arith.constant 0 : i32
        %dma_start3A_245 = arith.constant 0 : i32
        %dma_start3A_246 = arith.constant 0 : i32
        %dma_start3A_247 = tpu.memref_slice %arg11[%dma_start3A_245, %dma_start3A_244, %dma_start3A_246] : memref<80x2x128xf32, #tpu.memory_space<vmem>> -> memref<80x1x128xf32, #tpu.memory_space<vmem>>
        %dma_start3A_248 = tpu.memref_squeeze %dma_start3A_247 : memref<80x1x128xf32, #tpu.memory_space<vmem>> -> memref<80x128xf32, #tpu.memory_space<vmem>>
        %dma_start3A_249 = arith.constant 0 : i32
        %dma_start3A_250 = tpu.memref_slice %arg5[%add3A_243, %dma_start3A_249] : memref<192000x128xf32, #tpu.memory_space<hbm>> -> memref<80x128xf32, #tpu.memory_space<hbm>>
        %dma_start3A_251 = arith.constant 0 : i32
        %dma_start3A_252 = tpu.memref_slice %arg5[%add3A_243, %dma_start3A_251] : memref<192000x128xf32, #tpu.memory_space<hbm>> -> memref<80x128xf32, #tpu.memory_space<hbm>>
        %dma_start3A_253 = arith.constant 0 : i32
        %dma_start3A_254 = arith.constant 0 : i32
        %dma_start3A_255 = tpu.memref_slice %arg11[%dma_start3A_253, %dma_start3A_244, %dma_start3A_254] : memref<80x2x128xf32, #tpu.memory_space<vmem>> -> memref<80x1x128xf32, #tpu.memory_space<vmem>>
        %dma_start3A_256 = tpu.memref_squeeze %dma_start3A_255 : memref<80x1x128xf32, #tpu.memory_space<vmem>> -> memref<80x128xf32, #tpu.memory_space<vmem>>
        tpu.enqueue_dma source(%dma_start3A_256 : memref<80x128xf32, #tpu.memory_space<vmem>>) target(%dma_start3A_252 : memref<80x128xf32, #tpu.memory_space<hbm>>) target_semaphore(%arg19 : memref<!tpu.dma_semaphore, #tpu.memory_space<semaphore_mem>>)
        %dma_start3A_257 = arith.constant 1 : i32
        %dma_start3A_258 = arith.constant 0 : i32
        %dma_start3A_259 = arith.constant 0 : i32
        %dma_start3A_260 = tpu.memref_slice %arg11[%dma_start3A_258, %dma_start3A_257, %dma_start3A_259] : memref<80x2x128xf32, #tpu.memory_space<vmem>> -> memref<80x1x128xf32, #tpu.memory_space<vmem>>
        %dma_start3A_261 = tpu.memref_squeeze %dma_start3A_260 : memref<80x1x128xf32, #tpu.memory_space<vmem>> -> memref<80x128xf32, #tpu.memory_space<vmem>>
        %dma_start3A_262 = arith.constant 0 : i32
        %dma_start3A_263 = tpu.memref_slice %arg6[%add3A_243, %dma_start3A_262] : memref<192000x128xf32, #tpu.memory_space<hbm>> -> memref<80x128xf32, #tpu.memory_space<hbm>>
        %dma_start3A_264 = arith.constant 0 : i32
        %dma_start3A_265 = tpu.memref_slice %arg6[%add3A_243, %dma_start3A_264] : memref<192000x128xf32, #tpu.memory_space<hbm>> -> memref<80x128xf32, #tpu.memory_space<hbm>>
        %dma_start3A_266 = arith.constant 0 : i32
        %dma_start3A_267 = arith.constant 0 : i32
        %dma_start3A_268 = tpu.memref_slice %arg11[%dma_start3A_266, %dma_start3A_257, %dma_start3A_267] : memref<80x2x128xf32, #tpu.memory_space<vmem>> -> memref<80x1x128xf32, #tpu.memory_space<vmem>>
        %dma_start3A_269 = tpu.memref_squeeze %dma_start3A_268 : memref<80x1x128xf32, #tpu.memory_space<vmem>> -> memref<80x128xf32, #tpu.memory_space<vmem>>
        tpu.enqueue_dma source(%dma_start3A_269 : memref<80x128xf32, #tpu.memory_space<vmem>>) target(%dma_start3A_265 : memref<80x128xf32, #tpu.memory_space<hbm>>) target_semaphore(%arg19 : memref<!tpu.dma_semaphore, #tpu.memory_space<semaphore_mem>>)
      } else {
      }
      %mul3A_192 = arith.constant 4 : i32
      %mul3A_193 = arith.muli %scan3A_118, %mul3A_192 : i32
      %add3A_194 = arith.constant 3 : i32
      %add3A_195 = arith.addi %mul3A_193, %add3A_194 : i32
      %ge3A_196 = arith.constant 3 : i32
      %ge3A_197 = arith.cmpi sge, %add3A_195, %ge3A_196 : i32
      %add3A_198 = arith.constant 1 : i32
      %add3A_199 = arith.addi %add3A_195, %add3A_198 : i32
      %lt3A_200 = arith.constant 75 : i32
      %lt3A_201 = arith.cmpi slt, %add3A_199, %lt3A_200 : i32
      %and3A_202 = arith.andi %ge3A_197, %lt3A_201 : i1
      %convert_element_type3A_203 = arith.extui %and3A_202 : i1 to i32
      %cond3A_204 = arith.constant 0 : i32
      %cond3A_205 = arith.cmpi ne, %convert_element_type3A_203, %cond3A_204 : i32
      scf.if %cond3A_205 {
        %dma_wait3A_218 = arith.constant 0 : i32
        %dma_wait3A_219 = arith.constant 0 : i32
        %dma_wait3A_220 = arith.constant 0 : i32
        %dma_wait3A_221 = tpu.memref_slice %arg9[%dma_wait3A_219, %dma_wait3A_218, %dma_wait3A_220] : memref<80x2x128xf32, #tpu.memory_space<vmem>> -> memref<80x1x128xf32, #tpu.memory_space<vmem>>
        %dma_wait3A_222 = tpu.memref_squeeze %dma_wait3A_221 : memref<80x1x128xf32, #tpu.memory_space<vmem>> -> memref<80x128xf32, #tpu.memory_space<vmem>>
        %dma_wait3A_223 = arith.constant 0 : i32
        %dma_wait3A_224 = tpu.memref_slice %arg5[%mul3A_2, %dma_wait3A_223] : memref<192000x128xf32, #tpu.memory_space<hbm>> -> memref<80x128xf32, #tpu.memory_space<hbm>>
        %dma_wait3A_225 = arith.constant 0 : i32
        %dma_wait3A_226 = tpu.memref_slice %arg5[%mul3A_2, %dma_wait3A_225] : memref<192000x128xf32, #tpu.memory_space<hbm>> -> memref<80x128xf32, #tpu.memory_space<hbm>>
        %dma_wait3A_227 = arith.constant 0 : i32
        %dma_wait3A_228 = arith.constant 0 : i32
        %dma_wait3A_229 = tpu.memref_slice %arg9[%dma_wait3A_227, %dma_wait3A_218, %dma_wait3A_228] : memref<80x2x128xf32, #tpu.memory_space<vmem>> -> memref<80x1x128xf32, #tpu.memory_space<vmem>>
        %dma_wait3A_230 = tpu.memref_squeeze %dma_wait3A_229 : memref<80x1x128xf32, #tpu.memory_space<vmem>> -> memref<80x128xf32, #tpu.memory_space<vmem>>
        tpu.wait_dma2 semaphore(%arg17 : memref<!tpu.dma_semaphore, #tpu.memory_space<semaphore_mem>>) src(%dma_wait3A_230 : memref<80x128xf32, #tpu.memory_space<vmem>>) dst(%dma_wait3A_226 : memref<80x128xf32, #tpu.memory_space<hbm>>)
        %dma_wait3A_231 = arith.constant 1 : i32
        %dma_wait3A_232 = arith.constant 0 : i32
        %dma_wait3A_233 = arith.constant 0 : i32
        %dma_wait3A_234 = tpu.memref_slice %arg9[%dma_wait3A_232, %dma_wait3A_231, %dma_wait3A_233] : memref<80x2x128xf32, #tpu.memory_space<vmem>> -> memref<80x1x128xf32, #tpu.memory_space<vmem>>
        %dma_wait3A_235 = tpu.memref_squeeze %dma_wait3A_234 : memref<80x1x128xf32, #tpu.memory_space<vmem>> -> memref<80x128xf32, #tpu.memory_space<vmem>>
        %dma_wait3A_236 = arith.constant 0 : i32
        %dma_wait3A_237 = tpu.memref_slice %arg6[%mul3A_2, %dma_wait3A_236] : memref<192000x128xf32, #tpu.memory_space<hbm>> -> memref<80x128xf32, #tpu.memory_space<hbm>>
        %dma_wait3A_238 = arith.constant 0 : i32
        %dma_wait3A_239 = tpu.memref_slice %arg6[%mul3A_2, %dma_wait3A_238] : memref<192000x128xf32, #tpu.memory_space<hbm>> -> memref<80x128xf32, #tpu.memory_space<hbm>>
        %dma_wait3A_240 = arith.constant 0 : i32
        %dma_wait3A_241 = arith.constant 0 : i32
        %dma_wait3A_242 = tpu.memref_slice %arg9[%dma_wait3A_240, %dma_wait3A_231, %dma_wait3A_241] : memref<80x2x128xf32, #tpu.memory_space<vmem>> -> memref<80x1x128xf32, #tpu.memory_space<vmem>>
        %dma_wait3A_243 = tpu.memref_squeeze %dma_wait3A_242 : memref<80x1x128xf32, #tpu.memory_space<vmem>> -> memref<80x128xf32, #tpu.memory_space<vmem>>
        tpu.wait_dma2 semaphore(%arg17 : memref<!tpu.dma_semaphore, #tpu.memory_space<semaphore_mem>>) src(%dma_wait3A_243 : memref<80x128xf32, #tpu.memory_space<vmem>>) dst(%dma_wait3A_239 : memref<80x128xf32, #tpu.memory_space<hbm>>)
      } else {
      }
      %add3A_206 = arith.constant 1 : i32
      %add3A_207 = arith.addi %add3A_195, %add3A_206 : i32
      %lt3A_208 = arith.constant 75 : i32
      %lt3A_209 = arith.cmpi slt, %add3A_207, %lt3A_208 : i32
      %convert_element_type3A_210 = arith.extui %lt3A_209 : i1 to i32
      %cond3A_211 = arith.constant 0 : i32
      %cond3A_212 = arith.cmpi ne, %convert_element_type3A_210, %cond3A_211 : i32
      scf.if %cond3A_212 {
        %add3A_218 = arith.constant 1 : i32
        %add3A_219 = arith.addi %add3A_195, %add3A_218 : i32
        %dma_start3A_220 = arith.constant 0 : i32
        %dma_start3A_221 = tpu.memref_slice %arg7[%add3A_219, %dma_start3A_220] : memref<75x80xi32, #tpu.memory_space<vmem>> -> memref<1x80xi32, #tpu.memory_space<vmem>>
        %dma_start3A_222 = tpu.memref_squeeze %dma_start3A_221 : memref<1x80xi32, #tpu.memory_space<vmem>> -> memref<80xi32, #tpu.memory_space<vmem>>
        %dma_start3A_223 = arith.constant 0 : i32
        %dma_start3A_224 = arith.constant 0 : i32
        %dma_start3A_225 = arith.constant 0 : i32
        %dma_start3A_226 = tpu.memref_slice %arg2[%dma_start3A_223, %dma_start3A_224, %dma_start3A_225] : memref<10000x2x128xf32, #tpu.memory_space<hbm>> -> memref<10000x2x128xf32, #tpu.memory_space<hbm>>
        tpu.enqueue_indirect_dma source(%dma_start3A_226 : memref<10000x2x128xf32, #tpu.memory_space<hbm>>) target(%arg9 : memref<80x2x128xf32, #tpu.memory_space<vmem>>) offsets(%dma_start3A_222 : memref<80xi32, #tpu.memory_space<vmem>>) semaphore(%arg13 : memref<!tpu.dma_semaphore, #tpu.memory_space<semaphore_mem>>)
      } else {
      }
      %lt3A_213 = arith.constant 75 : i32
      %lt3A_214 = arith.cmpi slt, %add3A_195, %lt3A_213 : i32
      %convert_element_type3A_215 = arith.extui %lt3A_214 : i1 to i32
      %cond3A_216 = arith.constant 0 : i32
      %cond3A_217 = arith.cmpi ne, %convert_element_type3A_215, %cond3A_216 : i32
      scf.if %cond3A_217 {
        %dma_wait3A_218 = arith.constant 0 : i32
        %dma_wait3A_219 = arith.constant 0 : i32
        %dma_wait3A_220 = tpu.memref_slice %arg7[%dma_wait3A_218, %dma_wait3A_219] : memref<75x80xi32, #tpu.memory_space<vmem>> -> memref<1x80xi32, #tpu.memory_space<vmem>>
        %dma_wait3A_221 = tpu.memref_squeeze %dma_wait3A_220 : memref<1x80xi32, #tpu.memory_space<vmem>> -> memref<80xi32, #tpu.memory_space<vmem>>
        %dma_wait3A_222 = arith.constant 0 : i32
        %dma_wait3A_223 = arith.constant 0 : i32
        %dma_wait3A_224 = arith.constant 0 : i32
        %dma_wait3A_225 = tpu.memref_slice %arg2[%dma_wait3A_222, %dma_wait3A_223, %dma_wait3A_224] : memref<10000x2x128xf32, #tpu.memory_space<hbm>> -> memref<10000x2x128xf32, #tpu.memory_space<hbm>>
        tpu.wait_indirect_dma semaphore(%arg16 : memref<!tpu.dma_semaphore, #tpu.memory_space<semaphore_mem>>) src(%dma_wait3A_225 : memref<10000x2x128xf32, #tpu.memory_space<hbm>>) dst(%arg12 : memref<80x2x128xf32, #tpu.memory_space<vmem>>)
        %dma_start3A_226 = arith.constant 0 : i32
        %dma_start3A_227 = tpu.memref_slice %arg8[%add3A_195, %dma_start3A_226] : memref<75x80xi32, #tpu.memory_space<vmem>> -> memref<1x80xi32, #tpu.memory_space<vmem>>
        %dma_start3A_228 = tpu.memref_squeeze %dma_start3A_227 : memref<1x80xi32, #tpu.memory_space<vmem>> -> memref<80xi32, #tpu.memory_space<vmem>>
        %dma_start3A_229 = arith.constant 0 : i32
        %dma_start3A_230 = arith.constant 0 : i32
        %dma_start3A_231 = arith.constant 0 : i32
        %dma_start3A_232 = tpu.memref_slice %arg2[%dma_start3A_229, %dma_start3A_230, %dma_start3A_231] : memref<10000x2x128xf32, #tpu.memory_space<hbm>> -> memref<10000x2x128xf32, #tpu.memory_space<hbm>>
        tpu.enqueue_indirect_dma source(%dma_start3A_232 : memref<10000x2x128xf32, #tpu.memory_space<hbm>>) target(%arg12 : memref<80x2x128xf32, #tpu.memory_space<vmem>>) offsets(%dma_start3A_228 : memref<80xi32, #tpu.memory_space<vmem>>) semaphore(%arg16 : memref<!tpu.dma_semaphore, #tpu.memory_space<semaphore_mem>>) {add = true}
        %dma_wait3A_233 = arith.constant 0 : i32
        %dma_wait3A_234 = arith.constant 0 : i32
        %dma_wait3A_235 = tpu.memref_slice %arg7[%dma_wait3A_233, %dma_wait3A_234] : memref<75x80xi32, #tpu.memory_space<vmem>> -> memref<1x80xi32, #tpu.memory_space<vmem>>
        %dma_wait3A_236 = tpu.memref_squeeze %dma_wait3A_235 : memref<1x80xi32, #tpu.memory_space<vmem>> -> memref<80xi32, #tpu.memory_space<vmem>>
        %dma_wait3A_237 = arith.constant 0 : i32
        %dma_wait3A_238 = arith.constant 0 : i32
        %dma_wait3A_239 = arith.constant 0 : i32
        %dma_wait3A_240 = tpu.memref_slice %arg2[%dma_wait3A_237, %dma_wait3A_238, %dma_wait3A_239] : memref<10000x2x128xf32, #tpu.memory_space<hbm>> -> memref<10000x2x128xf32, #tpu.memory_space<hbm>>
        tpu.wait_indirect_dma semaphore(%arg16 : memref<!tpu.dma_semaphore, #tpu.memory_space<semaphore_mem>>) src(%dma_wait3A_240 : memref<10000x2x128xf32, #tpu.memory_space<hbm>>) dst(%arg12 : memref<80x2x128xf32, #tpu.memory_space<vmem>>)
        %mul3A_241 = arith.constant 80 : i32
        %mul3A_242 = arith.muli %add3A_195, %mul3A_241 : i32
        %add3A_243 = arith.addi %mul3A_2, %mul3A_242 : i32
        %dma_start3A_244 = arith.constant 0 : i32
        %dma_start3A_245 = arith.constant 0 : i32
        %dma_start3A_246 = arith.constant 0 : i32
        %dma_start3A_247 = tpu.memref_slice %arg12[%dma_start3A_245, %dma_start3A_244, %dma_start3A_246] : memref<80x2x128xf32, #tpu.memory_space<vmem>> -> memref<80x1x128xf32, #tpu.memory_space<vmem>>
        %dma_start3A_248 = tpu.memref_squeeze %dma_start3A_247 : memref<80x1x128xf32, #tpu.memory_space<vmem>> -> memref<80x128xf32, #tpu.memory_space<vmem>>
        %dma_start3A_249 = arith.constant 0 : i32
        %dma_start3A_250 = tpu.memref_slice %arg5[%add3A_243, %dma_start3A_249] : memref<192000x128xf32, #tpu.memory_space<hbm>> -> memref<80x128xf32, #tpu.memory_space<hbm>>
        %dma_start3A_251 = arith.constant 0 : i32
        %dma_start3A_252 = tpu.memref_slice %arg5[%add3A_243, %dma_start3A_251] : memref<192000x128xf32, #tpu.memory_space<hbm>> -> memref<80x128xf32, #tpu.memory_space<hbm>>
        %dma_start3A_253 = arith.constant 0 : i32
        %dma_start3A_254 = arith.constant 0 : i32
        %dma_start3A_255 = tpu.memref_slice %arg12[%dma_start3A_253, %dma_start3A_244, %dma_start3A_254] : memref<80x2x128xf32, #tpu.memory_space<vmem>> -> memref<80x1x128xf32, #tpu.memory_space<vmem>>
        %dma_start3A_256 = tpu.memref_squeeze %dma_start3A_255 : memref<80x1x128xf32, #tpu.memory_space<vmem>> -> memref<80x128xf32, #tpu.memory_space<vmem>>
        tpu.enqueue_dma source(%dma_start3A_256 : memref<80x128xf32, #tpu.memory_space<vmem>>) target(%dma_start3A_252 : memref<80x128xf32, #tpu.memory_space<hbm>>) target_semaphore(%arg20 : memref<!tpu.dma_semaphore, #tpu.memory_space<semaphore_mem>>)
        %dma_start3A_257 = arith.constant 1 : i32
        %dma_start3A_258 = arith.constant 0 : i32
        %dma_start3A_259 = arith.constant 0 : i32
        %dma_start3A_260 = tpu.memref_slice %arg12[%dma_start3A_258, %dma_start3A_257, %dma_start3A_259] : memref<80x2x128xf32, #tpu.memory_space<vmem>> -> memref<80x1x128xf32, #tpu.memory_space<vmem>>
        %dma_start3A_261 = tpu.memref_squeeze %dma_start3A_260 : memref<80x1x128xf32, #tpu.memory_space<vmem>> -> memref<80x128xf32, #tpu.memory_space<vmem>>
        %dma_start3A_262 = arith.constant 0 : i32
        %dma_start3A_263 = tpu.memref_slice %arg6[%add3A_243, %dma_start3A_262] : memref<192000x128xf32, #tpu.memory_space<hbm>> -> memref<80x128xf32, #tpu.memory_space<hbm>>
        %dma_start3A_264 = arith.constant 0 : i32
        %dma_start3A_265 = tpu.memref_slice %arg6[%add3A_243, %dma_start3A_264] : memref<192000x128xf32, #tpu.memory_space<hbm>> -> memref<80x128xf32, #tpu.memory_space<hbm>>
        %dma_start3A_266 = arith.constant 0 : i32
        %dma_start3A_267 = arith.constant 0 : i32
        %dma_start3A_268 = tpu.memref_slice %arg12[%dma_start3A_266, %dma_start3A_257, %dma_start3A_267] : memref<80x2x128xf32, #tpu.memory_space<vmem>> -> memref<80x1x128xf32, #tpu.memory_space<vmem>>
        %dma_start3A_269 = tpu.memref_squeeze %dma_start3A_268 : memref<80x1x128xf32, #tpu.memory_space<vmem>> -> memref<80x128xf32, #tpu.memory_space<vmem>>
        tpu.enqueue_dma source(%dma_start3A_269 : memref<80x128xf32, #tpu.memory_space<vmem>>) target(%dma_start3A_265 : memref<80x128xf32, #tpu.memory_space<hbm>>) target_semaphore(%arg20 : memref<!tpu.dma_semaphore, #tpu.memory_space<semaphore_mem>>)
      } else {
      }
    }
    %scan3A_14 = arith.constant 19 : i32
    %dma_wait3A = arith.constant 0 : i32
    %dma_wait3A_15 = arith.constant 0 : i32
    %dma_wait3A_16 = arith.constant 0 : i32
    %dma_wait3A_17 = tpu.memref_slice %arg9[%dma_wait3A_15, %dma_wait3A, %dma_wait3A_16] : memref<80x2x128xf32, #tpu.memory_space<vmem>> -> memref<80x1x128xf32, #tpu.memory_space<vmem>>
    %dma_wait3A_18 = tpu.memref_squeeze %dma_wait3A_17 : memref<80x1x128xf32, #tpu.memory_space<vmem>> -> memref<80x128xf32, #tpu.memory_space<vmem>>
    %dma_wait3A_19 = arith.constant 0 : i32
    %dma_wait3A_20 = tpu.memref_slice %arg5[%mul3A_2, %dma_wait3A_19] : memref<192000x128xf32, #tpu.memory_space<hbm>> -> memref<80x128xf32, #tpu.memory_space<hbm>>
    %dma_wait3A_21 = arith.constant 0 : i32
    %dma_wait3A_22 = tpu.memref_slice %arg5[%mul3A_2, %dma_wait3A_21] : memref<192000x128xf32, #tpu.memory_space<hbm>> -> memref<80x128xf32, #tpu.memory_space<hbm>>
    %dma_wait3A_23 = arith.constant 0 : i32
    %dma_wait3A_24 = arith.constant 0 : i32
    %dma_wait3A_25 = tpu.memref_slice %arg9[%dma_wait3A_23, %dma_wait3A, %dma_wait3A_24] : memref<80x2x128xf32, #tpu.memory_space<vmem>> -> memref<80x1x128xf32, #tpu.memory_space<vmem>>
    %dma_wait3A_26 = tpu.memref_squeeze %dma_wait3A_25 : memref<80x1x128xf32, #tpu.memory_space<vmem>> -> memref<80x128xf32, #tpu.memory_space<vmem>>
    tpu.wait_dma2 semaphore(%arg17 : memref<!tpu.dma_semaphore, #tpu.memory_space<semaphore_mem>>) src(%dma_wait3A_26 : memref<80x128xf32, #tpu.memory_space<vmem>>) dst(%dma_wait3A_22 : memref<80x128xf32, #tpu.memory_space<hbm>>)
    %dma_wait3A_27 = arith.constant 1 : i32
    %dma_wait3A_28 = arith.constant 0 : i32
    %dma_wait3A_29 = arith.constant 0 : i32
    %dma_wait3A_30 = tpu.memref_slice %arg9[%dma_wait3A_28, %dma_wait3A_27, %dma_wait3A_29] : memref<80x2x128xf32, #tpu.memory_space<vmem>> -> memref<80x1x128xf32, #tpu.memory_space<vmem>>
    %dma_wait3A_31 = tpu.memref_squeeze %dma_wait3A_30 : memref<80x1x128xf32, #tpu.memory_space<vmem>> -> memref<80x128xf32, #tpu.memory_space<vmem>>
    %dma_wait3A_32 = arith.constant 0 : i32
    %dma_wait3A_33 = tpu.memref_slice %arg6[%mul3A_2, %dma_wait3A_32] : memref<192000x128xf32, #tpu.memory_space<hbm>> -> memref<80x128xf32, #tpu.memory_space<hbm>>
    %dma_wait3A_34 = arith.constant 0 : i32
    %dma_wait3A_35 = tpu.memref_slice %arg6[%mul3A_2, %dma_wait3A_34] : memref<192000x128xf32, #tpu.memory_space<hbm>> -> memref<80x128xf32, #tpu.memory_space<hbm>>
    %dma_wait3A_36 = arith.constant 0 : i32
    %dma_wait3A_37 = arith.constant 0 : i32
    %dma_wait3A_38 = tpu.memref_slice %arg9[%dma_wait3A_36, %dma_wait3A_27, %dma_wait3A_37] : memref<80x2x128xf32, #tpu.memory_space<vmem>> -> memref<80x1x128xf32, #tpu.memory_space<vmem>>
    %dma_wait3A_39 = tpu.memref_squeeze %dma_wait3A_38 : memref<80x1x128xf32, #tpu.memory_space<vmem>> -> memref<80x128xf32, #tpu.memory_space<vmem>>
    tpu.wait_dma2 semaphore(%arg17 : memref<!tpu.dma_semaphore, #tpu.memory_space<semaphore_mem>>) src(%dma_wait3A_39 : memref<80x128xf32, #tpu.memory_space<vmem>>) dst(%dma_wait3A_35 : memref<80x128xf32, #tpu.memory_space<hbm>>)
    %dma_wait3A_40 = arith.constant 0 : i32
    %dma_wait3A_41 = arith.constant 0 : i32
    %dma_wait3A_42 = arith.constant 0 : i32
    %dma_wait3A_43 = tpu.memref_slice %arg10[%dma_wait3A_41, %dma_wait3A_40, %dma_wait3A_42] : memref<80x2x128xf32, #tpu.memory_space<vmem>> -> memref<80x1x128xf32, #tpu.memory_space<vmem>>
    %dma_wait3A_44 = tpu.memref_squeeze %dma_wait3A_43 : memref<80x1x128xf32, #tpu.memory_space<vmem>> -> memref<80x128xf32, #tpu.memory_space<vmem>>
    %dma_wait3A_45 = arith.constant 0 : i32
    %dma_wait3A_46 = tpu.memref_slice %arg5[%mul3A_2, %dma_wait3A_45] : memref<192000x128xf32, #tpu.memory_space<hbm>> -> memref<80x128xf32, #tpu.memory_space<hbm>>
    %dma_wait3A_47 = arith.constant 0 : i32
    %dma_wait3A_48 = tpu.memref_slice %arg5[%mul3A_2, %dma_wait3A_47] : memref<192000x128xf32, #tpu.memory_space<hbm>> -> memref<80x128xf32, #tpu.memory_space<hbm>>
    %dma_wait3A_49 = arith.constant 0 : i32
    %dma_wait3A_50 = arith.constant 0 : i32
    %dma_wait3A_51 = tpu.memref_slice %arg10[%dma_wait3A_49, %dma_wait3A_40, %dma_wait3A_50] : memref<80x2x128xf32, #tpu.memory_space<vmem>> -> memref<80x1x128xf32, #tpu.memory_space<vmem>>
    %dma_wait3A_52 = tpu.memref_squeeze %dma_wait3A_51 : memref<80x1x128xf32, #tpu.memory_space<vmem>> -> memref<80x128xf32, #tpu.memory_space<vmem>>
    tpu.wait_dma2 semaphore(%arg18 : memref<!tpu.dma_semaphore, #tpu.memory_space<semaphore_mem>>) src(%dma_wait3A_52 : memref<80x128xf32, #tpu.memory_space<vmem>>) dst(%dma_wait3A_48 : memref<80x128xf32, #tpu.memory_space<hbm>>)
    %dma_wait3A_53 = arith.constant 1 : i32
    %dma_wait3A_54 = arith.constant 0 : i32
    %dma_wait3A_55 = arith.constant 0 : i32
    %dma_wait3A_56 = tpu.memref_slice %arg10[%dma_wait3A_54, %dma_wait3A_53, %dma_wait3A_55] : memref<80x2x128xf32, #tpu.memory_space<vmem>> -> memref<80x1x128xf32, #tpu.memory_space<vmem>>
    %dma_wait3A_57 = tpu.memref_squeeze %dma_wait3A_56 : memref<80x1x128xf32, #tpu.memory_space<vmem>> -> memref<80x128xf32, #tpu.memory_space<vmem>>
    %dma_wait3A_58 = arith.constant 0 : i32
    %dma_wait3A_59 = tpu.memref_slice %arg6[%mul3A_2, %dma_wait3A_58] : memref<192000x128xf32, #tpu.memory_space<hbm>> -> memref<80x128xf32, #tpu.memory_space<hbm>>
    %dma_wait3A_60 = arith.constant 0 : i32
    %dma_wait3A_61 = tpu.memref_slice %arg6[%mul3A_2, %dma_wait3A_60] : memref<192000x128xf32, #tpu.memory_space<hbm>> -> memref<80x128xf32, #tpu.memory_space<hbm>>
    %dma_wait3A_62 = arith.constant 0 : i32
    %dma_wait3A_63 = arith.constant 0 : i32
    %dma_wait3A_64 = tpu.memref_slice %arg10[%dma_wait3A_62, %dma_wait3A_53, %dma_wait3A_63] : memref<80x2x128xf32, #tpu.memory_space<vmem>> -> memref<80x1x128xf32, #tpu.memory_space<vmem>>
    %dma_wait3A_65 = tpu.memref_squeeze %dma_wait3A_64 : memref<80x1x128xf32, #tpu.memory_space<vmem>> -> memref<80x128xf32, #tpu.memory_space<vmem>>
    tpu.wait_dma2 semaphore(%arg18 : memref<!tpu.dma_semaphore, #tpu.memory_space<semaphore_mem>>) src(%dma_wait3A_65 : memref<80x128xf32, #tpu.memory_space<vmem>>) dst(%dma_wait3A_61 : memref<80x128xf32, #tpu.memory_space<hbm>>)
    %dma_wait3A_66 = arith.constant 0 : i32
    %dma_wait3A_67 = arith.constant 0 : i32
    %dma_wait3A_68 = arith.constant 0 : i32
    %dma_wait3A_69 = tpu.memref_slice %arg11[%dma_wait3A_67, %dma_wait3A_66, %dma_wait3A_68] : memref<80x2x128xf32, #tpu.memory_space<vmem>> -> memref<80x1x128xf32, #tpu.memory_space<vmem>>
    %dma_wait3A_70 = tpu.memref_squeeze %dma_wait3A_69 : memref<80x1x128xf32, #tpu.memory_space<vmem>> -> memref<80x128xf32, #tpu.memory_space<vmem>>
    %dma_wait3A_71 = arith.constant 0 : i32
    %dma_wait3A_72 = tpu.memref_slice %arg5[%mul3A_2, %dma_wait3A_71] : memref<192000x128xf32, #tpu.memory_space<hbm>> -> memref<80x128xf32, #tpu.memory_space<hbm>>
    %dma_wait3A_73 = arith.constant 0 : i32
    %dma_wait3A_74 = tpu.memref_slice %arg5[%mul3A_2, %dma_wait3A_73] : memref<192000x128xf32, #tpu.memory_space<hbm>> -> memref<80x128xf32, #tpu.memory_space<hbm>>
    %dma_wait3A_75 = arith.constant 0 : i32
    %dma_wait3A_76 = arith.constant 0 : i32
    %dma_wait3A_77 = tpu.memref_slice %arg11[%dma_wait3A_75, %dma_wait3A_66, %dma_wait3A_76] : memref<80x2x128xf32, #tpu.memory_space<vmem>> -> memref<80x1x128xf32, #tpu.memory_space<vmem>>
    %dma_wait3A_78 = tpu.memref_squeeze %dma_wait3A_77 : memref<80x1x128xf32, #tpu.memory_space<vmem>> -> memref<80x128xf32, #tpu.memory_space<vmem>>
    tpu.wait_dma2 semaphore(%arg19 : memref<!tpu.dma_semaphore, #tpu.memory_space<semaphore_mem>>) src(%dma_wait3A_78 : memref<80x128xf32, #tpu.memory_space<vmem>>) dst(%dma_wait3A_74 : memref<80x128xf32, #tpu.memory_space<hbm>>)
    %dma_wait3A_79 = arith.constant 1 : i32
    %dma_wait3A_80 = arith.constant 0 : i32
    %dma_wait3A_81 = arith.constant 0 : i32
    %dma_wait3A_82 = tpu.memref_slice %arg11[%dma_wait3A_80, %dma_wait3A_79, %dma_wait3A_81] : memref<80x2x128xf32, #tpu.memory_space<vmem>> -> memref<80x1x128xf32, #tpu.memory_space<vmem>>
    %dma_wait3A_83 = tpu.memref_squeeze %dma_wait3A_82 : memref<80x1x128xf32, #tpu.memory_space<vmem>> -> memref<80x128xf32, #tpu.memory_space<vmem>>
    %dma_wait3A_84 = arith.constant 0 : i32
    %dma_wait3A_85 = tpu.memref_slice %arg6[%mul3A_2, %dma_wait3A_84] : memref<192000x128xf32, #tpu.memory_space<hbm>> -> memref<80x128xf32, #tpu.memory_space<hbm>>
    %dma_wait3A_86 = arith.constant 0 : i32
    %dma_wait3A_87 = tpu.memref_slice %arg6[%mul3A_2, %dma_wait3A_86] : memref<192000x128xf32, #tpu.memory_space<hbm>> -> memref<80x128xf32, #tpu.memory_space<hbm>>
    %dma_wait3A_88 = arith.constant 0 : i32
    %dma_wait3A_89 = arith.constant 0 : i32
    %dma_wait3A_90 = tpu.memref_slice %arg11[%dma_wait3A_88, %dma_wait3A_79, %dma_wait3A_89] : memref<80x2x128xf32, #tpu.memory_space<vmem>> -> memref<80x1x128xf32, #tpu.memory_space<vmem>>
    %dma_wait3A_91 = tpu.memref_squeeze %dma_wait3A_90 : memref<80x1x128xf32, #tpu.memory_space<vmem>> -> memref<80x128xf32, #tpu.memory_space<vmem>>
    tpu.wait_dma2 semaphore(%arg19 : memref<!tpu.dma_semaphore, #tpu.memory_space<semaphore_mem>>) src(%dma_wait3A_91 : memref<80x128xf32, #tpu.memory_space<vmem>>) dst(%dma_wait3A_87 : memref<80x128xf32, #tpu.memory_space<hbm>>)
    %dma_wait3A_92 = arith.constant 0 : i32
    %dma_wait3A_93 = arith.constant 0 : i32
    %dma_wait3A_94 = arith.constant 0 : i32
    %dma_wait3A_95 = tpu.memref_slice %arg12[%dma_wait3A_93, %dma_wait3A_92, %dma_wait3A_94] : memref<80x2x128xf32, #tpu.memory_space<vmem>> -> memref<80x1x128xf32, #tpu.memory_space<vmem>>
    %dma_wait3A_96 = tpu.memref_squeeze %dma_wait3A_95 : memref<80x1x128xf32, #tpu.memory_space<vmem>> -> memref<80x128xf32, #tpu.memory_space<vmem>>
    %dma_wait3A_97 = arith.constant 0 : i32
    %dma_wait3A_98 = tpu.memref_slice %arg5[%mul3A_2, %dma_wait3A_97] : memref<192000x128xf32, #tpu.memory_space<hbm>> -> memref<80x128xf32, #tpu.memory_space<hbm>>
    %dma_wait3A_99 = arith.constant 0 : i32
    %dma_wait3A_100 = tpu.memref_slice %arg5[%mul3A_2, %dma_wait3A_99] : memref<192000x128xf32, #tpu.memory_space<hbm>> -> memref<80x128xf32, #tpu.memory_space<hbm>>
    %dma_wait3A_101 = arith.constant 0 : i32
    %dma_wait3A_102 = arith.constant 0 : i32
    %dma_wait3A_103 = tpu.memref_slice %arg12[%dma_wait3A_101, %dma_wait3A_92, %dma_wait3A_102] : memref<80x2x128xf32, #tpu.memory_space<vmem>> -> memref<80x1x128xf32, #tpu.memory_space<vmem>>
    %dma_wait3A_104 = tpu.memref_squeeze %dma_wait3A_103 : memref<80x1x128xf32, #tpu.memory_space<vmem>> -> memref<80x128xf32, #tpu.memory_space<vmem>>
    tpu.wait_dma2 semaphore(%arg20 : memref<!tpu.dma_semaphore, #tpu.memory_space<semaphore_mem>>) src(%dma_wait3A_104 : memref<80x128xf32, #tpu.memory_space<vmem>>) dst(%dma_wait3A_100 : memref<80x128xf32, #tpu.memory_space<hbm>>)
    %dma_wait3A_105 = arith.constant 1 : i32
    %dma_wait3A_106 = arith.constant 0 : i32
    %dma_wait3A_107 = arith.constant 0 : i32
    %dma_wait3A_108 = tpu.memref_slice %arg12[%dma_wait3A_106, %dma_wait3A_105, %dma_wait3A_107] : memref<80x2x128xf32, #tpu.memory_space<vmem>> -> memref<80x1x128xf32, #tpu.memory_space<vmem>>
    %dma_wait3A_109 = tpu.memref_squeeze %dma_wait3A_108 : memref<80x1x128xf32, #tpu.memory_space<vmem>> -> memref<80x128xf32, #tpu.memory_space<vmem>>
    %dma_wait3A_110 = arith.constant 0 : i32
    %dma_wait3A_111 = tpu.memref_slice %arg6[%mul3A_2, %dma_wait3A_110] : memref<192000x128xf32, #tpu.memory_space<hbm>> -> memref<80x128xf32, #tpu.memory_space<hbm>>
    %dma_wait3A_112 = arith.constant 0 : i32
    %dma_wait3A_113 = tpu.memref_slice %arg6[%mul3A_2, %dma_wait3A_112] : memref<192000x128xf32, #tpu.memory_space<hbm>> -> memref<80x128xf32, #tpu.memory_space<hbm>>
    %dma_wait3A_114 = arith.constant 0 : i32
    %dma_wait3A_115 = arith.constant 0 : i32
    %dma_wait3A_116 = tpu.memref_slice %arg12[%dma_wait3A_114, %dma_wait3A_105, %dma_wait3A_115] : memref<80x2x128xf32, #tpu.memory_space<vmem>> -> memref<80x1x128xf32, #tpu.memory_space<vmem>>
    %dma_wait3A_117 = tpu.memref_squeeze %dma_wait3A_116 : memref<80x1x128xf32, #tpu.memory_space<vmem>> -> memref<80x128xf32, #tpu.memory_space<vmem>>
    tpu.wait_dma2 semaphore(%arg20 : memref<!tpu.dma_semaphore, #tpu.memory_space<semaphore_mem>>) src(%dma_wait3A_117 : memref<80x128xf32, #tpu.memory_space<vmem>>) dst(%dma_wait3A_113 : memref<80x128xf32, #tpu.memory_space<hbm>>)
    return
  }
}

#map = affine_map<(d0, d1) -> (0, 0, 0)>
#map1 = affine_map<(d0, d1) -> (0, 0)>
module attributes {stable_mosaic.version = 14 : i64} {
  func.func @gather(%arg0: i32, %arg1: i32, %arg2: memref<10000x2x128xf32, #tpu.memory_space<hbm>>, %arg3: memref<32x50x80xi32, #tpu.memory_space<hbm>>, %arg4: memref<32x50x80xi32, #tpu.memory_space<hbm>>, %arg5: memref<128000x128xf32, #tpu.memory_space<hbm>>, %arg6: memref<128000x128xf32, #tpu.memory_space<hbm>>, %arg7: memref<50x80xi32, #tpu.memory_space<vmem>>, %arg8: memref<50x80xi32, #tpu.memory_space<vmem>>, %arg9: memref<80x2x128xf32, #tpu.memory_space<vmem>>, %arg10: memref<80x2x128xf32, #tpu.memory_space<vmem>>, %arg11: memref<80x2x128xf32, #tpu.memory_space<vmem>>, %arg12: memref<80x2x128xf32, #tpu.memory_space<vmem>>, %arg13: memref<!tpu.dma_semaphore, #tpu.memory_space<semaphore_mem>>, %arg14: memref<!tpu.dma_semaphore, #tpu.memory_space<semaphore_mem>>, %arg15: memref<!tpu.dma_semaphore, #tpu.memory_space<semaphore_mem>>, %arg16: memref<!tpu.dma_semaphore, #tpu.memory_space<semaphore_mem>>, %arg17: memref<!tpu.dma_semaphore, #tpu.memory_space<semaphore_mem>>, %arg18: memref<!tpu.dma_semaphore, #tpu.memory_space<semaphore_mem>>, %arg19: memref<!tpu.dma_semaphore, #tpu.memory_space<semaphore_mem>>, %arg20: memref<!tpu.dma_semaphore, #tpu.memory_space<semaphore_mem>>) attributes {dimension_semantics = [#tpu.dimension_semantics<core_parallel>, #tpu.dimension_semantics<subcore_parallel>], iteration_bounds = array<i64: 2, 16>, scalar_prefetch = 0 : i64, scratch_operands = 14 : i64, tpu.core_type = #tpu.core_type<sc_vector_subcore>, window_params = [{transform_indices = #map}, {transform_indices = #map}, {transform_indices = #map}, {transform_indices = #map1}, {transform_indices = #map1}]} {
    %mul3A = arith.constant 2 : i32
    %mul3A_0 = arith.muli %arg1, %mul3A : i32
    %add3A = arith.addi %mul3A_0, %arg0 : i32
    %mul3A_1 = arith.constant 4000 : i32
    %mul3A_2 = arith.muli %add3A, %mul3A_1 : i32
    "tpu.region"() ({
      %run_scoped3A = tpu.sem_alloc : memref<!tpu.dma_semaphore, #tpu.memory_space<semaphore_mem>>
      %dma_start3A_118 = arith.constant 0 : i32
      %dma_start3A_119 = arith.constant 0 : i32
      %dma_start3A_120 = tpu.memref_slice %arg3[%add3A, %dma_start3A_118, %dma_start3A_119] : memref<32x50x80xi32, #tpu.memory_space<hbm>> -> memref<1x50x80xi32, #tpu.memory_space<hbm>>
      %dma_start3A_121 = tpu.memref_squeeze %dma_start3A_120 : memref<1x50x80xi32, #tpu.memory_space<hbm>> -> memref<50x80xi32, #tpu.memory_space<hbm>>
      %dma_start3A_122 = arith.constant 0 : i32
      %dma_start3A_123 = arith.constant 0 : i32
      %dma_start3A_124 = tpu.memref_slice %arg3[%add3A, %dma_start3A_122, %dma_start3A_123] : memref<32x50x80xi32, #tpu.memory_space<hbm>> -> memref<1x50x80xi32, #tpu.memory_space<hbm>>
      %dma_start3A_125 = tpu.memref_squeeze %dma_start3A_124 : memref<1x50x80xi32, #tpu.memory_space<hbm>> -> memref<50x80xi32, #tpu.memory_space<hbm>>
      tpu.enqueue_dma source(%dma_start3A_125 : memref<50x80xi32, #tpu.memory_space<hbm>>) target(%arg7 : memref<50x80xi32, #tpu.memory_space<vmem>>) target_semaphore(%run_scoped3A : memref<!tpu.dma_semaphore, #tpu.memory_space<semaphore_mem>>)
      %dma_wait3A_126 = arith.constant 0 : i32
      %dma_wait3A_127 = arith.constant 0 : i32
      %dma_wait3A_128 = tpu.memref_slice %arg3[%add3A, %dma_wait3A_126, %dma_wait3A_127] : memref<32x50x80xi32, #tpu.memory_space<hbm>> -> memref<1x50x80xi32, #tpu.memory_space<hbm>>
      %dma_wait3A_129 = tpu.memref_squeeze %dma_wait3A_128 : memref<1x50x80xi32, #tpu.memory_space<hbm>> -> memref<50x80xi32, #tpu.memory_space<hbm>>
      %dma_wait3A_130 = arith.constant 0 : i32
      %dma_wait3A_131 = arith.constant 0 : i32
      %dma_wait3A_132 = tpu.memref_slice %arg3[%add3A, %dma_wait3A_130, %dma_wait3A_131] : memref<32x50x80xi32, #tpu.memory_space<hbm>> -> memref<1x50x80xi32, #tpu.memory_space<hbm>>
      %dma_wait3A_133 = tpu.memref_squeeze %dma_wait3A_132 : memref<1x50x80xi32, #tpu.memory_space<hbm>> -> memref<50x80xi32, #tpu.memory_space<hbm>>
      tpu.wait_dma2 semaphore(%run_scoped3A : memref<!tpu.dma_semaphore, #tpu.memory_space<semaphore_mem>>) src(%dma_wait3A_133 : memref<50x80xi32, #tpu.memory_space<hbm>>) dst(%arg7 : memref<50x80xi32, #tpu.memory_space<vmem>>)
      tpu.yield
    }) : () -> ()
    "tpu.region"() ({
      %run_scoped3A = tpu.sem_alloc : memref<!tpu.dma_semaphore, #tpu.memory_space<semaphore_mem>>
      %dma_start3A_118 = arith.constant 0 : i32
      %dma_start3A_119 = arith.constant 0 : i32
      %dma_start3A_120 = tpu.memref_slice %arg4[%add3A, %dma_start3A_118, %dma_start3A_119] : memref<32x50x80xi32, #tpu.memory_space<hbm>> -> memref<1x50x80xi32, #tpu.memory_space<hbm>>
      %dma_start3A_121 = tpu.memref_squeeze %dma_start3A_120 : memref<1x50x80xi32, #tpu.memory_space<hbm>> -> memref<50x80xi32, #tpu.memory_space<hbm>>
      %dma_start3A_122 = arith.constant 0 : i32
      %dma_start3A_123 = arith.constant 0 : i32
      %dma_start3A_124 = tpu.memref_slice %arg4[%add3A, %dma_start3A_122, %dma_start3A_123] : memref<32x50x80xi32, #tpu.memory_space<hbm>> -> memref<1x50x80xi32, #tpu.memory_space<hbm>>
      %dma_start3A_125 = tpu.memref_squeeze %dma_start3A_124 : memref<1x50x80xi32, #tpu.memory_space<hbm>> -> memref<50x80xi32, #tpu.memory_space<hbm>>
      tpu.enqueue_dma source(%dma_start3A_125 : memref<50x80xi32, #tpu.memory_space<hbm>>) target(%arg8 : memref<50x80xi32, #tpu.memory_space<vmem>>) target_semaphore(%run_scoped3A : memref<!tpu.dma_semaphore, #tpu.memory_space<semaphore_mem>>)
      %dma_wait3A_126 = arith.constant 0 : i32
      %dma_wait3A_127 = arith.constant 0 : i32
      %dma_wait3A_128 = tpu.memref_slice %arg4[%add3A, %dma_wait3A_126, %dma_wait3A_127] : memref<32x50x80xi32, #tpu.memory_space<hbm>> -> memref<1x50x80xi32, #tpu.memory_space<hbm>>
      %dma_wait3A_129 = tpu.memref_squeeze %dma_wait3A_128 : memref<1x50x80xi32, #tpu.memory_space<hbm>> -> memref<50x80xi32, #tpu.memory_space<hbm>>
      %dma_wait3A_130 = arith.constant 0 : i32
      %dma_wait3A_131 = arith.constant 0 : i32
      %dma_wait3A_132 = tpu.memref_slice %arg4[%add3A, %dma_wait3A_130, %dma_wait3A_131] : memref<32x50x80xi32, #tpu.memory_space<hbm>> -> memref<1x50x80xi32, #tpu.memory_space<hbm>>
      %dma_wait3A_133 = tpu.memref_squeeze %dma_wait3A_132 : memref<1x50x80xi32, #tpu.memory_space<hbm>> -> memref<50x80xi32, #tpu.memory_space<hbm>>
      tpu.wait_dma2 semaphore(%run_scoped3A : memref<!tpu.dma_semaphore, #tpu.memory_space<semaphore_mem>>) src(%dma_wait3A_133 : memref<50x80xi32, #tpu.memory_space<hbm>>) dst(%arg8 : memref<50x80xi32, #tpu.memory_space<vmem>>)
      tpu.yield
    }) : () -> ()
    %dma_start3A = arith.constant 0 : i32
    %dma_start3A_3 = arith.constant 0 : i32
    %dma_start3A_4 = tpu.memref_slice %arg7[%dma_start3A, %dma_start3A_3] : memref<50x80xi32, #tpu.memory_space<vmem>> -> memref<1x80xi32, #tpu.memory_space<vmem>>
    %dma_start3A_5 = tpu.memref_squeeze %dma_start3A_4 : memref<1x80xi32, #tpu.memory_space<vmem>> -> memref<80xi32, #tpu.memory_space<vmem>>
    %dma_start3A_6 = arith.constant 0 : i32
    %dma_start3A_7 = arith.constant 0 : i32
    %dma_start3A_8 = arith.constant 0 : i32
    %dma_start3A_9 = tpu.memref_slice %arg2[%dma_start3A_6, %dma_start3A_7, %dma_start3A_8] : memref<10000x2x128xf32, #tpu.memory_space<hbm>> -> memref<10000x2x128xf32, #tpu.memory_space<hbm>>
    tpu.enqueue_indirect_dma source(%dma_start3A_9 : memref<10000x2x128xf32, #tpu.memory_space<hbm>>) target(%arg9 : memref<80x2x128xf32, #tpu.memory_space<vmem>>) offsets(%dma_start3A_5 : memref<80xi32, #tpu.memory_space<vmem>>) semaphore(%arg13 : memref<!tpu.dma_semaphore, #tpu.memory_space<semaphore_mem>>)
    %scan3A = arith.constant 0 : i32
    %scan3A_10 = arith.constant 0 : i32
    %scan3A_11 = arith.constant 13 : i32
    %scan3A_12 = arith.addi %scan3A_10, %scan3A_11 : i32
    %scan3A_13 = arith.constant 1 : i32
    scf.for %scan3A_118 = %scan3A_10 to %scan3A_12 step %scan3A_13  : i32 {
      %mul3A_119 = arith.constant 4 : i32
      %mul3A_120 = arith.muli %scan3A_118, %mul3A_119 : i32
      %add3A_121 = arith.constant 0 : i32
      %add3A_122 = arith.addi %mul3A_120, %add3A_121 : i32
      %ge3A = arith.constant 3 : i32
      %ge3A_123 = arith.cmpi sge, %add3A_122, %ge3A : i32
      %add3A_124 = arith.constant 1 : i32
      %add3A_125 = arith.addi %add3A_122, %add3A_124 : i32
      %lt3A = arith.constant 50 : i32
      %lt3A_126 = arith.cmpi slt, %add3A_125, %lt3A : i32
      %and3A = arith.andi %ge3A_123, %lt3A_126 : i1
      %convert_element_type3A = arith.extui %and3A : i1 to i32
      %cond3A = arith.constant 0 : i32
      %cond3A_127 = arith.cmpi ne, %convert_element_type3A, %cond3A : i32
      scf.if %cond3A_127 {
        %dma_wait3A_218 = arith.constant 0 : i32
        %dma_wait3A_219 = arith.constant 0 : i32
        %dma_wait3A_220 = arith.constant 0 : i32
        %dma_wait3A_221 = tpu.memref_slice %arg10[%dma_wait3A_219, %dma_wait3A_218, %dma_wait3A_220] : memref<80x2x128xf32, #tpu.memory_space<vmem>> -> memref<80x1x128xf32, #tpu.memory_space<vmem>>
        %dma_wait3A_222 = tpu.memref_squeeze %dma_wait3A_221 : memref<80x1x128xf32, #tpu.memory_space<vmem>> -> memref<80x128xf32, #tpu.memory_space<vmem>>
        %dma_wait3A_223 = arith.constant 0 : i32
        %dma_wait3A_224 = tpu.memref_slice %arg5[%mul3A_2, %dma_wait3A_223] : memref<128000x128xf32, #tpu.memory_space<hbm>> -> memref<80x128xf32, #tpu.memory_space<hbm>>
        %dma_wait3A_225 = arith.constant 0 : i32
        %dma_wait3A_226 = tpu.memref_slice %arg5[%mul3A_2, %dma_wait3A_225] : memref<128000x128xf32, #tpu.memory_space<hbm>> -> memref<80x128xf32, #tpu.memory_space<hbm>>
        %dma_wait3A_227 = arith.constant 0 : i32
        %dma_wait3A_228 = arith.constant 0 : i32
        %dma_wait3A_229 = tpu.memref_slice %arg10[%dma_wait3A_227, %dma_wait3A_218, %dma_wait3A_228] : memref<80x2x128xf32, #tpu.memory_space<vmem>> -> memref<80x1x128xf32, #tpu.memory_space<vmem>>
        %dma_wait3A_230 = tpu.memref_squeeze %dma_wait3A_229 : memref<80x1x128xf32, #tpu.memory_space<vmem>> -> memref<80x128xf32, #tpu.memory_space<vmem>>
        tpu.wait_dma2 semaphore(%arg18 : memref<!tpu.dma_semaphore, #tpu.memory_space<semaphore_mem>>) src(%dma_wait3A_230 : memref<80x128xf32, #tpu.memory_space<vmem>>) dst(%dma_wait3A_226 : memref<80x128xf32, #tpu.memory_space<hbm>>)
        %dma_wait3A_231 = arith.constant 1 : i32
        %dma_wait3A_232 = arith.constant 0 : i32
        %dma_wait3A_233 = arith.constant 0 : i32
        %dma_wait3A_234 = tpu.memref_slice %arg10[%dma_wait3A_232, %dma_wait3A_231, %dma_wait3A_233] : memref<80x2x128xf32, #tpu.memory_space<vmem>> -> memref<80x1x128xf32, #tpu.memory_space<vmem>>
        %dma_wait3A_235 = tpu.memref_squeeze %dma_wait3A_234 : memref<80x1x128xf32, #tpu.memory_space<vmem>> -> memref<80x128xf32, #tpu.memory_space<vmem>>
        %dma_wait3A_236 = arith.constant 0 : i32
        %dma_wait3A_237 = tpu.memref_slice %arg6[%mul3A_2, %dma_wait3A_236] : memref<128000x128xf32, #tpu.memory_space<hbm>> -> memref<80x128xf32, #tpu.memory_space<hbm>>
        %dma_wait3A_238 = arith.constant 0 : i32
        %dma_wait3A_239 = tpu.memref_slice %arg6[%mul3A_2, %dma_wait3A_238] : memref<128000x128xf32, #tpu.memory_space<hbm>> -> memref<80x128xf32, #tpu.memory_space<hbm>>
        %dma_wait3A_240 = arith.constant 0 : i32
        %dma_wait3A_241 = arith.constant 0 : i32
        %dma_wait3A_242 = tpu.memref_slice %arg10[%dma_wait3A_240, %dma_wait3A_231, %dma_wait3A_241] : memref<80x2x128xf32, #tpu.memory_space<vmem>> -> memref<80x1x128xf32, #tpu.memory_space<vmem>>
        %dma_wait3A_243 = tpu.memref_squeeze %dma_wait3A_242 : memref<80x1x128xf32, #tpu.memory_space<vmem>> -> memref<80x128xf32, #tpu.memory_space<vmem>>
        tpu.wait_dma2 semaphore(%arg18 : memref<!tpu.dma_semaphore, #tpu.memory_space<semaphore_mem>>) src(%dma_wait3A_243 : memref<80x128xf32, #tpu.memory_space<vmem>>) dst(%dma_wait3A_239 : memref<80x128xf32, #tpu.memory_space<hbm>>)
      } else {
      }
      %add3A_128 = arith.constant 1 : i32
      %add3A_129 = arith.addi %add3A_122, %add3A_128 : i32
      %lt3A_130 = arith.constant 50 : i32
      %lt3A_131 = arith.cmpi slt, %add3A_129, %lt3A_130 : i32
      %convert_element_type3A_132 = arith.extui %lt3A_131 : i1 to i32
      %cond3A_133 = arith.constant 0 : i32
      %cond3A_134 = arith.cmpi ne, %convert_element_type3A_132, %cond3A_133 : i32
      scf.if %cond3A_134 {
        %add3A_218 = arith.constant 1 : i32
        %add3A_219 = arith.addi %add3A_122, %add3A_218 : i32
        %dma_start3A_220 = arith.constant 0 : i32
        %dma_start3A_221 = tpu.memref_slice %arg7[%add3A_219, %dma_start3A_220] : memref<50x80xi32, #tpu.memory_space<vmem>> -> memref<1x80xi32, #tpu.memory_space<vmem>>
        %dma_start3A_222 = tpu.memref_squeeze %dma_start3A_221 : memref<1x80xi32, #tpu.memory_space<vmem>> -> memref<80xi32, #tpu.memory_space<vmem>>
        %dma_start3A_223 = arith.constant 0 : i32
        %dma_start3A_224 = arith.constant 0 : i32
        %dma_start3A_225 = arith.constant 0 : i32
        %dma_start3A_226 = tpu.memref_slice %arg2[%dma_start3A_223, %dma_start3A_224, %dma_start3A_225] : memref<10000x2x128xf32, #tpu.memory_space<hbm>> -> memref<10000x2x128xf32, #tpu.memory_space<hbm>>
        tpu.enqueue_indirect_dma source(%dma_start3A_226 : memref<10000x2x128xf32, #tpu.memory_space<hbm>>) target(%arg10 : memref<80x2x128xf32, #tpu.memory_space<vmem>>) offsets(%dma_start3A_222 : memref<80xi32, #tpu.memory_space<vmem>>) semaphore(%arg14 : memref<!tpu.dma_semaphore, #tpu.memory_space<semaphore_mem>>)
      } else {
      }
      %lt3A_135 = arith.constant 50 : i32
      %lt3A_136 = arith.cmpi slt, %add3A_122, %lt3A_135 : i32
      %convert_element_type3A_137 = arith.extui %lt3A_136 : i1 to i32
      %cond3A_138 = arith.constant 0 : i32
      %cond3A_139 = arith.cmpi ne, %convert_element_type3A_137, %cond3A_138 : i32
      scf.if %cond3A_139 {
        %dma_wait3A_218 = arith.constant 0 : i32
        %dma_wait3A_219 = arith.constant 0 : i32
        %dma_wait3A_220 = tpu.memref_slice %arg7[%dma_wait3A_218, %dma_wait3A_219] : memref<50x80xi32, #tpu.memory_space<vmem>> -> memref<1x80xi32, #tpu.memory_space<vmem>>
        %dma_wait3A_221 = tpu.memref_squeeze %dma_wait3A_220 : memref<1x80xi32, #tpu.memory_space<vmem>> -> memref<80xi32, #tpu.memory_space<vmem>>
        %dma_wait3A_222 = arith.constant 0 : i32
        %dma_wait3A_223 = arith.constant 0 : i32
        %dma_wait3A_224 = arith.constant 0 : i32
        %dma_wait3A_225 = tpu.memref_slice %arg2[%dma_wait3A_222, %dma_wait3A_223, %dma_wait3A_224] : memref<10000x2x128xf32, #tpu.memory_space<hbm>> -> memref<10000x2x128xf32, #tpu.memory_space<hbm>>
        tpu.wait_indirect_dma semaphore(%arg13 : memref<!tpu.dma_semaphore, #tpu.memory_space<semaphore_mem>>) src(%dma_wait3A_225 : memref<10000x2x128xf32, #tpu.memory_space<hbm>>) dst(%arg9 : memref<80x2x128xf32, #tpu.memory_space<vmem>>)
        %dma_start3A_226 = arith.constant 0 : i32
        %dma_start3A_227 = tpu.memref_slice %arg8[%add3A_122, %dma_start3A_226] : memref<50x80xi32, #tpu.memory_space<vmem>> -> memref<1x80xi32, #tpu.memory_space<vmem>>
        %dma_start3A_228 = tpu.memref_squeeze %dma_start3A_227 : memref<1x80xi32, #tpu.memory_space<vmem>> -> memref<80xi32, #tpu.memory_space<vmem>>
        %dma_start3A_229 = arith.constant 0 : i32
        %dma_start3A_230 = arith.constant 0 : i32
        %dma_start3A_231 = arith.constant 0 : i32
        %dma_start3A_232 = tpu.memref_slice %arg2[%dma_start3A_229, %dma_start3A_230, %dma_start3A_231] : memref<10000x2x128xf32, #tpu.memory_space<hbm>> -> memref<10000x2x128xf32, #tpu.memory_space<hbm>>
        tpu.enqueue_indirect_dma source(%dma_start3A_232 : memref<10000x2x128xf32, #tpu.memory_space<hbm>>) target(%arg9 : memref<80x2x128xf32, #tpu.memory_space<vmem>>) offsets(%dma_start3A_228 : memref<80xi32, #tpu.memory_space<vmem>>) semaphore(%arg13 : memref<!tpu.dma_semaphore, #tpu.memory_space<semaphore_mem>>) {add = true}
        %dma_wait3A_233 = arith.constant 0 : i32
        %dma_wait3A_234 = arith.constant 0 : i32
        %dma_wait3A_235 = tpu.memref_slice %arg7[%dma_wait3A_233, %dma_wait3A_234] : memref<50x80xi32, #tpu.memory_space<vmem>> -> memref<1x80xi32, #tpu.memory_space<vmem>>
        %dma_wait3A_236 = tpu.memref_squeeze %dma_wait3A_235 : memref<1x80xi32, #tpu.memory_space<vmem>> -> memref<80xi32, #tpu.memory_space<vmem>>
        %dma_wait3A_237 = arith.constant 0 : i32
        %dma_wait3A_238 = arith.constant 0 : i32
        %dma_wait3A_239 = arith.constant 0 : i32
        %dma_wait3A_240 = tpu.memref_slice %arg2[%dma_wait3A_237, %dma_wait3A_238, %dma_wait3A_239] : memref<10000x2x128xf32, #tpu.memory_space<hbm>> -> memref<10000x2x128xf32, #tpu.memory_space<hbm>>
        tpu.wait_indirect_dma semaphore(%arg13 : memref<!tpu.dma_semaphore, #tpu.memory_space<semaphore_mem>>) src(%dma_wait3A_240 : memref<10000x2x128xf32, #tpu.memory_space<hbm>>) dst(%arg9 : memref<80x2x128xf32, #tpu.memory_space<vmem>>)
        %mul3A_241 = arith.constant 80 : i32
        %mul3A_242 = arith.muli %add3A_122, %mul3A_241 : i32
        %add3A_243 = arith.addi %mul3A_2, %mul3A_242 : i32
        %dma_start3A_244 = arith.constant 0 : i32
        %dma_start3A_245 = arith.constant 0 : i32
        %dma_start3A_246 = arith.constant 0 : i32
        %dma_start3A_247 = tpu.memref_slice %arg9[%dma_start3A_245, %dma_start3A_244, %dma_start3A_246] : memref<80x2x128xf32, #tpu.memory_space<vmem>> -> memref<80x1x128xf32, #tpu.memory_space<vmem>>
        %dma_start3A_248 = tpu.memref_squeeze %dma_start3A_247 : memref<80x1x128xf32, #tpu.memory_space<vmem>> -> memref<80x128xf32, #tpu.memory_space<vmem>>
        %dma_start3A_249 = arith.constant 0 : i32
        %dma_start3A_250 = tpu.memref_slice %arg5[%add3A_243, %dma_start3A_249] : memref<128000x128xf32, #tpu.memory_space<hbm>> -> memref<80x128xf32, #tpu.memory_space<hbm>>
        %dma_start3A_251 = arith.constant 0 : i32
        %dma_start3A_252 = tpu.memref_slice %arg5[%add3A_243, %dma_start3A_251] : memref<128000x128xf32, #tpu.memory_space<hbm>> -> memref<80x128xf32, #tpu.memory_space<hbm>>
        %dma_start3A_253 = arith.constant 0 : i32
        %dma_start3A_254 = arith.constant 0 : i32
        %dma_start3A_255 = tpu.memref_slice %arg9[%dma_start3A_253, %dma_start3A_244, %dma_start3A_254] : memref<80x2x128xf32, #tpu.memory_space<vmem>> -> memref<80x1x128xf32, #tpu.memory_space<vmem>>
        %dma_start3A_256 = tpu.memref_squeeze %dma_start3A_255 : memref<80x1x128xf32, #tpu.memory_space<vmem>> -> memref<80x128xf32, #tpu.memory_space<vmem>>
        tpu.enqueue_dma source(%dma_start3A_256 : memref<80x128xf32, #tpu.memory_space<vmem>>) target(%dma_start3A_252 : memref<80x128xf32, #tpu.memory_space<hbm>>) target_semaphore(%arg17 : memref<!tpu.dma_semaphore, #tpu.memory_space<semaphore_mem>>)
        %dma_start3A_257 = arith.constant 1 : i32
        %dma_start3A_258 = arith.constant 0 : i32
        %dma_start3A_259 = arith.constant 0 : i32
        %dma_start3A_260 = tpu.memref_slice %arg9[%dma_start3A_258, %dma_start3A_257, %dma_start3A_259] : memref<80x2x128xf32, #tpu.memory_space<vmem>> -> memref<80x1x128xf32, #tpu.memory_space<vmem>>
        %dma_start3A_261 = tpu.memref_squeeze %dma_start3A_260 : memref<80x1x128xf32, #tpu.memory_space<vmem>> -> memref<80x128xf32, #tpu.memory_space<vmem>>
        %dma_start3A_262 = arith.constant 0 : i32
        %dma_start3A_263 = tpu.memref_slice %arg6[%add3A_243, %dma_start3A_262] : memref<128000x128xf32, #tpu.memory_space<hbm>> -> memref<80x128xf32, #tpu.memory_space<hbm>>
        %dma_start3A_264 = arith.constant 0 : i32
        %dma_start3A_265 = tpu.memref_slice %arg6[%add3A_243, %dma_start3A_264] : memref<128000x128xf32, #tpu.memory_space<hbm>> -> memref<80x128xf32, #tpu.memory_space<hbm>>
        %dma_start3A_266 = arith.constant 0 : i32
        %dma_start3A_267 = arith.constant 0 : i32
        %dma_start3A_268 = tpu.memref_slice %arg9[%dma_start3A_266, %dma_start3A_257, %dma_start3A_267] : memref<80x2x128xf32, #tpu.memory_space<vmem>> -> memref<80x1x128xf32, #tpu.memory_space<vmem>>
        %dma_start3A_269 = tpu.memref_squeeze %dma_start3A_268 : memref<80x1x128xf32, #tpu.memory_space<vmem>> -> memref<80x128xf32, #tpu.memory_space<vmem>>
        tpu.enqueue_dma source(%dma_start3A_269 : memref<80x128xf32, #tpu.memory_space<vmem>>) target(%dma_start3A_265 : memref<80x128xf32, #tpu.memory_space<hbm>>) target_semaphore(%arg17 : memref<!tpu.dma_semaphore, #tpu.memory_space<semaphore_mem>>)
      } else {
      }
      %mul3A_140 = arith.constant 4 : i32
      %mul3A_141 = arith.muli %scan3A_118, %mul3A_140 : i32
      %add3A_142 = arith.constant 1 : i32
      %add3A_143 = arith.addi %mul3A_141, %add3A_142 : i32
      %ge3A_144 = arith.constant 3 : i32
      %ge3A_145 = arith.cmpi sge, %add3A_143, %ge3A_144 : i32
      %add3A_146 = arith.constant 1 : i32
      %add3A_147 = arith.addi %add3A_143, %add3A_146 : i32
      %lt3A_148 = arith.constant 50 : i32
      %lt3A_149 = arith.cmpi slt, %add3A_147, %lt3A_148 : i32
      %and3A_150 = arith.andi %ge3A_145, %lt3A_149 : i1
      %convert_element_type3A_151 = arith.extui %and3A_150 : i1 to i32
      %cond3A_152 = arith.constant 0 : i32
      %cond3A_153 = arith.cmpi ne, %convert_element_type3A_151, %cond3A_152 : i32
      scf.if %cond3A_153 {
        %dma_wait3A_218 = arith.constant 0 : i32
        %dma_wait3A_219 = arith.constant 0 : i32
        %dma_wait3A_220 = arith.constant 0 : i32
        %dma_wait3A_221 = tpu.memref_slice %arg11[%dma_wait3A_219, %dma_wait3A_218, %dma_wait3A_220] : memref<80x2x128xf32, #tpu.memory_space<vmem>> -> memref<80x1x128xf32, #tpu.memory_space<vmem>>
        %dma_wait3A_222 = tpu.memref_squeeze %dma_wait3A_221 : memref<80x1x128xf32, #tpu.memory_space<vmem>> -> memref<80x128xf32, #tpu.memory_space<vmem>>
        %dma_wait3A_223 = arith.constant 0 : i32
        %dma_wait3A_224 = tpu.memref_slice %arg5[%mul3A_2, %dma_wait3A_223] : memref<128000x128xf32, #tpu.memory_space<hbm>> -> memref<80x128xf32, #tpu.memory_space<hbm>>
        %dma_wait3A_225 = arith.constant 0 : i32
        %dma_wait3A_226 = tpu.memref_slice %arg5[%mul3A_2, %dma_wait3A_225] : memref<128000x128xf32, #tpu.memory_space<hbm>> -> memref<80x128xf32, #tpu.memory_space<hbm>>
        %dma_wait3A_227 = arith.constant 0 : i32
        %dma_wait3A_228 = arith.constant 0 : i32
        %dma_wait3A_229 = tpu.memref_slice %arg11[%dma_wait3A_227, %dma_wait3A_218, %dma_wait3A_228] : memref<80x2x128xf32, #tpu.memory_space<vmem>> -> memref<80x1x128xf32, #tpu.memory_space<vmem>>
        %dma_wait3A_230 = tpu.memref_squeeze %dma_wait3A_229 : memref<80x1x128xf32, #tpu.memory_space<vmem>> -> memref<80x128xf32, #tpu.memory_space<vmem>>
        tpu.wait_dma2 semaphore(%arg19 : memref<!tpu.dma_semaphore, #tpu.memory_space<semaphore_mem>>) src(%dma_wait3A_230 : memref<80x128xf32, #tpu.memory_space<vmem>>) dst(%dma_wait3A_226 : memref<80x128xf32, #tpu.memory_space<hbm>>)
        %dma_wait3A_231 = arith.constant 1 : i32
        %dma_wait3A_232 = arith.constant 0 : i32
        %dma_wait3A_233 = arith.constant 0 : i32
        %dma_wait3A_234 = tpu.memref_slice %arg11[%dma_wait3A_232, %dma_wait3A_231, %dma_wait3A_233] : memref<80x2x128xf32, #tpu.memory_space<vmem>> -> memref<80x1x128xf32, #tpu.memory_space<vmem>>
        %dma_wait3A_235 = tpu.memref_squeeze %dma_wait3A_234 : memref<80x1x128xf32, #tpu.memory_space<vmem>> -> memref<80x128xf32, #tpu.memory_space<vmem>>
        %dma_wait3A_236 = arith.constant 0 : i32
        %dma_wait3A_237 = tpu.memref_slice %arg6[%mul3A_2, %dma_wait3A_236] : memref<128000x128xf32, #tpu.memory_space<hbm>> -> memref<80x128xf32, #tpu.memory_space<hbm>>
        %dma_wait3A_238 = arith.constant 0 : i32
        %dma_wait3A_239 = tpu.memref_slice %arg6[%mul3A_2, %dma_wait3A_238] : memref<128000x128xf32, #tpu.memory_space<hbm>> -> memref<80x128xf32, #tpu.memory_space<hbm>>
        %dma_wait3A_240 = arith.constant 0 : i32
        %dma_wait3A_241 = arith.constant 0 : i32
        %dma_wait3A_242 = tpu.memref_slice %arg11[%dma_wait3A_240, %dma_wait3A_231, %dma_wait3A_241] : memref<80x2x128xf32, #tpu.memory_space<vmem>> -> memref<80x1x128xf32, #tpu.memory_space<vmem>>
        %dma_wait3A_243 = tpu.memref_squeeze %dma_wait3A_242 : memref<80x1x128xf32, #tpu.memory_space<vmem>> -> memref<80x128xf32, #tpu.memory_space<vmem>>
        tpu.wait_dma2 semaphore(%arg19 : memref<!tpu.dma_semaphore, #tpu.memory_space<semaphore_mem>>) src(%dma_wait3A_243 : memref<80x128xf32, #tpu.memory_space<vmem>>) dst(%dma_wait3A_239 : memref<80x128xf32, #tpu.memory_space<hbm>>)
      } else {
      }
      %add3A_154 = arith.constant 1 : i32
      %add3A_155 = arith.addi %add3A_143, %add3A_154 : i32
      %lt3A_156 = arith.constant 50 : i32
      %lt3A_157 = arith.cmpi slt, %add3A_155, %lt3A_156 : i32
      %convert_element_type3A_158 = arith.extui %lt3A_157 : i1 to i32
      %cond3A_159 = arith.constant 0 : i32
      %cond3A_160 = arith.cmpi ne, %convert_element_type3A_158, %cond3A_159 : i32
      scf.if %cond3A_160 {
        %add3A_218 = arith.constant 1 : i32
        %add3A_219 = arith.addi %add3A_143, %add3A_218 : i32
        %dma_start3A_220 = arith.constant 0 : i32
        %dma_start3A_221 = tpu.memref_slice %arg7[%add3A_219, %dma_start3A_220] : memref<50x80xi32, #tpu.memory_space<vmem>> -> memref<1x80xi32, #tpu.memory_space<vmem>>
        %dma_start3A_222 = tpu.memref_squeeze %dma_start3A_221 : memref<1x80xi32, #tpu.memory_space<vmem>> -> memref<80xi32, #tpu.memory_space<vmem>>
        %dma_start3A_223 = arith.constant 0 : i32
        %dma_start3A_224 = arith.constant 0 : i32
        %dma_start3A_225 = arith.constant 0 : i32
        %dma_start3A_226 = tpu.memref_slice %arg2[%dma_start3A_223, %dma_start3A_224, %dma_start3A_225] : memref<10000x2x128xf32, #tpu.memory_space<hbm>> -> memref<10000x2x128xf32, #tpu.memory_space<hbm>>
        tpu.enqueue_indirect_dma source(%dma_start3A_226 : memref<10000x2x128xf32, #tpu.memory_space<hbm>>) target(%arg11 : memref<80x2x128xf32, #tpu.memory_space<vmem>>) offsets(%dma_start3A_222 : memref<80xi32, #tpu.memory_space<vmem>>) semaphore(%arg15 : memref<!tpu.dma_semaphore, #tpu.memory_space<semaphore_mem>>)
      } else {
      }
      %lt3A_161 = arith.constant 50 : i32
      %lt3A_162 = arith.cmpi slt, %add3A_143, %lt3A_161 : i32
      %convert_element_type3A_163 = arith.extui %lt3A_162 : i1 to i32
      %cond3A_164 = arith.constant 0 : i32
      %cond3A_165 = arith.cmpi ne, %convert_element_type3A_163, %cond3A_164 : i32
      scf.if %cond3A_165 {
        %dma_wait3A_218 = arith.constant 0 : i32
        %dma_wait3A_219 = arith.constant 0 : i32
        %dma_wait3A_220 = tpu.memref_slice %arg7[%dma_wait3A_218, %dma_wait3A_219] : memref<50x80xi32, #tpu.memory_space<vmem>> -> memref<1x80xi32, #tpu.memory_space<vmem>>
        %dma_wait3A_221 = tpu.memref_squeeze %dma_wait3A_220 : memref<1x80xi32, #tpu.memory_space<vmem>> -> memref<80xi32, #tpu.memory_space<vmem>>
        %dma_wait3A_222 = arith.constant 0 : i32
        %dma_wait3A_223 = arith.constant 0 : i32
        %dma_wait3A_224 = arith.constant 0 : i32
        %dma_wait3A_225 = tpu.memref_slice %arg2[%dma_wait3A_222, %dma_wait3A_223, %dma_wait3A_224] : memref<10000x2x128xf32, #tpu.memory_space<hbm>> -> memref<10000x2x128xf32, #tpu.memory_space<hbm>>
        tpu.wait_indirect_dma semaphore(%arg14 : memref<!tpu.dma_semaphore, #tpu.memory_space<semaphore_mem>>) src(%dma_wait3A_225 : memref<10000x2x128xf32, #tpu.memory_space<hbm>>) dst(%arg10 : memref<80x2x128xf32, #tpu.memory_space<vmem>>)
        %dma_start3A_226 = arith.constant 0 : i32
        %dma_start3A_227 = tpu.memref_slice %arg8[%add3A_143, %dma_start3A_226] : memref<50x80xi32, #tpu.memory_space<vmem>> -> memref<1x80xi32, #tpu.memory_space<vmem>>
        %dma_start3A_228 = tpu.memref_squeeze %dma_start3A_227 : memref<1x80xi32, #tpu.memory_space<vmem>> -> memref<80xi32, #tpu.memory_space<vmem>>
        %dma_start3A_229 = arith.constant 0 : i32
        %dma_start3A_230 = arith.constant 0 : i32
        %dma_start3A_231 = arith.constant 0 : i32
        %dma_start3A_232 = tpu.memref_slice %arg2[%dma_start3A_229, %dma_start3A_230, %dma_start3A_231] : memref<10000x2x128xf32, #tpu.memory_space<hbm>> -> memref<10000x2x128xf32, #tpu.memory_space<hbm>>
        tpu.enqueue_indirect_dma source(%dma_start3A_232 : memref<10000x2x128xf32, #tpu.memory_space<hbm>>) target(%arg10 : memref<80x2x128xf32, #tpu.memory_space<vmem>>) offsets(%dma_start3A_228 : memref<80xi32, #tpu.memory_space<vmem>>) semaphore(%arg14 : memref<!tpu.dma_semaphore, #tpu.memory_space<semaphore_mem>>) {add = true}
        %dma_wait3A_233 = arith.constant 0 : i32
        %dma_wait3A_234 = arith.constant 0 : i32
        %dma_wait3A_235 = tpu.memref_slice %arg7[%dma_wait3A_233, %dma_wait3A_234] : memref<50x80xi32, #tpu.memory_space<vmem>> -> memref<1x80xi32, #tpu.memory_space<vmem>>
        %dma_wait3A_236 = tpu.memref_squeeze %dma_wait3A_235 : memref<1x80xi32, #tpu.memory_space<vmem>> -> memref<80xi32, #tpu.memory_space<vmem>>
        %dma_wait3A_237 = arith.constant 0 : i32
        %dma_wait3A_238 = arith.constant 0 : i32
        %dma_wait3A_239 = arith.constant 0 : i32
        %dma_wait3A_240 = tpu.memref_slice %arg2[%dma_wait3A_237, %dma_wait3A_238, %dma_wait3A_239] : memref<10000x2x128xf32, #tpu.memory_space<hbm>> -> memref<10000x2x128xf32, #tpu.memory_space<hbm>>
        tpu.wait_indirect_dma semaphore(%arg14 : memref<!tpu.dma_semaphore, #tpu.memory_space<semaphore_mem>>) src(%dma_wait3A_240 : memref<10000x2x128xf32, #tpu.memory_space<hbm>>) dst(%arg10 : memref<80x2x128xf32, #tpu.memory_space<vmem>>)
        %mul3A_241 = arith.constant 80 : i32
        %mul3A_242 = arith.muli %add3A_143, %mul3A_241 : i32
        %add3A_243 = arith.addi %mul3A_2, %mul3A_242 : i32
        %dma_start3A_244 = arith.constant 0 : i32
        %dma_start3A_245 = arith.constant 0 : i32
        %dma_start3A_246 = arith.constant 0 : i32
        %dma_start3A_247 = tpu.memref_slice %arg10[%dma_start3A_245, %dma_start3A_244, %dma_start3A_246] : memref<80x2x128xf32, #tpu.memory_space<vmem>> -> memref<80x1x128xf32, #tpu.memory_space<vmem>>
        %dma_start3A_248 = tpu.memref_squeeze %dma_start3A_247 : memref<80x1x128xf32, #tpu.memory_space<vmem>> -> memref<80x128xf32, #tpu.memory_space<vmem>>
        %dma_start3A_249 = arith.constant 0 : i32
        %dma_start3A_250 = tpu.memref_slice %arg5[%add3A_243, %dma_start3A_249] : memref<128000x128xf32, #tpu.memory_space<hbm>> -> memref<80x128xf32, #tpu.memory_space<hbm>>
        %dma_start3A_251 = arith.constant 0 : i32
        %dma_start3A_252 = tpu.memref_slice %arg5[%add3A_243, %dma_start3A_251] : memref<128000x128xf32, #tpu.memory_space<hbm>> -> memref<80x128xf32, #tpu.memory_space<hbm>>
        %dma_start3A_253 = arith.constant 0 : i32
        %dma_start3A_254 = arith.constant 0 : i32
        %dma_start3A_255 = tpu.memref_slice %arg10[%dma_start3A_253, %dma_start3A_244, %dma_start3A_254] : memref<80x2x128xf32, #tpu.memory_space<vmem>> -> memref<80x1x128xf32, #tpu.memory_space<vmem>>
        %dma_start3A_256 = tpu.memref_squeeze %dma_start3A_255 : memref<80x1x128xf32, #tpu.memory_space<vmem>> -> memref<80x128xf32, #tpu.memory_space<vmem>>
        tpu.enqueue_dma source(%dma_start3A_256 : memref<80x128xf32, #tpu.memory_space<vmem>>) target(%dma_start3A_252 : memref<80x128xf32, #tpu.memory_space<hbm>>) target_semaphore(%arg18 : memref<!tpu.dma_semaphore, #tpu.memory_space<semaphore_mem>>)
        %dma_start3A_257 = arith.constant 1 : i32
        %dma_start3A_258 = arith.constant 0 : i32
        %dma_start3A_259 = arith.constant 0 : i32
        %dma_start3A_260 = tpu.memref_slice %arg10[%dma_start3A_258, %dma_start3A_257, %dma_start3A_259] : memref<80x2x128xf32, #tpu.memory_space<vmem>> -> memref<80x1x128xf32, #tpu.memory_space<vmem>>
        %dma_start3A_261 = tpu.memref_squeeze %dma_start3A_260 : memref<80x1x128xf32, #tpu.memory_space<vmem>> -> memref<80x128xf32, #tpu.memory_space<vmem>>
        %dma_start3A_262 = arith.constant 0 : i32
        %dma_start3A_263 = tpu.memref_slice %arg6[%add3A_243, %dma_start3A_262] : memref<128000x128xf32, #tpu.memory_space<hbm>> -> memref<80x128xf32, #tpu.memory_space<hbm>>
        %dma_start3A_264 = arith.constant 0 : i32
        %dma_start3A_265 = tpu.memref_slice %arg6[%add3A_243, %dma_start3A_264] : memref<128000x128xf32, #tpu.memory_space<hbm>> -> memref<80x128xf32, #tpu.memory_space<hbm>>
        %dma_start3A_266 = arith.constant 0 : i32
        %dma_start3A_267 = arith.constant 0 : i32
        %dma_start3A_268 = tpu.memref_slice %arg10[%dma_start3A_266, %dma_start3A_257, %dma_start3A_267] : memref<80x2x128xf32, #tpu.memory_space<vmem>> -> memref<80x1x128xf32, #tpu.memory_space<vmem>>
        %dma_start3A_269 = tpu.memref_squeeze %dma_start3A_268 : memref<80x1x128xf32, #tpu.memory_space<vmem>> -> memref<80x128xf32, #tpu.memory_space<vmem>>
        tpu.enqueue_dma source(%dma_start3A_269 : memref<80x128xf32, #tpu.memory_space<vmem>>) target(%dma_start3A_265 : memref<80x128xf32, #tpu.memory_space<hbm>>) target_semaphore(%arg18 : memref<!tpu.dma_semaphore, #tpu.memory_space<semaphore_mem>>)
      } else {
      }
      %mul3A_166 = arith.constant 4 : i32
      %mul3A_167 = arith.muli %scan3A_118, %mul3A_166 : i32
      %add3A_168 = arith.constant 2 : i32
      %add3A_169 = arith.addi %mul3A_167, %add3A_168 : i32
      %ge3A_170 = arith.constant 3 : i32
      %ge3A_171 = arith.cmpi sge, %add3A_169, %ge3A_170 : i32
      %add3A_172 = arith.constant 1 : i32
      %add3A_173 = arith.addi %add3A_169, %add3A_172 : i32
      %lt3A_174 = arith.constant 50 : i32
      %lt3A_175 = arith.cmpi slt, %add3A_173, %lt3A_174 : i32
      %and3A_176 = arith.andi %ge3A_171, %lt3A_175 : i1
      %convert_element_type3A_177 = arith.extui %and3A_176 : i1 to i32
      %cond3A_178 = arith.constant 0 : i32
      %cond3A_179 = arith.cmpi ne, %convert_element_type3A_177, %cond3A_178 : i32
      scf.if %cond3A_179 {
        %dma_wait3A_218 = arith.constant 0 : i32
        %dma_wait3A_219 = arith.constant 0 : i32
        %dma_wait3A_220 = arith.constant 0 : i32
        %dma_wait3A_221 = tpu.memref_slice %arg12[%dma_wait3A_219, %dma_wait3A_218, %dma_wait3A_220] : memref<80x2x128xf32, #tpu.memory_space<vmem>> -> memref<80x1x128xf32, #tpu.memory_space<vmem>>
        %dma_wait3A_222 = tpu.memref_squeeze %dma_wait3A_221 : memref<80x1x128xf32, #tpu.memory_space<vmem>> -> memref<80x128xf32, #tpu.memory_space<vmem>>
        %dma_wait3A_223 = arith.constant 0 : i32
        %dma_wait3A_224 = tpu.memref_slice %arg5[%mul3A_2, %dma_wait3A_223] : memref<128000x128xf32, #tpu.memory_space<hbm>> -> memref<80x128xf32, #tpu.memory_space<hbm>>
        %dma_wait3A_225 = arith.constant 0 : i32
        %dma_wait3A_226 = tpu.memref_slice %arg5[%mul3A_2, %dma_wait3A_225] : memref<128000x128xf32, #tpu.memory_space<hbm>> -> memref<80x128xf32, #tpu.memory_space<hbm>>
        %dma_wait3A_227 = arith.constant 0 : i32
        %dma_wait3A_228 = arith.constant 0 : i32
        %dma_wait3A_229 = tpu.memref_slice %arg12[%dma_wait3A_227, %dma_wait3A_218, %dma_wait3A_228] : memref<80x2x128xf32, #tpu.memory_space<vmem>> -> memref<80x1x128xf32, #tpu.memory_space<vmem>>
        %dma_wait3A_230 = tpu.memref_squeeze %dma_wait3A_229 : memref<80x1x128xf32, #tpu.memory_space<vmem>> -> memref<80x128xf32, #tpu.memory_space<vmem>>
        tpu.wait_dma2 semaphore(%arg20 : memref<!tpu.dma_semaphore, #tpu.memory_space<semaphore_mem>>) src(%dma_wait3A_230 : memref<80x128xf32, #tpu.memory_space<vmem>>) dst(%dma_wait3A_226 : memref<80x128xf32, #tpu.memory_space<hbm>>)
        %dma_wait3A_231 = arith.constant 1 : i32
        %dma_wait3A_232 = arith.constant 0 : i32
        %dma_wait3A_233 = arith.constant 0 : i32
        %dma_wait3A_234 = tpu.memref_slice %arg12[%dma_wait3A_232, %dma_wait3A_231, %dma_wait3A_233] : memref<80x2x128xf32, #tpu.memory_space<vmem>> -> memref<80x1x128xf32, #tpu.memory_space<vmem>>
        %dma_wait3A_235 = tpu.memref_squeeze %dma_wait3A_234 : memref<80x1x128xf32, #tpu.memory_space<vmem>> -> memref<80x128xf32, #tpu.memory_space<vmem>>
        %dma_wait3A_236 = arith.constant 0 : i32
        %dma_wait3A_237 = tpu.memref_slice %arg6[%mul3A_2, %dma_wait3A_236] : memref<128000x128xf32, #tpu.memory_space<hbm>> -> memref<80x128xf32, #tpu.memory_space<hbm>>
        %dma_wait3A_238 = arith.constant 0 : i32
        %dma_wait3A_239 = tpu.memref_slice %arg6[%mul3A_2, %dma_wait3A_238] : memref<128000x128xf32, #tpu.memory_space<hbm>> -> memref<80x128xf32, #tpu.memory_space<hbm>>
        %dma_wait3A_240 = arith.constant 0 : i32
        %dma_wait3A_241 = arith.constant 0 : i32
        %dma_wait3A_242 = tpu.memref_slice %arg12[%dma_wait3A_240, %dma_wait3A_231, %dma_wait3A_241] : memref<80x2x128xf32, #tpu.memory_space<vmem>> -> memref<80x1x128xf32, #tpu.memory_space<vmem>>
        %dma_wait3A_243 = tpu.memref_squeeze %dma_wait3A_242 : memref<80x1x128xf32, #tpu.memory_space<vmem>> -> memref<80x128xf32, #tpu.memory_space<vmem>>
        tpu.wait_dma2 semaphore(%arg20 : memref<!tpu.dma_semaphore, #tpu.memory_space<semaphore_mem>>) src(%dma_wait3A_243 : memref<80x128xf32, #tpu.memory_space<vmem>>) dst(%dma_wait3A_239 : memref<80x128xf32, #tpu.memory_space<hbm>>)
      } else {
      }
      %add3A_180 = arith.constant 1 : i32
      %add3A_181 = arith.addi %add3A_169, %add3A_180 : i32
      %lt3A_182 = arith.constant 50 : i32
      %lt3A_183 = arith.cmpi slt, %add3A_181, %lt3A_182 : i32
      %convert_element_type3A_184 = arith.extui %lt3A_183 : i1 to i32
      %cond3A_185 = arith.constant 0 : i32
      %cond3A_186 = arith.cmpi ne, %convert_element_type3A_184, %cond3A_185 : i32
      scf.if %cond3A_186 {
        %add3A_218 = arith.constant 1 : i32
        %add3A_219 = arith.addi %add3A_169, %add3A_218 : i32
        %dma_start3A_220 = arith.constant 0 : i32
        %dma_start3A_221 = tpu.memref_slice %arg7[%add3A_219, %dma_start3A_220] : memref<50x80xi32, #tpu.memory_space<vmem>> -> memref<1x80xi32, #tpu.memory_space<vmem>>
        %dma_start3A_222 = tpu.memref_squeeze %dma_start3A_221 : memref<1x80xi32, #tpu.memory_space<vmem>> -> memref<80xi32, #tpu.memory_space<vmem>>
        %dma_start3A_223 = arith.constant 0 : i32
        %dma_start3A_224 = arith.constant 0 : i32
        %dma_start3A_225 = arith.constant 0 : i32
        %dma_start3A_226 = tpu.memref_slice %arg2[%dma_start3A_223, %dma_start3A_224, %dma_start3A_225] : memref<10000x2x128xf32, #tpu.memory_space<hbm>> -> memref<10000x2x128xf32, #tpu.memory_space<hbm>>
        tpu.enqueue_indirect_dma source(%dma_start3A_226 : memref<10000x2x128xf32, #tpu.memory_space<hbm>>) target(%arg12 : memref<80x2x128xf32, #tpu.memory_space<vmem>>) offsets(%dma_start3A_222 : memref<80xi32, #tpu.memory_space<vmem>>) semaphore(%arg16 : memref<!tpu.dma_semaphore, #tpu.memory_space<semaphore_mem>>)
      } else {
      }
      %lt3A_187 = arith.constant 50 : i32
      %lt3A_188 = arith.cmpi slt, %add3A_169, %lt3A_187 : i32
      %convert_element_type3A_189 = arith.extui %lt3A_188 : i1 to i32
      %cond3A_190 = arith.constant 0 : i32
      %cond3A_191 = arith.cmpi ne, %convert_element_type3A_189, %cond3A_190 : i32
      scf.if %cond3A_191 {
        %dma_wait3A_218 = arith.constant 0 : i32
        %dma_wait3A_219 = arith.constant 0 : i32
        %dma_wait3A_220 = tpu.memref_slice %arg7[%dma_wait3A_218, %dma_wait3A_219] : memref<50x80xi32, #tpu.memory_space<vmem>> -> memref<1x80xi32, #tpu.memory_space<vmem>>
        %dma_wait3A_221 = tpu.memref_squeeze %dma_wait3A_220 : memref<1x80xi32, #tpu.memory_space<vmem>> -> memref<80xi32, #tpu.memory_space<vmem>>
        %dma_wait3A_222 = arith.constant 0 : i32
        %dma_wait3A_223 = arith.constant 0 : i32
        %dma_wait3A_224 = arith.constant 0 : i32
        %dma_wait3A_225 = tpu.memref_slice %arg2[%dma_wait3A_222, %dma_wait3A_223, %dma_wait3A_224] : memref<10000x2x128xf32, #tpu.memory_space<hbm>> -> memref<10000x2x128xf32, #tpu.memory_space<hbm>>
        tpu.wait_indirect_dma semaphore(%arg15 : memref<!tpu.dma_semaphore, #tpu.memory_space<semaphore_mem>>) src(%dma_wait3A_225 : memref<10000x2x128xf32, #tpu.memory_space<hbm>>) dst(%arg11 : memref<80x2x128xf32, #tpu.memory_space<vmem>>)
        %dma_start3A_226 = arith.constant 0 : i32
        %dma_start3A_227 = tpu.memref_slice %arg8[%add3A_169, %dma_start3A_226] : memref<50x80xi32, #tpu.memory_space<vmem>> -> memref<1x80xi32, #tpu.memory_space<vmem>>
        %dma_start3A_228 = tpu.memref_squeeze %dma_start3A_227 : memref<1x80xi32, #tpu.memory_space<vmem>> -> memref<80xi32, #tpu.memory_space<vmem>>
        %dma_start3A_229 = arith.constant 0 : i32
        %dma_start3A_230 = arith.constant 0 : i32
        %dma_start3A_231 = arith.constant 0 : i32
        %dma_start3A_232 = tpu.memref_slice %arg2[%dma_start3A_229, %dma_start3A_230, %dma_start3A_231] : memref<10000x2x128xf32, #tpu.memory_space<hbm>> -> memref<10000x2x128xf32, #tpu.memory_space<hbm>>
        tpu.enqueue_indirect_dma source(%dma_start3A_232 : memref<10000x2x128xf32, #tpu.memory_space<hbm>>) target(%arg11 : memref<80x2x128xf32, #tpu.memory_space<vmem>>) offsets(%dma_start3A_228 : memref<80xi32, #tpu.memory_space<vmem>>) semaphore(%arg15 : memref<!tpu.dma_semaphore, #tpu.memory_space<semaphore_mem>>) {add = true}
        %dma_wait3A_233 = arith.constant 0 : i32
        %dma_wait3A_234 = arith.constant 0 : i32
        %dma_wait3A_235 = tpu.memref_slice %arg7[%dma_wait3A_233, %dma_wait3A_234] : memref<50x80xi32, #tpu.memory_space<vmem>> -> memref<1x80xi32, #tpu.memory_space<vmem>>
        %dma_wait3A_236 = tpu.memref_squeeze %dma_wait3A_235 : memref<1x80xi32, #tpu.memory_space<vmem>> -> memref<80xi32, #tpu.memory_space<vmem>>
        %dma_wait3A_237 = arith.constant 0 : i32
        %dma_wait3A_238 = arith.constant 0 : i32
        %dma_wait3A_239 = arith.constant 0 : i32
        %dma_wait3A_240 = tpu.memref_slice %arg2[%dma_wait3A_237, %dma_wait3A_238, %dma_wait3A_239] : memref<10000x2x128xf32, #tpu.memory_space<hbm>> -> memref<10000x2x128xf32, #tpu.memory_space<hbm>>
        tpu.wait_indirect_dma semaphore(%arg15 : memref<!tpu.dma_semaphore, #tpu.memory_space<semaphore_mem>>) src(%dma_wait3A_240 : memref<10000x2x128xf32, #tpu.memory_space<hbm>>) dst(%arg11 : memref<80x2x128xf32, #tpu.memory_space<vmem>>)
        %mul3A_241 = arith.constant 80 : i32
        %mul3A_242 = arith.muli %add3A_169, %mul3A_241 : i32
        %add3A_243 = arith.addi %mul3A_2, %mul3A_242 : i32
        %dma_start3A_244 = arith.constant 0 : i32
        %dma_start3A_245 = arith.constant 0 : i32
        %dma_start3A_246 = arith.constant 0 : i32
        %dma_start3A_247 = tpu.memref_slice %arg11[%dma_start3A_245, %dma_start3A_244, %dma_start3A_246] : memref<80x2x128xf32, #tpu.memory_space<vmem>> -> memref<80x1x128xf32, #tpu.memory_space<vmem>>
        %dma_start3A_248 = tpu.memref_squeeze %dma_start3A_247 : memref<80x1x128xf32, #tpu.memory_space<vmem>> -> memref<80x128xf32, #tpu.memory_space<vmem>>
        %dma_start3A_249 = arith.constant 0 : i32
        %dma_start3A_250 = tpu.memref_slice %arg5[%add3A_243, %dma_start3A_249] : memref<128000x128xf32, #tpu.memory_space<hbm>> -> memref<80x128xf32, #tpu.memory_space<hbm>>
        %dma_start3A_251 = arith.constant 0 : i32
        %dma_start3A_252 = tpu.memref_slice %arg5[%add3A_243, %dma_start3A_251] : memref<128000x128xf32, #tpu.memory_space<hbm>> -> memref<80x128xf32, #tpu.memory_space<hbm>>
        %dma_start3A_253 = arith.constant 0 : i32
        %dma_start3A_254 = arith.constant 0 : i32
        %dma_start3A_255 = tpu.memref_slice %arg11[%dma_start3A_253, %dma_start3A_244, %dma_start3A_254] : memref<80x2x128xf32, #tpu.memory_space<vmem>> -> memref<80x1x128xf32, #tpu.memory_space<vmem>>
        %dma_start3A_256 = tpu.memref_squeeze %dma_start3A_255 : memref<80x1x128xf32, #tpu.memory_space<vmem>> -> memref<80x128xf32, #tpu.memory_space<vmem>>
        tpu.enqueue_dma source(%dma_start3A_256 : memref<80x128xf32, #tpu.memory_space<vmem>>) target(%dma_start3A_252 : memref<80x128xf32, #tpu.memory_space<hbm>>) target_semaphore(%arg19 : memref<!tpu.dma_semaphore, #tpu.memory_space<semaphore_mem>>)
        %dma_start3A_257 = arith.constant 1 : i32
        %dma_start3A_258 = arith.constant 0 : i32
        %dma_start3A_259 = arith.constant 0 : i32
        %dma_start3A_260 = tpu.memref_slice %arg11[%dma_start3A_258, %dma_start3A_257, %dma_start3A_259] : memref<80x2x128xf32, #tpu.memory_space<vmem>> -> memref<80x1x128xf32, #tpu.memory_space<vmem>>
        %dma_start3A_261 = tpu.memref_squeeze %dma_start3A_260 : memref<80x1x128xf32, #tpu.memory_space<vmem>> -> memref<80x128xf32, #tpu.memory_space<vmem>>
        %dma_start3A_262 = arith.constant 0 : i32
        %dma_start3A_263 = tpu.memref_slice %arg6[%add3A_243, %dma_start3A_262] : memref<128000x128xf32, #tpu.memory_space<hbm>> -> memref<80x128xf32, #tpu.memory_space<hbm>>
        %dma_start3A_264 = arith.constant 0 : i32
        %dma_start3A_265 = tpu.memref_slice %arg6[%add3A_243, %dma_start3A_264] : memref<128000x128xf32, #tpu.memory_space<hbm>> -> memref<80x128xf32, #tpu.memory_space<hbm>>
        %dma_start3A_266 = arith.constant 0 : i32
        %dma_start3A_267 = arith.constant 0 : i32
        %dma_start3A_268 = tpu.memref_slice %arg11[%dma_start3A_266, %dma_start3A_257, %dma_start3A_267] : memref<80x2x128xf32, #tpu.memory_space<vmem>> -> memref<80x1x128xf32, #tpu.memory_space<vmem>>
        %dma_start3A_269 = tpu.memref_squeeze %dma_start3A_268 : memref<80x1x128xf32, #tpu.memory_space<vmem>> -> memref<80x128xf32, #tpu.memory_space<vmem>>
        tpu.enqueue_dma source(%dma_start3A_269 : memref<80x128xf32, #tpu.memory_space<vmem>>) target(%dma_start3A_265 : memref<80x128xf32, #tpu.memory_space<hbm>>) target_semaphore(%arg19 : memref<!tpu.dma_semaphore, #tpu.memory_space<semaphore_mem>>)
      } else {
      }
      %mul3A_192 = arith.constant 4 : i32
      %mul3A_193 = arith.muli %scan3A_118, %mul3A_192 : i32
      %add3A_194 = arith.constant 3 : i32
      %add3A_195 = arith.addi %mul3A_193, %add3A_194 : i32
      %ge3A_196 = arith.constant 3 : i32
      %ge3A_197 = arith.cmpi sge, %add3A_195, %ge3A_196 : i32
      %add3A_198 = arith.constant 1 : i32
      %add3A_199 = arith.addi %add3A_195, %add3A_198 : i32
      %lt3A_200 = arith.constant 50 : i32
      %lt3A_201 = arith.cmpi slt, %add3A_199, %lt3A_200 : i32
      %and3A_202 = arith.andi %ge3A_197, %lt3A_201 : i1
      %convert_element_type3A_203 = arith.extui %and3A_202 : i1 to i32
      %cond3A_204 = arith.constant 0 : i32
      %cond3A_205 = arith.cmpi ne, %convert_element_type3A_203, %cond3A_204 : i32
      scf.if %cond3A_205 {
        %dma_wait3A_218 = arith.constant 0 : i32
        %dma_wait3A_219 = arith.constant 0 : i32
        %dma_wait3A_220 = arith.constant 0 : i32
        %dma_wait3A_221 = tpu.memref_slice %arg9[%dma_wait3A_219, %dma_wait3A_218, %dma_wait3A_220] : memref<80x2x128xf32, #tpu.memory_space<vmem>> -> memref<80x1x128xf32, #tpu.memory_space<vmem>>
        %dma_wait3A_222 = tpu.memref_squeeze %dma_wait3A_221 : memref<80x1x128xf32, #tpu.memory_space<vmem>> -> memref<80x128xf32, #tpu.memory_space<vmem>>
        %dma_wait3A_223 = arith.constant 0 : i32
        %dma_wait3A_224 = tpu.memref_slice %arg5[%mul3A_2, %dma_wait3A_223] : memref<128000x128xf32, #tpu.memory_space<hbm>> -> memref<80x128xf32, #tpu.memory_space<hbm>>
        %dma_wait3A_225 = arith.constant 0 : i32
        %dma_wait3A_226 = tpu.memref_slice %arg5[%mul3A_2, %dma_wait3A_225] : memref<128000x128xf32, #tpu.memory_space<hbm>> -> memref<80x128xf32, #tpu.memory_space<hbm>>
        %dma_wait3A_227 = arith.constant 0 : i32
        %dma_wait3A_228 = arith.constant 0 : i32
        %dma_wait3A_229 = tpu.memref_slice %arg9[%dma_wait3A_227, %dma_wait3A_218, %dma_wait3A_228] : memref<80x2x128xf32, #tpu.memory_space<vmem>> -> memref<80x1x128xf32, #tpu.memory_space<vmem>>
        %dma_wait3A_230 = tpu.memref_squeeze %dma_wait3A_229 : memref<80x1x128xf32, #tpu.memory_space<vmem>> -> memref<80x128xf32, #tpu.memory_space<vmem>>
        tpu.wait_dma2 semaphore(%arg17 : memref<!tpu.dma_semaphore, #tpu.memory_space<semaphore_mem>>) src(%dma_wait3A_230 : memref<80x128xf32, #tpu.memory_space<vmem>>) dst(%dma_wait3A_226 : memref<80x128xf32, #tpu.memory_space<hbm>>)
        %dma_wait3A_231 = arith.constant 1 : i32
        %dma_wait3A_232 = arith.constant 0 : i32
        %dma_wait3A_233 = arith.constant 0 : i32
        %dma_wait3A_234 = tpu.memref_slice %arg9[%dma_wait3A_232, %dma_wait3A_231, %dma_wait3A_233] : memref<80x2x128xf32, #tpu.memory_space<vmem>> -> memref<80x1x128xf32, #tpu.memory_space<vmem>>
        %dma_wait3A_235 = tpu.memref_squeeze %dma_wait3A_234 : memref<80x1x128xf32, #tpu.memory_space<vmem>> -> memref<80x128xf32, #tpu.memory_space<vmem>>
        %dma_wait3A_236 = arith.constant 0 : i32
        %dma_wait3A_237 = tpu.memref_slice %arg6[%mul3A_2, %dma_wait3A_236] : memref<128000x128xf32, #tpu.memory_space<hbm>> -> memref<80x128xf32, #tpu.memory_space<hbm>>
        %dma_wait3A_238 = arith.constant 0 : i32
        %dma_wait3A_239 = tpu.memref_slice %arg6[%mul3A_2, %dma_wait3A_238] : memref<128000x128xf32, #tpu.memory_space<hbm>> -> memref<80x128xf32, #tpu.memory_space<hbm>>
        %dma_wait3A_240 = arith.constant 0 : i32
        %dma_wait3A_241 = arith.constant 0 : i32
        %dma_wait3A_242 = tpu.memref_slice %arg9[%dma_wait3A_240, %dma_wait3A_231, %dma_wait3A_241] : memref<80x2x128xf32, #tpu.memory_space<vmem>> -> memref<80x1x128xf32, #tpu.memory_space<vmem>>
        %dma_wait3A_243 = tpu.memref_squeeze %dma_wait3A_242 : memref<80x1x128xf32, #tpu.memory_space<vmem>> -> memref<80x128xf32, #tpu.memory_space<vmem>>
        tpu.wait_dma2 semaphore(%arg17 : memref<!tpu.dma_semaphore, #tpu.memory_space<semaphore_mem>>) src(%dma_wait3A_243 : memref<80x128xf32, #tpu.memory_space<vmem>>) dst(%dma_wait3A_239 : memref<80x128xf32, #tpu.memory_space<hbm>>)
      } else {
      }
      %add3A_206 = arith.constant 1 : i32
      %add3A_207 = arith.addi %add3A_195, %add3A_206 : i32
      %lt3A_208 = arith.constant 50 : i32
      %lt3A_209 = arith.cmpi slt, %add3A_207, %lt3A_208 : i32
      %convert_element_type3A_210 = arith.extui %lt3A_209 : i1 to i32
      %cond3A_211 = arith.constant 0 : i32
      %cond3A_212 = arith.cmpi ne, %convert_element_type3A_210, %cond3A_211 : i32
      scf.if %cond3A_212 {
        %add3A_218 = arith.constant 1 : i32
        %add3A_219 = arith.addi %add3A_195, %add3A_218 : i32
        %dma_start3A_220 = arith.constant 0 : i32
        %dma_start3A_221 = tpu.memref_slice %arg7[%add3A_219, %dma_start3A_220] : memref<50x80xi32, #tpu.memory_space<vmem>> -> memref<1x80xi32, #tpu.memory_space<vmem>>
        %dma_start3A_222 = tpu.memref_squeeze %dma_start3A_221 : memref<1x80xi32, #tpu.memory_space<vmem>> -> memref<80xi32, #tpu.memory_space<vmem>>
        %dma_start3A_223 = arith.constant 0 : i32
        %dma_start3A_224 = arith.constant 0 : i32
        %dma_start3A_225 = arith.constant 0 : i32
        %dma_start3A_226 = tpu.memref_slice %arg2[%dma_start3A_223, %dma_start3A_224, %dma_start3A_225] : memref<10000x2x128xf32, #tpu.memory_space<hbm>> -> memref<10000x2x128xf32, #tpu.memory_space<hbm>>
        tpu.enqueue_indirect_dma source(%dma_start3A_226 : memref<10000x2x128xf32, #tpu.memory_space<hbm>>) target(%arg9 : memref<80x2x128xf32, #tpu.memory_space<vmem>>) offsets(%dma_start3A_222 : memref<80xi32, #tpu.memory_space<vmem>>) semaphore(%arg13 : memref<!tpu.dma_semaphore, #tpu.memory_space<semaphore_mem>>)
      } else {
      }
      %lt3A_213 = arith.constant 50 : i32
      %lt3A_214 = arith.cmpi slt, %add3A_195, %lt3A_213 : i32
      %convert_element_type3A_215 = arith.extui %lt3A_214 : i1 to i32
      %cond3A_216 = arith.constant 0 : i32
      %cond3A_217 = arith.cmpi ne, %convert_element_type3A_215, %cond3A_216 : i32
      scf.if %cond3A_217 {
        %dma_wait3A_218 = arith.constant 0 : i32
        %dma_wait3A_219 = arith.constant 0 : i32
        %dma_wait3A_220 = tpu.memref_slice %arg7[%dma_wait3A_218, %dma_wait3A_219] : memref<50x80xi32, #tpu.memory_space<vmem>> -> memref<1x80xi32, #tpu.memory_space<vmem>>
        %dma_wait3A_221 = tpu.memref_squeeze %dma_wait3A_220 : memref<1x80xi32, #tpu.memory_space<vmem>> -> memref<80xi32, #tpu.memory_space<vmem>>
        %dma_wait3A_222 = arith.constant 0 : i32
        %dma_wait3A_223 = arith.constant 0 : i32
        %dma_wait3A_224 = arith.constant 0 : i32
        %dma_wait3A_225 = tpu.memref_slice %arg2[%dma_wait3A_222, %dma_wait3A_223, %dma_wait3A_224] : memref<10000x2x128xf32, #tpu.memory_space<hbm>> -> memref<10000x2x128xf32, #tpu.memory_space<hbm>>
        tpu.wait_indirect_dma semaphore(%arg16 : memref<!tpu.dma_semaphore, #tpu.memory_space<semaphore_mem>>) src(%dma_wait3A_225 : memref<10000x2x128xf32, #tpu.memory_space<hbm>>) dst(%arg12 : memref<80x2x128xf32, #tpu.memory_space<vmem>>)
        %dma_start3A_226 = arith.constant 0 : i32
        %dma_start3A_227 = tpu.memref_slice %arg8[%add3A_195, %dma_start3A_226] : memref<50x80xi32, #tpu.memory_space<vmem>> -> memref<1x80xi32, #tpu.memory_space<vmem>>
        %dma_start3A_228 = tpu.memref_squeeze %dma_start3A_227 : memref<1x80xi32, #tpu.memory_space<vmem>> -> memref<80xi32, #tpu.memory_space<vmem>>
        %dma_start3A_229 = arith.constant 0 : i32
        %dma_start3A_230 = arith.constant 0 : i32
        %dma_start3A_231 = arith.constant 0 : i32
        %dma_start3A_232 = tpu.memref_slice %arg2[%dma_start3A_229, %dma_start3A_230, %dma_start3A_231] : memref<10000x2x128xf32, #tpu.memory_space<hbm>> -> memref<10000x2x128xf32, #tpu.memory_space<hbm>>
        tpu.enqueue_indirect_dma source(%dma_start3A_232 : memref<10000x2x128xf32, #tpu.memory_space<hbm>>) target(%arg12 : memref<80x2x128xf32, #tpu.memory_space<vmem>>) offsets(%dma_start3A_228 : memref<80xi32, #tpu.memory_space<vmem>>) semaphore(%arg16 : memref<!tpu.dma_semaphore, #tpu.memory_space<semaphore_mem>>) {add = true}
        %dma_wait3A_233 = arith.constant 0 : i32
        %dma_wait3A_234 = arith.constant 0 : i32
        %dma_wait3A_235 = tpu.memref_slice %arg7[%dma_wait3A_233, %dma_wait3A_234] : memref<50x80xi32, #tpu.memory_space<vmem>> -> memref<1x80xi32, #tpu.memory_space<vmem>>
        %dma_wait3A_236 = tpu.memref_squeeze %dma_wait3A_235 : memref<1x80xi32, #tpu.memory_space<vmem>> -> memref<80xi32, #tpu.memory_space<vmem>>
        %dma_wait3A_237 = arith.constant 0 : i32
        %dma_wait3A_238 = arith.constant 0 : i32
        %dma_wait3A_239 = arith.constant 0 : i32
        %dma_wait3A_240 = tpu.memref_slice %arg2[%dma_wait3A_237, %dma_wait3A_238, %dma_wait3A_239] : memref<10000x2x128xf32, #tpu.memory_space<hbm>> -> memref<10000x2x128xf32, #tpu.memory_space<hbm>>
        tpu.wait_indirect_dma semaphore(%arg16 : memref<!tpu.dma_semaphore, #tpu.memory_space<semaphore_mem>>) src(%dma_wait3A_240 : memref<10000x2x128xf32, #tpu.memory_space<hbm>>) dst(%arg12 : memref<80x2x128xf32, #tpu.memory_space<vmem>>)
        %mul3A_241 = arith.constant 80 : i32
        %mul3A_242 = arith.muli %add3A_195, %mul3A_241 : i32
        %add3A_243 = arith.addi %mul3A_2, %mul3A_242 : i32
        %dma_start3A_244 = arith.constant 0 : i32
        %dma_start3A_245 = arith.constant 0 : i32
        %dma_start3A_246 = arith.constant 0 : i32
        %dma_start3A_247 = tpu.memref_slice %arg12[%dma_start3A_245, %dma_start3A_244, %dma_start3A_246] : memref<80x2x128xf32, #tpu.memory_space<vmem>> -> memref<80x1x128xf32, #tpu.memory_space<vmem>>
        %dma_start3A_248 = tpu.memref_squeeze %dma_start3A_247 : memref<80x1x128xf32, #tpu.memory_space<vmem>> -> memref<80x128xf32, #tpu.memory_space<vmem>>
        %dma_start3A_249 = arith.constant 0 : i32
        %dma_start3A_250 = tpu.memref_slice %arg5[%add3A_243, %dma_start3A_249] : memref<128000x128xf32, #tpu.memory_space<hbm>> -> memref<80x128xf32, #tpu.memory_space<hbm>>
        %dma_start3A_251 = arith.constant 0 : i32
        %dma_start3A_252 = tpu.memref_slice %arg5[%add3A_243, %dma_start3A_251] : memref<128000x128xf32, #tpu.memory_space<hbm>> -> memref<80x128xf32, #tpu.memory_space<hbm>>
        %dma_start3A_253 = arith.constant 0 : i32
        %dma_start3A_254 = arith.constant 0 : i32
        %dma_start3A_255 = tpu.memref_slice %arg12[%dma_start3A_253, %dma_start3A_244, %dma_start3A_254] : memref<80x2x128xf32, #tpu.memory_space<vmem>> -> memref<80x1x128xf32, #tpu.memory_space<vmem>>
        %dma_start3A_256 = tpu.memref_squeeze %dma_start3A_255 : memref<80x1x128xf32, #tpu.memory_space<vmem>> -> memref<80x128xf32, #tpu.memory_space<vmem>>
        tpu.enqueue_dma source(%dma_start3A_256 : memref<80x128xf32, #tpu.memory_space<vmem>>) target(%dma_start3A_252 : memref<80x128xf32, #tpu.memory_space<hbm>>) target_semaphore(%arg20 : memref<!tpu.dma_semaphore, #tpu.memory_space<semaphore_mem>>)
        %dma_start3A_257 = arith.constant 1 : i32
        %dma_start3A_258 = arith.constant 0 : i32
        %dma_start3A_259 = arith.constant 0 : i32
        %dma_start3A_260 = tpu.memref_slice %arg12[%dma_start3A_258, %dma_start3A_257, %dma_start3A_259] : memref<80x2x128xf32, #tpu.memory_space<vmem>> -> memref<80x1x128xf32, #tpu.memory_space<vmem>>
        %dma_start3A_261 = tpu.memref_squeeze %dma_start3A_260 : memref<80x1x128xf32, #tpu.memory_space<vmem>> -> memref<80x128xf32, #tpu.memory_space<vmem>>
        %dma_start3A_262 = arith.constant 0 : i32
        %dma_start3A_263 = tpu.memref_slice %arg6[%add3A_243, %dma_start3A_262] : memref<128000x128xf32, #tpu.memory_space<hbm>> -> memref<80x128xf32, #tpu.memory_space<hbm>>
        %dma_start3A_264 = arith.constant 0 : i32
        %dma_start3A_265 = tpu.memref_slice %arg6[%add3A_243, %dma_start3A_264] : memref<128000x128xf32, #tpu.memory_space<hbm>> -> memref<80x128xf32, #tpu.memory_space<hbm>>
        %dma_start3A_266 = arith.constant 0 : i32
        %dma_start3A_267 = arith.constant 0 : i32
        %dma_start3A_268 = tpu.memref_slice %arg12[%dma_start3A_266, %dma_start3A_257, %dma_start3A_267] : memref<80x2x128xf32, #tpu.memory_space<vmem>> -> memref<80x1x128xf32, #tpu.memory_space<vmem>>
        %dma_start3A_269 = tpu.memref_squeeze %dma_start3A_268 : memref<80x1x128xf32, #tpu.memory_space<vmem>> -> memref<80x128xf32, #tpu.memory_space<vmem>>
        tpu.enqueue_dma source(%dma_start3A_269 : memref<80x128xf32, #tpu.memory_space<vmem>>) target(%dma_start3A_265 : memref<80x128xf32, #tpu.memory_space<hbm>>) target_semaphore(%arg20 : memref<!tpu.dma_semaphore, #tpu.memory_space<semaphore_mem>>)
      } else {
      }
    }
    %scan3A_14 = arith.constant 13 : i32
    %dma_wait3A = arith.constant 0 : i32
    %dma_wait3A_15 = arith.constant 0 : i32
    %dma_wait3A_16 = arith.constant 0 : i32
    %dma_wait3A_17 = tpu.memref_slice %arg9[%dma_wait3A_15, %dma_wait3A, %dma_wait3A_16] : memref<80x2x128xf32, #tpu.memory_space<vmem>> -> memref<80x1x128xf32, #tpu.memory_space<vmem>>
    %dma_wait3A_18 = tpu.memref_squeeze %dma_wait3A_17 : memref<80x1x128xf32, #tpu.memory_space<vmem>> -> memref<80x128xf32, #tpu.memory_space<vmem>>
    %dma_wait3A_19 = arith.constant 0 : i32
    %dma_wait3A_20 = tpu.memref_slice %arg5[%mul3A_2, %dma_wait3A_19] : memref<128000x128xf32, #tpu.memory_space<hbm>> -> memref<80x128xf32, #tpu.memory_space<hbm>>
    %dma_wait3A_21 = arith.constant 0 : i32
    %dma_wait3A_22 = tpu.memref_slice %arg5[%mul3A_2, %dma_wait3A_21] : memref<128000x128xf32, #tpu.memory_space<hbm>> -> memref<80x128xf32, #tpu.memory_space<hbm>>
    %dma_wait3A_23 = arith.constant 0 : i32
    %dma_wait3A_24 = arith.constant 0 : i32
    %dma_wait3A_25 = tpu.memref_slice %arg9[%dma_wait3A_23, %dma_wait3A, %dma_wait3A_24] : memref<80x2x128xf32, #tpu.memory_space<vmem>> -> memref<80x1x128xf32, #tpu.memory_space<vmem>>
    %dma_wait3A_26 = tpu.memref_squeeze %dma_wait3A_25 : memref<80x1x128xf32, #tpu.memory_space<vmem>> -> memref<80x128xf32, #tpu.memory_space<vmem>>
    tpu.wait_dma2 semaphore(%arg17 : memref<!tpu.dma_semaphore, #tpu.memory_space<semaphore_mem>>) src(%dma_wait3A_26 : memref<80x128xf32, #tpu.memory_space<vmem>>) dst(%dma_wait3A_22 : memref<80x128xf32, #tpu.memory_space<hbm>>)
    %dma_wait3A_27 = arith.constant 1 : i32
    %dma_wait3A_28 = arith.constant 0 : i32
    %dma_wait3A_29 = arith.constant 0 : i32
    %dma_wait3A_30 = tpu.memref_slice %arg9[%dma_wait3A_28, %dma_wait3A_27, %dma_wait3A_29] : memref<80x2x128xf32, #tpu.memory_space<vmem>> -> memref<80x1x128xf32, #tpu.memory_space<vmem>>
    %dma_wait3A_31 = tpu.memref_squeeze %dma_wait3A_30 : memref<80x1x128xf32, #tpu.memory_space<vmem>> -> memref<80x128xf32, #tpu.memory_space<vmem>>
    %dma_wait3A_32 = arith.constant 0 : i32
    %dma_wait3A_33 = tpu.memref_slice %arg6[%mul3A_2, %dma_wait3A_32] : memref<128000x128xf32, #tpu.memory_space<hbm>> -> memref<80x128xf32, #tpu.memory_space<hbm>>
    %dma_wait3A_34 = arith.constant 0 : i32
    %dma_wait3A_35 = tpu.memref_slice %arg6[%mul3A_2, %dma_wait3A_34] : memref<128000x128xf32, #tpu.memory_space<hbm>> -> memref<80x128xf32, #tpu.memory_space<hbm>>
    %dma_wait3A_36 = arith.constant 0 : i32
    %dma_wait3A_37 = arith.constant 0 : i32
    %dma_wait3A_38 = tpu.memref_slice %arg9[%dma_wait3A_36, %dma_wait3A_27, %dma_wait3A_37] : memref<80x2x128xf32, #tpu.memory_space<vmem>> -> memref<80x1x128xf32, #tpu.memory_space<vmem>>
    %dma_wait3A_39 = tpu.memref_squeeze %dma_wait3A_38 : memref<80x1x128xf32, #tpu.memory_space<vmem>> -> memref<80x128xf32, #tpu.memory_space<vmem>>
    tpu.wait_dma2 semaphore(%arg17 : memref<!tpu.dma_semaphore, #tpu.memory_space<semaphore_mem>>) src(%dma_wait3A_39 : memref<80x128xf32, #tpu.memory_space<vmem>>) dst(%dma_wait3A_35 : memref<80x128xf32, #tpu.memory_space<hbm>>)
    %dma_wait3A_40 = arith.constant 0 : i32
    %dma_wait3A_41 = arith.constant 0 : i32
    %dma_wait3A_42 = arith.constant 0 : i32
    %dma_wait3A_43 = tpu.memref_slice %arg10[%dma_wait3A_41, %dma_wait3A_40, %dma_wait3A_42] : memref<80x2x128xf32, #tpu.memory_space<vmem>> -> memref<80x1x128xf32, #tpu.memory_space<vmem>>
    %dma_wait3A_44 = tpu.memref_squeeze %dma_wait3A_43 : memref<80x1x128xf32, #tpu.memory_space<vmem>> -> memref<80x128xf32, #tpu.memory_space<vmem>>
    %dma_wait3A_45 = arith.constant 0 : i32
    %dma_wait3A_46 = tpu.memref_slice %arg5[%mul3A_2, %dma_wait3A_45] : memref<128000x128xf32, #tpu.memory_space<hbm>> -> memref<80x128xf32, #tpu.memory_space<hbm>>
    %dma_wait3A_47 = arith.constant 0 : i32
    %dma_wait3A_48 = tpu.memref_slice %arg5[%mul3A_2, %dma_wait3A_47] : memref<128000x128xf32, #tpu.memory_space<hbm>> -> memref<80x128xf32, #tpu.memory_space<hbm>>
    %dma_wait3A_49 = arith.constant 0 : i32
    %dma_wait3A_50 = arith.constant 0 : i32
    %dma_wait3A_51 = tpu.memref_slice %arg10[%dma_wait3A_49, %dma_wait3A_40, %dma_wait3A_50] : memref<80x2x128xf32, #tpu.memory_space<vmem>> -> memref<80x1x128xf32, #tpu.memory_space<vmem>>
    %dma_wait3A_52 = tpu.memref_squeeze %dma_wait3A_51 : memref<80x1x128xf32, #tpu.memory_space<vmem>> -> memref<80x128xf32, #tpu.memory_space<vmem>>
    tpu.wait_dma2 semaphore(%arg18 : memref<!tpu.dma_semaphore, #tpu.memory_space<semaphore_mem>>) src(%dma_wait3A_52 : memref<80x128xf32, #tpu.memory_space<vmem>>) dst(%dma_wait3A_48 : memref<80x128xf32, #tpu.memory_space<hbm>>)
    %dma_wait3A_53 = arith.constant 1 : i32
    %dma_wait3A_54 = arith.constant 0 : i32
    %dma_wait3A_55 = arith.constant 0 : i32
    %dma_wait3A_56 = tpu.memref_slice %arg10[%dma_wait3A_54, %dma_wait3A_53, %dma_wait3A_55] : memref<80x2x128xf32, #tpu.memory_space<vmem>> -> memref<80x1x128xf32, #tpu.memory_space<vmem>>
    %dma_wait3A_57 = tpu.memref_squeeze %dma_wait3A_56 : memref<80x1x128xf32, #tpu.memory_space<vmem>> -> memref<80x128xf32, #tpu.memory_space<vmem>>
    %dma_wait3A_58 = arith.constant 0 : i32
    %dma_wait3A_59 = tpu.memref_slice %arg6[%mul3A_2, %dma_wait3A_58] : memref<128000x128xf32, #tpu.memory_space<hbm>> -> memref<80x128xf32, #tpu.memory_space<hbm>>
    %dma_wait3A_60 = arith.constant 0 : i32
    %dma_wait3A_61 = tpu.memref_slice %arg6[%mul3A_2, %dma_wait3A_60] : memref<128000x128xf32, #tpu.memory_space<hbm>> -> memref<80x128xf32, #tpu.memory_space<hbm>>
    %dma_wait3A_62 = arith.constant 0 : i32
    %dma_wait3A_63 = arith.constant 0 : i32
    %dma_wait3A_64 = tpu.memref_slice %arg10[%dma_wait3A_62, %dma_wait3A_53, %dma_wait3A_63] : memref<80x2x128xf32, #tpu.memory_space<vmem>> -> memref<80x1x128xf32, #tpu.memory_space<vmem>>
    %dma_wait3A_65 = tpu.memref_squeeze %dma_wait3A_64 : memref<80x1x128xf32, #tpu.memory_space<vmem>> -> memref<80x128xf32, #tpu.memory_space<vmem>>
    tpu.wait_dma2 semaphore(%arg18 : memref<!tpu.dma_semaphore, #tpu.memory_space<semaphore_mem>>) src(%dma_wait3A_65 : memref<80x128xf32, #tpu.memory_space<vmem>>) dst(%dma_wait3A_61 : memref<80x128xf32, #tpu.memory_space<hbm>>)
    %dma_wait3A_66 = arith.constant 0 : i32
    %dma_wait3A_67 = arith.constant 0 : i32
    %dma_wait3A_68 = arith.constant 0 : i32
    %dma_wait3A_69 = tpu.memref_slice %arg11[%dma_wait3A_67, %dma_wait3A_66, %dma_wait3A_68] : memref<80x2x128xf32, #tpu.memory_space<vmem>> -> memref<80x1x128xf32, #tpu.memory_space<vmem>>
    %dma_wait3A_70 = tpu.memref_squeeze %dma_wait3A_69 : memref<80x1x128xf32, #tpu.memory_space<vmem>> -> memref<80x128xf32, #tpu.memory_space<vmem>>
    %dma_wait3A_71 = arith.constant 0 : i32
    %dma_wait3A_72 = tpu.memref_slice %arg5[%mul3A_2, %dma_wait3A_71] : memref<128000x128xf32, #tpu.memory_space<hbm>> -> memref<80x128xf32, #tpu.memory_space<hbm>>
    %dma_wait3A_73 = arith.constant 0 : i32
    %dma_wait3A_74 = tpu.memref_slice %arg5[%mul3A_2, %dma_wait3A_73] : memref<128000x128xf32, #tpu.memory_space<hbm>> -> memref<80x128xf32, #tpu.memory_space<hbm>>
    %dma_wait3A_75 = arith.constant 0 : i32
    %dma_wait3A_76 = arith.constant 0 : i32
    %dma_wait3A_77 = tpu.memref_slice %arg11[%dma_wait3A_75, %dma_wait3A_66, %dma_wait3A_76] : memref<80x2x128xf32, #tpu.memory_space<vmem>> -> memref<80x1x128xf32, #tpu.memory_space<vmem>>
    %dma_wait3A_78 = tpu.memref_squeeze %dma_wait3A_77 : memref<80x1x128xf32, #tpu.memory_space<vmem>> -> memref<80x128xf32, #tpu.memory_space<vmem>>
    tpu.wait_dma2 semaphore(%arg19 : memref<!tpu.dma_semaphore, #tpu.memory_space<semaphore_mem>>) src(%dma_wait3A_78 : memref<80x128xf32, #tpu.memory_space<vmem>>) dst(%dma_wait3A_74 : memref<80x128xf32, #tpu.memory_space<hbm>>)
    %dma_wait3A_79 = arith.constant 1 : i32
    %dma_wait3A_80 = arith.constant 0 : i32
    %dma_wait3A_81 = arith.constant 0 : i32
    %dma_wait3A_82 = tpu.memref_slice %arg11[%dma_wait3A_80, %dma_wait3A_79, %dma_wait3A_81] : memref<80x2x128xf32, #tpu.memory_space<vmem>> -> memref<80x1x128xf32, #tpu.memory_space<vmem>>
    %dma_wait3A_83 = tpu.memref_squeeze %dma_wait3A_82 : memref<80x1x128xf32, #tpu.memory_space<vmem>> -> memref<80x128xf32, #tpu.memory_space<vmem>>
    %dma_wait3A_84 = arith.constant 0 : i32
    %dma_wait3A_85 = tpu.memref_slice %arg6[%mul3A_2, %dma_wait3A_84] : memref<128000x128xf32, #tpu.memory_space<hbm>> -> memref<80x128xf32, #tpu.memory_space<hbm>>
    %dma_wait3A_86 = arith.constant 0 : i32
    %dma_wait3A_87 = tpu.memref_slice %arg6[%mul3A_2, %dma_wait3A_86] : memref<128000x128xf32, #tpu.memory_space<hbm>> -> memref<80x128xf32, #tpu.memory_space<hbm>>
    %dma_wait3A_88 = arith.constant 0 : i32
    %dma_wait3A_89 = arith.constant 0 : i32
    %dma_wait3A_90 = tpu.memref_slice %arg11[%dma_wait3A_88, %dma_wait3A_79, %dma_wait3A_89] : memref<80x2x128xf32, #tpu.memory_space<vmem>> -> memref<80x1x128xf32, #tpu.memory_space<vmem>>
    %dma_wait3A_91 = tpu.memref_squeeze %dma_wait3A_90 : memref<80x1x128xf32, #tpu.memory_space<vmem>> -> memref<80x128xf32, #tpu.memory_space<vmem>>
    tpu.wait_dma2 semaphore(%arg19 : memref<!tpu.dma_semaphore, #tpu.memory_space<semaphore_mem>>) src(%dma_wait3A_91 : memref<80x128xf32, #tpu.memory_space<vmem>>) dst(%dma_wait3A_87 : memref<80x128xf32, #tpu.memory_space<hbm>>)
    %dma_wait3A_92 = arith.constant 0 : i32
    %dma_wait3A_93 = arith.constant 0 : i32
    %dma_wait3A_94 = arith.constant 0 : i32
    %dma_wait3A_95 = tpu.memref_slice %arg12[%dma_wait3A_93, %dma_wait3A_92, %dma_wait3A_94] : memref<80x2x128xf32, #tpu.memory_space<vmem>> -> memref<80x1x128xf32, #tpu.memory_space<vmem>>
    %dma_wait3A_96 = tpu.memref_squeeze %dma_wait3A_95 : memref<80x1x128xf32, #tpu.memory_space<vmem>> -> memref<80x128xf32, #tpu.memory_space<vmem>>
    %dma_wait3A_97 = arith.constant 0 : i32
    %dma_wait3A_98 = tpu.memref_slice %arg5[%mul3A_2, %dma_wait3A_97] : memref<128000x128xf32, #tpu.memory_space<hbm>> -> memref<80x128xf32, #tpu.memory_space<hbm>>
    %dma_wait3A_99 = arith.constant 0 : i32
    %dma_wait3A_100 = tpu.memref_slice %arg5[%mul3A_2, %dma_wait3A_99] : memref<128000x128xf32, #tpu.memory_space<hbm>> -> memref<80x128xf32, #tpu.memory_space<hbm>>
    %dma_wait3A_101 = arith.constant 0 : i32
    %dma_wait3A_102 = arith.constant 0 : i32
    %dma_wait3A_103 = tpu.memref_slice %arg12[%dma_wait3A_101, %dma_wait3A_92, %dma_wait3A_102] : memref<80x2x128xf32, #tpu.memory_space<vmem>> -> memref<80x1x128xf32, #tpu.memory_space<vmem>>
    %dma_wait3A_104 = tpu.memref_squeeze %dma_wait3A_103 : memref<80x1x128xf32, #tpu.memory_space<vmem>> -> memref<80x128xf32, #tpu.memory_space<vmem>>
    tpu.wait_dma2 semaphore(%arg20 : memref<!tpu.dma_semaphore, #tpu.memory_space<semaphore_mem>>) src(%dma_wait3A_104 : memref<80x128xf32, #tpu.memory_space<vmem>>) dst(%dma_wait3A_100 : memref<80x128xf32, #tpu.memory_space<hbm>>)
    %dma_wait3A_105 = arith.constant 1 : i32
    %dma_wait3A_106 = arith.constant 0 : i32
    %dma_wait3A_107 = arith.constant 0 : i32
    %dma_wait3A_108 = tpu.memref_slice %arg12[%dma_wait3A_106, %dma_wait3A_105, %dma_wait3A_107] : memref<80x2x128xf32, #tpu.memory_space<vmem>> -> memref<80x1x128xf32, #tpu.memory_space<vmem>>
    %dma_wait3A_109 = tpu.memref_squeeze %dma_wait3A_108 : memref<80x1x128xf32, #tpu.memory_space<vmem>> -> memref<80x128xf32, #tpu.memory_space<vmem>>
    %dma_wait3A_110 = arith.constant 0 : i32
    %dma_wait3A_111 = tpu.memref_slice %arg6[%mul3A_2, %dma_wait3A_110] : memref<128000x128xf32, #tpu.memory_space<hbm>> -> memref<80x128xf32, #tpu.memory_space<hbm>>
    %dma_wait3A_112 = arith.constant 0 : i32
    %dma_wait3A_113 = tpu.memref_slice %arg6[%mul3A_2, %dma_wait3A_112] : memref<128000x128xf32, #tpu.memory_space<hbm>> -> memref<80x128xf32, #tpu.memory_space<hbm>>
    %dma_wait3A_114 = arith.constant 0 : i32
    %dma_wait3A_115 = arith.constant 0 : i32
    %dma_wait3A_116 = tpu.memref_slice %arg12[%dma_wait3A_114, %dma_wait3A_105, %dma_wait3A_115] : memref<80x2x128xf32, #tpu.memory_space<vmem>> -> memref<80x1x128xf32, #tpu.memory_space<vmem>>
    %dma_wait3A_117 = tpu.memref_squeeze %dma_wait3A_116 : memref<80x1x128xf32, #tpu.memory_space<vmem>> -> memref<80x128xf32, #tpu.memory_space<vmem>>
    tpu.wait_dma2 semaphore(%arg20 : memref<!tpu.dma_semaphore, #tpu.memory_space<semaphore_mem>>) src(%dma_wait3A_117 : memref<80x128xf32, #tpu.memory_space<vmem>>) dst(%dma_wait3A_113 : memref<80x128xf32, #tpu.memory_space<hbm>>)
    return
  }
}

module attributes {stable_mosaic.version = 14 : i64} {
  func.func @_xw_body(%arg0: i32, %arg1: memref<2000x128xf32, #tpu.memory_space<vmem>>, %arg2: memref<128x144xf32, #tpu.memory_space<vmem>>, %arg3: memref<2000x2x128xf32, #tpu.memory_space<vmem>>) attributes {dimension_semantics = [#tpu.dimension_semantics<arbitrary>], iteration_bounds = array<i64: 5>, scalar_prefetch = 0 : i64, scratch_operands = 0 : i64, tpu.core_type = #tpu.core_type<tc>, window_params = [{transform_indices = @transform_0, window_bounds = array<i64: 2000, 128>}, {pipeline_mode = #tpu.pipeline_mode<synchronous>, transform_indices = @transform_1, window_bounds = array<i64: 128, 144>}, {transform_indices = @transform_2, window_bounds = array<i64: 2000, 2, 128>}]} {
    %get3A = arith.constant 0 : index
    %get3A_0 = arith.constant 0 : index
    %get3A_1 = vector.load %arg1[%get3A, %get3A_0] : memref<2000x128xf32, #tpu.memory_space<vmem>>, vector<2000x128xf32>
    %get3A_2 = arith.constant 0 : index
    %get3A_3 = arith.constant 0 : index
    %get3A_4 = vector.load %arg2[%get3A_2, %get3A_3] : memref<128x144xf32, #tpu.memory_space<vmem>>, vector<128x144xf32>
    %dot_general3A = arith.constant dense<0.000000e+00> : vector<2000x144xf32>
    %dot_general3A_5 = tpu.matmul %get3A_1, %get3A_4, %dot_general3A {dimension_numbers = #tpu.dot_dimension_numbers<[1], [0], [0], [1], [0, 0, 1, 1], [], []>, transpose_lhs_hint = false} : vector<2000x128xf32>, vector<128x144xf32>, vector<2000x144xf32> -> vector<2000x144xf32>
    %slice3A = vector.extract_strided_slice %dot_general3A_5 {offsets = [0, 0], sizes = [2000, 128], strides = [1, 1]} : vector<2000x144xf32> to vector<2000x128xf32>
    %swap3A = arith.constant 0 : index
    %swap3A_6 = arith.constant 0 : index
    %swap3A_7 = arith.constant 0 : index
    %swap3A_8 = vector.load %arg3[%swap3A, %swap3A_6, %swap3A_7] : memref<2000x2x128xf32, #tpu.memory_space<vmem>>, vector<2000x1x128xf32>
    %swap3A_9 = vector.shape_cast %swap3A_8 : vector<2000x1x128xf32> to vector<2000x128xf32>
    %swap3A_10 = vector.shape_cast %slice3A : vector<2000x128xf32> to vector<2000x1x128xf32>
    tpu.vector_store %arg3[%swap3A, %swap3A_6, %swap3A_7], %swap3A_10 {strides = array<i32>} : memref<2000x2x128xf32, #tpu.memory_space<vmem>>, vector<2000x1x128xf32>,
    %slice3A_11 = vector.extract_strided_slice %dot_general3A_5 {offsets = [0, 128], sizes = [2000, 16], strides = [1, 1]} : vector<2000x144xf32> to vector<2000x16xf32>
    %swap3A_12 = arith.constant 0 : index
    %swap3A_13 = arith.constant 1 : index
    %swap3A_14 = arith.constant 0 : index
    %swap3A_15 = vector.load %arg3[%swap3A_12, %swap3A_13, %swap3A_14] : memref<2000x2x128xf32, #tpu.memory_space<vmem>>, vector<2000x1x16xf32>
    %swap3A_16 = vector.shape_cast %swap3A_15 : vector<2000x1x16xf32> to vector<2000x16xf32>
    %swap3A_17 = vector.shape_cast %slice3A_11 : vector<2000x16xf32> to vector<2000x1x16xf32>
    tpu.vector_store %arg3[%swap3A_12, %swap3A_13, %swap3A_14], %swap3A_17 {strides = array<i32>} : memref<2000x2x128xf32, #tpu.memory_space<vmem>>, vector<2000x1x16xf32>,
    return
  }
  func.func @transform_0(%arg0: i32) -> (i32, i32) {
    %c0_i32 = arith.constant 0 : i32
    %c0_i32_0 = arith.constant 0 : i32
    return %arg0, %c0_i32 : i32, i32
  }
  func.func @transform_1(%arg0: i32) -> (i32, i32) {
    %c0_i32 = arith.constant 0 : i32
    %c0_i32_0 = arith.constant 0 : i32
    %c0_i32_1 = arith.constant 0 : i32
    return %c0_i32, %c0_i32_0 : i32, i32
  }
  func.func @transform_2(%arg0: i32) -> (i32, i32, i32) {
    %c0_i32 = arith.constant 0 : i32
    %c0_i32_0 = arith.constant 0 : i32
    %c0_i32_1 = arith.constant 0 : i32
    return %arg0, %c0_i32, %c0_i32_0 : i32, i32, i32
  }
}

module attributes {stable_mosaic.version = 14 : i64} {
  func.func @_edge_body(%arg0: i32, %arg1: memref<6400x128xf32, #tpu.memory_space<vmem>>, %arg2: memref<6400x128xf32, #tpu.memory_space<vmem>>, %arg3: memref<16x6400xf32, #tpu.memory_space<vmem>>, %arg4: memref<16x144xf32, #tpu.memory_space<vmem>>, %arg5: memref<1x144xf32, #tpu.memory_space<vmem>>, %arg6: memref<144x16xf32, #tpu.memory_space<vmem>>, %arg7: memref<1x16xf32, #tpu.memory_space<vmem>>, %arg8: memref<16x16xf32, #tpu.memory_space<vmem>>, %arg9: memref<1x16xf32, #tpu.memory_space<vmem>>, %arg10: memref<16x16xf32, #tpu.memory_space<vmem>>, %arg11: memref<1x16xf32, #tpu.memory_space<vmem>>, %arg12: memref<1x1xf32, #tpu.memory_space<vmem>>, %arg13: memref<16x6400xf32, #tpu.memory_space<vmem>>, %arg14: memref<6400x128xf32, #tpu.memory_space<vmem>>) attributes {dimension_semantics = [#tpu.dimension_semantics<arbitrary>], iteration_bounds = array<i64: 30>, scalar_prefetch = 0 : i64, scratch_operands = 0 : i64, tpu.core_type = #tpu.core_type<tc>, window_params = [{transform_indices = @transform_0, window_bounds = array<i64: 6400, 128>}, {transform_indices = @transform_1, window_bounds = array<i64: 6400, 128>}, {transform_indices = @transform_2, window_bounds = array<i64: 16, 6400>}, {pipeline_mode = #tpu.pipeline_mode<synchronous>, transform_indices = @transform_3, window_bounds = array<i64: 16, 144>}, {pipeline_mode = #tpu.pipeline_mode<synchronous>, transform_indices = @transform_4, window_bounds = array<i64: 1, 144>}, {pipeline_mode = #tpu.pipeline_mode<synchronous>, transform_indices = @transform_5, window_bounds = array<i64: 144, 16>}, {pipeline_mode = #tpu.pipeline_mode<synchronous>, transform_indices = @transform_6, window_bounds = array<i64: 1, 16>}, {pipeline_mode = #tpu.pipeline_mode<synchronous>, transform_indices = @transform_7, window_bounds = array<i64: 16, 16>}, {pipeline_mode = #tpu.pipeline_mode<synchronous>, transform_indices = @transform_8, window_bounds = array<i64: 1, 16>}, {pipeline_mode = #tpu.pipeline_mode<synchronous>, transform_indices = @transform_9, window_bounds = array<i64: 16, 16>}, {pipeline_mode = #tpu.pipeline_mode<synchronous>, transform_indices = @transform_10, window_bounds = array<i64: 1, 16>}, {pipeline_mode = #tpu.pipeline_mode<synchronous>, transform_indices = @transform_11, window_bounds = array<i64: 1, 1>}, {transform_indices = @transform_12, window_bounds = array<i64: 16, 6400>}, {transform_indices = @transform_13, window_bounds = array<i64: 6400, 128>}]} {
    %get3A = arith.constant 0 : index
    %get3A_0 = arith.constant 0 : index
    %get3A_1 = vector.load %arg3[%get3A, %get3A_0] : memref<16x6400xf32, #tpu.memory_space<vmem>>, vector<16x6400xf32>
    %transpose3A = tpu.transpose %get3A_1, [1, 0] : vector<16x6400xf32> -> vector<6400x16xf32>
    %get3A_2 = arith.constant 0 : index
    %get3A_3 = arith.constant 0 : index
    %get3A_4 = vector.load %arg4[%get3A_2, %get3A_3] : memref<16x144xf32, #tpu.memory_space<vmem>>, vector<16x144xf32>
    %dot_general3A = arith.constant dense<0.000000e+00> : vector<6400x144xf32>
    %dot_general3A_5 = tpu.matmul %transpose3A, %get3A_4, %dot_general3A {dimension_numbers = #tpu.dot_dimension_numbers<[1], [0], [0], [1], [0, 0, 1, 1], [], []>, transpose_lhs_hint = false} : vector<6400x16xf32>, vector<16x144xf32>, vector<6400x144xf32> -> vector<6400x144xf32>
    %get3A_6 = arith.constant 0 : index
    %get3A_7 = arith.constant 0 : index
    %get3A_8 = vector.load %arg5[%get3A_6, %get3A_7] : memref<1x144xf32, #tpu.memory_space<vmem>>, vector<1x144xf32>
    %add3A = vector.broadcast %get3A_8 : vector<1x144xf32> to vector<6400x144xf32>
    %add3A_9 = arith.addf %dot_general3A_5, %add3A : vector<6400x144xf32>
    %get3A_10 = arith.constant 0 : index
    %get3A_11 = arith.constant 0 : index
    %get3A_12 = vector.load %arg1[%get3A_10, %get3A_11] : memref<6400x128xf32, #tpu.memory_space<vmem>>, vector<6400x128xf32>
    %slice3A = vector.extract_strided_slice %add3A_9 {offsets = [0, 0], sizes = [6400, 128], strides = [1, 1]} : vector<6400x144xf32> to vector<6400x128xf32>
    %add3A_13 = arith.addf %get3A_12, %slice3A : vector<6400x128xf32>
    %max3A = arith.constant 0.000000e+00 : f32
    %max3A_14 = vector.broadcast %max3A : f32 to vector<6400x128xf32>
    %max3A_15 = arith.maximumf %add3A_13, %max3A_14 : vector<6400x128xf32>
    %get3A_16 = arith.constant 0 : index
    %get3A_17 = arith.constant 0 : index
    %get3A_18 = vector.load %arg2[%get3A_16, %get3A_17] : memref<6400x128xf32, #tpu.memory_space<vmem>>, vector<6400x16xf32>
    %slice3A_19 = vector.extract_strided_slice %add3A_9 {offsets = [0, 128], sizes = [6400, 16], strides = [1, 1]} : vector<6400x144xf32> to vector<6400x16xf32>
    %add3A_20 = arith.addf %get3A_18, %slice3A_19 : vector<6400x16xf32>
    %max3A_21 = arith.constant 0.000000e+00 : f32
    %max3A_22 = vector.broadcast %max3A_21 : f32 to vector<6400x16xf32>
    %max3A_23 = arith.maximumf %add3A_20, %max3A_22 : vector<6400x16xf32>
    %get3A_24 = arith.constant 0 : index
    %get3A_25 = arith.constant 0 : index
    %get3A_26 = vector.load %arg6[%get3A_24, %get3A_25] : memref<144x16xf32, #tpu.memory_space<vmem>>, vector<128x16xf32>
    %dot_general3A_27 = arith.constant dense<0.000000e+00> : vector<6400x16xf32>
    %dot_general3A_28 = tpu.matmul %max3A_15, %get3A_26, %dot_general3A_27 {dimension_numbers = #tpu.dot_dimension_numbers<[1], [0], [0], [1], [0, 0, 1, 1], [], []>, transpose_lhs_hint = false} : vector<6400x128xf32>, vector<128x16xf32>, vector<6400x16xf32> -> vector<6400x16xf32>
    %get3A_29 = arith.constant 128 : index
    %get3A_30 = arith.constant 0 : index
    %get3A_31 = vector.load %arg6[%get3A_29, %get3A_30] : memref<144x16xf32, #tpu.memory_space<vmem>>, vector<16x16xf32>
    %dot_general3A_32 = arith.constant dense<0.000000e+00> : vector<6400x16xf32>
    %dot_general3A_33 = tpu.matmul %max3A_23, %get3A_31, %dot_general3A_32 {dimension_numbers = #tpu.dot_dimension_numbers<[1], [0], [0], [1], [0, 0, 1, 1], [], []>, transpose_lhs_hint = false} : vector<6400x16xf32>, vector<16x16xf32>, vector<6400x16xf32> -> vector<6400x16xf32>
    %add3A_34 = arith.addf %dot_general3A_28, %dot_general3A_33 : vector<6400x16xf32>
    %get3A_35 = arith.constant 0 : index
    %get3A_36 = arith.constant 0 : index
    %get3A_37 = vector.load %arg7[%get3A_35, %get3A_36] : memref<1x16xf32, #tpu.memory_space<vmem>>, vector<1x16xf32>
    %add3A_38 = vector.broadcast %get3A_37 : vector<1x16xf32> to vector<6400x16xf32>
    %add3A_39 = arith.addf %add3A_34, %add3A_38 : vector<6400x16xf32>
    %get3A_40 = arith.constant 0 : index
    %get3A_41 = arith.constant 0 : index
    %get3A_42 = vector.load %arg12[%get3A_40, %get3A_41] : memref<1x1xf32, #tpu.memory_space<vmem>>, vector<1x1xf32>
    %get3A_43 = vector.extract %get3A_42[0, 0] : f32 from vector<1x1xf32>
    %add3A_44 = arith.constant 1.000000e+00 : f32
    %add3A_45 = arith.addf %add3A_44, %get3A_43 : f32
    %mul3A = vector.broadcast %add3A_45 : f32 to vector<6400x16xf32>
    %mul3A_46 = arith.mulf %mul3A, %transpose3A : vector<6400x16xf32>
    %add3A_47 = arith.addf %mul3A_46, %add3A_39 : vector<6400x16xf32>
    %get3A_48 = arith.constant 0 : index
    %get3A_49 = arith.constant 0 : index
    %get3A_50 = vector.load %arg8[%get3A_48, %get3A_49] : memref<16x16xf32, #tpu.memory_space<vmem>>, vector<16x16xf32>
    %dot_general3A_51 = arith.constant dense<0.000000e+00> : vector<6400x16xf32>
    %dot_general3A_52 = tpu.matmul %add3A_47, %get3A_50, %dot_general3A_51 {dimension_numbers = #tpu.dot_dimension_numbers<[1], [0], [0], [1], [0, 0, 1, 1], [], []>, transpose_lhs_hint = false} : vector<6400x16xf32>, vector<16x16xf32>, vector<6400x16xf32> -> vector<6400x16xf32>
    %get3A_53 = arith.constant 0 : index
    %get3A_54 = arith.constant 0 : index
    %get3A_55 = vector.load %arg9[%get3A_53, %get3A_54] : memref<1x16xf32, #tpu.memory_space<vmem>>, vector<1x16xf32>
    %add3A_56 = vector.broadcast %get3A_55 : vector<1x16xf32> to vector<6400x16xf32>
    %add3A_57 = arith.addf %dot_general3A_52, %add3A_56 : vector<6400x16xf32>
    %max3A_58 = arith.constant 0.000000e+00 : f32
    %max3A_59 = vector.broadcast %max3A_58 : f32 to vector<6400x16xf32>
    %max3A_60 = arith.maximumf %add3A_57, %max3A_59 : vector<6400x16xf32>
    %get3A_61 = arith.constant 0 : index
    %get3A_62 = arith.constant 0 : index
    %get3A_63 = vector.load %arg10[%get3A_61, %get3A_62] : memref<16x16xf32, #tpu.memory_space<vmem>>, vector<16x16xf32>
    %dot_general3A_64 = arith.constant dense<0.000000e+00> : vector<6400x16xf32>
    %dot_general3A_65 = tpu.matmul %max3A_60, %get3A_63, %dot_general3A_64 {dimension_numbers = #tpu.dot_dimension_numbers<[1], [0], [0], [1], [0, 0, 1, 1], [], []>, transpose_lhs_hint = false} : vector<6400x16xf32>, vector<16x16xf32>, vector<6400x16xf32> -> vector<6400x16xf32>
    %get3A_66 = arith.constant 0 : index
    %get3A_67 = arith.constant 0 : index
    %get3A_68 = vector.load %arg11[%get3A_66, %get3A_67] : memref<1x16xf32, #tpu.memory_space<vmem>>, vector<1x16xf32>
    %add3A_69 = vector.broadcast %get3A_68 : vector<1x16xf32> to vector<6400x16xf32>
    %add3A_70 = arith.addf %dot_general3A_65, %add3A_69 : vector<6400x16xf32>
    %transpose3A_71 = tpu.transpose %add3A_70, [1, 0] : vector<6400x16xf32> -> vector<16x6400xf32>
    %swap3A = arith.constant 0 : index
    %swap3A_72 = arith.constant 0 : index
    %swap3A_73 = vector.load %arg13[%swap3A, %swap3A_72] : memref<16x6400xf32, #tpu.memory_space<vmem>>, vector<16x6400xf32>
    tpu.vector_store %arg13[%swap3A, %swap3A_72], %transpose3A_71 {strides = array<i32>} : memref<16x6400xf32, #tpu.memory_space<vmem>>, vector<16x6400xf32>,
    %swap3A_74 = arith.constant 0 : index
    %swap3A_75 = arith.constant 0 : index
    %swap3A_76 = vector.load %arg14[%swap3A_74, %swap3A_75] : memref<6400x128xf32, #tpu.memory_space<vmem>>, vector<6400x16xf32>
    tpu.vector_store %arg14[%swap3A_74, %swap3A_75], %add3A_70 {strides = array<i32>} : memref<6400x128xf32, #tpu.memory_space<vmem>>, vector<6400x16xf32>,
    return
  }
  func.func @transform_0(%arg0: i32) -> (i32, i32) {
    %c0_i32 = arith.constant 0 : i32
    %c0_i32_0 = arith.constant 0 : i32
    return %arg0, %c0_i32 : i32, i32
  }
  func.func @transform_1(%arg0: i32) -> (i32, i32) {
    %c0_i32 = arith.constant 0 : i32
    %c0_i32_0 = arith.constant 0 : i32
    return %arg0, %c0_i32 : i32, i32
  }
  func.func @transform_2(%arg0: i32) -> (i32, i32) {
    %add3A = arith.constant 0 : i32
    %add3A_0 = arith.addi %arg0, %add3A : i32
    %c0_i32 = arith.constant 0 : i32
    %c0_i32_1 = arith.constant 0 : i32
    return %c0_i32, %add3A_0 : i32, i32
  }
  func.func @transform_3(%arg0: i32) -> (i32, i32) {
    %c0_i32 = arith.constant 0 : i32
    %c0_i32_0 = arith.constant 0 : i32
    %c0_i32_1 = arith.constant 0 : i32
    return %c0_i32, %c0_i32_0 : i32, i32
  }
  func.func @transform_4(%arg0: i32) -> (i32, i32) {
    %c0_i32 = arith.constant 0 : i32
    %c0_i32_0 = arith.constant 0 : i32
    %c0_i32_1 = arith.constant 0 : i32
    return %c0_i32, %c0_i32_0 : i32, i32
  }
  func.func @transform_5(%arg0: i32) -> (i32, i32) {
    %c0_i32 = arith.constant 0 : i32
    %c0_i32_0 = arith.constant 0 : i32
    %c0_i32_1 = arith.constant 0 : i32
    return %c0_i32, %c0_i32_0 : i32, i32
  }
  func.func @transform_6(%arg0: i32) -> (i32, i32) {
    %c0_i32 = arith.constant 0 : i32
    %c0_i32_0 = arith.constant 0 : i32
    %c0_i32_1 = arith.constant 0 : i32
    return %c0_i32, %c0_i32_0 : i32, i32
  }
  func.func @transform_7(%arg0: i32) -> (i32, i32) {
    %c0_i32 = arith.constant 0 : i32
    %c0_i32_0 = arith.constant 0 : i32
    %c0_i32_1 = arith.constant 0 : i32
    return %c0_i32, %c0_i32_0 : i32, i32
  }
  func.func @transform_8(%arg0: i32) -> (i32, i32) {
    %c0_i32 = arith.constant 0 : i32
    %c0_i32_0 = arith.constant 0 : i32
    %c0_i32_1 = arith.constant 0 : i32
    return %c0_i32, %c0_i32_0 : i32, i32
  }
  func.func @transform_9(%arg0: i32) -> (i32, i32) {
    %c0_i32 = arith.constant 0 : i32
    %c0_i32_0 = arith.constant 0 : i32
    %c0_i32_1 = arith.constant 0 : i32
    return %c0_i32, %c0_i32_0 : i32, i32
  }
  func.func @transform_10(%arg0: i32) -> (i32, i32) {
    %c0_i32 = arith.constant 0 : i32
    %c0_i32_0 = arith.constant 0 : i32
    %c0_i32_1 = arith.constant 0 : i32
    return %c0_i32, %c0_i32_0 : i32, i32
  }
  func.func @transform_11(%arg0: i32) -> (i32, i32) {
    %c0_i32 = arith.constant 0 : i32
    %c0_i32_0 = arith.constant 0 : i32
    %c0_i32_1 = arith.constant 0 : i32
    return %c0_i32, %c0_i32_0 : i32, i32
  }
  func.func @transform_12(%arg0: i32) -> (i32, i32) {
    %c0_i32 = arith.constant 0 : i32
    %c0_i32_0 = arith.constant 0 : i32
    return %c0_i32, %arg0 : i32, i32
  }
  func.func @transform_13(%arg0: i32) -> (i32, i32) {
    %c0_i32 = arith.constant 0 : i32
    %c0_i32_0 = arith.constant 0 : i32
    return %arg0, %c0_i32 : i32, i32
  }
}

module attributes {stable_mosaic.version = 14 : i64} {
  func.func @_edge_body(%arg0: i32, %arg1: memref<6400x128xf32, #tpu.memory_space<vmem>>, %arg2: memref<6400x128xf32, #tpu.memory_space<vmem>>, %arg3: memref<16x6400xf32, #tpu.memory_space<vmem>>, %arg4: memref<16x144xf32, #tpu.memory_space<vmem>>, %arg5: memref<1x144xf32, #tpu.memory_space<vmem>>, %arg6: memref<144x16xf32, #tpu.memory_space<vmem>>, %arg7: memref<1x16xf32, #tpu.memory_space<vmem>>, %arg8: memref<16x16xf32, #tpu.memory_space<vmem>>, %arg9: memref<1x16xf32, #tpu.memory_space<vmem>>, %arg10: memref<16x16xf32, #tpu.memory_space<vmem>>, %arg11: memref<1x16xf32, #tpu.memory_space<vmem>>, %arg12: memref<1x1xf32, #tpu.memory_space<vmem>>, %arg13: memref<16x6400xf32, #tpu.memory_space<vmem>>, %arg14: memref<6400x128xf32, #tpu.memory_space<vmem>>) attributes {dimension_semantics = [#tpu.dimension_semantics<arbitrary>], iteration_bounds = array<i64: 20>, scalar_prefetch = 0 : i64, scratch_operands = 0 : i64, tpu.core_type = #tpu.core_type<tc>, window_params = [{transform_indices = @transform_0, window_bounds = array<i64: 6400, 128>}, {transform_indices = @transform_1, window_bounds = array<i64: 6400, 128>}, {transform_indices = @transform_2, window_bounds = array<i64: 16, 6400>}, {pipeline_mode = #tpu.pipeline_mode<synchronous>, transform_indices = @transform_3, window_bounds = array<i64: 16, 144>}, {pipeline_mode = #tpu.pipeline_mode<synchronous>, transform_indices = @transform_4, window_bounds = array<i64: 1, 144>}, {pipeline_mode = #tpu.pipeline_mode<synchronous>, transform_indices = @transform_5, window_bounds = array<i64: 144, 16>}, {pipeline_mode = #tpu.pipeline_mode<synchronous>, transform_indices = @transform_6, window_bounds = array<i64: 1, 16>}, {pipeline_mode = #tpu.pipeline_mode<synchronous>, transform_indices = @transform_7, window_bounds = array<i64: 16, 16>}, {pipeline_mode = #tpu.pipeline_mode<synchronous>, transform_indices = @transform_8, window_bounds = array<i64: 1, 16>}, {pipeline_mode = #tpu.pipeline_mode<synchronous>, transform_indices = @transform_9, window_bounds = array<i64: 16, 16>}, {pipeline_mode = #tpu.pipeline_mode<synchronous>, transform_indices = @transform_10, window_bounds = array<i64: 1, 16>}, {pipeline_mode = #tpu.pipeline_mode<synchronous>, transform_indices = @transform_11, window_bounds = array<i64: 1, 1>}, {transform_indices = @transform_12, window_bounds = array<i64: 16, 6400>}, {transform_indices = @transform_13, window_bounds = array<i64: 6400, 128>}]} {
    %get3A = arith.constant 0 : index
    %get3A_0 = arith.constant 0 : index
    %get3A_1 = vector.load %arg3[%get3A, %get3A_0] : memref<16x6400xf32, #tpu.memory_space<vmem>>, vector<16x6400xf32>
    %transpose3A = tpu.transpose %get3A_1, [1, 0] : vector<16x6400xf32> -> vector<6400x16xf32>
    %get3A_2 = arith.constant 0 : index
    %get3A_3 = arith.constant 0 : index
    %get3A_4 = vector.load %arg4[%get3A_2, %get3A_3] : memref<16x144xf32, #tpu.memory_space<vmem>>, vector<16x144xf32>
    %dot_general3A = arith.constant dense<0.000000e+00> : vector<6400x144xf32>
    %dot_general3A_5 = tpu.matmul %transpose3A, %get3A_4, %dot_general3A {dimension_numbers = #tpu.dot_dimension_numbers<[1], [0], [0], [1], [0, 0, 1, 1], [], []>, transpose_lhs_hint = false} : vector<6400x16xf32>, vector<16x144xf32>, vector<6400x144xf32> -> vector<6400x144xf32>
    %get3A_6 = arith.constant 0 : index
    %get3A_7 = arith.constant 0 : index
    %get3A_8 = vector.load %arg5[%get3A_6, %get3A_7] : memref<1x144xf32, #tpu.memory_space<vmem>>, vector<1x144xf32>
    %add3A = vector.broadcast %get3A_8 : vector<1x144xf32> to vector<6400x144xf32>
    %add3A_9 = arith.addf %dot_general3A_5, %add3A : vector<6400x144xf32>
    %get3A_10 = arith.constant 0 : index
    %get3A_11 = arith.constant 0 : index
    %get3A_12 = vector.load %arg1[%get3A_10, %get3A_11] : memref<6400x128xf32, #tpu.memory_space<vmem>>, vector<6400x128xf32>
    %slice3A = vector.extract_strided_slice %add3A_9 {offsets = [0, 0], sizes = [6400, 128], strides = [1, 1]} : vector<6400x144xf32> to vector<6400x128xf32>
    %add3A_13 = arith.addf %get3A_12, %slice3A : vector<6400x128xf32>
    %max3A = arith.constant 0.000000e+00 : f32
    %max3A_14 = vector.broadcast %max3A : f32 to vector<6400x128xf32>
    %max3A_15 = arith.maximumf %add3A_13, %max3A_14 : vector<6400x128xf32>
    %get3A_16 = arith.constant 0 : index
    %get3A_17 = arith.constant 0 : index
    %get3A_18 = vector.load %arg2[%get3A_16, %get3A_17] : memref<6400x128xf32, #tpu.memory_space<vmem>>, vector<6400x16xf32>
    %slice3A_19 = vector.extract_strided_slice %add3A_9 {offsets = [0, 128], sizes = [6400, 16], strides = [1, 1]} : vector<6400x144xf32> to vector<6400x16xf32>
    %add3A_20 = arith.addf %get3A_18, %slice3A_19 : vector<6400x16xf32>
    %max3A_21 = arith.constant 0.000000e+00 : f32
    %max3A_22 = vector.broadcast %max3A_21 : f32 to vector<6400x16xf32>
    %max3A_23 = arith.maximumf %add3A_20, %max3A_22 : vector<6400x16xf32>
    %get3A_24 = arith.constant 0 : index
    %get3A_25 = arith.constant 0 : index
    %get3A_26 = vector.load %arg6[%get3A_24, %get3A_25] : memref<144x16xf32, #tpu.memory_space<vmem>>, vector<128x16xf32>
    %dot_general3A_27 = arith.constant dense<0.000000e+00> : vector<6400x16xf32>
    %dot_general3A_28 = tpu.matmul %max3A_15, %get3A_26, %dot_general3A_27 {dimension_numbers = #tpu.dot_dimension_numbers<[1], [0], [0], [1], [0, 0, 1, 1], [], []>, transpose_lhs_hint = false} : vector<6400x128xf32>, vector<128x16xf32>, vector<6400x16xf32> -> vector<6400x16xf32>
    %get3A_29 = arith.constant 128 : index
    %get3A_30 = arith.constant 0 : index
    %get3A_31 = vector.load %arg6[%get3A_29, %get3A_30] : memref<144x16xf32, #tpu.memory_space<vmem>>, vector<16x16xf32>
    %dot_general3A_32 = arith.constant dense<0.000000e+00> : vector<6400x16xf32>
    %dot_general3A_33 = tpu.matmul %max3A_23, %get3A_31, %dot_general3A_32 {dimension_numbers = #tpu.dot_dimension_numbers<[1], [0], [0], [1], [0, 0, 1, 1], [], []>, transpose_lhs_hint = false} : vector<6400x16xf32>, vector<16x16xf32>, vector<6400x16xf32> -> vector<6400x16xf32>
    %add3A_34 = arith.addf %dot_general3A_28, %dot_general3A_33 : vector<6400x16xf32>
    %get3A_35 = arith.constant 0 : index
    %get3A_36 = arith.constant 0 : index
    %get3A_37 = vector.load %arg7[%get3A_35, %get3A_36] : memref<1x16xf32, #tpu.memory_space<vmem>>, vector<1x16xf32>
    %add3A_38 = vector.broadcast %get3A_37 : vector<1x16xf32> to vector<6400x16xf32>
    %add3A_39 = arith.addf %add3A_34, %add3A_38 : vector<6400x16xf32>
    %get3A_40 = arith.constant 0 : index
    %get3A_41 = arith.constant 0 : index
    %get3A_42 = vector.load %arg12[%get3A_40, %get3A_41] : memref<1x1xf32, #tpu.memory_space<vmem>>, vector<1x1xf32>
    %get3A_43 = vector.extract %get3A_42[0, 0] : f32 from vector<1x1xf32>
    %add3A_44 = arith.constant 1.000000e+00 : f32
    %add3A_45 = arith.addf %add3A_44, %get3A_43 : f32
    %mul3A = vector.broadcast %add3A_45 : f32 to vector<6400x16xf32>
    %mul3A_46 = arith.mulf %mul3A, %transpose3A : vector<6400x16xf32>
    %add3A_47 = arith.addf %mul3A_46, %add3A_39 : vector<6400x16xf32>
    %get3A_48 = arith.constant 0 : index
    %get3A_49 = arith.constant 0 : index
    %get3A_50 = vector.load %arg8[%get3A_48, %get3A_49] : memref<16x16xf32, #tpu.memory_space<vmem>>, vector<16x16xf32>
    %dot_general3A_51 = arith.constant dense<0.000000e+00> : vector<6400x16xf32>
    %dot_general3A_52 = tpu.matmul %add3A_47, %get3A_50, %dot_general3A_51 {dimension_numbers = #tpu.dot_dimension_numbers<[1], [0], [0], [1], [0, 0, 1, 1], [], []>, transpose_lhs_hint = false} : vector<6400x16xf32>, vector<16x16xf32>, vector<6400x16xf32> -> vector<6400x16xf32>
    %get3A_53 = arith.constant 0 : index
    %get3A_54 = arith.constant 0 : index
    %get3A_55 = vector.load %arg9[%get3A_53, %get3A_54] : memref<1x16xf32, #tpu.memory_space<vmem>>, vector<1x16xf32>
    %add3A_56 = vector.broadcast %get3A_55 : vector<1x16xf32> to vector<6400x16xf32>
    %add3A_57 = arith.addf %dot_general3A_52, %add3A_56 : vector<6400x16xf32>
    %max3A_58 = arith.constant 0.000000e+00 : f32
    %max3A_59 = vector.broadcast %max3A_58 : f32 to vector<6400x16xf32>
    %max3A_60 = arith.maximumf %add3A_57, %max3A_59 : vector<6400x16xf32>
    %get3A_61 = arith.constant 0 : index
    %get3A_62 = arith.constant 0 : index
    %get3A_63 = vector.load %arg10[%get3A_61, %get3A_62] : memref<16x16xf32, #tpu.memory_space<vmem>>, vector<16x16xf32>
    %dot_general3A_64 = arith.constant dense<0.000000e+00> : vector<6400x16xf32>
    %dot_general3A_65 = tpu.matmul %max3A_60, %get3A_63, %dot_general3A_64 {dimension_numbers = #tpu.dot_dimension_numbers<[1], [0], [0], [1], [0, 0, 1, 1], [], []>, transpose_lhs_hint = false} : vector<6400x16xf32>, vector<16x16xf32>, vector<6400x16xf32> -> vector<6400x16xf32>
    %get3A_66 = arith.constant 0 : index
    %get3A_67 = arith.constant 0 : index
    %get3A_68 = vector.load %arg11[%get3A_66, %get3A_67] : memref<1x16xf32, #tpu.memory_space<vmem>>, vector<1x16xf32>
    %add3A_69 = vector.broadcast %get3A_68 : vector<1x16xf32> to vector<6400x16xf32>
    %add3A_70 = arith.addf %dot_general3A_65, %add3A_69 : vector<6400x16xf32>
    %transpose3A_71 = tpu.transpose %add3A_70, [1, 0] : vector<6400x16xf32> -> vector<16x6400xf32>
    %swap3A = arith.constant 0 : index
    %swap3A_72 = arith.constant 0 : index
    %swap3A_73 = vector.load %arg13[%swap3A, %swap3A_72] : memref<16x6400xf32, #tpu.memory_space<vmem>>, vector<16x6400xf32>
    tpu.vector_store %arg13[%swap3A, %swap3A_72], %transpose3A_71 {strides = array<i32>} : memref<16x6400xf32, #tpu.memory_space<vmem>>, vector<16x6400xf32>,
    %swap3A_74 = arith.constant 0 : index
    %swap3A_75 = arith.constant 0 : index
    %swap3A_76 = vector.load %arg14[%swap3A_74, %swap3A_75] : memref<6400x128xf32, #tpu.memory_space<vmem>>, vector<6400x16xf32>
    tpu.vector_store %arg14[%swap3A_74, %swap3A_75], %add3A_70 {strides = array<i32>} : memref<6400x128xf32, #tpu.memory_space<vmem>>, vector<6400x16xf32>,
    return
  }
  func.func @transform_0(%arg0: i32) -> (i32, i32) {
    %c0_i32 = arith.constant 0 : i32
    %c0_i32_0 = arith.constant 0 : i32
    return %arg0, %c0_i32 : i32, i32
  }
  func.func @transform_1(%arg0: i32) -> (i32, i32) {
    %c0_i32 = arith.constant 0 : i32
    %c0_i32_0 = arith.constant 0 : i32
    return %arg0, %c0_i32 : i32, i32
  }
  func.func @transform_2(%arg0: i32) -> (i32, i32) {
    %add3A = arith.constant 30 : i32
    %add3A_0 = arith.addi %arg0, %add3A : i32
    %c0_i32 = arith.constant 0 : i32
    %c0_i32_1 = arith.constant 0 : i32
    return %c0_i32, %add3A_0 : i32, i32
  }
  func.func @transform_3(%arg0: i32) -> (i32, i32) {
    %c0_i32 = arith.constant 0 : i32
    %c0_i32_0 = arith.constant 0 : i32
    %c0_i32_1 = arith.constant 0 : i32
    return %c0_i32, %c0_i32_0 : i32, i32
  }
  func.func @transform_4(%arg0: i32) -> (i32, i32) {
    %c0_i32 = arith.constant 0 : i32
    %c0_i32_0 = arith.constant 0 : i32
    %c0_i32_1 = arith.constant 0 : i32
    return %c0_i32, %c0_i32_0 : i32, i32
  }
  func.func @transform_5(%arg0: i32) -> (i32, i32) {
    %c0_i32 = arith.constant 0 : i32
    %c0_i32_0 = arith.constant 0 : i32
    %c0_i32_1 = arith.constant 0 : i32
    return %c0_i32, %c0_i32_0 : i32, i32
  }
  func.func @transform_6(%arg0: i32) -> (i32, i32) {
    %c0_i32 = arith.constant 0 : i32
    %c0_i32_0 = arith.constant 0 : i32
    %c0_i32_1 = arith.constant 0 : i32
    return %c0_i32, %c0_i32_0 : i32, i32
  }
  func.func @transform_7(%arg0: i32) -> (i32, i32) {
    %c0_i32 = arith.constant 0 : i32
    %c0_i32_0 = arith.constant 0 : i32
    %c0_i32_1 = arith.constant 0 : i32
    return %c0_i32, %c0_i32_0 : i32, i32
  }
  func.func @transform_8(%arg0: i32) -> (i32, i32) {
    %c0_i32 = arith.constant 0 : i32
    %c0_i32_0 = arith.constant 0 : i32
    %c0_i32_1 = arith.constant 0 : i32
    return %c0_i32, %c0_i32_0 : i32, i32
  }
  func.func @transform_9(%arg0: i32) -> (i32, i32) {
    %c0_i32 = arith.constant 0 : i32
    %c0_i32_0 = arith.constant 0 : i32
    %c0_i32_1 = arith.constant 0 : i32
    return %c0_i32, %c0_i32_0 : i32, i32
  }
  func.func @transform_10(%arg0: i32) -> (i32, i32) {
    %c0_i32 = arith.constant 0 : i32
    %c0_i32_0 = arith.constant 0 : i32
    %c0_i32_1 = arith.constant 0 : i32
    return %c0_i32, %c0_i32_0 : i32, i32
  }
  func.func @transform_11(%arg0: i32) -> (i32, i32) {
    %c0_i32 = arith.constant 0 : i32
    %c0_i32_0 = arith.constant 0 : i32
    %c0_i32_1 = arith.constant 0 : i32
    return %c0_i32, %c0_i32_0 : i32, i32
  }
  func.func @transform_12(%arg0: i32) -> (i32, i32) {
    %c0_i32 = arith.constant 0 : i32
    %c0_i32_0 = arith.constant 0 : i32
    return %c0_i32, %arg0 : i32, i32
  }
  func.func @transform_13(%arg0: i32) -> (i32, i32) {
    %c0_i32 = arith.constant 0 : i32
    %c0_i32_0 = arith.constant 0 : i32
    return %arg0, %c0_i32 : i32, i32
  }
}

module attributes {stable_mosaic.version = 14 : i64} {
  func.func @_node_body(%arg0: i32, %arg1: memref<2x2000x16xf32, #tpu.memory_space<vmem>>, %arg2: memref<2000x128xf32, #tpu.memory_space<vmem>>, %arg3: memref<2000x1xf32, #tpu.memory_space<vmem>>, %arg4: memref<16x128xf32, #tpu.memory_space<vmem>>, %arg5: memref<1x128xf32, #tpu.memory_space<vmem>>, %arg6: memref<128x128xf32, #tpu.memory_space<vmem>>, %arg7: memref<1x128xf32, #tpu.memory_space<vmem>>, %arg8: memref<128x128xf32, #tpu.memory_space<vmem>>, %arg9: memref<1x128xf32, #tpu.memory_space<vmem>>, %arg10: memref<128x128xf32, #tpu.memory_space<vmem>>, %arg11: memref<1x128xf32, #tpu.memory_space<vmem>>, %arg12: memref<1x1xf32, #tpu.memory_space<vmem>>, %arg13: memref<2000x128xf32, #tpu.memory_space<vmem>>) attributes {dimension_semantics = [#tpu.dimension_semantics<arbitrary>], iteration_bounds = array<i64: 5>, scalar_prefetch = 0 : i64, scratch_operands = 0 : i64, tpu.core_type = #tpu.core_type<tc>, window_params = [{transform_indices = @transform_0, window_bounds = array<i64: 2, 2000, 16>}, {transform_indices = @transform_1, window_bounds = array<i64: 2000, 128>}, {transform_indices = @transform_2, window_bounds = array<i64: 2000, 1>}, {pipeline_mode = #tpu.pipeline_mode<synchronous>, transform_indices = @transform_3, window_bounds = array<i64: 16, 128>}, {pipeline_mode = #tpu.pipeline_mode<synchronous>, transform_indices = @transform_4, window_bounds = array<i64: 1, 128>}, {pipeline_mode = #tpu.pipeline_mode<synchronous>, transform_indices = @transform_5, window_bounds = array<i64: 128, 128>}, {pipeline_mode = #tpu.pipeline_mode<synchronous>, transform_indices = @transform_6, window_bounds = array<i64: 1, 128>}, {pipeline_mode = #tpu.pipeline_mode<synchronous>, transform_indices = @transform_7, window_bounds = array<i64: 128, 128>}, {pipeline_mode = #tpu.pipeline_mode<synchronous>, transform_indices = @transform_8, window_bounds = array<i64: 1, 128>}, {pipeline_mode = #tpu.pipeline_mode<synchronous>, transform_indices = @transform_9, window_bounds = array<i64: 128, 128>}, {pipeline_mode = #tpu.pipeline_mode<synchronous>, transform_indices = @transform_10, window_bounds = array<i64: 1, 128>}, {pipeline_mode = #tpu.pipeline_mode<synchronous>, transform_indices = @transform_11, window_bounds = array<i64: 1, 1>}, {transform_indices = @transform_12, window_bounds = array<i64: 2000, 128>}]} {
    %get3A = arith.constant 0 : index
    %get3A_0 = arith.constant 0 : index
    %get3A_1 = arith.constant 0 : index
    %get3A_2 = vector.load %arg1[%get3A, %get3A_0, %get3A_1] : memref<2x2000x16xf32, #tpu.memory_space<vmem>>, vector<1x2000x16xf32>
    %get3A_3 = vector.shape_cast %get3A_2 : vector<1x2000x16xf32> to vector<2000x16xf32>
    %get3A_4 = arith.constant 1 : index
    %get3A_5 = arith.constant 0 : index
    %get3A_6 = arith.constant 0 : index
    %get3A_7 = vector.load %arg1[%get3A_4, %get3A_5, %get3A_6] : memref<2x2000x16xf32, #tpu.memory_space<vmem>>, vector<1x2000x16xf32>
    %get3A_8 = vector.shape_cast %get3A_7 : vector<1x2000x16xf32> to vector<2000x16xf32>
    %add3A = arith.addf %get3A_3, %get3A_8 : vector<2000x16xf32>
    %get3A_9 = arith.constant 0 : index
    %get3A_10 = arith.constant 0 : index
    %get3A_11 = vector.load %arg2[%get3A_9, %get3A_10] : memref<2000x128xf32, #tpu.memory_space<vmem>>, vector<2000x128xf32>
    %get3A_12 = arith.constant 0 : index
    %get3A_13 = arith.constant 0 : index
    %get3A_14 = vector.load %arg4[%get3A_12, %get3A_13] : memref<16x128xf32, #tpu.memory_space<vmem>>, vector<16x128xf32>
    %dot_general3A = arith.constant dense<0.000000e+00> : vector<2000x128xf32>
    %dot_general3A_15 = tpu.matmul %add3A, %get3A_14, %dot_general3A {dimension_numbers = #tpu.dot_dimension_numbers<[1], [0], [0], [1], [0, 0, 1, 1], [], []>, transpose_lhs_hint = false} : vector<2000x16xf32>, vector<16x128xf32>, vector<2000x128xf32> -> vector<2000x128xf32>
    %get3A_16 = arith.constant 0 : index
    %get3A_17 = arith.constant 0 : index
    %get3A_18 = vector.load %arg5[%get3A_16, %get3A_17] : memref<1x128xf32, #tpu.memory_space<vmem>>, vector<1x128xf32>
    %add3A_19 = vector.broadcast %get3A_18 : vector<1x128xf32> to vector<2000x128xf32>
    %add3A_20 = arith.addf %dot_general3A_15, %add3A_19 : vector<2000x128xf32>
    %max3A = arith.constant 0.000000e+00 : f32
    %max3A_21 = vector.broadcast %max3A : f32 to vector<2000x128xf32>
    %max3A_22 = arith.maximumf %add3A_20, %max3A_21 : vector<2000x128xf32>
    %get3A_23 = arith.constant 0 : index
    %get3A_24 = arith.constant 0 : index
    %get3A_25 = vector.load %arg6[%get3A_23, %get3A_24] : memref<128x128xf32, #tpu.memory_space<vmem>>, vector<128x128xf32>
    %dot_general3A_26 = arith.constant dense<0.000000e+00> : vector<2000x128xf32>
    %dot_general3A_27 = tpu.matmul %max3A_22, %get3A_25, %dot_general3A_26 {dimension_numbers = #tpu.dot_dimension_numbers<[1], [0], [0], [1], [0, 0, 1, 1], [], []>, transpose_lhs_hint = false} : vector<2000x128xf32>, vector<128x128xf32>, vector<2000x128xf32> -> vector<2000x128xf32>
    %get3A_28 = arith.constant 0 : index
    %get3A_29 = arith.constant 0 : index
    %get3A_30 = vector.load %arg7[%get3A_28, %get3A_29] : memref<1x128xf32, #tpu.memory_space<vmem>>, vector<1x128xf32>
    %add3A_31 = vector.broadcast %get3A_30 : vector<1x128xf32> to vector<2000x128xf32>
    %add3A_32 = arith.addf %dot_general3A_27, %add3A_31 : vector<2000x128xf32>
    %get3A_33 = arith.constant 0 : index
    %get3A_34 = arith.constant 0 : index
    %get3A_35 = vector.load %arg3[%get3A_33, %get3A_34] : memref<2000x1xf32, #tpu.memory_space<vmem>>, vector<2000x1xf32>
    %mul3A = vector.broadcast %get3A_35 : vector<2000x1xf32> to vector<2000x128xf32>
    %mul3A_36 = arith.mulf %get3A_11, %mul3A : vector<2000x128xf32>
    %sub3A = arith.subf %add3A_32, %mul3A_36 : vector<2000x128xf32>
    %get3A_37 = arith.constant 0 : index
    %get3A_38 = arith.constant 0 : index
    %get3A_39 = vector.load %arg12[%get3A_37, %get3A_38] : memref<1x1xf32, #tpu.memory_space<vmem>>, vector<1x1xf32>
    %get3A_40 = vector.extract %get3A_39[0, 0] : f32 from vector<1x1xf32>
    %add3A_41 = arith.constant 1.000000e+00 : f32
    %add3A_42 = arith.addf %add3A_41, %get3A_40 : f32
    %mul3A_43 = vector.broadcast %add3A_42 : f32 to vector<2000x128xf32>
    %mul3A_44 = arith.mulf %mul3A_43, %get3A_11 : vector<2000x128xf32>
    %add3A_45 = arith.addf %mul3A_44, %sub3A : vector<2000x128xf32>
    %get3A_46 = arith.constant 0 : index
    %get3A_47 = arith.constant 0 : index
    %get3A_48 = vector.load %arg8[%get3A_46, %get3A_47] : memref<128x128xf32, #tpu.memory_space<vmem>>, vector<128x128xf32>
    %dot_general3A_49 = arith.constant dense<0.000000e+00> : vector<2000x128xf32>
    %dot_general3A_50 = tpu.matmul %add3A_45, %get3A_48, %dot_general3A_49 {dimension_numbers = #tpu.dot_dimension_numbers<[1], [0], [0], [1], [0, 0, 1, 1], [], []>, transpose_lhs_hint = false} : vector<2000x128xf32>, vector<128x128xf32>, vector<2000x128xf32> -> vector<2000x128xf32>
    %get3A_51 = arith.constant 0 : index
    %get3A_52 = arith.constant 0 : index
    %get3A_53 = vector.load %arg9[%get3A_51, %get3A_52] : memref<1x128xf32, #tpu.memory_space<vmem>>, vector<1x128xf32>
    %add3A_54 = vector.broadcast %get3A_53 : vector<1x128xf32> to vector<2000x128xf32>
    %add3A_55 = arith.addf %dot_general3A_50, %add3A_54 : vector<2000x128xf32>
    %max3A_56 = arith.constant 0.000000e+00 : f32
    %max3A_57 = vector.broadcast %max3A_56 : f32 to vector<2000x128xf32>
    %max3A_58 = arith.maximumf %add3A_55, %max3A_57 : vector<2000x128xf32>
    %get3A_59 = arith.constant 0 : index
    %get3A_60 = arith.constant 0 : index
    %get3A_61 = vector.load %arg10[%get3A_59, %get3A_60] : memref<128x128xf32, #tpu.memory_space<vmem>>, vector<128x128xf32>
    %dot_general3A_62 = arith.constant dense<0.000000e+00> : vector<2000x128xf32>
    %dot_general3A_63 = tpu.matmul %max3A_58, %get3A_61, %dot_general3A_62 {dimension_numbers = #tpu.dot_dimension_numbers<[1], [0], [0], [1], [0, 0, 1, 1], [], []>, transpose_lhs_hint = false} : vector<2000x128xf32>, vector<128x128xf32>, vector<2000x128xf32> -> vector<2000x128xf32>
    %get3A_64 = arith.constant 0 : index
    %get3A_65 = arith.constant 0 : index
    %get3A_66 = vector.load %arg11[%get3A_64, %get3A_65] : memref<1x128xf32, #tpu.memory_space<vmem>>, vector<1x128xf32>
    %add3A_67 = vector.broadcast %get3A_66 : vector<1x128xf32> to vector<2000x128xf32>
    %add3A_68 = arith.addf %dot_general3A_63, %add3A_67 : vector<2000x128xf32>
    %swap3A = arith.constant 0 : index
    %swap3A_69 = arith.constant 0 : index
    %swap3A_70 = vector.load %arg13[%swap3A, %swap3A_69] : memref<2000x128xf32, #tpu.memory_space<vmem>>, vector<2000x128xf32>
    tpu.vector_store %arg13[%swap3A, %swap3A_69], %add3A_68 {strides = array<i32>} : memref<2000x128xf32, #tpu.memory_space<vmem>>, vector<2000x128xf32>,
    return
  }
  func.func @transform_0(%arg0: i32) -> (i32, i32, i32) {
    %c0_i32 = arith.constant 0 : i32
    %c0_i32_0 = arith.constant 0 : i32
    %c0_i32_1 = arith.constant 0 : i32
    return %c0_i32, %arg0, %c0_i32_0 : i32, i32, i32
  }
  func.func @transform_1(%arg0: i32) -> (i32, i32) {
    %c0_i32 = arith.constant 0 : i32
    %c0_i32_0 = arith.constant 0 : i32
    return %arg0, %c0_i32 : i32, i32
  }
  func.func @transform_2(%arg0: i32) -> (i32, i32) {
    %c0_i32 = arith.constant 0 : i32
    %c0_i32_0 = arith.constant 0 : i32
    return %arg0, %c0_i32 : i32, i32
  }
  func.func @transform_3(%arg0: i32) -> (i32, i32) {
    %c0_i32 = arith.constant 0 : i32
    %c0_i32_0 = arith.constant 0 : i32
    %c0_i32_1 = arith.constant 0 : i32
    return %c0_i32, %c0_i32_0 : i32, i32
  }
  func.func @transform_4(%arg0: i32) -> (i32, i32) {
    %c0_i32 = arith.constant 0 : i32
    %c0_i32_0 = arith.constant 0 : i32
    %c0_i32_1 = arith.constant 0 : i32
    return %c0_i32, %c0_i32_0 : i32, i32
  }
  func.func @transform_5(%arg0: i32) -> (i32, i32) {
    %c0_i32 = arith.constant 0 : i32
    %c0_i32_0 = arith.constant 0 : i32
    %c0_i32_1 = arith.constant 0 : i32
    return %c0_i32, %c0_i32_0 : i32, i32
  }
  func.func @transform_6(%arg0: i32) -> (i32, i32) {
    %c0_i32 = arith.constant 0 : i32
    %c0_i32_0 = arith.constant 0 : i32
    %c0_i32_1 = arith.constant 0 : i32
    return %c0_i32, %c0_i32_0 : i32, i32
  }
  func.func @transform_7(%arg0: i32) -> (i32, i32) {
    %c0_i32 = arith.constant 0 : i32
    %c0_i32_0 = arith.constant 0 : i32
    %c0_i32_1 = arith.constant 0 : i32
    return %c0_i32, %c0_i32_0 : i32, i32
  }
  func.func @transform_8(%arg0: i32) -> (i32, i32) {
    %c0_i32 = arith.constant 0 : i32
    %c0_i32_0 = arith.constant 0 : i32
    %c0_i32_1 = arith.constant 0 : i32
    return %c0_i32, %c0_i32_0 : i32, i32
  }
  func.func @transform_9(%arg0: i32) -> (i32, i32) {
    %c0_i32 = arith.constant 0 : i32
    %c0_i32_0 = arith.constant 0 : i32
    %c0_i32_1 = arith.constant 0 : i32
    return %c0_i32, %c0_i32_0 : i32, i32
  }
  func.func @transform_10(%arg0: i32) -> (i32, i32) {
    %c0_i32 = arith.constant 0 : i32
    %c0_i32_0 = arith.constant 0 : i32
    %c0_i32_1 = arith.constant 0 : i32
    return %c0_i32, %c0_i32_0 : i32, i32
  }
  func.func @transform_11(%arg0: i32) -> (i32, i32) {
    %c0_i32 = arith.constant 0 : i32
    %c0_i32_0 = arith.constant 0 : i32
    %c0_i32_1 = arith.constant 0 : i32
    return %c0_i32, %c0_i32_0 : i32, i32
  }
  func.func @transform_12(%arg0: i32) -> (i32, i32) {
    %c0_i32 = arith.constant 0 : i32
    %c0_i32_0 = arith.constant 0 : i32
    return %arg0, %c0_i32 : i32, i32
  }
}

</mosaic_0001>

<sc_bundles>
// kernel: kernel.12.cloned.1.call-start
scs
__scs_entry_jumppad:
0x0: {  	(pc) =	sbr.rel $0x88, $3  }
0x1: {  	(tag) =	ssettag $0x0;
	lr =	simm.s32 $0x1  }
0x2: {  	[smem:$0x3F8B] =	sst lr;
	_ =	strace $0xD0000000  }
0x3: {  	_ = 	snop  }
0x4: {  	_ = 	snop  }
0x5: {  	_ = 	snop  }
0x6: {  	_ = 	snop  }
0x7: {  	_ = 	snop  }
__scs_overlays_trampoline_lowered:
0x8: {  	[smem:$0x3F9A] =	sst s0  }
0x9: {  	[smem:$0x3F9B] =	sst s1  }
0xa: {  	[smem:$0x3F9C] =	sst s2  }
0xb: {  	[smem:$0x3F9D] =	sst s3  }
0xc: {  	[smem:$0x3F9E] =	sst s4  }
0xd: {  	[smem:$0x3F9F] =	sst s5  }
0xe: {  	[smem:$0x3FA0] =	sst s6  }
0xf: {  	[smem:$0x3FA1] =	sst s7  }
0x10: {  	[smem:$0x3FA2] =	sst s8  }
0x11: {  	[smem:$0x3FA3] =	sst s9;
	s0 =	simm.s32 @!p0 $0x0  }
0x12: {  	s1 =	sld [smem:$0x3F89];
	s0 =	simm.s32 @p0 $0x1  }
0x13: {  	[smem:$0x3FA4] =	sst s0;
	s0 =	simm.s32 @!p1 $0x0  }
0x14: {  	s2 =	sld [smem:$0x3F88];
	s0 =	simm.s32 @p1 $0x1  }
0x15: {  	[smem:$0x3FA5] =	sst s0;
	s0 =	simm.s32 @!p2 $0x0  }
0x16: {  	s3 =	sld [smem:$0x3FDB];
	s0 =	simm.s32 @p2 $0x1  }
0x17: {  	s4 =	simm.s32 $0x1BF5;
	[smem:$0x3FA7] =	sst s0  }
0x18: {  	s0 =	sld [smem:$0x3F8A];
	_ =	swait.ge [sflag:s4], $0x0  }
0x19: {  	s7 =	sld [smem:$0x3F8B]  }
0x1a: {  	s8 =	sadd.s32 $0xFFFFE003, lr  }
0x1b: {  	s9 =	sadd.s32 $0xFFFFFEF7, lr;
	s5 =	simm.s32 $0xFFFFFFFF;
	p2 =	slt.u32 s8, $0xFFFFF086  }
0x1c: {  	p1 =	slt.u32 s9, $0xF7A;
	s5 =	simm.s32 @!p2 $0x0  }
0x1d: {  	s5 =	simm.s32 @p1 $0x1;
	p0 =	seq.s32 s7, s2  }
0x1e: {  	s7 =	smul.u32 @!p0 $0xF7A, s2;
	p2 =	seq.s32 @!p0 s5, $0x0  }
0x1f: {  	s9 =	smul.u32 $0xF7A, s1;
	s8 =	simm.s32 @!p0 $0x1BF5;
	p2 =	por !p2, p0  }
0x20: {  	[sflag:s8] =	ssyncset.s32 @!p0 $0xFFFFF086;
	s6 =	sadd.s32 @!p0 s3, s7;
	s7 =	simm.s32 @!p0 $0x108  }
0x21: {  	s3 =	sadd.s32 s3, s9;
	s6 =	sadd.s32 @!p0 $0x88, s6;
	s7 =	simm.s32 @p2 $0x1082  }
0x22: {  	[simem:s7], [sflag:s8] =	dma.local @!p0 [hbm:s6], $0xF7A  }
0x23: {  	s9 =	sor.u32 $0xD0000000, s2;
	s6 =	simm.s32 $0x108;
	_ =	swait.ge @!p0 [sflag:s8], $0x0  }
0x24: {  	s3 =	sadd.s32 $0x88, s3;
	s6 =	simm.s32 @!p1 $0x1082;
	[sflag:s4] =	ssyncset.s32 $0xFFFFF086  }
0x25: {  	[simem:s6], [sflag:s4] =	dma.local [hbm:s3], $0xF7A  }
0x26: {  	[smem:$0x3F8B] =	sst s1;
	(tag) =	ssettag s2;
	_ =	strace s9  }
0x27: {  	s1 =	sld [smem:$0x3F9B]  }
0x28: {  	s2 =	sld [smem:$0x3F9C]  }
0x29: {  	s4 =	sld [smem:$0x3F9E]  }
0x2a: {  	p0 =	seq.s32 s5, $0x0;
	s5 =	sld [smem:$0x3F9F]  }
0x2b: {  	s6 =	sld [smem:$0x3FA0]  }
0x2c: {  	s7 =	sld [smem:$0x3FA1]  }
0x2d: {  	s3 =	simm.s32 $0x108;
	s8 =	sld [smem:$0x3FA2]  }
0x2e: {  	s3 =	simm.s32 @!p0 $0x1082;
	s9 =	sld [smem:$0x3FA3]  }
0x2f: {  	lr =	sadd.s32 s0, s3;
	s0 =	sld [smem:$0x3F9A]  }
0x30: {  	s3 =	sld [smem:$0x3F9D]  }
0x31: {  	[smem:$0x3FA6] =	sst s10  }
0x32: {  	s10 =	sld [smem:$0x3FA4];
	_ =	sdelay $0x3  }
0x33: {  	p0 =	seq.s32 s10, $0x1;
	s10 =	sld [smem:$0x3FA6];
	_ =	sdelay $0x3  }
0x34: {  	[smem:$0x3FA6] =	sst s10  }
0x35: {  	s10 =	sld [smem:$0x3FA5];
	_ =	sdelay $0x3  }
0x36: {  	p1 =	seq.s32 s10, $0x1;
	s10 =	sld [smem:$0x3FA6];
	_ =	sdelay $0x3  }
0x37: {  	[smem:$0x3FA6] =	sst s10  }
0x38: {  	s10 =	sld [smem:$0x3FA7]  }
0x39: {  	_ = 	snop;
	(pc) =	sbr.ind lr, $3  }
0x3a: {  	_ = 	snop  }
0x3b: {  	_ = 	snop  }
0x3c: {  	p2 =	seq.s32 s10, $0x1;
	s10 =	sld [smem:$0x3FA6]  }
0x3d: {  	_ =	shalt  }
0x3e: {  	_ =	shalt  }
0x3f: {  	_ =	shalt  }
0x40: {  	_ =	shalt  }
0x41: {  	_ =	shalt  }
0x42: {  	_ =	shalt  }
0x43: {  	_ =	shalt  }
0x44: {  	_ =	shalt  }
0x45: {  	_ =	shalt  }
0x46: {  	_ =	shalt  }
0x47: {  	_ =	shalt  }
0x48: {  	_ =	shalt  }
0x49: {  	_ =	shalt  }
0x4a: {  	_ =	shalt  }
0x4b: {  	_ =	shalt  }
0x4c: {  	_ =	shalt  }
0x4d: {  	_ =	shalt  }
0x4e: {  	_ =	shalt  }
0x4f: {  	_ =	shalt  }
0x50: {  	_ =	shalt  }
0x51: {  	_ =	shalt  }
0x52: {  	_ =	shalt  }
0x53: {  	_ =	shalt  }
0x54: {  	_ =	shalt  }
0x55: {  	_ =	shalt  }
0x56: {  	_ =	shalt  }
0x57: {  	_ =	shalt  }
0x58: {  	_ =	shalt  }
0x59: {  	_ =	shalt  }
0x5a: {  	_ =	shalt  }
0x5b: {  	_ =	shalt  }
0x5c: {  	_ =	shalt  }
0x5d: {  	_ =	shalt  }
0x5e: {  	_ =	shalt  }
0x5f: {  	_ =	shalt  }
0x60: {  	_ =	shalt  }
0x61: {  	_ =	shalt  }
0x62: {  	_ =	shalt  }
0x63: {  	_ =	shalt  }
0x64: {  	_ =	shalt  }
0x65: {  	_ =	shalt  }
0x66: {  	_ =	shalt  }
0x67: {  	_ =	shalt  }
0x68: {  	_ =	shalt  }
0x69: {  	_ =	shalt  }
0x6a: {  	_ =	shalt  }
0x6b: {  	_ =	shalt  }
0x6c: {  	_ =	shalt  }
0x6d: {  	_ =	shalt  }
0x6e: {  	_ =	shalt  }
0x6f: {  	_ =	shalt  }
0x70: {  	_ =	shalt  }
0x71: {  	_ =	shalt  }
0x72: {  	_ =	shalt  }
0x73: {  	_ =	shalt  }
0x74: {  	_ =	shalt  }
0x75: {  	_ =	shalt  }
0x76: {  	_ =	shalt  }
0x77: {  	_ =	shalt  }
0x78: {  	_ =	shalt  }
0x79: {  	_ =	shalt  }
0x7a: {  	_ =	shalt  }
0x7b: {  	_ =	shalt  }
0x7c: {  	_ =	shalt  }
0x7d: {  	_ =	shalt  }
0x7e: {  	_ =	shalt  }
0x7f: {  	_ =	shalt  }
0x80: {  	_ =	shalt  }
0x81: {  	_ =	shalt  }
0x82: {  	_ =	shalt  }
0x83: {  	_ =	shalt  }
0x84: {  	_ =	shalt  }
0x85: {  	_ =	shalt  }
0x86: {  	_ =	shalt  }
0x87: {  	_ =	shalt  }
.Lfunc_end0:
.L_simem_size_0:
called_computation.1_lowered:
.L_overlay_start_0:
0x88: {  	s2 =	sld [smem:$0x3FD9]  }
0x89: {  	s3 =	sld [smem:$0x3FFE];
	_ =	sdelay $0x1  }
0x8a: {  	s1 =	srdreg.scid  }
0x8b: {  	s0 =	sand.u32 $0x1, s1  }
0x8c: {  	s17 =	sshll.u32 s0, $0xA;
	s2 =	sadd.s32 s3, s2  }
0x8d: {  	s2 =	sadd.s32 s2, s17  }
0x8e: {  	[smem:$0x3FB2] =	sst s2  }
0x8f: {  	_ = 	snop  }
0x90: {  	(tm) =	ssettm $0x1  }
0x91: {  	s18 =	sld [smem:$0x3FFB];
	_ =	sdelay $0x3  }
0x92: {  	_ =	strace s18  }
0x93: {  	s2 =	sld [smem:$0x3FFC];
	_ =	sdelay $0x3  }
0x94: {  	_ =	strace s2  }
0x95: {  	s2 =	sld [smem:$0x3FFD];
	_ =	sdelay $0x3  }
0x96: {  	_ =	strace s2  }
0x97: {  	_ =	strace $0x8FFFFFFF  }
0x98: {  	s19 =	sld [smem:$0x3FDB];
	_ =	sdelay $0x1  }
0x99: {  	s20 =	simm.s32 $_scs_section_size  }
0x9a: {  	s4 =	simm.s32 $_size__tile_overlayer_lowered;
	s5 =	simm.s32 $_tile_overlayer_lowered  }
0x9b: {  	s6 =	simm.s32 $0x1BFF;
	s21 =	sshll.u32 s5, $0x1;
	s3 =	sadd.s32 s20, s19  }
0x9c: {  	s22 =	simm.s32 $0x0;
	s4 =	sshll.u32 s4, $0x1;
	s5 =	sadd.s32 s21, s3  }
0x9d: {  	[timem:s22], [sflag:s6] =	dma.local [hbm:s5], s4  }
0x9e: {  	_ =	swait.ge [sflag:s6], s4  }
0x9f: {  	s4 =	ssub.s32 $0x0, s4;
	[sflag:s6] =	ssyncset.done $0x0  }
0xa0: {  	[sflag:s6] =	ssyncadd.s32 s4;
	_ =	sdelay $0x1  }
0xa1: {  	s23 =	simm.s32 $0x1B8B  }
0xa2: {  	_ =	swait.ge [sflag:s23], $0x1  }
0xa3: {  	[sflag:s23] =	ssyncset.done $0x0  }
0xa4: {  	[sflag:s23] =	ssyncadd.s32 $0xFFFFFFFF  }
0xa5: {  	s4 =	sld [smem:$0x0]  }
0xa6: {  	s5 =	sand.u32 $0xFFFFFFFE, s1  }
0xa7: {  	p0 =	sne.s32 s1, s5  }
0xa8: {  	s5 =	sshll.u32 @p0 s5, $0xE  }
0xa9: {  	s5 =	sadd.s32 @p0 $0x11B8D, s5;
	s6 =	sshll.u32 @p0 s4, $0x11  }
0xaa: {  	s5 =	sor.u32 @p0 s6, s5  }
0xab: {  	[sflag:s5] =	ssyncadd.remote.s32 @p0 $0x1;
	_ =	sdelay $0x1  }
0xac: {  	s5 =	simm.s32 @p0 $0x1B8D  }
0xad: {  	_ =	swait.eq @p0 [sflag:s5], $0x1  }
0xae: {  	[sflag:s5] =	ssyncadd.s32 @p0 $0xFFFFFFFF  }
0xaf: {  	s6 =	sshll.u32 @!p0 s1, $0xE  }
0xb0: {  	s6 =	sor.u32 @!p0 $0x4000, s6;
	s5 =	simm.s32 @!p0 $0x1B8D  }
0xb1: {  	s4 =	sshll.u32 @!p0 s4, $0x11;
	s6 =	sadd.s32 @!p0 $0x11B8D, s6;
	_ =	swait.eq @!p0 [sflag:s5], $0x1  }
0xb2: {  	s4 =	sor.u32 @!p0 s4, s6;
	[sflag:s5] =	ssyncadd.s32 @!p0 $0xFFFFFFFF  }
0xb3: {  	s25 =	simm.s32 $0x1B8E;
	s24 =	sld [smem:$0x3FFE];
	[sflag:s4] =	ssyncadd.remote.s32 @!p0 $0x1  }
0xb4: {  	s26 =	simm.s32 $execute0_lowered;
	[smem:$0x3FD2] =	sst s25  }
0xb5: {  	s5 =	sshll.u32 s26, $0x1;
	_ =	strace $0x80000049;
	[dreg:$0x1] =	wrdreg $0xFFFFFFFF  }
0xb6: {  	s28 =	simm.s32 $_size_execute0_lowered;
	s3 =	sadd.s32 s3, s5;
	[dreg:$0x0] =	wrdreg $0x0  }
0xb7: {  	s5 =	sshll.u32 s28, $0x1;
	[dreg:$0x2] =	wrdreg s3  }
0xb8: {  	[dreg:$0x3] =	wrdreg s5  }
0xb9: {  	[dreg:$0x4] =	wrdreg $0xC0  }
0xba: {  	_ =	task [dreg:s22], $0x5FFFF  }
0xbb: {  	[dreg:$0x1] =	wrdreg $0xFFFFFFFF  }
0xbc: {  	[dreg:$0x0] =	wrdreg $0x60  }
0xbd: {  	[dreg:$0x2] =	wrdreg s24  }
0xbe: {  	[dreg:$0x3] =	wrdreg $0xA  }
0xbf: {  	_ =	task.clear_ibuf [dreg:s22], $0x4FFFF;
	_ =	strace $0x90000049  }
0xc0: {  	s29 =	simm.s32 $0xA;
	_ =	strace $0x8000004B  }
0xc1: {  	_ =	swait.ge [sflag:s29], $0x1  }
0xc2: {  	[sflag:s29] =	ssyncadd.s32 $0xFFFFFFFF  }
0xc3: {  	_ =	strace $0x9000004B  }
0xc4: {  	_ =	sfence  }
0xc5: {  	s30 =	sld [smem:$0x0];
	_ =	sdelay $0x2  }
0xc6: {  	s31 =	sshll.u32 s1, $0xD;
	s1 =	sshrl.u32 s1, $0x2  }
0xc7: {  	s4 =	sand.u32 $0x4000, s31;
	s1 =	sadd.s32 s1, s30  }
0xc8: {  	s0 =	sor.u32 s4, s0;
	s1 =	sshll.u32 s1, $0x11  }
0xc9: {  	s0 =	sor.u32 s1, s0  }
0xca: {  	s0 =	sadd.s32 $0x8F2B, s0  }
0xcb: {  	[sflag:s0] =	ssyncadd.remote.s32 $0x1  }
0xcc: {  	_ =	sfence.sel $0xFFFF  }
0xcd: {  	[dreg:$0x0] =	wrdreg $0xFFFFFFFF;
	(pc) =	sbr.abs _section_cstart, $3  }
0xce: {  	[dreg:$0x1] =	wrdreg $0xFFFFFFFF  }
0xcf: {  	_ =	task.clear_ibuf [dreg:s22], $0x2FFFF;
	_ =	strace $0x9FFFFFFF  }
0xd0: {  	(tm) =	ssettm $0x7FFFFFFF  }
0xd1: {  	_ =	shalt  }
tec
execute0_lowered:
.L_overlay_start_1:
0x0: {  	(tag) =	ssettag $0x1  }
0x1: {  	s0 =	srdreg.scid;
	s2 =	stileid.u32  }
0x2: {  	s1 =	rddreg [dreg:$0x0];
	s10 =	simm.s32 $0x9;
	s12 =	simm.s32 $0x50  }
0x3: {  	s14 =	simm.s32 $0x8800;
	s15 =	simm.s32 $0x1;
	s16 =	simm.s32 $0x7  }
0x4: {  	s17 =	simm.s32 $0xD800;
	s18 =	simm.s32 $0x2;
	s19 =	simm.s32 $0x8  }
0x5: {  	s20 =	simm.s32 $0x12800;
	s21 =	simm.s32 $0x3;
	s22 =	simm.s32 $0x4  }
0x6: {  	s23 =	simm.s32 $0x5;
	s0 =	sand.u32 $0x1, s0;
	s3 =	sshll.u32 s2, $0x1  }
0x7: {  	s24 =	simm.s32 $0x6;
	s25 =	simm.s32 $0x0;
	s6 =	sor.u32 s0, s3  }
0x8: {  	s2 =	simm.s32 $0x0;
	s5 =	sadd.s32 $0x830600, s1;
	s4 =	smul.u32 $0x380, s6  }
.Ltmp0:
0x9: {  	[smem:$0x7FF] =	sst s2;
	s3 =	sadd.s32 $0x4400, s1;
	(pc) =	sbr.rel .LBB2_1-.Ltmp0, $4  }
0xa: {  	s0 =	ssub.s32 $0x2, s0;
	_ =	strace $0x8000004A;
	s7 =	sadd.s32 s4, s1  }
0xb: {  	s29 =	sshrl.u32 s0, $0x1;
	s6 =	smul.u32 $0xFA0, s6;
	s30 =	sadd.s32 $0x635600, s7  }
0xc: {  	s0 =	ssub.s32 s0, s29;
	s31 =	sadd.s32 $0x62E600, s7;
	[dreg:$0x2] =	wrdreg s30  }
0xd: {  	s4 =	sadd.s32 $0x63C600, s1;
	s9 =	smax.u32 s0, $0x1;
	[dreg:$0x3] =	wrdreg s31  }
.LBB2_31:
0xe: {  	_ =	swait.ge [sflag:s23], $0x2800  }
0xf: {  	[sflag:s23] =	ssyncset.done $0x0  }
0x10: {  	[sflag:s23] =	ssyncadd.s32 $0xFFFFD800  }
0x11: {  	_ =	swait.ge [sflag:s23], $0x2800  }
0x12: {  	[sflag:s23] =	ssyncset.done $0x0  }
0x13: {  	[sflag:s23] =	ssyncadd.s32 $0xFFFFD800  }
0x14: {  	_ =	swait.ge [sflag:s24], $0x2800  }
0x15: {  	[sflag:s24] =	ssyncset.done $0x0  }
0x16: {  	[sflag:s24] =	ssyncadd.s32 $0xFFFFD800  }
0x17: {  	_ =	swait.ge [sflag:s24], $0x2800  }
0x18: {  	[sflag:s24] =	ssyncset.done $0x0  }
0x19: {  	[sflag:s24] =	ssyncadd.s32 $0xFFFFD800  }
0x1a: {  	_ =	swait.ge [sflag:s16], $0x2800  }
0x1b: {  	[sflag:s16] =	ssyncset.done $0x0  }
0x1c: {  	[sflag:s16] =	ssyncadd.s32 $0xFFFFD800  }
0x1d: {  	_ =	swait.ge [sflag:s16], $0x2800  }
0x1e: {  	[sflag:s16] =	ssyncset.done $0x0  }
0x1f: {  	s25 =	sadd.s32 $0x1, s25;
	[sflag:s16] =	ssyncadd.s32 $0xFFFFD800  }
0x20: {  	p0 =	sne.s32 s25, s9;
	_ =	swait.ge [sflag:s19], $0x2800  }
.Ltmp1:
0x21: {  	[sflag:s19] =	ssyncset.done $0x0;
	(pc) =	sbr.rel @!p0 .LBB2_32-.Ltmp1, $4  }
0x22: {  	[sflag:s19] =	ssyncadd.s32 $0xFFFFD800  }
0x23: {  	_ =	swait.ge [sflag:s19], $0x2800  }
0x24: {  	[sflag:s19] =	ssyncset.done $0x0  }
0x25: {  	[sflag:s19] =	ssyncadd.s32 $0xFFFFD800  }
.LBB2_1:
0x26: {  	s0 =	rddreg [dreg:$0x2]  }
0x27: {  	[tilespmem:s2], [sflag:$0x9] =	stream.linear.gather [hbm4b:s0+s2], $0x1900, $0x38;
	[tilespmem:$0x17800] =	vst v63  }
0x28: {  	_ =	swait.ge [sflag:s10], $0x1900  }
0x29: {  	[sflag:s10] =	ssyncset.done $0x0  }
0x2a: {  	s1 =	simm.s32 $0x1C00;
	s30 =	rddreg [dreg:$0x3];
	[sflag:s10] =	ssyncadd.s32 $0xFFFFE700  }
0x2b: {  	[tilespmem:s1], [sflag:$0x9] =	stream.linear.gather [hbm4b:s30+s2], $0x1900, $0x38;
	[tilespmem:$0x17800] =	vst v63  }
.Ltmp2:
0x2c: {  	_ = 	snop;
	(pc) =	sbr.rel .LBB2_2-.Ltmp2, $4  }
0x2d: {  	_ =	swait.ge [sflag:s10], $0x1900  }
0x2e: {  	[sflag:s10] =	ssyncset.done $0x0  }
0x2f: {  	s31 =	simm.s32 $0x3800;
	s26 =	simm.s32 $0x0;
	[sflag:s10] =	ssyncadd.s32 $0xFFFFE700  }
0x30: {  	[tilespmem:s31], [sflag:$0x1] =	stream.indirect.gather [hbm4b:s3+s12], $0x100, s2, s12, $0xb8;
	[tilespmem:$0x17800] =	vst v63  }
.LBB2_30:
0x31: {  	s26 =	sadd.s32 $0x1, s26  }
0x32: {  	p0 =	sne.s32 s26, $0xD  }
.Ltmp3:
0x33: {  	_ = 	snop;
	(pc) =	sbr.rel @!p0 .LBB2_31-.Ltmp3, $1  }
0x34: {  	_ =	sdelay $0x3  }
.LBB2_2:
0x35: {  	p0 =	seq.s32 s26, $0x0  }
0x36: {  	s0 =	simm.s32 @!p0 $0x6  }
0x37: {  	_ =	swait.ge @!p0 [sflag:s0], $0x2800  }
0x38: {  	[sflag:s0] =	ssyncset.done @!p0 $0x0  }
0x39: {  	s29 =	sshll.u32 s26, $0x2;
	[sflag:s0] =	ssyncadd.s32 @!p0 $0xFFFFD800  }
0x3a: {  	s31 =	sor.u32 $0x1, s29;
	_ =	swait.ge @!p0 [sflag:s0], $0x2800  }
0x3b: {  	s1 =	sshll.u32 s31, $0x9;
	[sflag:s0] =	ssyncset.done @!p0 $0x0  }
0x3c: {  	s1 =	sshrl.u32 s1, $0x2;
	[sflag:s0] =	ssyncadd.s32 @!p0 $0xFFFFD800  }
0x3d: {  	[tilespmem:s14], [sflag:$0x2] =	stream.indirect.gather [hbm4b:s3+s12], $0x100, s1, s12, $0xb8;
	[tilespmem:$0x17800] =	vst v63  }
0x3e: {  	s28 =	sshll.u32 s26, $0xB;
	s7 =	smul.u32 $0x140, s26;
	_ =	swait.ge [sflag:s15], $0x5000  }
0x3f: {  	s30 =	simm.s32 $0x3800;
	s11 =	sshrl.u32 s28, $0x2;
	[sflag:s15] =	ssyncset.done $0x0  }
0x40: {  	s13 =	sadd.s32 s6, s7;
	s0 =	sadd.s32 $0x1C00, s11;
	[sflag:s15] =	ssyncadd.s32 $0xFFFFB000  }
0x41: {  	[tilespmem:s30], [sflag:$0x1] =	stream.indirect.gather.add.f32 [hbm:s3], $0x100, s0, s12, $0xb8;
	[tilespmem:$0x17800] =	vst v63  }
0x42: {  	s0 =	sshll.u32 s13, $0x4;
	_ =	swait.ge [sflag:s15], $0x5000  }
0x43: {  	s7 =	simm.s32 $0x3900;
	s11 =	sadd.s32 s4, s0;
	[sflag:s15] =	ssyncset.done $0x0  }
0x44: {  	s13 =	simm.s32 $0x10;
	s8 =	sadd.s32 $0x0, s11;
	[sflag:s15] =	ssyncadd.s32 $0xFFFFB000  }
.LBB2_3:
0x45: {  	[hbm4b:s8+s2] =	stream.linear.scatter [tilespmem:s30], [sflag:$0x5], $0x80, $0x38;
	[tilespmem:$0x17800] =	vst v63  }
0x46: {  	s8 =	smov.u32 s13;
	s30 =	smov.u32 s7;
	p1 =	sne.s32 s13, $0x4F0  }
.Ltmp4:
0x47: {  	s13 =	sadd.s32 $0x10, s13;
	(pc) =	sbr.rel @p1 .LBB2_3-.Ltmp4, $2  }
0x48: {  	_ =	sdelay $0x2  }
0x49: {  	s7 =	sadd.s32 $0x100, s7;
	s8 =	sadd.s32 s8, s11  }
0x4a: {  	[hbm4b:s8+s2] =	stream.linear.scatter [tilespmem:s30], [sflag:$0x5], $0x80, $0x38;
	[tilespmem:$0x17800] =	vst v63  }
0x4b: {  	s0 =	sadd.s32 s5, s0;
	s11 =	simm.s32 $0x3880  }
0x4c: {  	s13 =	simm.s32 $0x10;
	s7 =	simm.s32 $0x3980;
	s8 =	sadd.s32 $0x0, s0  }
.LBB2_5:
0x4d: {  	[hbm4b:s8+s2] =	stream.linear.scatter [tilespmem:s11], [sflag:$0x5], $0x80, $0x38;
	[tilespmem:$0x17800] =	vst v63  }
0x4e: {  	s8 =	smov.u32 s13;
	s11 =	smov.u32 s7;
	p1 =	sne.s32 s13, $0x4F0  }
.Ltmp5:
0x4f: {  	s13 =	sadd.s32 $0x10, s13;
	(pc) =	sbr.rel @p1 .LBB2_5-.Ltmp5, $2  }
0x50: {  	_ =	sdelay $0x2  }
0x51: {  	s7 =	sadd.s32 $0x100, s7;
	s8 =	sadd.s32 s8, s0  }
0x52: {  	s30 =	sor.u32 $0x2, s29  }
0x53: {  	p1 =	sgt.u32 @!p0 s30, $0x31  }
0x54: {  	p1 =	por p0, p1  }
.Ltmp6:
0x55: {  	_ = 	snop;
	(pc) =	sbr.rel @p1 .LBB2_8-.Ltmp6, $2  }
0x56: {  	_ =	sdelay $0x2  }
0x57: {  	[hbm4b:s8+s2] =	stream.linear.scatter [tilespmem:s11], [sflag:$0x5], $0x80, $0x38;
	[tilespmem:$0x17800] =	vst v63  }
0x58: {  	_ =	swait.ge [sflag:s16], $0x2800  }
0x59: {  	[sflag:s16] =	ssyncset.done $0x0  }
0x5a: {  	[sflag:s16] =	ssyncadd.s32 $0xFFFFD800  }
0x5b: {  	_ =	swait.ge [sflag:s16], $0x2800  }
0x5c: {  	[sflag:s16] =	ssyncset.done $0x0  }
0x5d: {  	[sflag:s16] =	ssyncadd.s32 $0xFFFFD800  }
.LBB2_9:
0x5e: {  	s0 =	sshll.u32 s30, $0x7  }
0x5f: {  	s0 =	sand.u32 $0x3FFFFF80, s0  }
0x60: {  	[tilespmem:s17], [sflag:$0x3] =	stream.indirect.gather [hbm4b:s3+s12], $0x100, s0, s12, $0xb8;
	[tilespmem:$0x17800] =	vst v63  }
.LBB2_10:
0x61: {  	_ =	swait.ge [sflag:s18], $0x5000;
	s7 =	smul.u32 $0x50, s31  }
0x62: {  	s0 =	sadd.s32 $0x1C00, s1;
	[sflag:s18] =	ssyncset.done $0x0  }
0x63: {  	s1 =	simm.s32 $0x8800;
	[sflag:s18] =	ssyncadd.s32 $0xFFFFB000;
	s31 =	sadd.s32 s6, s7  }
0x64: {  	[tilespmem:s1], [sflag:$0x2] =	stream.indirect.gather.add.f32 [hbm:s3], $0x100, s0, s12, $0xb8;
	[tilespmem:$0x17800] =	vst v63  }
0x65: {  	s0 =	sshll.u32 s31, $0x4;
	_ =	swait.ge [sflag:s18], $0x5000  }
0x66: {  	s13 =	simm.s32 $0x10;
	s11 =	sadd.s32 s4, s0;
	[sflag:s18] =	ssyncset.done $0x0  }
0x67: {  	s7 =	simm.s32 $0x8900;
	s8 =	sadd.s32 $0x0, s11;
	[sflag:s18] =	ssyncadd.s32 $0xFFFFB000  }
.LBB2_11:
0x68: {  	[hbm4b:s8+s2] =	stream.linear.scatter [tilespmem:s1], [sflag:$0x6], $0x80, $0x38;
	[tilespmem:$0x17800] =	vst v63  }
0x69: {  	s8 =	smov.u32 s13;
	s1 =	smov.u32 s7;
	p1 =	sne.s32 s13, $0x4F0  }
.Ltmp7:
0x6a: {  	s13 =	sadd.s32 $0x10, s13;
	(pc) =	sbr.rel @p1 .LBB2_11-.Ltmp7, $2  }
0x6b: {  	_ =	sdelay $0x2  }
0x6c: {  	s7 =	sadd.s32 $0x100, s7;
	s8 =	sadd.s32 s8, s11  }
0x6d: {  	[hbm4b:s8+s2] =	stream.linear.scatter [tilespmem:s1], [sflag:$0x6], $0x80, $0x38;
	[tilespmem:$0x17800] =	vst v63  }
0x6e: {  	s0 =	sadd.s32 s5, s0;
	s1 =	simm.s32 $0x8880  }
0x6f: {  	s11 =	simm.s32 $0x10;
	s7 =	simm.s32 $0x8980;
	s8 =	sadd.s32 $0x0, s0  }
.LBB2_13:
0x70: {  	[hbm4b:s8+s2] =	stream.linear.scatter [tilespmem:s1], [sflag:$0x6], $0x80, $0x38;
	[tilespmem:$0x17800] =	vst v63  }
0x71: {  	s8 =	smov.u32 s11;
	s1 =	smov.u32 s7;
	p1 =	sne.s32 s11, $0x4F0  }
.Ltmp8:
0x72: {  	s11 =	sadd.s32 $0x10, s11;
	(pc) =	sbr.rel @p1 .LBB2_13-.Ltmp8, $2  }
0x73: {  	_ =	sdelay $0x2  }
0x74: {  	s7 =	sadd.s32 $0x100, s7;
	s8 =	sadd.s32 s8, s0  }
0x75: {  	s29 =	sor.u32 $0x3, s29  }
0x76: {  	p1 =	sgt.u32 @!p0 s29, $0x31  }
0x77: {  	p0 =	por p0, p1  }
.Ltmp9:
0x78: {  	_ = 	snop;
	(pc) =	sbr.rel @p0 .LBB2_16-.Ltmp9, $2  }
0x79: {  	_ =	sdelay $0x2  }
0x7a: {  	[hbm4b:s8+s2] =	stream.linear.scatter [tilespmem:s1], [sflag:$0x6], $0x80, $0x38;
	[tilespmem:$0x17800] =	vst v63  }
0x7b: {  	_ =	swait.ge [sflag:s19], $0x2800  }
0x7c: {  	[sflag:s19] =	ssyncset.done $0x0  }
0x7d: {  	[sflag:s19] =	ssyncadd.s32 $0xFFFFD800  }
0x7e: {  	_ =	swait.ge [sflag:s19], $0x2800  }
0x7f: {  	[sflag:s19] =	ssyncset.done $0x0  }
0x80: {  	[sflag:s19] =	ssyncadd.s32 $0xFFFFD800  }
.LBB2_17:
0x81: {  	s0 =	sshll.u32 s29, $0x7  }
0x82: {  	s0 =	sand.u32 $0x3FFFFF80, s0  }
0x83: {  	[tilespmem:s20], [sflag:$0x4] =	stream.indirect.gather [hbm4b:s3+s12], $0x100, s0, s12, $0xb8;
	[tilespmem:$0x17800] =	vst v63  }
.LBB2_18:
0x84: {  	p0 =	sgt.u32 s30, $0x31  }
.Ltmp10:
0x85: {  	_ = 	snop;
	(pc) =	sbr.rel @p0 .LBB2_24-.Ltmp10, $1  }
0x86: {  	_ =	sdelay $0x3  }
0x87: {  	_ =	swait.ge [sflag:s21], $0x5000;
	s0 =	sshll.u32 s30, $0x7;
	s7 =	smul.u32 $0x50, s30  }
0x88: {  	s1 =	simm.s32 $0xD800;
	[sflag:s21] =	ssyncset.done $0x0;
	s0 =	sand.u32 $0x3FFFFF80, s0  }
0x89: {  	[sflag:s21] =	ssyncadd.s32 $0xFFFFB000;
	s0 =	sadd.s32 $0x1C00, s0;
	s31 =	sadd.s32 s6, s7  }
0x8a: {  	[tilespmem:s1], [sflag:$0x3] =	stream.indirect.gather.add.f32 [hbm:s3], $0x100, s0, s12, $0xb8;
	[tilespmem:$0x17800] =	vst v63  }
0x8b: {  	s0 =	sshll.u32 s31, $0x4;
	_ =	swait.ge [sflag:s21], $0x5000  }
0x8c: {  	s13 =	simm.s32 $0x10;
	s11 =	sadd.s32 s4, s0;
	[sflag:s21] =	ssyncset.done $0x0  }
0x8d: {  	s7 =	simm.s32 $0xD900;
	s8 =	sadd.s32 $0x0, s11;
	[sflag:s21] =	ssyncadd.s32 $0xFFFFB000  }
.LBB2_20:
0x8e: {  	[hbm4b:s8+s2] =	stream.linear.scatter [tilespmem:s1], [sflag:$0x7], $0x80, $0x38;
	[tilespmem:$0x17800] =	vst v63  }
0x8f: {  	s8 =	smov.u32 s13;
	s1 =	smov.u32 s7;
	p0 =	sne.s32 s13, $0x4F0  }
.Ltmp11:
0x90: {  	s13 =	sadd.s32 $0x10, s13;
	(pc) =	sbr.rel @p0 .LBB2_20-.Ltmp11, $2  }
0x91: {  	_ =	sdelay $0x2  }
0x92: {  	s7 =	sadd.s32 $0x100, s7;
	s8 =	sadd.s32 s8, s11  }
0x93: {  	[hbm4b:s8+s2] =	stream.linear.scatter [tilespmem:s1], [sflag:$0x7], $0x80, $0x38;
	[tilespmem:$0x17800] =	vst v63  }
0x94: {  	s0 =	sadd.s32 s5, s0;
	s1 =	simm.s32 $0xD880  }
0x95: {  	s11 =	simm.s32 $0x10;
	s7 =	simm.s32 $0xD980;
	s8 =	sadd.s32 $0x0, s0  }
.LBB2_22:
0x96: {  	[hbm4b:s8+s2] =	stream.linear.scatter [tilespmem:s1], [sflag:$0x7], $0x80, $0x38;
	[tilespmem:$0x17800] =	vst v63  }
0x97: {  	s8 =	smov.u32 s11;
	s1 =	smov.u32 s7;
	p0 =	sne.s32 s11, $0x4F0  }
.Ltmp12:
0x98: {  	s11 =	sadd.s32 $0x10, s11;
	(pc) =	sbr.rel @p0 .LBB2_22-.Ltmp12, $2  }
0x99: {  	_ =	sdelay $0x2  }
0x9a: {  	s7 =	sadd.s32 $0x100, s7;
	s8 =	sadd.s32 s8, s0  }
0x9b: {  	[hbm4b:s8+s2] =	stream.linear.scatter [tilespmem:s1], [sflag:$0x7], $0x80, $0x38;
	[tilespmem:$0x17800] =	vst v63  }
.LBB2_24:
0x9c: {  	p0 =	seq.s32 s26, $0xC  }
0x9d: {  	s0 =	simm.s32 @!p0 $0x5  }
0x9e: {  	_ =	swait.ge @!p0 [sflag:s0], $0x2800  }
0x9f: {  	[sflag:s0] =	ssyncset.done @!p0 $0x0  }
0xa0: {  	[sflag:s0] =	ssyncadd.s32 @!p0 $0xFFFFD800  }
0xa1: {  	_ =	swait.ge @!p0 [sflag:s0], $0x2800  }
0xa2: {  	[sflag:s0] =	ssyncset.done @!p0 $0x0  }
0xa3: {  	[sflag:s0] =	ssyncadd.s32 @!p0 $0xFFFFD800;
	s0 =	sshrl.u32 @!p0 s28, $0x2  }
0xa4: {  	s1 =	simm.s32 @!p0 $0x50;
	s7 =	simm.s32 @!p0 $0x3800;
	s0 =	sadd.s32 @!p0 $0x200, s0  }
0xa5: {  	[tilespmem:s7], [sflag:$0x1] =	stream.indirect.gather @!p0 [hbm4b:s3+s1], $0x100, s0, s1, $0xb8;
	[tilespmem:$0x17800] =	vst v63  }
0xa6: {  	p0 =	sgt.u32 s29, $0x31  }
.Ltmp13:
0xa7: {  	_ = 	snop;
	(pc) =	sbr.rel @p0 .LBB2_30-.Ltmp13, $1  }
0xa8: {  	_ =	sdelay $0x3  }
0xa9: {  	_ =	swait.ge [sflag:s22], $0x5000;
	s0 =	sshll.u32 s29, $0x7;
	s7 =	smul.u32 $0x50, s29  }
0xaa: {  	s1 =	simm.s32 $0x12800;
	[sflag:s22] =	ssyncset.done $0x0;
	s0 =	sand.u32 $0x3FFFFF80, s0  }
0xab: {  	[sflag:s22] =	ssyncadd.s32 $0xFFFFB000;
	s0 =	sadd.s32 $0x1C00, s0;
	s31 =	sadd.s32 s6, s7  }
0xac: {  	[tilespmem:s1], [sflag:$0x4] =	stream.indirect.gather.add.f32 [hbm:s3], $0x100, s0, s12, $0xb8;
	[tilespmem:$0x17800] =	vst v63  }
0xad: {  	s0 =	sshll.u32 s31, $0x4;
	_ =	swait.ge [sflag:s22], $0x5000  }
0xae: {  	s13 =	simm.s32 $0x10;
	s11 =	sadd.s32 s4, s0;
	[sflag:s22] =	ssyncset.done $0x0  }
0xaf: {  	s7 =	simm.s32 $0x12900;
	s8 =	sadd.s32 $0x0, s11;
	[sflag:s22] =	ssyncadd.s32 $0xFFFFB000  }
.LBB2_26:
0xb0: {  	[hbm4b:s8+s2] =	stream.linear.scatter [tilespmem:s1], [sflag:$0x8], $0x80, $0x38;
	[tilespmem:$0x17800] =	vst v63  }
0xb1: {  	s8 =	smov.u32 s13;
	s1 =	smov.u32 s7;
	p0 =	sne.s32 s13, $0x4F0  }
.Ltmp14:
0xb2: {  	s13 =	sadd.s32 $0x10, s13;
	(pc) =	sbr.rel @p0 .LBB2_26-.Ltmp14, $2  }
0xb3: {  	_ =	sdelay $0x2  }
0xb4: {  	s7 =	sadd.s32 $0x100, s7;
	s8 =	sadd.s32 s8, s11  }
0xb5: {  	[hbm4b:s8+s2] =	stream.linear.scatter [tilespmem:s1], [sflag:$0x8], $0x80, $0x38;
	[tilespmem:$0x17800] =	vst v63  }
0xb6: {  	s0 =	sadd.s32 s5, s0;
	s1 =	simm.s32 $0x12880  }
0xb7: {  	s11 =	simm.s32 $0x10;
	s7 =	simm.s32 $0x12980;
	s8 =	sadd.s32 $0x0, s0  }
.LBB2_28:
0xb8: {  	[hbm4b:s8+s2] =	stream.linear.scatter [tilespmem:s1], [sflag:$0x8], $0x80, $0x38;
	[tilespmem:$0x17800] =	vst v63  }
0xb9: {  	s8 =	smov.u32 s11;
	s1 =	smov.u32 s7;
	p0 =	sne.s32 s11, $0x4F0  }
.Ltmp15:
0xba: {  	s11 =	sadd.s32 $0x10, s11;
	(pc) =	sbr.rel @p0 .LBB2_28-.Ltmp15, $2  }
0xbb: {  	_ =	sdelay $0x2  }
0xbc: {  	s7 =	sadd.s32 $0x100, s7;
	s8 =	sadd.s32 s8, s0  }
.Ltmp16:
0xbd: {  	(pc) =	sbr.rel .LBB2_30-.Ltmp16, $2  }
0xbe: {  	_ =	sdelay $0x2  }
0xbf: {  	[hbm4b:s8+s2] =	stream.linear.scatter [tilespmem:s1], [sflag:$0x8], $0x80, $0x38;
	[tilespmem:$0x17800] =	vst v63  }
.LBB2_8:
0xc0: {  	p1 =	sgt.u32 s30, $0x31  }
.Ltmp17:
0xc1: {  	_ = 	snop;
	(pc) =	sbr.rel @p1 .LBB2_10-.Ltmp17, $4  }
.Ltmp18:
0xc2: {  	_ = 	snop;
	(pc) =	sbr.rel @!p1 .LBB2_9-.Ltmp18, $4  }
0xc3: {  	_ = 	snop  }
0xc4: {  	_ = 	snop  }
0xc5: {  	_ = 	snop  }
0xc6: {  	_ = 	snop  }
.LBB2_16:
0xc7: {  	p0 =	sgt.u32 s29, $0x31  }
.Ltmp19:
0xc8: {  	_ = 	snop;
	(pc) =	sbr.rel @p0 .LBB2_18-.Ltmp19, $4  }
.Ltmp20:
0xc9: {  	_ = 	snop;
	(pc) =	sbr.rel @!p0 .LBB2_17-.Ltmp20, $4  }
0xca: {  	_ = 	snop  }
0xcb: {  	_ = 	snop  }
0xcc: {  	_ = 	snop  }
0xcd: {  	_ = 	snop  }
.LBB2_32:
0xce: {  	_ =	sfence.sel $0x180000  }
0xcf: {  	[bflag:$0x0] =	sbarrier.arrive $0xFFFF  }
0xd0: {  	_ =	strace $0x9000004A  }
0xd1: {  	s0 =	stileid.u32;
	[bflag:$0x2] =	sbarrier.arrive $0xFFFF  }
0xd2: {  	p0 =	sne.s32 s0, $0x0;
	s0 =	rddreg [dreg:$0x1]  }
0xd3: {  	s0 =	sadd.s32 @!p0 $0x100000, s0  }
0xd4: {  	[sflag:s0] =	ssyncadd.tile.s32 @!p0 $0x1;
	_ =	shalt  }
.Lfunc_end2:
_tile_overlayer_lowered:
.L_overlay_start_2:
0xd5: {  	(tag) =	ssettag $0x2  }
0xd6: {  	s0 =	rddreg [dreg:$0x0];
	s2 =	stileid.u32  }
0xd7: {  	s1 =	rddreg [dreg:$0x1];
	p0 =	sne.s32 s2, $0x0  }
0xd8: {  	s3 =	rddreg [dreg:$0x2];
	[bflag:$0x3] =	sbarrier.arrive $0xFFFF;
	s2 =	simm.s32 @!p0 $0x1C09  }
0xd9: {  	[timem:s3], [sflag:s2] =	dma.local @!p0 [hbm:s0], s1  }
0xda: {  	s0 =	simm.s32 @!p0 $0x9  }
0xdb: {  	_ =	swait.ge @!p0 [sflag:s0], s1  }
0xdc: {  	s1 =	ssub.s32 @!p0 $0x0, s1;
	[sflag:s0] =	ssyncset.done @!p0 $0x0  }
0xdd: {  	[sflag:s0] =	ssyncadd.s32 @!p0 s1  }
0xde: {  	[bflag:$0x3] =	sbarrier.arrive $0xFFFF  }
0xdf: {  	_ =	shalt  }

// kernel: kernel.15.cloned.1.call-start
scs
__scs_entry_jumppad:
0x0: {  	(pc) =	sbr.rel $0x88, $3  }
0x1: {  	(tag) =	ssettag $0x0;
	lr =	simm.s32 $0x1  }
0x2: {  	[smem:$0x3F8B] =	sst lr;
	_ =	strace $0xD0000000  }
0x3: {  	_ = 	snop  }
0x4: {  	_ = 	snop  }
0x5: {  	_ = 	snop  }
0x6: {  	_ = 	snop  }
0x7: {  	_ = 	snop  }
__scs_overlays_trampoline_lowered:
0x8: {  	[smem:$0x3F9A] =	sst s0  }
0x9: {  	[smem:$0x3F9B] =	sst s1  }
0xa: {  	[smem:$0x3F9C] =	sst s2  }
0xb: {  	[smem:$0x3F9D] =	sst s3  }
0xc: {  	[smem:$0x3F9E] =	sst s4  }
0xd: {  	[smem:$0x3F9F] =	sst s5  }
0xe: {  	[smem:$0x3FA0] =	sst s6  }
0xf: {  	[smem:$0x3FA1] =	sst s7  }
0x10: {  	[smem:$0x3FA2] =	sst s8  }
0x11: {  	[smem:$0x3FA3] =	sst s9;
	s0 =	simm.s32 @!p0 $0x0  }
0x12: {  	s1 =	sld [smem:$0x3F89];
	s0 =	simm.s32 @p0 $0x1  }
0x13: {  	[smem:$0x3FA4] =	sst s0;
	s0 =	simm.s32 @!p1 $0x0  }
0x14: {  	s2 =	sld [smem:$0x3F88];
	s0 =	simm.s32 @p1 $0x1  }
0x15: {  	[smem:$0x3FA5] =	sst s0;
	s0 =	simm.s32 @!p2 $0x0  }
0x16: {  	s3 =	sld [smem:$0x3FDB];
	s0 =	simm.s32 @p2 $0x1  }
0x17: {  	s4 =	simm.s32 $0x1BF5;
	[smem:$0x3FA7] =	sst s0  }
0x18: {  	s0 =	sld [smem:$0x3F8A];
	_ =	swait.ge [sflag:s4], $0x0  }
0x19: {  	s7 =	sld [smem:$0x3F8B]  }
0x1a: {  	s8 =	sadd.s32 $0xFFFFE003, lr  }
0x1b: {  	s9 =	sadd.s32 $0xFFFFFEF7, lr;
	s5 =	simm.s32 $0xFFFFFFFF;
	p2 =	slt.u32 s8, $0xFFFFF086  }
0x1c: {  	p1 =	slt.u32 s9, $0xF7A;
	s5 =	simm.s32 @!p2 $0x0  }
0x1d: {  	s5 =	simm.s32 @p1 $0x1;
	p0 =	seq.s32 s7, s2  }
0x1e: {  	s7 =	smul.u32 @!p0 $0xF7A, s2;
	p2 =	seq.s32 @!p0 s5, $0x0  }
0x1f: {  	s9 =	smul.u32 $0xF7A, s1;
	s8 =	simm.s32 @!p0 $0x1BF5;
	p2 =	por !p2, p0  }
0x20: {  	[sflag:s8] =	ssyncset.s32 @!p0 $0xFFFFF086;
	s6 =	sadd.s32 @!p0 s3, s7;
	s7 =	simm.s32 @!p0 $0x108  }
0x21: {  	s3 =	sadd.s32 s3, s9;
	s6 =	sadd.s32 @!p0 $0x88, s6;
	s7 =	simm.s32 @p2 $0x1082  }
0x22: {  	[simem:s7], [sflag:s8] =	dma.local @!p0 [hbm:s6], $0xF7A  }
0x23: {  	s9 =	sor.u32 $0xD0000000, s2;
	s6 =	simm.s32 $0x108;
	_ =	swait.ge @!p0 [sflag:s8], $0x0  }
0x24: {  	s3 =	sadd.s32 $0x88, s3;
	s6 =	simm.s32 @!p1 $0x1082;
	[sflag:s4] =	ssyncset.s32 $0xFFFFF086  }
0x25: {  	[simem:s6], [sflag:s4] =	dma.local [hbm:s3], $0xF7A  }
0x26: {  	[smem:$0x3F8B] =	sst s1;
	(tag) =	ssettag s2;
	_ =	strace s9  }
0x27: {  	s1 =	sld [smem:$0x3F9B]  }
0x28: {  	s2 =	sld [smem:$0x3F9C]  }
0x29: {  	s4 =	sld [smem:$0x3F9E]  }
0x2a: {  	p0 =	seq.s32 s5, $0x0;
	s5 =	sld [smem:$0x3F9F]  }
0x2b: {  	s6 =	sld [smem:$0x3FA0]  }
0x2c: {  	s7 =	sld [smem:$0x3FA1]  }
0x2d: {  	s3 =	simm.s32 $0x108;
	s8 =	sld [smem:$0x3FA2]  }
0x2e: {  	s3 =	simm.s32 @!p0 $0x1082;
	s9 =	sld [smem:$0x3FA3]  }
0x2f: {  	lr =	sadd.s32 s0, s3;
	s0 =	sld [smem:$0x3F9A]  }
0x30: {  	s3 =	sld [smem:$0x3F9D]  }
0x31: {  	[smem:$0x3FA6] =	sst s10  }
0x32: {  	s10 =	sld [smem:$0x3FA4];
	_ =	sdelay $0x3  }
0x33: {  	p0 =	seq.s32 s10, $0x1;
	s10 =	sld [smem:$0x3FA6];
	_ =	sdelay $0x3  }
0x34: {  	[smem:$0x3FA6] =	sst s10  }
0x35: {  	s10 =	sld [smem:$0x3FA5];
	_ =	sdelay $0x3  }
0x36: {  	p1 =	seq.s32 s10, $0x1;
	s10 =	sld [smem:$0x3FA6];
	_ =	sdelay $0x3  }
0x37: {  	[smem:$0x3FA6] =	sst s10  }
0x38: {  	s10 =	sld [smem:$0x3FA7]  }
0x39: {  	_ = 	snop;
	(pc) =	sbr.ind lr, $3  }
0x3a: {  	_ = 	snop  }
0x3b: {  	_ = 	snop  }
0x3c: {  	p2 =	seq.s32 s10, $0x1;
	s10 =	sld [smem:$0x3FA6]  }
0x3d: {  	_ =	shalt  }
0x3e: {  	_ =	shalt  }
0x3f: {  	_ =	shalt  }
0x40: {  	_ =	shalt  }
0x41: {  	_ =	shalt  }
0x42: {  	_ =	shalt  }
0x43: {  	_ =	shalt  }
0x44: {  	_ =	shalt  }
0x45: {  	_ =	shalt  }
0x46: {  	_ =	shalt  }
0x47: {  	_ =	shalt  }
0x48: {  	_ =	shalt  }
0x49: {  	_ =	shalt  }
0x4a: {  	_ =	shalt  }
0x4b: {  	_ =	shalt  }
0x4c: {  	_ =	shalt  }
0x4d: {  	_ =	shalt  }
0x4e: {  	_ =	shalt  }
0x4f: {  	_ =	shalt  }
0x50: {  	_ =	shalt  }
0x51: {  	_ =	shalt  }
0x52: {  	_ =	shalt  }
0x53: {  	_ =	shalt  }
0x54: {  	_ =	shalt  }
0x55: {  	_ =	shalt  }
0x56: {  	_ =	shalt  }
0x57: {  	_ =	shalt  }
0x58: {  	_ =	shalt  }
0x59: {  	_ =	shalt  }
0x5a: {  	_ =	shalt  }
0x5b: {  	_ =	shalt  }
0x5c: {  	_ =	shalt  }
0x5d: {  	_ =	shalt  }
0x5e: {  	_ =	shalt  }
0x5f: {  	_ =	shalt  }
0x60: {  	_ =	shalt  }
0x61: {  	_ =	shalt  }
0x62: {  	_ =	shalt  }
0x63: {  	_ =	shalt  }
0x64: {  	_ =	shalt  }
0x65: {  	_ =	shalt  }
0x66: {  	_ =	shalt  }
0x67: {  	_ =	shalt  }
0x68: {  	_ =	shalt  }
0x69: {  	_ =	shalt  }
0x6a: {  	_ =	shalt  }
0x6b: {  	_ =	shalt  }
0x6c: {  	_ =	shalt  }
0x6d: {  	_ =	shalt  }
0x6e: {  	_ =	shalt  }
0x6f: {  	_ =	shalt  }
0x70: {  	_ =	shalt  }
0x71: {  	_ =	shalt  }
0x72: {  	_ =	shalt  }
0x73: {  	_ =	shalt  }
0x74: {  	_ =	shalt  }
0x75: {  	_ =	shalt  }
0x76: {  	_ =	shalt  }
0x77: {  	_ =	shalt  }
0x78: {  	_ =	shalt  }
0x79: {  	_ =	shalt  }
0x7a: {  	_ =	shalt  }
0x7b: {  	_ =	shalt  }
0x7c: {  	_ =	shalt  }
0x7d: {  	_ =	shalt  }
0x7e: {  	_ =	shalt  }
0x7f: {  	_ =	shalt  }
0x80: {  	_ =	shalt  }
0x81: {  	_ =	shalt  }
0x82: {  	_ =	shalt  }
0x83: {  	_ =	shalt  }
0x84: {  	_ =	shalt  }
0x85: {  	_ =	shalt  }
0x86: {  	_ =	shalt  }
0x87: {  	_ =	shalt  }
.Lfunc_end0:
.L_simem_size_0:
called_computation.2_lowered:
.L_overlay_start_0:
0x88: {  	s2 =	sld [smem:$0x3FD9]  }
0x89: {  	s3 =	sld [smem:$0x3FFE];
	_ =	sdelay $0x1  }
0x8a: {  	s1 =	srdreg.scid  }
0x8b: {  	s0 =	sand.u32 $0x1, s1  }
0x8c: {  	s14 =	sshll.u32 s0, $0xA;
	s2 =	sadd.s32 s3, s2  }
0x8d: {  	s2 =	sadd.s32 s2, s14  }
0x8e: {  	[smem:$0x3FB2] =	sst s2  }
0x8f: {  	_ = 	snop  }
0x90: {  	s2 =	sld [smem:$0x3FD0];
	_ =	sdelay $0x2  }
0x91: {  	s15 =	simm.s32 $0xB;
	s4 =	simm.s32 $0x10  }
0x92: {  	[smem:s4], [sflag:s15] =	dma.local [hbm:s2], $0x1  }
0x93: {  	_ =	swait.eq [sflag:s15], $0x1  }
0x94: {  	[sflag:s15] =	ssyncset.done $0x0  }
0x95: {  	[sflag:s15] =	ssyncadd.s32 $0xFFFFFFFF  }
0x96: {  	s16 =	sld [smem:$0x10];
	(tm) =	ssettm $0x1  }
0x97: {  	s17 =	sld [smem:$0x3FFB];
	_ =	sdelay $0x3  }
0x98: {  	_ =	strace s17  }
0x99: {  	s3 =	sld [smem:$0x3FFC];
	_ =	sdelay $0x3  }
0x9a: {  	_ =	strace s3  }
0x9b: {  	s3 =	sld [smem:$0x3FFD];
	_ =	sdelay $0x3  }
0x9c: {  	_ =	strace s3  }
0x9d: {  	_ =	strace $0x8FFFFFFF  }
0x9e: {  	s18 =	sld [smem:$0x3FDB];
	_ =	sdelay $0x1  }
0x9f: {  	s19 =	simm.s32 $_scs_section_size  }
0xa0: {  	s5 =	simm.s32 $_size__tile_overlayer_lowered;
	s6 =	simm.s32 $_tile_overlayer_lowered  }
0xa1: {  	s22 =	simm.s32 $0x1BFF;
	s21 =	sshll.u32 s6, $0x1;
	s3 =	sadd.s32 s19, s18  }
0xa2: {  	s7 =	simm.s32 $0x0;
	s20 =	sshll.u32 s5, $0x1;
	s5 =	sadd.s32 s21, s3  }
0xa3: {  	[timem:s7], [sflag:s22] =	dma.local [hbm:s5], s20  }
0xa4: {  	_ =	swait.ge [sflag:s22], s20  }
0xa5: {  	s4 =	ssub.s32 $0x0, s20;
	[sflag:s22] =	ssyncset.done $0x0  }
0xa6: {  	[sflag:s22] =	ssyncadd.s32 s4;
	_ =	sdelay $0x1  }
0xa7: {  	s23 =	simm.s32 $0x1B8B  }
0xa8: {  	_ =	swait.ge [sflag:s23], $0x1  }
0xa9: {  	[sflag:s23] =	ssyncset.done $0x0  }
0xaa: {  	s25 =	simm.s32 $0x1B8E;
	s24 =	sld [smem:$0x3FFE];
	[sflag:s23] =	ssyncadd.s32 $0xFFFFFFFF  }
0xab: {  	s26 =	simm.s32 $execute0_lowered;
	[smem:$0x3FD2] =	sst s25  }
0xac: {  	s5 =	sshll.u32 s26, $0x1;
	_ =	strace $0x8000004C;
	[dreg:$0x1] =	wrdreg $0xFFFFFFFF  }
0xad: {  	s28 =	simm.s32 $_size_execute0_lowered;
	s3 =	sadd.s32 s3, s5;
	[dreg:$0x0] =	wrdreg $0x0  }
0xae: {  	s5 =	sshll.u32 s28, $0x1;
	[dreg:$0x2] =	wrdreg s3  }
0xaf: {  	[dreg:$0x3] =	wrdreg s5  }
0xb0: {  	[dreg:$0x4] =	wrdreg $0xC0  }
0xb1: {  	_ =	task [dreg:s7], $0x5FFFF  }
0xb2: {  	[dreg:$0x1] =	wrdreg $0xFFFFFFFF  }
0xb3: {  	[dreg:$0x0] =	wrdreg $0x60  }
0xb4: {  	[dreg:$0x2] =	wrdreg s24  }
0xb5: {  	[dreg:$0x3] =	wrdreg s16  }
0xb6: {  	[dreg:$0x4] =	wrdreg $0x172500  }
0xb7: {  	[dreg:$0x5] =	wrdreg $0x9  }
0xb8: {  	_ =	task.clear_ibuf [dreg:s7], $0x6FFFF;
	_ =	strace $0x9000004C  }
0xb9: {  	s29 =	simm.s32 $0x9;
	_ =	strace $0x8000004E  }
0xba: {  	_ =	swait.ge [sflag:s29], $0x1  }
0xbb: {  	[sflag:s29] =	ssyncadd.s32 $0xFFFFFFFF  }
0xbc: {  	_ =	strace $0x9000004E  }
0xbd: {  	_ =	sfence  }
0xbe: {  	s30 =	sld [smem:$0x0];
	_ =	sdelay $0x2  }
0xbf: {  	s31 =	sshll.u32 s1, $0xD;
	s1 =	sshrl.u32 s1, $0x2  }
0xc0: {  	s3 =	sand.u32 $0x4000, s31;
	s1 =	sadd.s32 s1, s30  }
0xc1: {  	s0 =	sor.u32 s3, s0;
	s1 =	sshll.u32 s1, $0x11  }
0xc2: {  	s0 =	sor.u32 s1, s0  }
0xc3: {  	s0 =	sadd.s32 $0x8F2B, s0  }
0xc4: {  	[sflag:s0] =	ssyncadd.remote.s32 $0x1  }
0xc5: {  	_ =	sfence.sel $0xFFFF  }
0xc6: {  	[dreg:$0x0] =	wrdreg $0xFFFFFFFF;
	(pc) =	sbr.abs _section_cstart, $3  }
0xc7: {  	[dreg:$0x1] =	wrdreg $0xFFFFFFFF  }
0xc8: {  	_ =	task.clear_ibuf [dreg:s7], $0x2FFFF;
	_ =	strace $0x9FFFFFFF  }
0xc9: {  	(tm) =	ssettm $0x7FFFFFFF  }
tec
execute0_lowered:
.L_overlay_start_1:
0x0: {  	(tag) =	ssettag $0x1  }
0x1: {  	s0 =	rddreg [dreg:$0x0]  }
0x2: {  	s1 =	rddreg [dreg:$0x1]  }
0x3: {  	s4 =	srdreg.scid;
	s12 =	stileid.u32  }
0x4: {  	s5 =	sand.u32 $0x1, s4;
	s15 =	sshll.u32 s12, $0x1;
	s12 =	smul.u32 $0x2710, s12  }
0x5: {  	s6 =	sor.u32 s5, s15;
	s10 =	ssub.s32 $0x2, s5;
	s5 =	smul.u32 $0x27100, s5  }
0x6: {  	s2 =	rddreg [dreg:$0x2];
	s3 =	simm.s32 $0x0;
	s4 =	smul.u32 $0x30C, s6  }
0x7: {  	s30 =	simm.s32 $0xFA00;
	s29 =	simm.s32 $0x0;
	s9 =	smul.u32 $0x208, s6  }
0x8: {  	[smem:$0x7FF] =	sst s3;
	s7 =	sadd.s32 $0xA38E00, s0;
	s18 =	smul.u32 $0xBB800, s6  }
0x9: {  	s8 =	sadd.s32 $0x4400, s0;
	_ =	strace $0x8000004D;
	s19 =	smul.u32 $0x17700, s6  }
0xa: {  	s15 =	simm.s32 $0x3;
	s16 =	sshrl.u32 s10, $0x1;
	s20 =	smul.u32 $0x7D000, s6  }
0xb: {  	s23 =	smul.u32 $0xFA00, s6;
	s17 =	ssub.s32 s10, s16;
	s5 =	sadd.s32 s12, s5  }
0xc: {  	s16 =	simm.s32 $0xF3C0;
	s11 =	sadd.s32 s4, s0;
	s0 =	sadd.s32 s9, s0  }
0xd: {  	s4 =	sadd.s32 s12, s2;
	s10 =	sshrl.u32 s18, $0x3;
	s21 =	sadd.s32 s7, s19  }
0xe: {  	s24 =	sshrl.u32 s20, $0x3;
	s5 =	sshrl.u32 s5, $0x3;
	s31 =	smax.u32 s17, $0x1  }
0xf: {  	s17 =	simm.s32 $0x4;
	s9 =	simm.s32 $0x11940;
	s18 =	simm.s32 $0x12C00  }
0x10: {  	s19 =	simm.s32 $0x13240;
	s12 =	simm.s32 $0x13880;
	s20 =	simm.s32 $0x14500  }
0x11: {  	s13 =	sadd.s32 $0xA32C00, s11;
	s11 =	sadd.s32 $0xA2CA00, s11;
	[dreg:$0x8] =	wrdreg s21  }
0x12: {  	s14 =	sadd.s32 $0xA28800, s0;
	s10 =	sadd.s32 s7, s10;
	[dreg:$0xe] =	wrdreg s31  }
0x13: {  	s0 =	sadd.s32 $0xA24600, s0;
	s6 =	sadd.s32 s8, s24;
	[dreg:$0x4] =	wrdreg s13  }
0x14: {  	s28 =	sadd.s32 s1, s5;
	s21 =	simm.s32 $0x10;
	[dreg:$0x5] =	wrdreg s11  }
0x15: {  	s24 =	simm.s32 $0x1;
	s5 =	simm.s32 $0x10040;
	[dreg:$0x6] =	wrdreg s14  }
0x16: {  	s7 =	simm.s32 $0x10CC0;
	[dreg:$0x7] =	wrdreg s0;
	s22 =	sadd.s32 $0x7D00, s10  }
0x17: {  	s25 =	sadd.s32 $0xFA00, s10;
	s0 =	sadd.s32 s8, s23;
	[dreg:$0xd] =	wrdreg s28  }
0x18: {  	s26 =	sadd.s32 $0x7D00, s6;
	s23 =	simm.s32 $0x5140;
	[dreg:$0x9] =	wrdreg s22  }
0x19: {  	s14 =	simm.s32 $0x2;
	s6 =	simm.s32 $0x10680;
	[dreg:$0xa] =	wrdreg s25  }
0x1a: {  	s8 =	simm.s32 $0x11300;
	s10 =	simm.s32 $0x11F80;
	[dreg:$0xb] =	wrdreg s0  }
0x1b: {  	s11 =	simm.s32 $0x125C0;
	s13 =	simm.s32 $0x13EC0;
	[dreg:$0xc] =	wrdreg s26  }
0x1c: {  	v0 =	vimm.f32 $0.0e+00;
	s22 =	simm.s32 $0x80;
	s25 =	simm.s32 $0xCE40;
	s26 =	simm.s32 $0x64  }
.LBB2_1:
0x1d: {  	s0 =	simm.s32 $0x40;
	s28 =	simm.s32 $0x0  }
.LBB2_2:
0x1e: {  	p0 =	sne.s32 s0, $0x9C00;
	[tilespmem:s28+$0x14B40] =	vst v0;
	s28 =	smov.u32 s0;
	s0 =	sadd.s32 $0x40, s0  }
.Ltmp0:
0x1f: {  	(pc) =	sbr.rel @p0 .LBB2_2-.Ltmp0, $2  }
0x20: {  	_ =	sdelay $0x2  }
0x21: {  	s28 =	sshra.s32 s28, $0x2  }
0x22: {  	[tilespmem:s28+$0x14B40] =	vst v0;
	s0 =	simm.s32 $0x14B40  }
0x23: {  	[spmem:s4] =	stream.linear.scatter [tilespmem:s0], [sflag:$0x4], $0x2710, $0x38;
	[tilespmem:$0x19960] =	vst v63  }
0x24: {  	_ =	swait.ge [sflag:s17], $0x2710  }
0x25: {  	[sflag:s17] =	ssyncset.done $0x0  }
0x26: {  	[sflag:s17] =	ssyncadd.s32 $0xFFFFD8F0  }
0x27: {  	[bflag:$0x0] =	sbarrier.arrive $0xFFFF  }
0x28: {  	s1 =	rddreg [dreg:$0x4]  }
0x29: {  	[tilespmem:s3], [sflag:$0x4] =	stream.linear.gather [hbm4b:s1+s3], $0x1860, $0x38;
	[tilespmem:$0x19960] =	vst v63  }
0x2a: {  	_ =	swait.ge [sflag:s17], $0x1860  }
0x2b: {  	[sflag:s17] =	ssyncset.done $0x0  }
0x2c: {  	s1 =	simm.s32 $0x1860;
	s28 =	rddreg [dreg:$0x5];
	[sflag:s17] =	ssyncadd.s32 $0xFFFFE7A0  }
0x2d: {  	[tilespmem:s1], [sflag:$0x4] =	stream.linear.gather [hbm4b:s28+s3], $0x1860, $0x38;
	[tilespmem:$0x19960] =	vst v63  }
0x2e: {  	_ =	swait.ge [sflag:s17], $0x1860  }
0x2f: {  	[sflag:s17] =	ssyncset.done $0x0  }
0x30: {  	s31 =	simm.s32 $0x30C0;
	s0 =	rddreg [dreg:$0x6];
	[sflag:s17] =	ssyncadd.s32 $0xFFFFE7A0  }
0x31: {  	[tilespmem:s31], [sflag:$0x4] =	stream.linear.gather [hbm4b:s0+s3], $0x1040, $0x38;
	[tilespmem:$0x19960] =	vst v63  }
0x32: {  	_ =	swait.ge [sflag:s17], $0x1040  }
0x33: {  	[sflag:s17] =	ssyncset.done $0x0  }
0x34: {  	s31 =	simm.s32 $0x4100;
	s0 =	rddreg [dreg:$0x7];
	[sflag:s17] =	ssyncadd.s32 $0xFFFFEFC0  }
0x35: {  	[tilespmem:s31], [sflag:$0x4] =	stream.linear.gather [hbm4b:s0+s3], $0x1040, $0x38;
	[tilespmem:$0x19960] =	vst v63  }
0x36: {  	_ =	swait.ge [sflag:s17], $0x1040  }
0x37: {  	[sflag:s17] =	ssyncset.done $0x0  }
0x38: {  	s28 =	rddreg [dreg:$0x8];
	[sflag:s17] =	ssyncadd.s32 $0xFFFFEFC0  }
0x39: {  	[tilespmem:s23], [sflag:$0x1] =	stream.strided.gather [hbm4b:s28+s21], $0x7D00, s22, s21, $0x38;
	[tilespmem:$0x19960] =	vst v63  }
0x3a: {  	_ =	swait.ge [sflag:s24], $0x7D00  }
0x3b: {  	[sflag:s24] =	ssyncset.done $0x0  }
0x3c: {  	s31 =	rddreg [dreg:$0x9];
	[sflag:s24] =	ssyncadd.s32 $0xFFFF8300  }
0x3d: {  	[tilespmem:s25], [sflag:$0x2] =	stream.strided.gather [hbm4b:s31+s21], $0x7D00, s22, s21, $0x38;
	[tilespmem:$0x19960] =	vst v63  }
0x3e: {  	_ = 	snop  }
0x3f: {  	[spmem:s2] =	stream.indirect.scatter.add.f32 [tilespmem:s23], [sflag:$0x3], $0x10, s3, s26, $0xb8;
	[tilespmem:$0x19960] =	vst v63  }
0x40: {  	_ = 	snop  }
0x41: {  	[spmem:s2] =	stream.indirect.scatter.add.f32 [tilespmem:s23], [sflag:$0x3], $0x10, s1, s26, $0xb8;
	[tilespmem:$0x19960] =	vst v63  }
0x42: {  	s28 =	simm.s32 $0x5780;
	s1 =	simm.s32 $0x68  }
0x43: {  	[spmem:s2] =	stream.indirect.scatter.add.f32 [tilespmem:s28], [sflag:$0x3], $0x10, s1, s26, $0xb8;
	[tilespmem:$0x19960] =	vst v63  }
0x44: {  	s31 =	simm.s32 $0x18C8  }
0x45: {  	[spmem:s2] =	stream.indirect.scatter.add.f32 [tilespmem:s28], [sflag:$0x3], $0x10, s31, s26, $0xb8;
	[tilespmem:$0x19960] =	vst v63  }
0x46: {  	s1 =	simm.s32 $0xD0;
	s28 =	simm.s32 $0x5DC0  }
0x47: {  	[spmem:s2] =	stream.indirect.scatter.add.f32 [tilespmem:s28], [sflag:$0x3], $0x10, s1, s26, $0xb8;
	[tilespmem:$0x19960] =	vst v63  }
0x48: {  	s31 =	simm.s32 $0x1930  }
0x49: {  	[spmem:s2] =	stream.indirect.scatter.add.f32 [tilespmem:s28], [sflag:$0x3], $0x10, s31, s26, $0xb8;
	[tilespmem:$0x19960] =	vst v63  }
0x4a: {  	s1 =	simm.s32 $0x138;
	s28 =	simm.s32 $0x6400  }
0x4b: {  	[spmem:s2] =	stream.indirect.scatter.add.f32 [tilespmem:s28], [sflag:$0x3], $0x10, s1, s26, $0xb8;
	[tilespmem:$0x19960] =	vst v63  }
0x4c: {  	s31 =	simm.s32 $0x1998  }
0x4d: {  	[spmem:s2] =	stream.indirect.scatter.add.f32 [tilespmem:s28], [sflag:$0x3], $0x10, s31, s26, $0xb8;
	[tilespmem:$0x19960] =	vst v63  }
0x4e: {  	s1 =	simm.s32 $0x1A0;
	s28 =	simm.s32 $0x6A40  }
0x4f: {  	[spmem:s2] =	stream.indirect.scatter.add.f32 [tilespmem:s28], [sflag:$0x3], $0x10, s1, s26, $0xb8;
	[tilespmem:$0x19960] =	vst v63  }
0x50: {  	s31 =	simm.s32 $0x1A00  }
0x51: {  	[spmem:s2] =	stream.indirect.scatter.add.f32 [tilespmem:s28], [sflag:$0x3], $0x10, s31, s26, $0xb8;
	[tilespmem:$0x19960] =	vst v63  }
0x52: {  	s1 =	simm.s32 $0x208;
	s28 =	simm.s32 $0x7080  }
0x53: {  	[spmem:s2] =	stream.indirect.scatter.add.f32 [tilespmem:s28], [sflag:$0x3], $0x10, s1, s26, $0xb8;
	[tilespmem:$0x19960] =	vst v63  }
0x54: {  	s31 =	simm.s32 $0x1A68  }
0x55: {  	[spmem:s2] =	stream.indirect.scatter.add.f32 [tilespmem:s28], [sflag:$0x3], $0x10, s31, s26, $0xb8;
	[tilespmem:$0x19960] =	vst v63  }
0x56: {  	s1 =	simm.s32 $0x270;
	s28 =	simm.s32 $0x76C0  }
0x57: {  	[spmem:s2] =	stream.indirect.scatter.add.f32 [tilespmem:s28], [sflag:$0x3], $0x10, s1, s26, $0xb8;
	[tilespmem:$0x19960] =	vst v63  }
0x58: {  	s31 =	simm.s32 $0x1AD0  }
0x59: {  	[spmem:s2] =	stream.indirect.scatter.add.f32 [tilespmem:s28], [sflag:$0x3], $0x10, s31, s26, $0xb8;
	[tilespmem:$0x19960] =	vst v63  }
0x5a: {  	s1 =	simm.s32 $0x2D8;
	s28 =	simm.s32 $0x7D00  }
0x5b: {  	[spmem:s2] =	stream.indirect.scatter.add.f32 [tilespmem:s28], [sflag:$0x3], $0x10, s1, s26, $0xb8;
	[tilespmem:$0x19960] =	vst v63  }
0x5c: {  	s31 =	simm.s32 $0x1B38  }
0x5d: {  	[spmem:s2] =	stream.indirect.scatter.add.f32 [tilespmem:s28], [sflag:$0x3], $0x10, s31, s26, $0xb8;
	[tilespmem:$0x19960] =	vst v63  }
0x5e: {  	s1 =	simm.s32 $0x340;
	s28 =	simm.s32 $0x8340  }
0x5f: {  	[spmem:s2] =	stream.indirect.scatter.add.f32 [tilespmem:s28], [sflag:$0x3], $0x10, s1, s26, $0xb8;
	[tilespmem:$0x19960] =	vst v63  }
0x60: {  	s31 =	simm.s32 $0x1BA0  }
0x61: {  	[spmem:s2] =	stream.indirect.scatter.add.f32 [tilespmem:s28], [sflag:$0x3], $0x10, s31, s26, $0xb8;
	[tilespmem:$0x19960] =	vst v63  }
0x62: {  	s1 =	simm.s32 $0x3A8;
	s28 =	simm.s32 $0x8980  }
0x63: {  	[spmem:s2] =	stream.indirect.scatter.add.f32 [tilespmem:s28], [sflag:$0x3], $0x10, s1, s26, $0xb8;
	[tilespmem:$0x19960] =	vst v63  }
0x64: {  	s31 =	simm.s32 $0x1C08  }
0x65: {  	[spmem:s2] =	stream.indirect.scatter.add.f32 [tilespmem:s28], [sflag:$0x3], $0x10, s31, s26, $0xb8;
	[tilespmem:$0x19960] =	vst v63  }
0x66: {  	s1 =	simm.s32 $0x410;
	s28 =	simm.s32 $0x8FC0  }
0x67: {  	[spmem:s2] =	stream.indirect.scatter.add.f32 [tilespmem:s28], [sflag:$0x3], $0x10, s1, s26, $0xb8;
	[tilespmem:$0x19960] =	vst v63  }
0x68: {  	s31 =	simm.s32 $0x1C70  }
0x69: {  	[spmem:s2] =	stream.indirect.scatter.add.f32 [tilespmem:s28], [sflag:$0x3], $0x10, s31, s26, $0xb8;
	[tilespmem:$0x19960] =	vst v63  }
0x6a: {  	s1 =	simm.s32 $0x478;
	s28 =	simm.s32 $0x9600  }
0x6b: {  	[spmem:s2] =	stream.indirect.scatter.add.f32 [tilespmem:s28], [sflag:$0x3], $0x10, s1, s26, $0xb8;
	[tilespmem:$0x19960] =	vst v63  }
0x6c: {  	s31 =	simm.s32 $0x1CD8  }
0x6d: {  	[spmem:s2] =	stream.indirect.scatter.add.f32 [tilespmem:s28], [sflag:$0x3], $0x10, s31, s26, $0xb8;
	[tilespmem:$0x19960] =	vst v63  }
0x6e: {  	s1 =	simm.s32 $0x4E0;
	s28 =	simm.s32 $0x9C40  }
0x6f: {  	[spmem:s2] =	stream.indirect.scatter.add.f32 [tilespmem:s28], [sflag:$0x3], $0x10, s1, s26, $0xb8;
	[tilespmem:$0x19960] =	vst v63  }
0x70: {  	s31 =	simm.s32 $0x1D40  }
0x71: {  	[spmem:s2] =	stream.indirect.scatter.add.f32 [tilespmem:s28], [sflag:$0x3], $0x10, s31, s26, $0xb8;
	[tilespmem:$0x19960] =	vst v63  }
0x72: {  	s1 =	simm.s32 $0x548;
	s28 =	simm.s32 $0xA280  }
0x73: {  	[spmem:s2] =	stream.indirect.scatter.add.f32 [tilespmem:s28], [sflag:$0x3], $0x10, s1, s26, $0xb8;
	[tilespmem:$0x19960] =	vst v63  }
0x74: {  	s31 =	simm.s32 $0x1DA8  }
0x75: {  	[spmem:s2] =	stream.indirect.scatter.add.f32 [tilespmem:s28], [sflag:$0x3], $0x10, s31, s26, $0xb8;
	[tilespmem:$0x19960] =	vst v63  }
0x76: {  	s1 =	simm.s32 $0x5B0;
	s28 =	simm.s32 $0xA8C0  }
0x77: {  	[spmem:s2] =	stream.indirect.scatter.add.f32 [tilespmem:s28], [sflag:$0x3], $0x10, s1, s26, $0xb8;
	[tilespmem:$0x19960] =	vst v63  }
0x78: {  	s31 =	simm.s32 $0x1E10  }
0x79: {  	[spmem:s2] =	stream.indirect.scatter.add.f32 [tilespmem:s28], [sflag:$0x3], $0x10, s31, s26, $0xb8;
	[tilespmem:$0x19960] =	vst v63  }
0x7a: {  	s1 =	simm.s32 $0x618;
	s28 =	simm.s32 $0xAF00  }
0x7b: {  	[spmem:s2] =	stream.indirect.scatter.add.f32 [tilespmem:s28], [sflag:$0x3], $0x10, s1, s26, $0xb8;
	[tilespmem:$0x19960] =	vst v63  }
0x7c: {  	s31 =	simm.s32 $0x1E78  }
0x7d: {  	[spmem:s2] =	stream.indirect.scatter.add.f32 [tilespmem:s28], [sflag:$0x3], $0x10, s31, s26, $0xb8;
	[tilespmem:$0x19960] =	vst v63  }
0x7e: {  	s1 =	simm.s32 $0x680;
	s28 =	simm.s32 $0xB540  }
0x7f: {  	[spmem:s2] =	stream.indirect.scatter.add.f32 [tilespmem:s28], [sflag:$0x3], $0x10, s1, s26, $0xb8;
	[tilespmem:$0x19960] =	vst v63  }
0x80: {  	s31 =	simm.s32 $0x1EE0  }
0x81: {  	[spmem:s2] =	stream.indirect.scatter.add.f32 [tilespmem:s28], [sflag:$0x3], $0x10, s31, s26, $0xb8;
	[tilespmem:$0x19960] =	vst v63  }
0x82: {  	s1 =	simm.s32 $0x6E8;
	s28 =	simm.s32 $0xBB80  }
0x83: {  	[spmem:s2] =	stream.indirect.scatter.add.f32 [tilespmem:s28], [sflag:$0x3], $0x10, s1, s26, $0xb8;
	[tilespmem:$0x19960] =	vst v63  }
0x84: {  	s31 =	simm.s32 $0x1F48  }
0x85: {  	[spmem:s2] =	stream.indirect.scatter.add.f32 [tilespmem:s28], [sflag:$0x3], $0x10, s31, s26, $0xb8;
	[tilespmem:$0x19960] =	vst v63  }
0x86: {  	s1 =	simm.s32 $0x750;
	s28 =	simm.s32 $0xC1C0  }
0x87: {  	[spmem:s2] =	stream.indirect.scatter.add.f32 [tilespmem:s28], [sflag:$0x3], $0x10, s1, s26, $0xb8;
	[tilespmem:$0x19960] =	vst v63  }
0x88: {  	s31 =	simm.s32 $0x1FB0  }
0x89: {  	[spmem:s2] =	stream.indirect.scatter.add.f32 [tilespmem:s28], [sflag:$0x3], $0x10, s31, s26, $0xb8;
	[tilespmem:$0x19960] =	vst v63  }
0x8a: {  	s1 =	simm.s32 $0x7B8;
	s28 =	simm.s32 $0xC800  }
0x8b: {  	[spmem:s2] =	stream.indirect.scatter.add.f32 [tilespmem:s28], [sflag:$0x3], $0x10, s1, s26, $0xb8;
	[tilespmem:$0x19960] =	vst v63  }
0x8c: {  	s31 =	simm.s32 $0x2018  }
0x8d: {  	[spmem:s2] =	stream.indirect.scatter.add.f32 [tilespmem:s28], [sflag:$0x3], $0x10, s31, s26, $0xb8;
	[tilespmem:$0x19960] =	vst v63  }
0x8e: {  	_ =	swait.ge [sflag:s14], $0x7D00  }
0x8f: {  	[sflag:s14] =	ssyncset.done $0x0  }
0x90: {  	[sflag:s14] =	ssyncadd.s32 $0xFFFF8300  }
0x91: {  	_ =	swait.ge [sflag:s15], $0x640  }
0x92: {  	s0 =	simm.s32 $0x27;
	[sflag:s15] =	ssyncset.done $0x0  }
.LBB2_4:
0x93: {  	p0 =	sne.s32 s0, $0x1;
	s0 =	sadd.s32 $0xFFFFFFFF, s0;
	[sflag:s15] =	ssyncadd.s32 $0xFFFFF9C0  }
.Ltmp1:
0x94: {  	(pc) =	sbr.rel @p0 .LBB2_4-.Ltmp1, $3  }
0x95: {  	_ =	sdelay $0x1  }
0x96: {  	_ =	swait.ge [sflag:s15], $0x640  }
0x97: {  	[sflag:s15] =	ssyncset.done $0x0  }
0x98: {  	[sflag:s15] =	ssyncadd.s32 $0xFFFFF9C0;
	s0 =	rddreg [dreg:$0xa]  }
0x99: {  	[tilespmem:s23], [sflag:$0x1] =	stream.strided.gather [hbm4b:s0+s21], $0x7D00, s22, s21, $0x38;
	[tilespmem:$0x19960] =	vst v63  }
0x9a: {  	s28 =	simm.s32 $0x820;
	s0 =	simm.s32 $0xCE40  }
0x9b: {  	[spmem:s2] =	stream.indirect.scatter.add.f32 [tilespmem:s0], [sflag:$0x3], $0x10, s28, s26, $0xb8;
	[tilespmem:$0x19960] =	vst v63  }
0x9c: {  	s28 =	simm.s32 $0x2080  }
0x9d: {  	[spmem:s2] =	stream.indirect.scatter.add.f32 [tilespmem:s0], [sflag:$0x3], $0x10, s28, s26, $0xb8;
	[tilespmem:$0x19960] =	vst v63  }
0x9e: {  	s28 =	simm.s32 $0x1A0  }
.LBB2_6:
0x9f: {  	p0 =	sne.s32 s28, $0x1EE0  }
.Ltmp2:
0xa0: {  	s1 =	sshra.s32 s28, $0x2;
	s28 =	sadd.s32 $0x1A0, s28;
	(pc) =	sbr.rel @p0 .LBB2_6-.Ltmp2, $4  }
0xa1: {  	s0 =	sadd.s32 $0x640, s0;
	s31 =	sadd.s32 $0x820, s1  }
0xa2: {  	[spmem:s2] =	stream.indirect.scatter.add.f32 [tilespmem:s0], [sflag:$0x3], $0x10, s31, s26, $0xb8;
	[tilespmem:$0x19960] =	vst v63  }
0xa3: {  	s1 =	sadd.s32 $0x2080, s1  }
0xa4: {  	[spmem:s2] =	stream.indirect.scatter.add.f32 [tilespmem:s0], [sflag:$0x3], $0x10, s1, s26, $0xb8;
	[tilespmem:$0x19960] =	vst v63  }
0xa5: {  	_ =	swait.ge [sflag:s24], $0x7D00  }
0xa6: {  	[sflag:s24] =	ssyncset.done $0x0  }
0xa7: {  	[sflag:s24] =	ssyncadd.s32 $0xFFFF8300  }
0xa8: {  	_ =	swait.ge [sflag:s15], $0x640  }
0xa9: {  	s0 =	simm.s32 $0x27;
	[sflag:s15] =	ssyncset.done $0x0  }
.LBB2_8:
0xaa: {  	p0 =	sne.s32 s0, $0x1;
	s0 =	sadd.s32 $0xFFFFFFFF, s0;
	[sflag:s15] =	ssyncadd.s32 $0xFFFFF9C0  }
.Ltmp3:
0xab: {  	(pc) =	sbr.rel @p0 .LBB2_8-.Ltmp3, $3  }
0xac: {  	_ =	sdelay $0x1  }
0xad: {  	_ =	swait.ge [sflag:s15], $0x640  }
0xae: {  	[sflag:s15] =	ssyncset.done $0x0  }
0xaf: {  	[sflag:s15] =	ssyncadd.s32 $0xFFFFF9C0;
	s0 =	rddreg [dreg:$0xb]  }
0xb0: {  	[tilespmem:s25], [sflag:$0x2] =	stream.strided.gather [hbm4b:s0+s21], $0x7D00, s22, s21, $0x38;
	[tilespmem:$0x19960] =	vst v63  }
0xb1: {  	s1 =	simm.s32 $0x1040;
	s0 =	simm.s32 $0x5140  }
0xb2: {  	[spmem:s2] =	stream.indirect.scatter.add.f32 [tilespmem:s0], [sflag:$0x3], $0x10, s1, s26, $0xb8;
	[tilespmem:$0x19960] =	vst v63  }
0xb3: {  	s31 =	simm.s32 $0x28A0;
	s28 =	simm.s32 $0x1A0  }
0xb4: {  	[spmem:s2] =	stream.indirect.scatter.add.f32 [tilespmem:s0], [sflag:$0x3], $0x10, s31, s26, $0xb8;
	[tilespmem:$0x19960] =	vst v63  }
.LBB2_10:
0xb5: {  	p0 =	sne.s32 s28, $0x1EE0  }
.Ltmp4:
0xb6: {  	s1 =	sshra.s32 s28, $0x2;
	s28 =	sadd.s32 $0x1A0, s28;
	(pc) =	sbr.rel @p0 .LBB2_10-.Ltmp4, $4  }
0xb7: {  	s0 =	sadd.s32 $0x640, s0;
	s31 =	sadd.s32 $0x1040, s1  }
0xb8: {  	[spmem:s2] =	stream.indirect.scatter.add.f32 [tilespmem:s0], [sflag:$0x3], $0x10, s31, s26, $0xb8;
	[tilespmem:$0x19960] =	vst v63  }
0xb9: {  	s1 =	sadd.s32 $0x28A0, s1  }
0xba: {  	[spmem:s2] =	stream.indirect.scatter.add.f32 [tilespmem:s0], [sflag:$0x3], $0x10, s1, s26, $0xb8;
	[tilespmem:$0x19960] =	vst v63  }
0xbb: {  	_ =	swait.ge [sflag:s14], $0x7D00  }
0xbc: {  	[sflag:s14] =	ssyncset.done $0x0  }
0xbd: {  	[sflag:s14] =	ssyncadd.s32 $0xFFFF8300  }
0xbe: {  	_ =	swait.ge [sflag:s15], $0x640  }
0xbf: {  	s0 =	simm.s32 $0x27;
	[sflag:s15] =	ssyncset.done $0x0  }
.LBB2_12:
0xc0: {  	p0 =	sne.s32 s0, $0x1;
	s0 =	sadd.s32 $0xFFFFFFFF, s0;
	[sflag:s15] =	ssyncadd.s32 $0xFFFFF9C0  }
.Ltmp5:
0xc1: {  	(pc) =	sbr.rel @p0 .LBB2_12-.Ltmp5, $3  }
0xc2: {  	_ =	sdelay $0x1  }
0xc3: {  	_ =	swait.ge [sflag:s15], $0x640  }
0xc4: {  	[sflag:s15] =	ssyncset.done $0x0  }
0xc5: {  	[sflag:s15] =	ssyncadd.s32 $0xFFFFF9C0;
	s0 =	rddreg [dreg:$0xc]  }
0xc6: {  	[tilespmem:s23], [sflag:$0x1] =	stream.strided.gather [hbm4b:s0+s21], $0x7D00, s22, s21, $0x38;
	[tilespmem:$0x19960] =	vst v63  }
0xc7: {  	s31 =	simm.s32 $0x30C0  }
0xc8: {  	[spmem:s2] =	stream.indirect.scatter.add.f32 [tilespmem:s25], [sflag:$0x3], $0x10, s31, s26, $0xb8;
	[tilespmem:$0x19960] =	vst v63  }
0xc9: {  	s1 =	simm.s32 $0x4100  }
0xca: {  	[spmem:s2] =	stream.indirect.scatter.add.f32 [tilespmem:s25], [sflag:$0x3], $0x10, s1, s26, $0xb8;
	[tilespmem:$0x19960] =	vst v63  }
0xcb: {  	s28 =	simm.s32 $0x3128;
	s1 =	simm.s32 $0xD480  }
0xcc: {  	[spmem:s2] =	stream.indirect.scatter.add.f32 [tilespmem:s1], [sflag:$0x3], $0x10, s28, s26, $0xb8;
	[tilespmem:$0x19960] =	vst v63  }
0xcd: {  	s31 =	simm.s32 $0x4168  }
0xce: {  	[spmem:s2] =	stream.indirect.scatter.add.f32 [tilespmem:s1], [sflag:$0x3], $0x10, s31, s26, $0xb8;
	[tilespmem:$0x19960] =	vst v63  }
0xcf: {  	s28 =	simm.s32 $0xDAC0;
	s1 =	simm.s32 $0x3190  }
0xd0: {  	[spmem:s2] =	stream.indirect.scatter.add.f32 [tilespmem:s28], [sflag:$0x3], $0x10, s1, s26, $0xb8;
	[tilespmem:$0x19960] =	vst v63  }
0xd1: {  	s31 =	simm.s32 $0x41D0  }
0xd2: {  	[spmem:s2] =	stream.indirect.scatter.add.f32 [tilespmem:s28], [sflag:$0x3], $0x10, s31, s26, $0xb8;
	[tilespmem:$0x19960] =	vst v63  }
0xd3: {  	s1 =	simm.s32 $0x31F8;
	s28 =	simm.s32 $0xE100  }
0xd4: {  	[spmem:s2] =	stream.indirect.scatter.add.f32 [tilespmem:s28], [sflag:$0x3], $0x10, s1, s26, $0xb8;
	[tilespmem:$0x19960] =	vst v63  }
0xd5: {  	s31 =	simm.s32 $0x4238  }
0xd6: {  	[spmem:s2] =	stream.indirect.scatter.add.f32 [tilespmem:s28], [sflag:$0x3], $0x10, s31, s26, $0xb8;
	[tilespmem:$0x19960] =	vst v63  }
0xd7: {  	s1 =	simm.s32 $0x3260;
	s28 =	simm.s32 $0xE740  }
0xd8: {  	[spmem:s2] =	stream.indirect.scatter.add.f32 [tilespmem:s28], [sflag:$0x3], $0x10, s1, s26, $0xb8;
	[tilespmem:$0x19960] =	vst v63  }
0xd9: {  	s31 =	simm.s32 $0x42A0  }
0xda: {  	[spmem:s2] =	stream.indirect.scatter.add.f32 [tilespmem:s28], [sflag:$0x3], $0x10, s31, s26, $0xb8;
	[tilespmem:$0x19960] =	vst v63  }
0xdb: {  	s28 =	simm.s32 $0x32C8;
	s31 =	simm.s32 $0xED80  }
0xdc: {  	[spmem:s2] =	stream.indirect.scatter.add.f32 [tilespmem:s31], [sflag:$0x3], $0x10, s28, s26, $0xb8;
	[tilespmem:$0x19960] =	vst v63  }
0xdd: {  	s28 =	simm.s32 $0x4308  }
0xde: {  	[spmem:s2] =	stream.indirect.scatter.add.f32 [tilespmem:s31], [sflag:$0x3], $0x10, s28, s26, $0xb8;
	[tilespmem:$0x19960] =	vst v63  }
0xdf: {  	s31 =	simm.s32 $0x3330  }
0xe0: {  	[spmem:s2] =	stream.indirect.scatter.add.f32 [tilespmem:s16], [sflag:$0x3], $0x10, s31, s26, $0xb8;
	[tilespmem:$0x19960] =	vst v63  }
0xe1: {  	s1 =	simm.s32 $0x4370  }
0xe2: {  	[spmem:s2] =	stream.indirect.scatter.add.f32 [tilespmem:s16], [sflag:$0x3], $0x10, s1, s26, $0xb8;
	[tilespmem:$0x19960] =	vst v63  }
0xe3: {  	s28 =	simm.s32 $0x3398  }
0xe4: {  	[spmem:s2] =	stream.indirect.scatter.add.f32 [tilespmem:s30], [sflag:$0x3], $0x10, s28, s26, $0xb8;
	[tilespmem:$0x19960] =	vst v63  }
0xe5: {  	s31 =	simm.s32 $0x43D8  }
0xe6: {  	[spmem:s2] =	stream.indirect.scatter.add.f32 [tilespmem:s30], [sflag:$0x3], $0x10, s31, s26, $0xb8;
	[tilespmem:$0x19960] =	vst v63  }
0xe7: {  	s1 =	simm.s32 $0x3400  }
0xe8: {  	[spmem:s2] =	stream.indirect.scatter.add.f32 [tilespmem:s5], [sflag:$0x3], $0x10, s1, s26, $0xb8;
	[tilespmem:$0x19960] =	vst v63  }
0xe9: {  	s28 =	simm.s32 $0x4440  }
0xea: {  	[spmem:s2] =	stream.indirect.scatter.add.f32 [tilespmem:s5], [sflag:$0x3], $0x10, s28, s26, $0xb8;
	[tilespmem:$0x19960] =	vst v63  }
0xeb: {  	s31 =	simm.s32 $0x3468  }
0xec: {  	[spmem:s2] =	stream.indirect.scatter.add.f32 [tilespmem:s6], [sflag:$0x3], $0x10, s31, s26, $0xb8;
	[tilespmem:$0x19960] =	vst v63  }
0xed: {  	s1 =	simm.s32 $0x44A8  }
0xee: {  	[spmem:s2] =	stream.indirect.scatter.add.f32 [tilespmem:s6], [sflag:$0x3], $0x10, s1, s26, $0xb8;
	[tilespmem:$0x19960] =	vst v63  }
0xef: {  	s28 =	simm.s32 $0x34D0  }
0xf0: {  	[spmem:s2] =	stream.indirect.scatter.add.f32 [tilespmem:s7], [sflag:$0x3], $0x10, s28, s26, $0xb8;
	[tilespmem:$0x19960] =	vst v63  }
0xf1: {  	s31 =	simm.s32 $0x4510  }
0xf2: {  	[spmem:s2] =	stream.indirect.scatter.add.f32 [tilespmem:s7], [sflag:$0x3], $0x10, s31, s26, $0xb8;
	[tilespmem:$0x19960] =	vst v63  }
0xf3: {  	s1 =	simm.s32 $0x3538  }
0xf4: {  	[spmem:s2] =	stream.indirect.scatter.add.f32 [tilespmem:s8], [sflag:$0x3], $0x10, s1, s26, $0xb8;
	[tilespmem:$0x19960] =	vst v63  }
0xf5: {  	s28 =	simm.s32 $0x4578  }
0xf6: {  	[spmem:s2] =	stream.indirect.scatter.add.f32 [tilespmem:s8], [sflag:$0x3], $0x10, s28, s26, $0xb8;
	[tilespmem:$0x19960] =	vst v63  }
0xf7: {  	s31 =	simm.s32 $0x35A0  }
0xf8: {  	[spmem:s2] =	stream.indirect.scatter.add.f32 [tilespmem:s9], [sflag:$0x3], $0x10, s31, s26, $0xb8;
	[tilespmem:$0x19960] =	vst v63  }
0xf9: {  	s1 =	simm.s32 $0x45E0  }
0xfa: {  	[spmem:s2] =	stream.indirect.scatter.add.f32 [tilespmem:s9], [sflag:$0x3], $0x10, s1, s26, $0xb8;
	[tilespmem:$0x19960] =	vst v63  }
0xfb: {  	s28 =	simm.s32 $0x3608  }
0xfc: {  	[spmem:s2] =	stream.indirect.scatter.add.f32 [tilespmem:s10], [sflag:$0x3], $0x10, s28, s26, $0xb8;
	[tilespmem:$0x19960] =	vst v63  }
0xfd: {  	s31 =	simm.s32 $0x4648  }
0xfe: {  	[spmem:s2] =	stream.indirect.scatter.add.f32 [tilespmem:s10], [sflag:$0x3], $0x10, s31, s26, $0xb8;
	[tilespmem:$0x19960] =	vst v63  }
0xff: {  	s1 =	simm.s32 $0x3670  }
0x100: {  	[spmem:s2] =	stream.indirect.scatter.add.f32 [tilespmem:s11], [sflag:$0x3], $0x10, s1, s26, $0xb8;
	[tilespmem:$0x19960] =	vst v63  }
0x101: {  	s28 =	simm.s32 $0x46B0  }
0x102: {  	[spmem:s2] =	stream.indirect.scatter.add.f32 [tilespmem:s11], [sflag:$0x3], $0x10, s28, s26, $0xb8;
	[tilespmem:$0x19960] =	vst v63  }
0x103: {  	s31 =	simm.s32 $0x36D8  }
0x104: {  	[spmem:s2] =	stream.indirect.scatter.add.f32 [tilespmem:s18], [sflag:$0x3], $0x10, s31, s26, $0xb8;
	[tilespmem:$0x19960] =	vst v63  }
0x105: {  	s1 =	simm.s32 $0x4718  }
0x106: {  	[spmem:s2] =	stream.indirect.scatter.add.f32 [tilespmem:s18], [sflag:$0x3], $0x10, s1, s26, $0xb8;
	[tilespmem:$0x19960] =	vst v63  }
0x107: {  	s28 =	simm.s32 $0x3740  }
0x108: {  	[spmem:s2] =	stream.indirect.scatter.add.f32 [tilespmem:s19], [sflag:$0x3], $0x10, s28, s26, $0xb8;
	[tilespmem:$0x19960] =	vst v63  }
0x109: {  	s31 =	simm.s32 $0x4780  }
0x10a: {  	[spmem:s2] =	stream.indirect.scatter.add.f32 [tilespmem:s19], [sflag:$0x3], $0x10, s31, s26, $0xb8;
	[tilespmem:$0x19960] =	vst v63  }
0x10b: {  	s1 =	simm.s32 $0x37A8  }
0x10c: {  	[spmem:s2] =	stream.indirect.scatter.add.f32 [tilespmem:s12], [sflag:$0x3], $0x10, s1, s26, $0xb8;
	[tilespmem:$0x19960] =	vst v63  }
0x10d: {  	s28 =	simm.s32 $0x47E8  }
0x10e: {  	[spmem:s2] =	stream.indirect.scatter.add.f32 [tilespmem:s12], [sflag:$0x3], $0x10, s28, s26, $0xb8;
	[tilespmem:$0x19960] =	vst v63  }
0x10f: {  	s31 =	simm.s32 $0x3810  }
0x110: {  	[spmem:s2] =	stream.indirect.scatter.add.f32 [tilespmem:s13], [sflag:$0x3], $0x10, s31, s26, $0xb8;
	[tilespmem:$0x19960] =	vst v63  }
0x111: {  	s1 =	simm.s32 $0x4850  }
0x112: {  	[spmem:s2] =	stream.indirect.scatter.add.f32 [tilespmem:s13], [sflag:$0x3], $0x10, s1, s26, $0xb8;
	[tilespmem:$0x19960] =	vst v63  }
0x113: {  	s28 =	simm.s32 $0x3878  }
0x114: {  	[spmem:s2] =	stream.indirect.scatter.add.f32 [tilespmem:s20], [sflag:$0x3], $0x10, s28, s26, $0xb8;
	[tilespmem:$0x19960] =	vst v63  }
0x115: {  	s31 =	simm.s32 $0x48B8  }
0x116: {  	[spmem:s2] =	stream.indirect.scatter.add.f32 [tilespmem:s20], [sflag:$0x3], $0x10, s31, s26, $0xb8;
	[tilespmem:$0x19960] =	vst v63  }
0x117: {  	_ =	swait.ge [sflag:s24], $0x7D00  }
0x118: {  	[sflag:s24] =	ssyncset.done $0x0  }
0x119: {  	s0 =	simm.s32 $0x28;
	[sflag:s24] =	ssyncadd.s32 $0xFFFF8300  }
.LBB2_14:
0x11a: {  	p0 =	sne.s32 s0, $0x1  }
.Ltmp6:
0x11b: {  	_ = 	snop;
	(pc) =	sbr.rel @p0 .LBB2_14-.Ltmp6, $4  }
0x11c: {  	_ = 	snop  }
0x11d: {  	_ =	swait.ge [sflag:s15], $0x640  }
0x11e: {  	[sflag:s15] =	ssyncset.done $0x0  }
0x11f: {  	s0 =	sadd.s32 $0xFFFFFFFF, s0;
	[sflag:s15] =	ssyncadd.s32 $0xFFFFF9C0  }
0x120: {  	s0 =	simm.s32 $0x5140;
	s1 =	simm.s32 $0x38E0  }
0x121: {  	[spmem:s2] =	stream.indirect.scatter.add.f32 [tilespmem:s0], [sflag:$0x3], $0x10, s1, s26, $0xb8;
	[tilespmem:$0x19960] =	vst v63  }
0x122: {  	s31 =	simm.s32 $0x4920;
	s28 =	simm.s32 $0x1A0  }
0x123: {  	[spmem:s2] =	stream.indirect.scatter.add.f32 [tilespmem:s0], [sflag:$0x3], $0x10, s31, s26, $0xb8;
	[tilespmem:$0x19960] =	vst v63  }
.LBB2_16:
0x124: {  	p0 =	sne.s32 s28, $0x1EE0  }
.Ltmp7:
0x125: {  	s1 =	sshra.s32 s28, $0x2;
	s28 =	sadd.s32 $0x1A0, s28;
	(pc) =	sbr.rel @p0 .LBB2_16-.Ltmp7, $4  }
0x126: {  	s0 =	sadd.s32 $0x640, s0;
	s31 =	sadd.s32 $0x38E0, s1  }
0x127: {  	[spmem:s2] =	stream.indirect.scatter.add.f32 [tilespmem:s0], [sflag:$0x3], $0x10, s31, s26, $0xb8;
	[tilespmem:$0x19960] =	vst v63  }
0x128: {  	s1 =	sadd.s32 $0x4920, s1  }
0x129: {  	[spmem:s2] =	stream.indirect.scatter.add.f32 [tilespmem:s0], [sflag:$0x3], $0x10, s1, s26, $0xb8;
	[tilespmem:$0x19960] =	vst v63  }
0x12a: {  	_ =	swait.ge [sflag:s15], $0x640  }
0x12b: {  	s0 =	simm.s32 $0x27;
	[sflag:s15] =	ssyncset.done $0x0  }
.LBB2_18:
0x12c: {  	p0 =	sne.s32 s0, $0x1;
	s0 =	sadd.s32 $0xFFFFFFFF, s0;
	[sflag:s15] =	ssyncadd.s32 $0xFFFFF9C0  }
.Ltmp8:
0x12d: {  	(pc) =	sbr.rel @p0 .LBB2_18-.Ltmp8, $3  }
0x12e: {  	_ =	sdelay $0x1  }
0x12f: {  	_ =	swait.ge [sflag:s15], $0x640  }
0x130: {  	[sflag:s15] =	ssyncset.done $0x0  }
0x131: {  	[sflag:s15] =	ssyncadd.s32 $0xFFFFF9C0;
	s0 =	stileid.u32  }
0x132: {  	s0 =	sshll.u32 s0, $0x6;
	[bflag:$0x0] =	sbarrier.arrive $0xFFFF  }
0x133: {  	s1 =	sshrl.u32 s4, $0x3;
	s0 =	sor.u32 $0x1C04, s0;
	s28 =	rddreg [dreg:$0xd]  }
0x134: {  	[hbm:s28], [sflag:s0] =	dma.local [spmem:s1], $0x4E2  }
0x135: {  	_ =	swait.ge [sflag:s17], $0x4E2  }
0x136: {  	s29 =	sadd.s32 $0x1, s29;
	s31 =	rddreg [dreg:$0xe]  }
0x137: {  	p0 =	sne.s32 s29, s31  }
.Ltmp9:
0x138: {  	_ = 	snop;
	(pc) =	sbr.rel @p0 .LBB2_1-.Ltmp9, $3  }
0x139: {  	_ =	sdelay $0x1  }
0x13a: {  	[sflag:s17] =	ssyncset.done $0x0  }
0x13b: {  	[sflag:s17] =	ssyncadd.s32 $0xFFFFFB1E  }
0x13c: {  	_ =	sfence.sel $0x180000  }
0x13d: {  	[bflag:$0x0] =	sbarrier.arrive $0xFFFF  }
0x13e: {  	_ =	strace $0x9000004D  }
0x13f: {  	s0 =	stileid.u32;
	[bflag:$0x2] =	sbarrier.arrive $0xFFFF  }
0x140: {  	p0 =	sne.s32 s0, $0x0;
	s0 =	rddreg [dreg:$0x3]  }
0x141: {  	s0 =	sadd.s32 @!p0 $0x100000, s0  }
0x142: {  	[sflag:s0] =	ssyncadd.tile.s32 @!p0 $0x1;
	_ =	shalt  }
.Lfunc_end2:
_tile_overlayer_lowered:
.L_overlay_start_2:
0x143: {  	(tag) =	ssettag $0x2  }
0x144: {  	s0 =	rddreg [dreg:$0x0];
	s2 =	stileid.u32  }
0x145: {  	s1 =	rddreg [dreg:$0x1];
	p0 =	sne.s32 s2, $0x0  }
0x146: {  	s3 =	rddreg [dreg:$0x2];
	[bflag:$0x3] =	sbarrier.arrive $0xFFFF;
	s2 =	simm.s32 @!p0 $0x1C04  }
0x147: {  	[timem:s3], [sflag:s2] =	dma.local @!p0 [hbm:s0], s1  }
0x148: {  	s0 =	simm.s32 @!p0 $0x4  }
0x149: {  	_ =	swait.ge @!p0 [sflag:s0], s1  }
0x14a: {  	s1 =	ssub.s32 @!p0 $0x0, s1;
	[sflag:s0] =	ssyncset.done @!p0 $0x0  }
0x14b: {  	[sflag:s0] =	ssyncadd.s32 @!p0 s1  }
0x14c: {  	[bflag:$0x3] =	sbarrier.arrive $0xFFFF  }
0x14d: {  	_ =	shalt  }

// kernel: kernel.9.cloned.1.call-start
scs
__scs_entry_jumppad:
0x0: {  	(pc) =	sbr.rel $0x88, $3  }
0x1: {  	(tag) =	ssettag $0x0;
	lr =	simm.s32 $0x1  }
0x2: {  	[smem:$0x3F8B] =	sst lr;
	_ =	strace $0xD0000000  }
0x3: {  	_ = 	snop  }
0x4: {  	_ = 	snop  }
0x5: {  	_ = 	snop  }
0x6: {  	_ = 	snop  }
0x7: {  	_ = 	snop  }
__scs_overlays_trampoline_lowered:
0x8: {  	[smem:$0x3F9A] =	sst s0  }
0x9: {  	[smem:$0x3F9B] =	sst s1  }
0xa: {  	[smem:$0x3F9C] =	sst s2  }
0xb: {  	[smem:$0x3F9D] =	sst s3  }
0xc: {  	[smem:$0x3F9E] =	sst s4  }
0xd: {  	[smem:$0x3F9F] =	sst s5  }
0xe: {  	[smem:$0x3FA0] =	sst s6  }
0xf: {  	[smem:$0x3FA1] =	sst s7  }
0x10: {  	[smem:$0x3FA2] =	sst s8  }
0x11: {  	[smem:$0x3FA3] =	sst s9;
	s0 =	simm.s32 @!p0 $0x0  }
0x12: {  	s1 =	sld [smem:$0x3F89];
	s0 =	simm.s32 @p0 $0x1  }
0x13: {  	[smem:$0x3FA4] =	sst s0;
	s0 =	simm.s32 @!p1 $0x0  }
0x14: {  	s2 =	sld [smem:$0x3F88];
	s0 =	simm.s32 @p1 $0x1  }
0x15: {  	[smem:$0x3FA5] =	sst s0;
	s0 =	simm.s32 @!p2 $0x0  }
0x16: {  	s3 =	sld [smem:$0x3FDB];
	s0 =	simm.s32 @p2 $0x1  }
0x17: {  	s4 =	simm.s32 $0x1BF5;
	[smem:$0x3FA7] =	sst s0  }
0x18: {  	s0 =	sld [smem:$0x3F8A];
	_ =	swait.ge [sflag:s4], $0x0  }
0x19: {  	s7 =	sld [smem:$0x3F8B]  }
0x1a: {  	s8 =	sadd.s32 $0xFFFFE003, lr  }
0x1b: {  	s9 =	sadd.s32 $0xFFFFFEF7, lr;
	s5 =	simm.s32 $0xFFFFFFFF;
	p2 =	slt.u32 s8, $0xFFFFF086  }
0x1c: {  	p1 =	slt.u32 s9, $0xF7A;
	s5 =	simm.s32 @!p2 $0x0  }
0x1d: {  	s5 =	simm.s32 @p1 $0x1;
	p0 =	seq.s32 s7, s2  }
0x1e: {  	s7 =	smul.u32 @!p0 $0xF7A, s2;
	p2 =	seq.s32 @!p0 s5, $0x0  }
0x1f: {  	s9 =	smul.u32 $0xF7A, s1;
	s8 =	simm.s32 @!p0 $0x1BF5;
	p2 =	por !p2, p0  }
0x20: {  	[sflag:s8] =	ssyncset.s32 @!p0 $0xFFFFF086;
	s6 =	sadd.s32 @!p0 s3, s7;
	s7 =	simm.s32 @!p0 $0x108  }
0x21: {  	s3 =	sadd.s32 s3, s9;
	s6 =	sadd.s32 @!p0 $0x88, s6;
	s7 =	simm.s32 @p2 $0x1082  }
0x22: {  	[simem:s7], [sflag:s8] =	dma.local @!p0 [hbm:s6], $0xF7A  }
0x23: {  	s9 =	sor.u32 $0xD0000000, s2;
	s6 =	simm.s32 $0x108;
	_ =	swait.ge @!p0 [sflag:s8], $0x0  }
0x24: {  	s3 =	sadd.s32 $0x88, s3;
	s6 =	simm.s32 @!p1 $0x1082;
	[sflag:s4] =	ssyncset.s32 $0xFFFFF086  }
0x25: {  	[simem:s6], [sflag:s4] =	dma.local [hbm:s3], $0xF7A  }
0x26: {  	[smem:$0x3F8B] =	sst s1;
	(tag) =	ssettag s2;
	_ =	strace s9  }
0x27: {  	s1 =	sld [smem:$0x3F9B]  }
0x28: {  	s2 =	sld [smem:$0x3F9C]  }
0x29: {  	s4 =	sld [smem:$0x3F9E]  }
0x2a: {  	p0 =	seq.s32 s5, $0x0;
	s5 =	sld [smem:$0x3F9F]  }
0x2b: {  	s6 =	sld [smem:$0x3FA0]  }
0x2c: {  	s7 =	sld [smem:$0x3FA1]  }
0x2d: {  	s3 =	simm.s32 $0x108;
	s8 =	sld [smem:$0x3FA2]  }
0x2e: {  	s3 =	simm.s32 @!p0 $0x1082;
	s9 =	sld [smem:$0x3FA3]  }
0x2f: {  	lr =	sadd.s32 s0, s3;
	s0 =	sld [smem:$0x3F9A]  }
0x30: {  	s3 =	sld [smem:$0x3F9D]  }
0x31: {  	[smem:$0x3FA6] =	sst s10  }
0x32: {  	s10 =	sld [smem:$0x3FA4];
	_ =	sdelay $0x3  }
0x33: {  	p0 =	seq.s32 s10, $0x1;
	s10 =	sld [smem:$0x3FA6];
	_ =	sdelay $0x3  }
0x34: {  	[smem:$0x3FA6] =	sst s10  }
0x35: {  	s10 =	sld [smem:$0x3FA5];
	_ =	sdelay $0x3  }
0x36: {  	p1 =	seq.s32 s10, $0x1;
	s10 =	sld [smem:$0x3FA6];
	_ =	sdelay $0x3  }
0x37: {  	[smem:$0x3FA6] =	sst s10  }
0x38: {  	s10 =	sld [smem:$0x3FA7]  }
0x39: {  	_ = 	snop;
	(pc) =	sbr.ind lr, $3  }
0x3a: {  	_ = 	snop  }
0x3b: {  	_ = 	snop  }
0x3c: {  	p2 =	seq.s32 s10, $0x1;
	s10 =	sld [smem:$0x3FA6]  }
0x3d: {  	_ =	shalt  }
0x3e: {  	_ =	shalt  }
0x3f: {  	_ =	shalt  }
0x40: {  	_ =	shalt  }
0x41: {  	_ =	shalt  }
0x42: {  	_ =	shalt  }
0x43: {  	_ =	shalt  }
0x44: {  	_ =	shalt  }
0x45: {  	_ =	shalt  }
0x46: {  	_ =	shalt  }
0x47: {  	_ =	shalt  }
0x48: {  	_ =	shalt  }
0x49: {  	_ =	shalt  }
0x4a: {  	_ =	shalt  }
0x4b: {  	_ =	shalt  }
0x4c: {  	_ =	shalt  }
0x4d: {  	_ =	shalt  }
0x4e: {  	_ =	shalt  }
0x4f: {  	_ =	shalt  }
0x50: {  	_ =	shalt  }
0x51: {  	_ =	shalt  }
0x52: {  	_ =	shalt  }
0x53: {  	_ =	shalt  }
0x54: {  	_ =	shalt  }
0x55: {  	_ =	shalt  }
0x56: {  	_ =	shalt  }
0x57: {  	_ =	shalt  }
0x58: {  	_ =	shalt  }
0x59: {  	_ =	shalt  }
0x5a: {  	_ =	shalt  }
0x5b: {  	_ =	shalt  }
0x5c: {  	_ =	shalt  }
0x5d: {  	_ =	shalt  }
0x5e: {  	_ =	shalt  }
0x5f: {  	_ =	shalt  }
0x60: {  	_ =	shalt  }
0x61: {  	_ =	shalt  }
0x62: {  	_ =	shalt  }
0x63: {  	_ =	shalt  }
0x64: {  	_ =	shalt  }
0x65: {  	_ =	shalt  }
0x66: {  	_ =	shalt  }
0x67: {  	_ =	shalt  }
0x68: {  	_ =	shalt  }
0x69: {  	_ =	shalt  }
0x6a: {  	_ =	shalt  }
0x6b: {  	_ =	shalt  }
0x6c: {  	_ =	shalt  }
0x6d: {  	_ =	shalt  }
0x6e: {  	_ =	shalt  }
0x6f: {  	_ =	shalt  }
0x70: {  	_ =	shalt  }
0x71: {  	_ =	shalt  }
0x72: {  	_ =	shalt  }
0x73: {  	_ =	shalt  }
0x74: {  	_ =	shalt  }
0x75: {  	_ =	shalt  }
0x76: {  	_ =	shalt  }
0x77: {  	_ =	shalt  }
0x78: {  	_ =	shalt  }
0x79: {  	_ =	shalt  }
0x7a: {  	_ =	shalt  }
0x7b: {  	_ =	shalt  }
0x7c: {  	_ =	shalt  }
0x7d: {  	_ =	shalt  }
0x7e: {  	_ =	shalt  }
0x7f: {  	_ =	shalt  }
0x80: {  	_ =	shalt  }
0x81: {  	_ =	shalt  }
0x82: {  	_ =	shalt  }
0x83: {  	_ =	shalt  }
0x84: {  	_ =	shalt  }
0x85: {  	_ =	shalt  }
0x86: {  	_ =	shalt  }
0x87: {  	_ =	shalt  }
.Lfunc_end0:
.L_simem_size_0:
called_computation_lowered:
.L_overlay_start_0:
0x88: {  	s2 =	sld [smem:$0x3FD9]  }
0x89: {  	s3 =	sld [smem:$0x3FFE];
	_ =	sdelay $0x1  }
0x8a: {  	s1 =	srdreg.scid  }
0x8b: {  	s0 =	sand.u32 $0x1, s1  }
0x8c: {  	s14 =	sshll.u32 s0, $0xA;
	s2 =	sadd.s32 s3, s2  }
0x8d: {  	s2 =	sadd.s32 s2, s14  }
0x8e: {  	[smem:$0x3FB2] =	sst s2  }
0x8f: {  	_ = 	snop  }
0x90: {  	s2 =	sld [smem:$0x3FD0];
	_ =	sdelay $0x2  }
0x91: {  	s15 =	simm.s32 $0xB;
	s4 =	simm.s32 $0x10  }
0x92: {  	[smem:s4], [sflag:s15] =	dma.local [hbm:s2], $0x1  }
0x93: {  	_ =	swait.eq [sflag:s15], $0x1  }
0x94: {  	[sflag:s15] =	ssyncset.done $0x0  }
0x95: {  	s16 =	sld [smem:$0x10];
	[sflag:s15] =	ssyncadd.s32 $0xFFFFFFFF  }
0x96: {  	s17 =	sld [smem:$0x11];
	(tm) =	ssettm $0x1  }
0x97: {  	s18 =	sld [smem:$0x3FFB];
	_ =	sdelay $0x3  }
0x98: {  	_ =	strace s18  }
0x99: {  	s4 =	sld [smem:$0x3FFC];
	_ =	sdelay $0x3  }
0x9a: {  	_ =	strace s4  }
0x9b: {  	s4 =	sld [smem:$0x3FFD];
	_ =	sdelay $0x3  }
0x9c: {  	_ =	strace s4  }
0x9d: {  	_ =	strace $0x8FFFFFFF  }
0x9e: {  	s19 =	sld [smem:$0x3FDB];
	_ =	sdelay $0x1  }
0x9f: {  	s5 =	simm.s32 $_scs_section_size  }
0xa0: {  	s6 =	simm.s32 $_size__tile_overlayer_lowered;
	s7 =	simm.s32 $_tile_overlayer_lowered  }
0xa1: {  	s22 =	simm.s32 $0x1BFF;
	s21 =	sshll.u32 s7, $0x1;
	s4 =	sadd.s32 s5, s19  }
0xa2: {  	s8 =	simm.s32 $0x0;
	s20 =	sshll.u32 s6, $0x1;
	s6 =	sadd.s32 s21, s4  }
0xa3: {  	[timem:s8], [sflag:s22] =	dma.local [hbm:s6], s20  }
0xa4: {  	_ =	swait.ge [sflag:s22], s20  }
0xa5: {  	s5 =	ssub.s32 $0x0, s20;
	[sflag:s22] =	ssyncset.done $0x0  }
0xa6: {  	[sflag:s22] =	ssyncadd.s32 s5;
	_ =	sdelay $0x1  }
0xa7: {  	s23 =	simm.s32 $0x1B8B  }
0xa8: {  	_ =	swait.ge [sflag:s23], $0x1  }
0xa9: {  	[sflag:s23] =	ssyncset.done $0x0  }
0xaa: {  	s25 =	simm.s32 $0x1B8E;
	s24 =	sld [smem:$0x3FFE];
	[sflag:s23] =	ssyncadd.s32 $0xFFFFFFFF  }
0xab: {  	s26 =	simm.s32 $execute0_lowered;
	[smem:$0x3FD2] =	sst s25  }
0xac: {  	s6 =	sshll.u32 s26, $0x1;
	_ =	strace $0x80000046;
	[dreg:$0x1] =	wrdreg $0xFFFFFFFF  }
0xad: {  	s28 =	simm.s32 $_size_execute0_lowered;
	s4 =	sadd.s32 s4, s6;
	[dreg:$0x0] =	wrdreg $0x0  }
0xae: {  	s6 =	sshll.u32 s28, $0x1;
	[dreg:$0x2] =	wrdreg s4  }
0xaf: {  	[dreg:$0x3] =	wrdreg s6  }
0xb0: {  	[dreg:$0x4] =	wrdreg $0xC0  }
0xb1: {  	_ =	task [dreg:s8], $0x5FFFF  }
0xb2: {  	[dreg:$0x1] =	wrdreg $0xFFFFFFFF  }
0xb3: {  	[dreg:$0x0] =	wrdreg $0x60  }
0xb4: {  	[dreg:$0x2] =	wrdreg s24  }
0xb5: {  	[dreg:$0x3] =	wrdreg s16  }
0xb6: {  	[dreg:$0x4] =	wrdreg s17  }
0xb7: {  	[dreg:$0x5] =	wrdreg $0x9  }
0xb8: {  	_ =	task.clear_ibuf [dreg:s8], $0x6FFFF;
	_ =	strace $0x90000046  }
0xb9: {  	s29 =	simm.s32 $0x9;
	_ =	strace $0x80000048  }
0xba: {  	_ =	swait.ge [sflag:s29], $0x1  }
0xbb: {  	[sflag:s29] =	ssyncadd.s32 $0xFFFFFFFF  }
0xbc: {  	_ =	strace $0x90000048  }
0xbd: {  	_ =	sfence  }
0xbe: {  	s30 =	sld [smem:$0x0];
	_ =	sdelay $0x2  }
0xbf: {  	s31 =	sshll.u32 s1, $0xD;
	s1 =	sshrl.u32 s1, $0x2  }
0xc0: {  	s3 =	sand.u32 $0x4000, s31;
	s1 =	sadd.s32 s1, s30  }
0xc1: {  	s0 =	sor.u32 s3, s0;
	s1 =	sshll.u32 s1, $0x11  }
0xc2: {  	s0 =	sor.u32 s1, s0  }
0xc3: {  	s0 =	sadd.s32 $0x8F2B, s0  }
0xc4: {  	[sflag:s0] =	ssyncadd.remote.s32 $0x1  }
0xc5: {  	_ =	sfence.sel $0xFFFF  }
0xc6: {  	[dreg:$0x0] =	wrdreg $0xFFFFFFFF;
	(pc) =	sbr.abs _section_cstart, $3  }
0xc7: {  	[dreg:$0x1] =	wrdreg $0xFFFFFFFF  }
0xc8: {  	_ =	task.clear_ibuf [dreg:s8], $0x2FFFF;
	_ =	strace $0x9FFFFFFF  }
0xc9: {  	(tm) =	ssettm $0x7FFFFFFF  }
tec
execute0_lowered:
.L_overlay_start_1:
0x0: {  	(tag) =	ssettag $0x1  }
0x1: {  	s0 =	rddreg [dreg:$0x0]  }
0x2: {  	s1 =	rddreg [dreg:$0x1]  }
0x3: {  	s7 =	rddreg [dreg:$0x2]  }
0x4: {  	s2 =	simm.s32 $0x0;
	s3 =	srdreg.scid;
	s5 =	stileid.u32  }
0x5: {  	s10 =	simm.s32 $0x9;
	s12 =	simm.s32 $0x50;
	s14 =	simm.s32 $0xA000  }
0x6: {  	s15 =	simm.s32 $0x1;
	s16 =	simm.s32 $0xF000;
	s17 =	simm.s32 $0x2  }
0x7: {  	s18 =	simm.s32 $0x8;
	s19 =	simm.s32 $0x14000;
	s20 =	simm.s32 $0x3  }
0x8: {  	s21 =	simm.s32 $0x4;
	s4 =	sand.u32 $0x1, s3;
	s29 =	sshll.u32 s5, $0x1  }
0x9: {  	s22 =	simm.s32 $0x5;
	s23 =	simm.s32 $0x6;
	s6 =	sor.u32 s4, s29  }
0xa: {  	s24 =	simm.s32 $0x7;
	s25 =	simm.s32 $0x0;
	s9 =	smul.u32 $0x500, s6  }
.Ltmp0:
0xb: {  	[smem:$0x7FF] =	sst s2;
	s3 =	sadd.s32 $0x4400, s0;
	(pc) =	sbr.rel .LBB2_1-.Ltmp0, $4  }
0xc: {  	s5 =	sadd.s32 $0x340600, s0;
	_ =	strace $0x80000047;
	s8 =	ssub.s32 $0x2, s4  }
0xd: {  	s4 =	sadd.s32 $0x52600, s0;
	s30 =	sshrl.u32 s8, $0x1;
	s1 =	sadd.s32 s1, s9  }
0xe: {  	s0 =	ssub.s32 s8, s30;
	s31 =	sadd.s32 s7, s9;
	[dreg:$0x4] =	wrdreg s1  }
0xf: {  	s6 =	smul.u32 $0x1770, s6;
	s9 =	smax.u32 s0, $0x1;
	[dreg:$0x5] =	wrdreg s31  }
.LBB2_25:
0x10: {  	_ =	swait.ge [sflag:s22], $0x2800  }
0x11: {  	[sflag:s22] =	ssyncset.done $0x0  }
0x12: {  	[sflag:s22] =	ssyncadd.s32 $0xFFFFD800  }
0x13: {  	_ =	swait.ge [sflag:s22], $0x2800  }
0x14: {  	[sflag:s22] =	ssyncset.done $0x0  }
0x15: {  	[sflag:s22] =	ssyncadd.s32 $0xFFFFD800  }
0x16: {  	_ =	swait.ge [sflag:s23], $0x2800  }
0x17: {  	[sflag:s23] =	ssyncset.done $0x0  }
0x18: {  	[sflag:s23] =	ssyncadd.s32 $0xFFFFD800  }
0x19: {  	_ =	swait.ge [sflag:s23], $0x2800  }
0x1a: {  	[sflag:s23] =	ssyncset.done $0x0  }
0x1b: {  	[sflag:s23] =	ssyncadd.s32 $0xFFFFD800  }
0x1c: {  	_ =	swait.ge [sflag:s24], $0x2800  }
0x1d: {  	[sflag:s24] =	ssyncset.done $0x0  }
0x1e: {  	[sflag:s24] =	ssyncadd.s32 $0xFFFFD800  }
0x1f: {  	_ =	swait.ge [sflag:s24], $0x2800  }
0x20: {  	[sflag:s24] =	ssyncset.done $0x0  }
0x21: {  	s25 =	sadd.s32 $0x1, s25;
	[sflag:s24] =	ssyncadd.s32 $0xFFFFD800  }
0x22: {  	p0 =	sne.s32 s25, s9;
	_ =	swait.ge [sflag:s18], $0x2800  }
.Ltmp1:
0x23: {  	[sflag:s18] =	ssyncset.done $0x0;
	(pc) =	sbr.rel @!p0 .LBB2_26-.Ltmp1, $4  }
0x24: {  	[sflag:s18] =	ssyncadd.s32 $0xFFFFD800  }
0x25: {  	_ =	swait.ge [sflag:s18], $0x2800  }
0x26: {  	[sflag:s18] =	ssyncset.done $0x0  }
0x27: {  	[sflag:s18] =	ssyncadd.s32 $0xFFFFD800  }
.LBB2_1:
0x28: {  	s0 =	rddreg [dreg:$0x4]  }
0x29: {  	[tilespmem:s2], [sflag:$0x9] =	stream.linear.gather [hbm4b:s0+s2], $0x2580, $0x38;
	[tilespmem:$0x19000] =	vst v63  }
0x2a: {  	_ =	swait.ge [sflag:s10], $0x2580  }
0x2b: {  	[sflag:s10] =	ssyncset.done $0x0  }
0x2c: {  	s1 =	simm.s32 $0x2800;
	s30 =	rddreg [dreg:$0x5];
	[sflag:s10] =	ssyncadd.s32 $0xFFFFDA80  }
0x2d: {  	[tilespmem:s1], [sflag:$0x9] =	stream.linear.gather [hbm4b:s30+s2], $0x2580, $0x38;
	[tilespmem:$0x19000] =	vst v63  }
.Ltmp2:
0x2e: {  	_ = 	snop;
	(pc) =	sbr.rel .LBB2_2-.Ltmp2, $4  }
0x2f: {  	_ =	swait.ge [sflag:s10], $0x2580  }
0x30: {  	[sflag:s10] =	ssyncset.done $0x0  }
0x31: {  	s31 =	simm.s32 $0x5000;
	s26 =	simm.s32 $0x0;
	[sflag:s10] =	ssyncadd.s32 $0xFFFFDA80  }
0x32: {  	[tilespmem:s31], [sflag:$0x1] =	stream.indirect.gather [hbm4b:s3+s12], $0x100, s2, s12, $0xb8;
	[tilespmem:$0x19000] =	vst v63  }
.LBB2_24:
0x33: {  	s26 =	sadd.s32 $0x1, s26  }
0x34: {  	p0 =	sne.s32 s26, $0x13  }
.Ltmp3:
0x35: {  	_ = 	snop;
	(pc) =	sbr.rel @!p0 .LBB2_25-.Ltmp3, $1  }
0x36: {  	_ =	sdelay $0x3  }
.LBB2_2:
0x37: {  	p0 =	seq.s32 s26, $0x0  }
0x38: {  	s1 =	simm.s32 @!p0 $0x6  }
0x39: {  	_ =	swait.ge @!p0 [sflag:s1], $0x2800  }
0x3a: {  	[sflag:s1] =	ssyncset.done @!p0 $0x0  }
0x3b: {  	s29 =	sshll.u32 s26, $0x2;
	[sflag:s1] =	ssyncadd.s32 @!p0 $0xFFFFD800  }
0x3c: {  	s0 =	sor.u32 $0x1, s29;
	_ =	swait.ge @!p0 [sflag:s1], $0x2800  }
0x3d: {  	s7 =	sshll.u32 s0, $0x9;
	[sflag:s1] =	ssyncset.done @!p0 $0x0  }
0x3e: {  	[sflag:s1] =	ssyncadd.s32 @!p0 $0xFFFFD800;
	s1 =	sshrl.u32 s7, $0x2  }
0x3f: {  	[tilespmem:s14], [sflag:$0x2] =	stream.indirect.gather [hbm4b:s3+s12], $0x100, s1, s12, $0xb8;
	[tilespmem:$0x19000] =	vst v63  }
0x40: {  	s28 =	sshll.u32 s26, $0xB;
	s8 =	smul.u32 $0x140, s26;
	_ =	swait.ge [sflag:s15], $0x5000  }
0x41: {  	s30 =	simm.s32 $0x5000;
	s11 =	sshrl.u32 s28, $0x2;
	[sflag:s15] =	ssyncset.done $0x0  }
0x42: {  	s13 =	sadd.s32 s6, s8;
	s7 =	sadd.s32 $0x2800, s11;
	[sflag:s15] =	ssyncadd.s32 $0xFFFFB000  }
0x43: {  	[tilespmem:s30], [sflag:$0x1] =	stream.indirect.gather.add.f32 [hbm:s3], $0x100, s7, s12, $0xb8;
	[tilespmem:$0x19000] =	vst v63  }
0x44: {  	s31 =	sshll.u32 s13, $0x4;
	_ =	swait.ge [sflag:s15], $0x5000  }
0x45: {  	s13 =	simm.s32 $0x10;
	s11 =	sadd.s32 s4, s31;
	[sflag:s15] =	ssyncset.done $0x0  }
0x46: {  	s8 =	sadd.s32 $0x0, s11;
	s7 =	simm.s32 $0x5100;
	[sflag:s15] =	ssyncadd.s32 $0xFFFFB000  }
.LBB2_3:
0x47: {  	[hbm4b:s8+s2] =	stream.linear.scatter [tilespmem:s30], [sflag:$0x5], $0x80, $0x38;
	[tilespmem:$0x19000] =	vst v63  }
0x48: {  	s8 =	smov.u32 s13;
	s30 =	smov.u32 s7;
	p1 =	sne.s32 s13, $0x4F0  }
.Ltmp4:
0x49: {  	s13 =	sadd.s32 $0x10, s13;
	(pc) =	sbr.rel @p1 .LBB2_3-.Ltmp4, $2  }
0x4a: {  	_ =	sdelay $0x2  }
0x4b: {  	s7 =	sadd.s32 $0x100, s7;
	s8 =	sadd.s32 s8, s11  }
0x4c: {  	[hbm4b:s8+s2] =	stream.linear.scatter [tilespmem:s30], [sflag:$0x5], $0x80, $0x38;
	[tilespmem:$0x19000] =	vst v63  }
0x4d: {  	s30 =	sadd.s32 s5, s31;
	s11 =	simm.s32 $0x5080  }
0x4e: {  	s13 =	simm.s32 $0x10;
	s7 =	simm.s32 $0x5180;
	s8 =	sadd.s32 $0x0, s30  }
.LBB2_5:
0x4f: {  	[hbm4b:s8+s2] =	stream.linear.scatter [tilespmem:s11], [sflag:$0x5], $0x80, $0x38;
	[tilespmem:$0x19000] =	vst v63  }
0x50: {  	s8 =	smov.u32 s13;
	s11 =	smov.u32 s7;
	p1 =	sne.s32 s13, $0x4F0  }
.Ltmp5:
0x51: {  	s13 =	sadd.s32 $0x10, s13;
	(pc) =	sbr.rel @p1 .LBB2_5-.Ltmp5, $2  }
0x52: {  	_ =	sdelay $0x2  }
0x53: {  	s7 =	sadd.s32 $0x100, s7;
	s8 =	sadd.s32 s8, s30  }
0x54: {  	[hbm4b:s8+s2] =	stream.linear.scatter [tilespmem:s11], [sflag:$0x5], $0x80, $0x38;
	[tilespmem:$0x19000] =	vst v63  }
0x55: {  	s7 =	simm.s32 @!p0 $0x7  }
0x56: {  	_ =	swait.ge @!p0 [sflag:s7], $0x2800  }
0x57: {  	[sflag:s7] =	ssyncset.done @!p0 $0x0  }
0x58: {  	[sflag:s7] =	ssyncadd.s32 @!p0 $0xFFFFD800  }
0x59: {  	s30 =	sor.u32 $0x2, s29;
	_ =	swait.ge @!p0 [sflag:s7], $0x2800  }
0x5a: {  	s11 =	sshll.u32 s30, $0x9;
	[sflag:s7] =	ssyncset.done @!p0 $0x0  }
0x5b: {  	s0 =	smul.u32 $0x50, s0;
	s31 =	sshrl.u32 s11, $0x2;
	[sflag:s7] =	ssyncadd.s32 @!p0 $0xFFFFD800  }
0x5c: {  	[tilespmem:s16], [sflag:$0x3] =	stream.indirect.gather [hbm4b:s3+s12], $0x100, s31, s12, $0xb8;
	[tilespmem:$0x19000] =	vst v63  }
0x5d: {  	_ =	swait.ge [sflag:s17], $0x5000  }
0x5e: {  	s13 =	sadd.s32 $0x2800, s1;
	s0 =	sadd.s32 s6, s0;
	[sflag:s17] =	ssyncset.done $0x0  }
0x5f: {  	s1 =	simm.s32 $0xA000;
	s0 =	sshll.u32 s0, $0x4;
	[sflag:s17] =	ssyncadd.s32 $0xFFFFB000  }
0x60: {  	[tilespmem:s1], [sflag:$0x2] =	stream.indirect.gather.add.f32 [hbm:s3], $0x100, s13, s12, $0xb8;
	[tilespmem:$0x19000] =	vst v63  }
0x61: {  	s11 =	sadd.s32 s4, s0;
	_ =	swait.ge [sflag:s17], $0x5000  }
0x62: {  	s8 =	sadd.s32 $0x0, s11;
	[sflag:s17] =	ssyncset.done $0x0  }
0x63: {  	s7 =	simm.s32 $0xA100;
	s13 =	simm.s32 $0x10;
	[sflag:s17] =	ssyncadd.s32 $0xFFFFB000  }
.LBB2_7:
0x64: {  	[hbm4b:s8+s2] =	stream.linear.scatter [tilespmem:s1], [sflag:$0x6], $0x80, $0x38;
	[tilespmem:$0x19000] =	vst v63  }
0x65: {  	s8 =	smov.u32 s13;
	s1 =	smov.u32 s7;
	p1 =	sne.s32 s13, $0x4F0  }
.Ltmp6:
0x66: {  	s13 =	sadd.s32 $0x10, s13;
	(pc) =	sbr.rel @p1 .LBB2_7-.Ltmp6, $2  }
0x67: {  	_ =	sdelay $0x2  }
0x68: {  	s7 =	sadd.s32 $0x100, s7;
	s8 =	sadd.s32 s8, s11  }
0x69: {  	[hbm4b:s8+s2] =	stream.linear.scatter [tilespmem:s1], [sflag:$0x6], $0x80, $0x38;
	[tilespmem:$0x19000] =	vst v63  }
0x6a: {  	s0 =	sadd.s32 s5, s0;
	s1 =	simm.s32 $0xA080  }
0x6b: {  	s11 =	simm.s32 $0x10;
	s7 =	simm.s32 $0xA180;
	s8 =	sadd.s32 $0x0, s0  }
.LBB2_9:
0x6c: {  	[hbm4b:s8+s2] =	stream.linear.scatter [tilespmem:s1], [sflag:$0x6], $0x80, $0x38;
	[tilespmem:$0x19000] =	vst v63  }
0x6d: {  	s8 =	smov.u32 s11;
	s1 =	smov.u32 s7;
	p1 =	sne.s32 s11, $0x4F0  }
.Ltmp7:
0x6e: {  	s11 =	sadd.s32 $0x10, s11;
	(pc) =	sbr.rel @p1 .LBB2_9-.Ltmp7, $2  }
0x6f: {  	_ =	sdelay $0x2  }
0x70: {  	s7 =	sadd.s32 $0x100, s7;
	s8 =	sadd.s32 s8, s0  }
0x71: {  	s29 =	sor.u32 $0x3, s29  }
0x72: {  	p1 =	sgt.u32 @!p0 s29, $0x4A  }
0x73: {  	p0 =	por p0, p1  }
.Ltmp8:
0x74: {  	_ = 	snop;
	(pc) =	sbr.rel @p0 .LBB2_12-.Ltmp8, $2  }
0x75: {  	_ =	sdelay $0x2  }
0x76: {  	[hbm4b:s8+s2] =	stream.linear.scatter [tilespmem:s1], [sflag:$0x6], $0x80, $0x38;
	[tilespmem:$0x19000] =	vst v63  }
0x77: {  	_ =	swait.ge [sflag:s18], $0x2800  }
0x78: {  	[sflag:s18] =	ssyncset.done $0x0  }
0x79: {  	[sflag:s18] =	ssyncadd.s32 $0xFFFFD800  }
0x7a: {  	_ =	swait.ge [sflag:s18], $0x2800  }
0x7b: {  	[sflag:s18] =	ssyncset.done $0x0  }
0x7c: {  	[sflag:s18] =	ssyncadd.s32 $0xFFFFD800  }
.LBB2_13:
0x7d: {  	s0 =	sshll.u32 s29, $0x7  }
0x7e: {  	s0 =	sand.u32 $0x3FFFFF80, s0  }
0x7f: {  	[tilespmem:s19], [sflag:$0x4] =	stream.indirect.gather [hbm4b:s3+s12], $0x100, s0, s12, $0xb8;
	[tilespmem:$0x19000] =	vst v63  }
.LBB2_14:
0x80: {  	_ =	swait.ge [sflag:s20], $0x5000;
	s7 =	smul.u32 $0x50, s30  }
0x81: {  	s1 =	sadd.s32 $0x2800, s31;
	[sflag:s20] =	ssyncset.done $0x0  }
0x82: {  	s0 =	simm.s32 $0xF000;
	[sflag:s20] =	ssyncadd.s32 $0xFFFFB000;
	s31 =	sadd.s32 s6, s7  }
0x83: {  	[tilespmem:s0], [sflag:$0x3] =	stream.indirect.gather.add.f32 [hbm:s3], $0x100, s1, s12, $0xb8;
	[tilespmem:$0x19000] =	vst v63  }
0x84: {  	s1 =	sshll.u32 s31, $0x4;
	_ =	swait.ge [sflag:s20], $0x5000  }
0x85: {  	s13 =	simm.s32 $0x10;
	s11 =	sadd.s32 s4, s1;
	[sflag:s20] =	ssyncset.done $0x0  }
0x86: {  	s7 =	simm.s32 $0xF100;
	s8 =	sadd.s32 $0x0, s11;
	[sflag:s20] =	ssyncadd.s32 $0xFFFFB000  }
.LBB2_15:
0x87: {  	[hbm4b:s8+s2] =	stream.linear.scatter [tilespmem:s0], [sflag:$0x7], $0x80, $0x38;
	[tilespmem:$0x19000] =	vst v63  }
0x88: {  	s8 =	smov.u32 s13;
	s0 =	smov.u32 s7;
	p0 =	sne.s32 s13, $0x4F0  }
.Ltmp9:
0x89: {  	s13 =	sadd.s32 $0x10, s13;
	(pc) =	sbr.rel @p0 .LBB2_15-.Ltmp9, $2  }
0x8a: {  	_ =	sdelay $0x2  }
0x8b: {  	s7 =	sadd.s32 $0x100, s7;
	s8 =	sadd.s32 s8, s11  }
0x8c: {  	[hbm4b:s8+s2] =	stream.linear.scatter [tilespmem:s0], [sflag:$0x7], $0x80, $0x38;
	[tilespmem:$0x19000] =	vst v63  }
0x8d: {  	s0 =	sadd.s32 s5, s1;
	s1 =	simm.s32 $0xF080  }
0x8e: {  	s11 =	simm.s32 $0x10;
	s7 =	simm.s32 $0xF180;
	s8 =	sadd.s32 $0x0, s0  }
.LBB2_17:
0x8f: {  	[hbm4b:s8+s2] =	stream.linear.scatter [tilespmem:s1], [sflag:$0x7], $0x80, $0x38;
	[tilespmem:$0x19000] =	vst v63  }
0x90: {  	s8 =	smov.u32 s11;
	s1 =	smov.u32 s7;
	p0 =	sne.s32 s11, $0x4F0  }
.Ltmp10:
0x91: {  	s11 =	sadd.s32 $0x10, s11;
	(pc) =	sbr.rel @p0 .LBB2_17-.Ltmp10, $2  }
0x92: {  	_ =	sdelay $0x2  }
0x93: {  	s7 =	sadd.s32 $0x100, s7;
	s8 =	sadd.s32 s8, s0  }
0x94: {  	[hbm4b:s8+s2] =	stream.linear.scatter [tilespmem:s1], [sflag:$0x7], $0x80, $0x38;
	[tilespmem:$0x19000] =	vst v63  }
0x95: {  	p0 =	seq.s32 s26, $0x12  }
0x96: {  	s0 =	simm.s32 @!p0 $0x5  }
0x97: {  	_ =	swait.ge @!p0 [sflag:s0], $0x2800  }
0x98: {  	[sflag:s0] =	ssyncset.done @!p0 $0x0  }
0x99: {  	[sflag:s0] =	ssyncadd.s32 @!p0 $0xFFFFD800  }
0x9a: {  	_ =	swait.ge @!p0 [sflag:s0], $0x2800  }
0x9b: {  	[sflag:s0] =	ssyncset.done @!p0 $0x0  }
0x9c: {  	[sflag:s0] =	ssyncadd.s32 @!p0 $0xFFFFD800;
	s0 =	sshrl.u32 @!p0 s28, $0x2  }
0x9d: {  	s1 =	simm.s32 @!p0 $0x50;
	s7 =	simm.s32 @!p0 $0x5000;
	s0 =	sadd.s32 @!p0 $0x200, s0  }
0x9e: {  	[tilespmem:s7], [sflag:$0x1] =	stream.indirect.gather @!p0 [hbm4b:s3+s1], $0x100, s0, s1, $0xb8;
	[tilespmem:$0x19000] =	vst v63  }
0x9f: {  	p0 =	sgt.u32 s29, $0x4A  }
.Ltmp11:
0xa0: {  	_ = 	snop;
	(pc) =	sbr.rel @p0 .LBB2_24-.Ltmp11, $1  }
0xa1: {  	_ =	sdelay $0x3  }
0xa2: {  	_ =	swait.ge [sflag:s21], $0x5000  }
0xa3: {  	s0 =	sshll.u32 s29, $0x7;
	s7 =	smul.u32 $0x50, s29;
	[sflag:s21] =	ssyncset.done $0x0  }
0xa4: {  	s0 =	sand.u32 $0x3FFFFF80, s0;
	[sflag:s21] =	ssyncadd.s32 $0xFFFFB000  }
0xa5: {  	s1 =	sadd.s32 $0x2800, s0;
	s0 =	simm.s32 $0x14000;
	s31 =	sadd.s32 s6, s7  }
0xa6: {  	[tilespmem:s0], [sflag:$0x4] =	stream.indirect.gather.add.f32 [hbm:s3], $0x100, s1, s12, $0xb8;
	[tilespmem:$0x19000] =	vst v63  }
0xa7: {  	s1 =	sshll.u32 s31, $0x4;
	_ =	swait.ge [sflag:s21], $0x5000  }
0xa8: {  	s13 =	simm.s32 $0x10;
	s11 =	sadd.s32 s4, s1;
	[sflag:s21] =	ssyncset.done $0x0  }
0xa9: {  	s7 =	simm.s32 $0x14100;
	s8 =	sadd.s32 $0x0, s11;
	[sflag:s21] =	ssyncadd.s32 $0xFFFFB000  }
.LBB2_20:
0xaa: {  	[hbm4b:s8+s2] =	stream.linear.scatter [tilespmem:s0], [sflag:$0x8], $0x80, $0x38;
	[tilespmem:$0x19000] =	vst v63  }
0xab: {  	s8 =	smov.u32 s13;
	s0 =	smov.u32 s7;
	p0 =	sne.s32 s13, $0x4F0  }
.Ltmp12:
0xac: {  	s13 =	sadd.s32 $0x10, s13;
	(pc) =	sbr.rel @p0 .LBB2_20-.Ltmp12, $2  }
0xad: {  	_ =	sdelay $0x2  }
0xae: {  	s7 =	sadd.s32 $0x100, s7;
	s8 =	sadd.s32 s8, s11  }
0xaf: {  	[hbm4b:s8+s2] =	stream.linear.scatter [tilespmem:s0], [sflag:$0x8], $0x80, $0x38;
	[tilespmem:$0x19000] =	vst v63  }
0xb0: {  	s0 =	sadd.s32 s5, s1;
	s1 =	simm.s32 $0x14080  }
0xb1: {  	s11 =	simm.s32 $0x10;
	s7 =	simm.s32 $0x14180;
	s8 =	sadd.s32 $0x0, s0  }
.LBB2_22:
0xb2: {  	[hbm4b:s8+s2] =	stream.linear.scatter [tilespmem:s1], [sflag:$0x8], $0x80, $0x38;
	[tilespmem:$0x19000] =	vst v63  }
0xb3: {  	s8 =	smov.u32 s11;
	s1 =	smov.u32 s7;
	p0 =	sne.s32 s11, $0x4F0  }
.Ltmp13:
0xb4: {  	s11 =	sadd.s32 $0x10, s11;
	(pc) =	sbr.rel @p0 .LBB2_22-.Ltmp13, $2  }
0xb5: {  	_ =	sdelay $0x2  }
0xb6: {  	s7 =	sadd.s32 $0x100, s7;
	s8 =	sadd.s32 s8, s0  }
.Ltmp14:
0xb7: {  	(pc) =	sbr.rel .LBB2_24-.Ltmp14, $2  }
0xb8: {  	_ =	sdelay $0x2  }
0xb9: {  	[hbm4b:s8+s2] =	stream.linear.scatter [tilespmem:s1], [sflag:$0x8], $0x80, $0x38;
	[tilespmem:$0x19000] =	vst v63  }
.LBB2_12:
0xba: {  	p0 =	sgt.u32 s29, $0x4A  }
.Ltmp15:
0xbb: {  	_ = 	snop;
	(pc) =	sbr.rel @p0 .LBB2_14-.Ltmp15, $4  }
.Ltmp16:
0xbc: {  	_ = 	snop;
	(pc) =	sbr.rel @!p0 .LBB2_13-.Ltmp16, $4  }
0xbd: {  	_ = 	snop  }
0xbe: {  	_ = 	snop  }
0xbf: {  	_ = 	snop  }
0xc0: {  	_ = 	snop  }
.LBB2_26:
0xc1: {  	_ =	sfence.sel $0x180000  }
0xc2: {  	[bflag:$0x0] =	sbarrier.arrive $0xFFFF  }
0xc3: {  	_ =	strace $0x90000047  }
0xc4: {  	s0 =	stileid.u32;
	[bflag:$0x2] =	sbarrier.arrive $0xFFFF  }
0xc5: {  	p0 =	sne.s32 s0, $0x0;
	s0 =	rddreg [dreg:$0x3]  }
0xc6: {  	s0 =	sadd.s32 @!p0 $0x100000, s0  }
0xc7: {  	[sflag:s0] =	ssyncadd.tile.s32 @!p0 $0x1;
	_ =	shalt  }
.Lfunc_end2:
_tile_overlayer_lowered:
.L_overlay_start_2:
0xc8: {  	(tag) =	ssettag $0x2  }
0xc9: {  	s0 =	rddreg [dreg:$0x0];
	s2 =	stileid.u32  }
0xca: {  	s1 =	rddreg [dreg:$0x1];
	p0 =	sne.s32 s2, $0x0  }
0xcb: {  	s3 =	rddreg [dreg:$0x2];
	[bflag:$0x3] =	sbarrier.arrive $0xFFFF;
	s2 =	simm.s32 @!p0 $0x1C09  }
0xcc: {  	[timem:s3], [sflag:s2] =	dma.local @!p0 [hbm:s0], s1  }
0xcd: {  	s0 =	simm.s32 @!p0 $0x9  }
0xce: {  	_ =	swait.ge @!p0 [sflag:s0], s1  }
0xcf: {  	s1 =	ssub.s32 @!p0 $0x0, s1;
	[sflag:s0] =	ssyncset.done @!p0 $0x0  }
0xd0: {  	[sflag:s0] =	ssyncadd.s32 @!p0 s1  }
0xd1: {  	[bflag:$0x3] =	sbarrier.arrive $0xFFFF  }
0xd2: {  	_ =	shalt  }

</sc_bundles>
